<compile_context>
chip_gen: v7x
topology: tpu7x:2x2x1
jax: 0.10.2.dev20260603
libtpu: 0.0.44.dev20260713+nightly
codegen_flags: <defaults>
</compile_context>

<pallas_src>
import functools

import jax
import jax.numpy as jnp
from jax import lax
from jax.experimental import pallas as pl
from jax.experimental.pallas import tpu as pltpu
from jax.experimental.pallas import tpu_sc as plsc

B = 4096
L = 200
D = 64
NC = 2
NS = 16
NW = NC * NS
BPW = B // NW
NCH = D // 16
NG = L // 16
TAIL = L - 16 * NG
UN = 8

_mesh = plsc.VectorSubcoreMesh(core_axis_name="c", subcore_axis_name="s")


@functools.partial(
    pl.kernel,
    mesh=_mesh,
    out_type=jax.ShapeDtypeStruct((B // 2, 2 * D), jnp.float32),
    scratch_types=[
        pltpu.VMEM((BPW, L), jnp.int32),
        pltpu.VMEM((L, D), jnp.float32),
        pltpu.VMEM((L, D), jnp.float32),
        pltpu.VMEM((BPW // 2, 2 * D), jnp.float32),
        pltpu.SemaphoreType.DMA,
        pltpu.SemaphoreType.DMA,
    ],
)
def _emb_pool(x_hbm, table_hbm, out_hbm, idx_v, rows_a, rows_b, out_v,
              sem_a, sem_b):
    wid = lax.axis_index("s") * NC + lax.axis_index("c")
    pltpu.sync_copy(x_hbm.at[pl.ds(wid * BPW, BPW)], idx_v)

    def issue(elt, buf, sem):
        def issue_group(g, carry):
            for h in range(2):
                base = 32 * g + 16 * h
                q16 = idx_v[elt, pl.ds(base, 16)]
                for k in range(16):
                    pltpu.make_async_copy(
                        table_hbm.at[pl.ds(q16[k], 1)],
                        buf.at[pl.ds(base + k, 1)],
                        sem,
                    ).start()
            return carry

        lax.fori_loop(0, NG // 2, issue_group, 0)
        q16 = idx_v[elt, pl.ds(L - 16, 16)]
        for k in range(16 - TAIL, 16):
            pltpu.make_async_copy(
                table_hbm.at[pl.ds(q16[k], 1)],
                buf.at[pl.ds(L - 16 + k, 1)],
                sem,
            ).start()

    def drain(buf, sem):
        pltpu.make_async_copy(table_hbm.at[pl.ds(0, L)], buf, sem).wait()

    def accumulate(buf, row, half):
        def acc_body(j, accs):
            r = j * UN
            new = list(accs)
            for k in range(UN):
                for c in range(NCH):
                    new[c] = new[c] + buf[r + k, pl.ds(c * 16, 16)]
            return tuple(new)

        accs = lax.fori_loop(
            0, L // UN, acc_body,
            tuple(jnp.zeros((16,), jnp.float32) for _ in range(NCH)),
        )
        for c in range(NCH):
            out_v[row, pl.ds(half * D + c * 16, 16)] = accs[c] * (1.0 / L)

    issue(0, rows_a, sem_a)

    def outer(i, carry):
        b0 = 2 * i
        issue(b0 + 1, rows_b, sem_b)
        drain(rows_a, sem_a)
        accumulate(rows_a, i, 0)
        issue(jnp.minimum(b0 + 2, BPW - 1), rows_a, sem_a)
        drain(rows_b, sem_b)
        accumulate(rows_b, i, 1)
        return carry

    lax.fori_loop(0, BPW // 2, outer, 0)
    drain(rows_a, sem_a)
    pltpu.sync_copy(out_v, out_hbm.at[pl.ds(wid * (BPW // 2), BPW // 2)])


def kernel(x, table):
    return _emb_pool(x.astype(jnp.int32), table).reshape(B, D)

# --- scband reference (transcript-rebuilt; emitter-appended) ---
"""Pipeline reference for scband-word-embedding-model-7962869366951 (READ-ONLY COPY).

The authoritative reference and input builder live on the scoring server;
editing this copy changes nothing except your own understanding.
"""

import jax, jax.numpy as jnp
import numpy as np


def setup_inputs(seed: int = 0) -> dict:
    key = jax.random.key(seed)
    k_idx, k_tab = jax.random.split(key)
    x = jax.random.randint(k_idx, (4096, 200), 0, 1000000, dtype=jnp.int64) if jax.config.jax_enable_x64 else jax.random.randint(k_idx, (4096, 200), 0, 1000000, dtype=jnp.int32)
    table = jax.random.normal(k_tab, (1000000, 64), dtype=jnp.float32)
    return {"x": x, "table": table}


def reference(x, table):
    # nn.Embedding lookup -> gather rows from table
    embedded = jnp.take(table, x, axis=0)  # [B, L, D]
    # mean over sequence dim (dim=1), matching torch forward
    return embedded.mean(axis=1)  # [B, D]

if __name__ == "__main__":
    import jax
    _d = setup_inputs()
    print(jax.jit(kernel)(*tuple(_d.values())))

</pallas_src>

<mosaic_0001>
#map = affine_map<(d0, d1) -> (0, 0)>
module attributes {stable_mosaic.version = 14 : i64} {
  func.func @_emb_pool(%arg0: i32, %arg1: i32, %arg2: memref<4096x200xi32, #tpu.memory_space<hbm>>, %arg3: memref<1000000x64xf32, #tpu.memory_space<hbm>>, %arg4: memref<2048x128xf32, #tpu.memory_space<hbm>>, %arg5: memref<128x200xi32, #tpu.memory_space<vmem>>, %arg6: memref<200x64xf32, #tpu.memory_space<vmem>>, %arg7: memref<200x64xf32, #tpu.memory_space<vmem>>, %arg8: memref<64x128xf32, #tpu.memory_space<vmem>>, %arg9: memref<!tpu.dma_semaphore, #tpu.memory_space<semaphore_mem>>, %arg10: memref<!tpu.dma_semaphore, #tpu.memory_space<semaphore_mem>>) attributes {dimension_semantics = [#tpu.dimension_semantics<core_parallel>, #tpu.dimension_semantics<subcore_parallel>], iteration_bounds = array<i64: 2, 16>, scalar_prefetch = 0 : i64, scratch_operands = 6 : i64, tpu.core_type = #tpu.core_type<sc_vector_subcore>, window_params = [{transform_indices = #map}, {transform_indices = #map}, {transform_indices = #map}]} {
    %mul3A = arith.constant 2 : i32
    %mul3A_0 = arith.muli %arg1, %mul3A : i32
    %add3A = arith.addi %mul3A_0, %arg0 : i32
    %mul3A_1 = arith.constant 128 : i32
    %mul3A_2 = arith.muli %add3A, %mul3A_1 : i32
    "tpu.region"() ({
      %run_scoped3A = tpu.sem_alloc : memref<!tpu.dma_semaphore, #tpu.memory_space<semaphore_mem>>
      %dma_start3A_118 = arith.constant 0 : i32
      %dma_start3A_119 = tpu.memref_slice %arg2[%mul3A_2, %dma_start3A_118] : memref<4096x200xi32, #tpu.memory_space<hbm>> -> memref<128x200xi32, #tpu.memory_space<hbm>>
      %dma_start3A_120 = arith.constant 0 : i32
      %dma_start3A_121 = tpu.memref_slice %arg2[%mul3A_2, %dma_start3A_120] : memref<4096x200xi32, #tpu.memory_space<hbm>> -> memref<128x200xi32, #tpu.memory_space<hbm>>
      tpu.enqueue_dma source(%dma_start3A_121 : memref<128x200xi32, #tpu.memory_space<hbm>>) target(%arg5 : memref<128x200xi32, #tpu.memory_space<vmem>>) target_semaphore(%run_scoped3A : memref<!tpu.dma_semaphore, #tpu.memory_space<semaphore_mem>>)
      %dma_wait3A_122 = arith.constant 0 : i32
      %dma_wait3A_123 = tpu.memref_slice %arg2[%mul3A_2, %dma_wait3A_122] : memref<4096x200xi32, #tpu.memory_space<hbm>> -> memref<128x200xi32, #tpu.memory_space<hbm>>
      %dma_wait3A_124 = arith.constant 0 : i32
      %dma_wait3A_125 = tpu.memref_slice %arg2[%mul3A_2, %dma_wait3A_124] : memref<4096x200xi32, #tpu.memory_space<hbm>> -> memref<128x200xi32, #tpu.memory_space<hbm>>
      tpu.wait_dma2 semaphore(%run_scoped3A : memref<!tpu.dma_semaphore, #tpu.memory_space<semaphore_mem>>) src(%dma_wait3A_125 : memref<128x200xi32, #tpu.memory_space<hbm>>) dst(%arg5 : memref<128x200xi32, #tpu.memory_space<vmem>>)
      tpu.yield
    }) : () -> ()
    %scan3A = arith.constant 0 : i32
    %scan3A_3 = arith.constant 0 : i32
    %scan3A_4 = arith.constant 6 : i32
    %scan3A_5 = arith.addi %scan3A_3, %scan3A_4 : i32
    %scan3A_6 = arith.constant 1 : i32
    scf.for %scan3A_118 = %scan3A_3 to %scan3A_5 step %scan3A_6  : i32 {
      %mul3A_119 = arith.constant 32 : i32
      %mul3A_120 = arith.muli %mul3A_119, %scan3A_118 : i32
      %add3A_121 = arith.constant 0 : i32
      %add3A_122 = arith.addi %mul3A_120, %add3A_121 : i32
      %get3A_123 = arith.constant 0 : i32
      %get3A_124 = arith.index_cast %get3A_123 : i32 to index
      %get3A_125 = arith.index_cast %add3A_122 : i32 to index
      %get3A_126 = tpu.vector_load %arg5[%get3A_124, %get3A_125] {strides = array<i32>} : memref<128x200xi32, #tpu.memory_space<vmem>>, vector<1x16xi32>,
      %get3A_127 = vector.shape_cast %get3A_126 : vector<1x16xi32> to vector<16xi32>
      %slice3A_128 = vector.extract_strided_slice %get3A_127 {offsets = [0], sizes = [1], strides = [1]} : vector<16xi32> to vector<1xi32>
      %squeeze3A_129 = vector.extract %slice3A_128[0] : i32 from vector<1xi32>
      %add3A_130 = arith.constant 0 : i32
      %add3A_131 = arith.addi %add3A_122, %add3A_130 : i32
      %dma_start3A_132 = arith.constant 0 : i32
      %dma_start3A_133 = tpu.memref_slice %arg6[%add3A_131, %dma_start3A_132] : memref<200x64xf32, #tpu.memory_space<vmem>> -> memref<1x64xf32, #tpu.memory_space<vmem>>
      %dma_start3A_134 = arith.constant 0 : i32
      %dma_start3A_135 = tpu.memref_slice %arg3[%squeeze3A_129, %dma_start3A_134] : memref<1000000x64xf32, #tpu.memory_space<hbm>> -> memref<1x64xf32, #tpu.memory_space<hbm>>
      %dma_start3A_136 = arith.constant 0 : i32
      %dma_start3A_137 = tpu.memref_slice %arg6[%add3A_131, %dma_start3A_136] : memref<200x64xf32, #tpu.memory_space<vmem>> -> memref<1x64xf32, #tpu.memory_space<vmem>>
      %dma_start3A_138 = arith.constant 0 : i32
      %dma_start3A_139 = tpu.memref_slice %arg3[%squeeze3A_129, %dma_start3A_138] : memref<1000000x64xf32, #tpu.memory_space<hbm>> -> memref<1x64xf32, #tpu.memory_space<hbm>>
      tpu.enqueue_dma source(%dma_start3A_139 : memref<1x64xf32, #tpu.memory_space<hbm>>) target(%dma_start3A_137 : memref<1x64xf32, #tpu.memory_space<vmem>>) target_semaphore(%arg9 : memref<!tpu.dma_semaphore, #tpu.memory_space<semaphore_mem>>)
      %slice3A_140 = vector.extract_strided_slice %get3A_127 {offsets = [1], sizes = [1], strides = [1]} : vector<16xi32> to vector<1xi32>
      %squeeze3A_141 = vector.extract %slice3A_140[0] : i32 from vector<1xi32>
      %add3A_142 = arith.constant 1 : i32
      %add3A_143 = arith.addi %add3A_122, %add3A_142 : i32
      %dma_start3A_144 = arith.constant 0 : i32
      %dma_start3A_145 = tpu.memref_slice %arg6[%add3A_143, %dma_start3A_144] : memref<200x64xf32, #tpu.memory_space<vmem>> -> memref<1x64xf32, #tpu.memory_space<vmem>>
      %dma_start3A_146 = arith.constant 0 : i32
      %dma_start3A_147 = tpu.memref_slice %arg3[%squeeze3A_141, %dma_start3A_146] : memref<1000000x64xf32, #tpu.memory_space<hbm>> -> memref<1x64xf32, #tpu.memory_space<hbm>>
      %dma_start3A_148 = arith.constant 0 : i32
      %dma_start3A_149 = tpu.memref_slice %arg6[%add3A_143, %dma_start3A_148] : memref<200x64xf32, #tpu.memory_space<vmem>> -> memref<1x64xf32, #tpu.memory_space<vmem>>
      %dma_start3A_150 = arith.constant 0 : i32
      %dma_start3A_151 = tpu.memref_slice %arg3[%squeeze3A_141, %dma_start3A_150] : memref<1000000x64xf32, #tpu.memory_space<hbm>> -> memref<1x64xf32, #tpu.memory_space<hbm>>
      tpu.enqueue_dma source(%dma_start3A_151 : memref<1x64xf32, #tpu.memory_space<hbm>>) target(%dma_start3A_149 : memref<1x64xf32, #tpu.memory_space<vmem>>) target_semaphore(%arg9 : memref<!tpu.dma_semaphore, #tpu.memory_space<semaphore_mem>>)
      %slice3A_152 = vector.extract_strided_slice %get3A_127 {offsets = [2], sizes = [1], strides = [1]} : vector<16xi32> to vector<1xi32>
      %squeeze3A_153 = vector.extract %slice3A_152[0] : i32 from vector<1xi32>
      %add3A_154 = arith.constant 2 : i32
      %add3A_155 = arith.addi %add3A_122, %add3A_154 : i32
      %dma_start3A_156 = arith.constant 0 : i32
      %dma_start3A_157 = tpu.memref_slice %arg6[%add3A_155, %dma_start3A_156] : memref<200x64xf32, #tpu.memory_space<vmem>> -> memref<1x64xf32, #tpu.memory_space<vmem>>
      %dma_start3A_158 = arith.constant 0 : i32
      %dma_start3A_159 = tpu.memref_slice %arg3[%squeeze3A_153, %dma_start3A_158] : memref<1000000x64xf32, #tpu.memory_space<hbm>> -> memref<1x64xf32, #tpu.memory_space<hbm>>
      %dma_start3A_160 = arith.constant 0 : i32
      %dma_start3A_161 = tpu.memref_slice %arg6[%add3A_155, %dma_start3A_160] : memref<200x64xf32, #tpu.memory_space<vmem>> -> memref<1x64xf32, #tpu.memory_space<vmem>>
      %dma_start3A_162 = arith.constant 0 : i32
      %dma_start3A_163 = tpu.memref_slice %arg3[%squeeze3A_153, %dma_start3A_162] : memref<1000000x64xf32, #tpu.memory_space<hbm>> -> memref<1x64xf32, #tpu.memory_space<hbm>>
      tpu.enqueue_dma source(%dma_start3A_163 : memref<1x64xf32, #tpu.memory_space<hbm>>) target(%dma_start3A_161 : memref<1x64xf32, #tpu.memory_space<vmem>>) target_semaphore(%arg9 : memref<!tpu.dma_semaphore, #tpu.memory_space<semaphore_mem>>)
      %slice3A_164 = vector.extract_strided_slice %get3A_127 {offsets = [3], sizes = [1], strides = [1]} : vector<16xi32> to vector<1xi32>
      %squeeze3A_165 = vector.extract %slice3A_164[0] : i32 from vector<1xi32>
      %add3A_166 = arith.constant 3 : i32
      %add3A_167 = arith.addi %add3A_122, %add3A_166 : i32
      %dma_start3A_168 = arith.constant 0 : i32
      %dma_start3A_169 = tpu.memref_slice %arg6[%add3A_167, %dma_start3A_168] : memref<200x64xf32, #tpu.memory_space<vmem>> -> memref<1x64xf32, #tpu.memory_space<vmem>>
      %dma_start3A_170 = arith.constant 0 : i32
      %dma_start3A_171 = tpu.memref_slice %arg3[%squeeze3A_165, %dma_start3A_170] : memref<1000000x64xf32, #tpu.memory_space<hbm>> -> memref<1x64xf32, #tpu.memory_space<hbm>>
      %dma_start3A_172 = arith.constant 0 : i32
      %dma_start3A_173 = tpu.memref_slice %arg6[%add3A_167, %dma_start3A_172] : memref<200x64xf32, #tpu.memory_space<vmem>> -> memref<1x64xf32, #tpu.memory_space<vmem>>
      %dma_start3A_174 = arith.constant 0 : i32
      %dma_start3A_175 = tpu.memref_slice %arg3[%squeeze3A_165, %dma_start3A_174] : memref<1000000x64xf32, #tpu.memory_space<hbm>> -> memref<1x64xf32, #tpu.memory_space<hbm>>
      tpu.enqueue_dma source(%dma_start3A_175 : memref<1x64xf32, #tpu.memory_space<hbm>>) target(%dma_start3A_173 : memref<1x64xf32, #tpu.memory_space<vmem>>) target_semaphore(%arg9 : memref<!tpu.dma_semaphore, #tpu.memory_space<semaphore_mem>>)
      %slice3A_176 = vector.extract_strided_slice %get3A_127 {offsets = [4], sizes = [1], strides = [1]} : vector<16xi32> to vector<1xi32>
      %squeeze3A_177 = vector.extract %slice3A_176[0] : i32 from vector<1xi32>
      %add3A_178 = arith.constant 4 : i32
      %add3A_179 = arith.addi %add3A_122, %add3A_178 : i32
      %dma_start3A_180 = arith.constant 0 : i32
      %dma_start3A_181 = tpu.memref_slice %arg6[%add3A_179, %dma_start3A_180] : memref<200x64xf32, #tpu.memory_space<vmem>> -> memref<1x64xf32, #tpu.memory_space<vmem>>
      %dma_start3A_182 = arith.constant 0 : i32
      %dma_start3A_183 = tpu.memref_slice %arg3[%squeeze3A_177, %dma_start3A_182] : memref<1000000x64xf32, #tpu.memory_space<hbm>> -> memref<1x64xf32, #tpu.memory_space<hbm>>
      %dma_start3A_184 = arith.constant 0 : i32
      %dma_start3A_185 = tpu.memref_slice %arg6[%add3A_179, %dma_start3A_184] : memref<200x64xf32, #tpu.memory_space<vmem>> -> memref<1x64xf32, #tpu.memory_space<vmem>>
      %dma_start3A_186 = arith.constant 0 : i32
      %dma_start3A_187 = tpu.memref_slice %arg3[%squeeze3A_177, %dma_start3A_186] : memref<1000000x64xf32, #tpu.memory_space<hbm>> -> memref<1x64xf32, #tpu.memory_space<hbm>>
      tpu.enqueue_dma source(%dma_start3A_187 : memref<1x64xf32, #tpu.memory_space<hbm>>) target(%dma_start3A_185 : memref<1x64xf32, #tpu.memory_space<vmem>>) target_semaphore(%arg9 : memref<!tpu.dma_semaphore, #tpu.memory_space<semaphore_mem>>)
      %slice3A_188 = vector.extract_strided_slice %get3A_127 {offsets = [5], sizes = [1], strides = [1]} : vector<16xi32> to vector<1xi32>
      %squeeze3A_189 = vector.extract %slice3A_188[0] : i32 from vector<1xi32>
      %add3A_190 = arith.constant 5 : i32
      %add3A_191 = arith.addi %add3A_122, %add3A_190 : i32
      %dma_start3A_192 = arith.constant 0 : i32
      %dma_start3A_193 = tpu.memref_slice %arg6[%add3A_191, %dma_start3A_192] : memref<200x64xf32, #tpu.memory_space<vmem>> -> memref<1x64xf32, #tpu.memory_space<vmem>>
      %dma_start3A_194 = arith.constant 0 : i32
      %dma_start3A_195 = tpu.memref_slice %arg3[%squeeze3A_189, %dma_start3A_194] : memref<1000000x64xf32, #tpu.memory_space<hbm>> -> memref<1x64xf32, #tpu.memory_space<hbm>>
      %dma_start3A_196 = arith.constant 0 : i32
      %dma_start3A_197 = tpu.memref_slice %arg6[%add3A_191, %dma_start3A_196] : memref<200x64xf32, #tpu.memory_space<vmem>> -> memref<1x64xf32, #tpu.memory_space<vmem>>
      %dma_start3A_198 = arith.constant 0 : i32
      %dma_start3A_199 = tpu.memref_slice %arg3[%squeeze3A_189, %dma_start3A_198] : memref<1000000x64xf32, #tpu.memory_space<hbm>> -> memref<1x64xf32, #tpu.memory_space<hbm>>
      tpu.enqueue_dma source(%dma_start3A_199 : memref<1x64xf32, #tpu.memory_space<hbm>>) target(%dma_start3A_197 : memref<1x64xf32, #tpu.memory_space<vmem>>) target_semaphore(%arg9 : memref<!tpu.dma_semaphore, #tpu.memory_space<semaphore_mem>>)
      %slice3A_200 = vector.extract_strided_slice %get3A_127 {offsets = [6], sizes = [1], strides = [1]} : vector<16xi32> to vector<1xi32>
      %squeeze3A_201 = vector.extract %slice3A_200[0] : i32 from vector<1xi32>
      %add3A_202 = arith.constant 6 : i32
      %add3A_203 = arith.addi %add3A_122, %add3A_202 : i32
      %dma_start3A_204 = arith.constant 0 : i32
      %dma_start3A_205 = tpu.memref_slice %arg6[%add3A_203, %dma_start3A_204] : memref<200x64xf32, #tpu.memory_space<vmem>> -> memref<1x64xf32, #tpu.memory_space<vmem>>
      %dma_start3A_206 = arith.constant 0 : i32
      %dma_start3A_207 = tpu.memref_slice %arg3[%squeeze3A_201, %dma_start3A_206] : memref<1000000x64xf32, #tpu.memory_space<hbm>> -> memref<1x64xf32, #tpu.memory_space<hbm>>
      %dma_start3A_208 = arith.constant 0 : i32
      %dma_start3A_209 = tpu.memref_slice %arg6[%add3A_203, %dma_start3A_208] : memref<200x64xf32, #tpu.memory_space<vmem>> -> memref<1x64xf32, #tpu.memory_space<vmem>>
      %dma_start3A_210 = arith.constant 0 : i32
      %dma_start3A_211 = tpu.memref_slice %arg3[%squeeze3A_201, %dma_start3A_210] : memref<1000000x64xf32, #tpu.memory_space<hbm>> -> memref<1x64xf32, #tpu.memory_space<hbm>>
      tpu.enqueue_dma source(%dma_start3A_211 : memref<1x64xf32, #tpu.memory_space<hbm>>) target(%dma_start3A_209 : memref<1x64xf32, #tpu.memory_space<vmem>>) target_semaphore(%arg9 : memref<!tpu.dma_semaphore, #tpu.memory_space<semaphore_mem>>)
      %slice3A_212 = vector.extract_strided_slice %get3A_127 {offsets = [7], sizes = [1], strides = [1]} : vector<16xi32> to vector<1xi32>
      %squeeze3A_213 = vector.extract %slice3A_212[0] : i32 from vector<1xi32>
      %add3A_214 = arith.constant 7 : i32
      %add3A_215 = arith.addi %add3A_122, %add3A_214 : i32
      %dma_start3A_216 = arith.constant 0 : i32
      %dma_start3A_217 = tpu.memref_slice %arg6[%add3A_215, %dma_start3A_216] : memref<200x64xf32, #tpu.memory_space<vmem>> -> memref<1x64xf32, #tpu.memory_space<vmem>>
      %dma_start3A_218 = arith.constant 0 : i32
      %dma_start3A_219 = tpu.memref_slice %arg3[%squeeze3A_213, %dma_start3A_218] : memref<1000000x64xf32, #tpu.memory_space<hbm>> -> memref<1x64xf32, #tpu.memory_space<hbm>>
      %dma_start3A_220 = arith.constant 0 : i32
      %dma_start3A_221 = tpu.memref_slice %arg6[%add3A_215, %dma_start3A_220] : memref<200x64xf32, #tpu.memory_space<vmem>> -> memref<1x64xf32, #tpu.memory_space<vmem>>
      %dma_start3A_222 = arith.constant 0 : i32
      %dma_start3A_223 = tpu.memref_slice %arg3[%squeeze3A_213, %dma_start3A_222] : memref<1000000x64xf32, #tpu.memory_space<hbm>> -> memref<1x64xf32, #tpu.memory_space<hbm>>
      tpu.enqueue_dma source(%dma_start3A_223 : memref<1x64xf32, #tpu.memory_space<hbm>>) target(%dma_start3A_221 : memref<1x64xf32, #tpu.memory_space<vmem>>) target_semaphore(%arg9 : memref<!tpu.dma_semaphore, #tpu.memory_space<semaphore_mem>>)
      %slice3A_224 = vector.extract_strided_slice %get3A_127 {offsets = [8], sizes = [1], strides = [1]} : vector<16xi32> to vector<1xi32>
      %squeeze3A_225 = vector.extract %slice3A_224[0] : i32 from vector<1xi32>
      %add3A_226 = arith.constant 8 : i32
      %add3A_227 = arith.addi %add3A_122, %add3A_226 : i32
      %dma_start3A_228 = arith.constant 0 : i32
      %dma_start3A_229 = tpu.memref_slice %arg6[%add3A_227, %dma_start3A_228] : memref<200x64xf32, #tpu.memory_space<vmem>> -> memref<1x64xf32, #tpu.memory_space<vmem>>
      %dma_start3A_230 = arith.constant 0 : i32
      %dma_start3A_231 = tpu.memref_slice %arg3[%squeeze3A_225, %dma_start3A_230] : memref<1000000x64xf32, #tpu.memory_space<hbm>> -> memref<1x64xf32, #tpu.memory_space<hbm>>
      %dma_start3A_232 = arith.constant 0 : i32
      %dma_start3A_233 = tpu.memref_slice %arg6[%add3A_227, %dma_start3A_232] : memref<200x64xf32, #tpu.memory_space<vmem>> -> memref<1x64xf32, #tpu.memory_space<vmem>>
      %dma_start3A_234 = arith.constant 0 : i32
      %dma_start3A_235 = tpu.memref_slice %arg3[%squeeze3A_225, %dma_start3A_234] : memref<1000000x64xf32, #tpu.memory_space<hbm>> -> memref<1x64xf32, #tpu.memory_space<hbm>>
      tpu.enqueue_dma source(%dma_start3A_235 : memref<1x64xf32, #tpu.memory_space<hbm>>) target(%dma_start3A_233 : memref<1x64xf32, #tpu.memory_space<vmem>>) target_semaphore(%arg9 : memref<!tpu.dma_semaphore, #tpu.memory_space<semaphore_mem>>)
      %slice3A_236 = vector.extract_strided_slice %get3A_127 {offsets = [9], sizes = [1], strides = [1]} : vector<16xi32> to vector<1xi32>
      %squeeze3A_237 = vector.extract %slice3A_236[0] : i32 from vector<1xi32>
      %add3A_238 = arith.constant 9 : i32
      %add3A_239 = arith.addi %add3A_122, %add3A_238 : i32
      %dma_start3A_240 = arith.constant 0 : i32
      %dma_start3A_241 = tpu.memref_slice %arg6[%add3A_239, %dma_start3A_240] : memref<200x64xf32, #tpu.memory_space<vmem>> -> memref<1x64xf32, #tpu.memory_space<vmem>>
      %dma_start3A_242 = arith.constant 0 : i32
      %dma_start3A_243 = tpu.memref_slice %arg3[%squeeze3A_237, %dma_start3A_242] : memref<1000000x64xf32, #tpu.memory_space<hbm>> -> memref<1x64xf32, #tpu.memory_space<hbm>>
      %dma_start3A_244 = arith.constant 0 : i32
      %dma_start3A_245 = tpu.memref_slice %arg6[%add3A_239, %dma_start3A_244] : memref<200x64xf32, #tpu.memory_space<vmem>> -> memref<1x64xf32, #tpu.memory_space<vmem>>
      %dma_start3A_246 = arith.constant 0 : i32
      %dma_start3A_247 = tpu.memref_slice %arg3[%squeeze3A_237, %dma_start3A_246] : memref<1000000x64xf32, #tpu.memory_space<hbm>> -> memref<1x64xf32, #tpu.memory_space<hbm>>
      tpu.enqueue_dma source(%dma_start3A_247 : memref<1x64xf32, #tpu.memory_space<hbm>>) target(%dma_start3A_245 : memref<1x64xf32, #tpu.memory_space<vmem>>) target_semaphore(%arg9 : memref<!tpu.dma_semaphore, #tpu.memory_space<semaphore_mem>>)
      %slice3A_248 = vector.extract_strided_slice %get3A_127 {offsets = [10], sizes = [1], strides = [1]} : vector<16xi32> to vector<1xi32>
      %squeeze3A_249 = vector.extract %slice3A_248[0] : i32 from vector<1xi32>
      %add3A_250 = arith.constant 10 : i32
      %add3A_251 = arith.addi %add3A_122, %add3A_250 : i32
      %dma_start3A_252 = arith.constant 0 : i32
      %dma_start3A_253 = tpu.memref_slice %arg6[%add3A_251, %dma_start3A_252] : memref<200x64xf32, #tpu.memory_space<vmem>> -> memref<1x64xf32, #tpu.memory_space<vmem>>
      %dma_start3A_254 = arith.constant 0 : i32
      %dma_start3A_255 = tpu.memref_slice %arg3[%squeeze3A_249, %dma_start3A_254] : memref<1000000x64xf32, #tpu.memory_space<hbm>> -> memref<1x64xf32, #tpu.memory_space<hbm>>
      %dma_start3A_256 = arith.constant 0 : i32
      %dma_start3A_257 = tpu.memref_slice %arg6[%add3A_251, %dma_start3A_256] : memref<200x64xf32, #tpu.memory_space<vmem>> -> memref<1x64xf32, #tpu.memory_space<vmem>>
      %dma_start3A_258 = arith.constant 0 : i32
      %dma_start3A_259 = tpu.memref_slice %arg3[%squeeze3A_249, %dma_start3A_258] : memref<1000000x64xf32, #tpu.memory_space<hbm>> -> memref<1x64xf32, #tpu.memory_space<hbm>>
      tpu.enqueue_dma source(%dma_start3A_259 : memref<1x64xf32, #tpu.memory_space<hbm>>) target(%dma_start3A_257 : memref<1x64xf32, #tpu.memory_space<vmem>>) target_semaphore(%arg9 : memref<!tpu.dma_semaphore, #tpu.memory_space<semaphore_mem>>)
      %slice3A_260 = vector.extract_strided_slice %get3A_127 {offsets = [11], sizes = [1], strides = [1]} : vector<16xi32> to vector<1xi32>
      %squeeze3A_261 = vector.extract %slice3A_260[0] : i32 from vector<1xi32>
      %add3A_262 = arith.constant 11 : i32
      %add3A_263 = arith.addi %add3A_122, %add3A_262 : i32
      %dma_start3A_264 = arith.constant 0 : i32
      %dma_start3A_265 = tpu.memref_slice %arg6[%add3A_263, %dma_start3A_264] : memref<200x64xf32, #tpu.memory_space<vmem>> -> memref<1x64xf32, #tpu.memory_space<vmem>>
      %dma_start3A_266 = arith.constant 0 : i32
      %dma_start3A_267 = tpu.memref_slice %arg3[%squeeze3A_261, %dma_start3A_266] : memref<1000000x64xf32, #tpu.memory_space<hbm>> -> memref<1x64xf32, #tpu.memory_space<hbm>>
      %dma_start3A_268 = arith.constant 0 : i32
      %dma_start3A_269 = tpu.memref_slice %arg6[%add3A_263, %dma_start3A_268] : memref<200x64xf32, #tpu.memory_space<vmem>> -> memref<1x64xf32, #tpu.memory_space<vmem>>
      %dma_start3A_270 = arith.constant 0 : i32
      %dma_start3A_271 = tpu.memref_slice %arg3[%squeeze3A_261, %dma_start3A_270] : memref<1000000x64xf32, #tpu.memory_space<hbm>> -> memref<1x64xf32, #tpu.memory_space<hbm>>
      tpu.enqueue_dma source(%dma_start3A_271 : memref<1x64xf32, #tpu.memory_space<hbm>>) target(%dma_start3A_269 : memref<1x64xf32, #tpu.memory_space<vmem>>) target_semaphore(%arg9 : memref<!tpu.dma_semaphore, #tpu.memory_space<semaphore_mem>>)
      %slice3A_272 = vector.extract_strided_slice %get3A_127 {offsets = [12], sizes = [1], strides = [1]} : vector<16xi32> to vector<1xi32>
      %squeeze3A_273 = vector.extract %slice3A_272[0] : i32 from vector<1xi32>
      %add3A_274 = arith.constant 12 : i32
      %add3A_275 = arith.addi %add3A_122, %add3A_274 : i32
      %dma_start3A_276 = arith.constant 0 : i32
      %dma_start3A_277 = tpu.memref_slice %arg6[%add3A_275, %dma_start3A_276] : memref<200x64xf32, #tpu.memory_space<vmem>> -> memref<1x64xf32, #tpu.memory_space<vmem>>
      %dma_start3A_278 = arith.constant 0 : i32
      %dma_start3A_279 = tpu.memref_slice %arg3[%squeeze3A_273, %dma_start3A_278] : memref<1000000x64xf32, #tpu.memory_space<hbm>> -> memref<1x64xf32, #tpu.memory_space<hbm>>
      %dma_start3A_280 = arith.constant 0 : i32
      %dma_start3A_281 = tpu.memref_slice %arg6[%add3A_275, %dma_start3A_280] : memref<200x64xf32, #tpu.memory_space<vmem>> -> memref<1x64xf32, #tpu.memory_space<vmem>>
      %dma_start3A_282 = arith.constant 0 : i32
      %dma_start3A_283 = tpu.memref_slice %arg3[%squeeze3A_273, %dma_start3A_282] : memref<1000000x64xf32, #tpu.memory_space<hbm>> -> memref<1x64xf32, #tpu.memory_space<hbm>>
      tpu.enqueue_dma source(%dma_start3A_283 : memref<1x64xf32, #tpu.memory_space<hbm>>) target(%dma_start3A_281 : memref<1x64xf32, #tpu.memory_space<vmem>>) target_semaphore(%arg9 : memref<!tpu.dma_semaphore, #tpu.memory_space<semaphore_mem>>)
      %slice3A_284 = vector.extract_strided_slice %get3A_127 {offsets = [13], sizes = [1], strides = [1]} : vector<16xi32> to vector<1xi32>
      %squeeze3A_285 = vector.extract %slice3A_284[0] : i32 from vector<1xi32>
      %add3A_286 = arith.constant 13 : i32
      %add3A_287 = arith.addi %add3A_122, %add3A_286 : i32
      %dma_start3A_288 = arith.constant 0 : i32
      %dma_start3A_289 = tpu.memref_slice %arg6[%add3A_287, %dma_start3A_288] : memref<200x64xf32, #tpu.memory_space<vmem>> -> memref<1x64xf32, #tpu.memory_space<vmem>>
      %dma_start3A_290 = arith.constant 0 : i32
      %dma_start3A_291 = tpu.memref_slice %arg3[%squeeze3A_285, %dma_start3A_290] : memref<1000000x64xf32, #tpu.memory_space<hbm>> -> memref<1x64xf32, #tpu.memory_space<hbm>>
      %dma_start3A_292 = arith.constant 0 : i32
      %dma_start3A_293 = tpu.memref_slice %arg6[%add3A_287, %dma_start3A_292] : memref<200x64xf32, #tpu.memory_space<vmem>> -> memref<1x64xf32, #tpu.memory_space<vmem>>
      %dma_start3A_294 = arith.constant 0 : i32
      %dma_start3A_295 = tpu.memref_slice %arg3[%squeeze3A_285, %dma_start3A_294] : memref<1000000x64xf32, #tpu.memory_space<hbm>> -> memref<1x64xf32, #tpu.memory_space<hbm>>
      tpu.enqueue_dma source(%dma_start3A_295 : memref<1x64xf32, #tpu.memory_space<hbm>>) target(%dma_start3A_293 : memref<1x64xf32, #tpu.memory_space<vmem>>) target_semaphore(%arg9 : memref<!tpu.dma_semaphore, #tpu.memory_space<semaphore_mem>>)
      %slice3A_296 = vector.extract_strided_slice %get3A_127 {offsets = [14], sizes = [1], strides = [1]} : vector<16xi32> to vector<1xi32>
      %squeeze3A_297 = vector.extract %slice3A_296[0] : i32 from vector<1xi32>
      %add3A_298 = arith.constant 14 : i32
      %add3A_299 = arith.addi %add3A_122, %add3A_298 : i32
      %dma_start3A_300 = arith.constant 0 : i32
      %dma_start3A_301 = tpu.memref_slice %arg6[%add3A_299, %dma_start3A_300] : memref<200x64xf32, #tpu.memory_space<vmem>> -> memref<1x64xf32, #tpu.memory_space<vmem>>
      %dma_start3A_302 = arith.constant 0 : i32
      %dma_start3A_303 = tpu.memref_slice %arg3[%squeeze3A_297, %dma_start3A_302] : memref<1000000x64xf32, #tpu.memory_space<hbm>> -> memref<1x64xf32, #tpu.memory_space<hbm>>
      %dma_start3A_304 = arith.constant 0 : i32
      %dma_start3A_305 = tpu.memref_slice %arg6[%add3A_299, %dma_start3A_304] : memref<200x64xf32, #tpu.memory_space<vmem>> -> memref<1x64xf32, #tpu.memory_space<vmem>>
      %dma_start3A_306 = arith.constant 0 : i32
      %dma_start3A_307 = tpu.memref_slice %arg3[%squeeze3A_297, %dma_start3A_306] : memref<1000000x64xf32, #tpu.memory_space<hbm>> -> memref<1x64xf32, #tpu.memory_space<hbm>>
      tpu.enqueue_dma source(%dma_start3A_307 : memref<1x64xf32, #tpu.memory_space<hbm>>) target(%dma_start3A_305 : memref<1x64xf32, #tpu.memory_space<vmem>>) target_semaphore(%arg9 : memref<!tpu.dma_semaphore, #tpu.memory_space<semaphore_mem>>)
      %slice3A_308 = vector.extract_strided_slice %get3A_127 {offsets = [15], sizes = [1], strides = [1]} : vector<16xi32> to vector<1xi32>
      %squeeze3A_309 = vector.extract %slice3A_308[0] : i32 from vector<1xi32>
      %add3A_310 = arith.constant 15 : i32
      %add3A_311 = arith.addi %add3A_122, %add3A_310 : i32
      %dma_start3A_312 = arith.constant 0 : i32
      %dma_start3A_313 = tpu.memref_slice %arg6[%add3A_311, %dma_start3A_312] : memref<200x64xf32, #tpu.memory_space<vmem>> -> memref<1x64xf32, #tpu.memory_space<vmem>>
      %dma_start3A_314 = arith.constant 0 : i32
      %dma_start3A_315 = tpu.memref_slice %arg3[%squeeze3A_309, %dma_start3A_314] : memref<1000000x64xf32, #tpu.memory_space<hbm>> -> memref<1x64xf32, #tpu.memory_space<hbm>>
      %dma_start3A_316 = arith.constant 0 : i32
      %dma_start3A_317 = tpu.memref_slice %arg6[%add3A_311, %dma_start3A_316] : memref<200x64xf32, #tpu.memory_space<vmem>> -> memref<1x64xf32, #tpu.memory_space<vmem>>
      %dma_start3A_318 = arith.constant 0 : i32
      %dma_start3A_319 = tpu.memref_slice %arg3[%squeeze3A_309, %dma_start3A_318] : memref<1000000x64xf32, #tpu.memory_space<hbm>> -> memref<1x64xf32, #tpu.memory_space<hbm>>
      tpu.enqueue_dma source(%dma_start3A_319 : memref<1x64xf32, #tpu.memory_space<hbm>>) target(%dma_start3A_317 : memref<1x64xf32, #tpu.memory_space<vmem>>) target_semaphore(%arg9 : memref<!tpu.dma_semaphore, #tpu.memory_space<semaphore_mem>>)
      %mul3A_320 = arith.constant 32 : i32
      %mul3A_321 = arith.muli %mul3A_320, %scan3A_118 : i32
      %add3A_322 = arith.constant 16 : i32
      %add3A_323 = arith.addi %mul3A_321, %add3A_322 : i32
      %get3A_324 = arith.constant 0 : i32
      %get3A_325 = arith.index_cast %get3A_324 : i32 to index
      %get3A_326 = arith.index_cast %add3A_323 : i32 to index
      %get3A_327 = tpu.vector_load %arg5[%get3A_325, %get3A_326] {strides = array<i32>} : memref<128x200xi32, #tpu.memory_space<vmem>>, vector<1x16xi32>,
      %get3A_328 = vector.shape_cast %get3A_327 : vector<1x16xi32> to vector<16xi32>
      %slice3A_329 = vector.extract_strided_slice %get3A_328 {offsets = [0], sizes = [1], strides = [1]} : vector<16xi32> to vector<1xi32>
      %squeeze3A_330 = vector.extract %slice3A_329[0] : i32 from vector<1xi32>
      %add3A_331 = arith.constant 0 : i32
      %add3A_332 = arith.addi %add3A_323, %add3A_331 : i32
      %dma_start3A_333 = arith.constant 0 : i32
      %dma_start3A_334 = tpu.memref_slice %arg6[%add3A_332, %dma_start3A_333] : memref<200x64xf32, #tpu.memory_space<vmem>> -> memref<1x64xf32, #tpu.memory_space<vmem>>
      %dma_start3A_335 = arith.constant 0 : i32
      %dma_start3A_336 = tpu.memref_slice %arg3[%squeeze3A_330, %dma_start3A_335] : memref<1000000x64xf32, #tpu.memory_space<hbm>> -> memref<1x64xf32, #tpu.memory_space<hbm>>
      %dma_start3A_337 = arith.constant 0 : i32
      %dma_start3A_338 = tpu.memref_slice %arg6[%add3A_332, %dma_start3A_337] : memref<200x64xf32, #tpu.memory_space<vmem>> -> memref<1x64xf32, #tpu.memory_space<vmem>>
      %dma_start3A_339 = arith.constant 0 : i32
      %dma_start3A_340 = tpu.memref_slice %arg3[%squeeze3A_330, %dma_start3A_339] : memref<1000000x64xf32, #tpu.memory_space<hbm>> -> memref<1x64xf32, #tpu.memory_space<hbm>>
      tpu.enqueue_dma source(%dma_start3A_340 : memref<1x64xf32, #tpu.memory_space<hbm>>) target(%dma_start3A_338 : memref<1x64xf32, #tpu.memory_space<vmem>>) target_semaphore(%arg9 : memref<!tpu.dma_semaphore, #tpu.memory_space<semaphore_mem>>)
      %slice3A_341 = vector.extract_strided_slice %get3A_328 {offsets = [1], sizes = [1], strides = [1]} : vector<16xi32> to vector<1xi32>
      %squeeze3A_342 = vector.extract %slice3A_341[0] : i32 from vector<1xi32>
      %add3A_343 = arith.constant 1 : i32
      %add3A_344 = arith.addi %add3A_323, %add3A_343 : i32
      %dma_start3A_345 = arith.constant 0 : i32
      %dma_start3A_346 = tpu.memref_slice %arg6[%add3A_344, %dma_start3A_345] : memref<200x64xf32, #tpu.memory_space<vmem>> -> memref<1x64xf32, #tpu.memory_space<vmem>>
      %dma_start3A_347 = arith.constant 0 : i32
      %dma_start3A_348 = tpu.memref_slice %arg3[%squeeze3A_342, %dma_start3A_347] : memref<1000000x64xf32, #tpu.memory_space<hbm>> -> memref<1x64xf32, #tpu.memory_space<hbm>>
      %dma_start3A_349 = arith.constant 0 : i32
      %dma_start3A_350 = tpu.memref_slice %arg6[%add3A_344, %dma_start3A_349] : memref<200x64xf32, #tpu.memory_space<vmem>> -> memref<1x64xf32, #tpu.memory_space<vmem>>
      %dma_start3A_351 = arith.constant 0 : i32
      %dma_start3A_352 = tpu.memref_slice %arg3[%squeeze3A_342, %dma_start3A_351] : memref<1000000x64xf32, #tpu.memory_space<hbm>> -> memref<1x64xf32, #tpu.memory_space<hbm>>
      tpu.enqueue_dma source(%dma_start3A_352 : memref<1x64xf32, #tpu.memory_space<hbm>>) target(%dma_start3A_350 : memref<1x64xf32, #tpu.memory_space<vmem>>) target_semaphore(%arg9 : memref<!tpu.dma_semaphore, #tpu.memory_space<semaphore_mem>>)
      %slice3A_353 = vector.extract_strided_slice %get3A_328 {offsets = [2], sizes = [1], strides = [1]} : vector<16xi32> to vector<1xi32>
      %squeeze3A_354 = vector.extract %slice3A_353[0] : i32 from vector<1xi32>
      %add3A_355 = arith.constant 2 : i32
      %add3A_356 = arith.addi %add3A_323, %add3A_355 : i32
      %dma_start3A_357 = arith.constant 0 : i32
      %dma_start3A_358 = tpu.memref_slice %arg6[%add3A_356, %dma_start3A_357] : memref<200x64xf32, #tpu.memory_space<vmem>> -> memref<1x64xf32, #tpu.memory_space<vmem>>
      %dma_start3A_359 = arith.constant 0 : i32
      %dma_start3A_360 = tpu.memref_slice %arg3[%squeeze3A_354, %dma_start3A_359] : memref<1000000x64xf32, #tpu.memory_space<hbm>> -> memref<1x64xf32, #tpu.memory_space<hbm>>
      %dma_start3A_361 = arith.constant 0 : i32
      %dma_start3A_362 = tpu.memref_slice %arg6[%add3A_356, %dma_start3A_361] : memref<200x64xf32, #tpu.memory_space<vmem>> -> memref<1x64xf32, #tpu.memory_space<vmem>>
      %dma_start3A_363 = arith.constant 0 : i32
      %dma_start3A_364 = tpu.memref_slice %arg3[%squeeze3A_354, %dma_start3A_363] : memref<1000000x64xf32, #tpu.memory_space<hbm>> -> memref<1x64xf32, #tpu.memory_space<hbm>>
      tpu.enqueue_dma source(%dma_start3A_364 : memref<1x64xf32, #tpu.memory_space<hbm>>) target(%dma_start3A_362 : memref<1x64xf32, #tpu.memory_space<vmem>>) target_semaphore(%arg9 : memref<!tpu.dma_semaphore, #tpu.memory_space<semaphore_mem>>)
      %slice3A_365 = vector.extract_strided_slice %get3A_328 {offsets = [3], sizes = [1], strides = [1]} : vector<16xi32> to vector<1xi32>
      %squeeze3A_366 = vector.extract %slice3A_365[0] : i32 from vector<1xi32>
      %add3A_367 = arith.constant 3 : i32
      %add3A_368 = arith.addi %add3A_323, %add3A_367 : i32
      %dma_start3A_369 = arith.constant 0 : i32
      %dma_start3A_370 = tpu.memref_slice %arg6[%add3A_368, %dma_start3A_369] : memref<200x64xf32, #tpu.memory_space<vmem>> -> memref<1x64xf32, #tpu.memory_space<vmem>>
      %dma_start3A_371 = arith.constant 0 : i32
      %dma_start3A_372 = tpu.memref_slice %arg3[%squeeze3A_366, %dma_start3A_371] : memref<1000000x64xf32, #tpu.memory_space<hbm>> -> memref<1x64xf32, #tpu.memory_space<hbm>>
      %dma_start3A_373 = arith.constant 0 : i32
      %dma_start3A_374 = tpu.memref_slice %arg6[%add3A_368, %dma_start3A_373] : memref<200x64xf32, #tpu.memory_space<vmem>> -> memref<1x64xf32, #tpu.memory_space<vmem>>
      %dma_start3A_375 = arith.constant 0 : i32
      %dma_start3A_376 = tpu.memref_slice %arg3[%squeeze3A_366, %dma_start3A_375] : memref<1000000x64xf32, #tpu.memory_space<hbm>> -> memref<1x64xf32, #tpu.memory_space<hbm>>
      tpu.enqueue_dma source(%dma_start3A_376 : memref<1x64xf32, #tpu.memory_space<hbm>>) target(%dma_start3A_374 : memref<1x64xf32, #tpu.memory_space<vmem>>) target_semaphore(%arg9 : memref<!tpu.dma_semaphore, #tpu.memory_space<semaphore_mem>>)
      %slice3A_377 = vector.extract_strided_slice %get3A_328 {offsets = [4], sizes = [1], strides = [1]} : vector<16xi32> to vector<1xi32>
      %squeeze3A_378 = vector.extract %slice3A_377[0] : i32 from vector<1xi32>
      %add3A_379 = arith.constant 4 : i32
      %add3A_380 = arith.addi %add3A_323, %add3A_379 : i32
      %dma_start3A_381 = arith.constant 0 : i32
      %dma_start3A_382 = tpu.memref_slice %arg6[%add3A_380, %dma_start3A_381] : memref<200x64xf32, #tpu.memory_space<vmem>> -> memref<1x64xf32, #tpu.memory_space<vmem>>
      %dma_start3A_383 = arith.constant 0 : i32
      %dma_start3A_384 = tpu.memref_slice %arg3[%squeeze3A_378, %dma_start3A_383] : memref<1000000x64xf32, #tpu.memory_space<hbm>> -> memref<1x64xf32, #tpu.memory_space<hbm>>
      %dma_start3A_385 = arith.constant 0 : i32
      %dma_start3A_386 = tpu.memref_slice %arg6[%add3A_380, %dma_start3A_385] : memref<200x64xf32, #tpu.memory_space<vmem>> -> memref<1x64xf32, #tpu.memory_space<vmem>>
      %dma_start3A_387 = arith.constant 0 : i32
      %dma_start3A_388 = tpu.memref_slice %arg3[%squeeze3A_378, %dma_start3A_387] : memref<1000000x64xf32, #tpu.memory_space<hbm>> -> memref<1x64xf32, #tpu.memory_space<hbm>>
      tpu.enqueue_dma source(%dma_start3A_388 : memref<1x64xf32, #tpu.memory_space<hbm>>) target(%dma_start3A_386 : memref<1x64xf32, #tpu.memory_space<vmem>>) target_semaphore(%arg9 : memref<!tpu.dma_semaphore, #tpu.memory_space<semaphore_mem>>)
      %slice3A_389 = vector.extract_strided_slice %get3A_328 {offsets = [5], sizes = [1], strides = [1]} : vector<16xi32> to vector<1xi32>
      %squeeze3A_390 = vector.extract %slice3A_389[0] : i32 from vector<1xi32>
      %add3A_391 = arith.constant 5 : i32
      %add3A_392 = arith.addi %add3A_323, %add3A_391 : i32
      %dma_start3A_393 = arith.constant 0 : i32
      %dma_start3A_394 = tpu.memref_slice %arg6[%add3A_392, %dma_start3A_393] : memref<200x64xf32, #tpu.memory_space<vmem>> -> memref<1x64xf32, #tpu.memory_space<vmem>>
      %dma_start3A_395 = arith.constant 0 : i32
      %dma_start3A_396 = tpu.memref_slice %arg3[%squeeze3A_390, %dma_start3A_395] : memref<1000000x64xf32, #tpu.memory_space<hbm>> -> memref<1x64xf32, #tpu.memory_space<hbm>>
      %dma_start3A_397 = arith.constant 0 : i32
      %dma_start3A_398 = tpu.memref_slice %arg6[%add3A_392, %dma_start3A_397] : memref<200x64xf32, #tpu.memory_space<vmem>> -> memref<1x64xf32, #tpu.memory_space<vmem>>
      %dma_start3A_399 = arith.constant 0 : i32
      %dma_start3A_400 = tpu.memref_slice %arg3[%squeeze3A_390, %dma_start3A_399] : memref<1000000x64xf32, #tpu.memory_space<hbm>> -> memref<1x64xf32, #tpu.memory_space<hbm>>
      tpu.enqueue_dma source(%dma_start3A_400 : memref<1x64xf32, #tpu.memory_space<hbm>>) target(%dma_start3A_398 : memref<1x64xf32, #tpu.memory_space<vmem>>) target_semaphore(%arg9 : memref<!tpu.dma_semaphore, #tpu.memory_space<semaphore_mem>>)
      %slice3A_401 = vector.extract_strided_slice %get3A_328 {offsets = [6], sizes = [1], strides = [1]} : vector<16xi32> to vector<1xi32>
      %squeeze3A_402 = vector.extract %slice3A_401[0] : i32 from vector<1xi32>
      %add3A_403 = arith.constant 6 : i32
      %add3A_404 = arith.addi %add3A_323, %add3A_403 : i32
      %dma_start3A_405 = arith.constant 0 : i32
      %dma_start3A_406 = tpu.memref_slice %arg6[%add3A_404, %dma_start3A_405] : memref<200x64xf32, #tpu.memory_space<vmem>> -> memref<1x64xf32, #tpu.memory_space<vmem>>
      %dma_start3A_407 = arith.constant 0 : i32
      %dma_start3A_408 = tpu.memref_slice %arg3[%squeeze3A_402, %dma_start3A_407] : memref<1000000x64xf32, #tpu.memory_space<hbm>> -> memref<1x64xf32, #tpu.memory_space<hbm>>
      %dma_start3A_409 = arith.constant 0 : i32
      %dma_start3A_410 = tpu.memref_slice %arg6[%add3A_404, %dma_start3A_409] : memref<200x64xf32, #tpu.memory_space<vmem>> -> memref<1x64xf32, #tpu.memory_space<vmem>>
      %dma_start3A_411 = arith.constant 0 : i32
      %dma_start3A_412 = tpu.memref_slice %arg3[%squeeze3A_402, %dma_start3A_411] : memref<1000000x64xf32, #tpu.memory_space<hbm>> -> memref<1x64xf32, #tpu.memory_space<hbm>>
      tpu.enqueue_dma source(%dma_start3A_412 : memref<1x64xf32, #tpu.memory_space<hbm>>) target(%dma_start3A_410 : memref<1x64xf32, #tpu.memory_space<vmem>>) target_semaphore(%arg9 : memref<!tpu.dma_semaphore, #tpu.memory_space<semaphore_mem>>)
      %slice3A_413 = vector.extract_strided_slice %get3A_328 {offsets = [7], sizes = [1], strides = [1]} : vector<16xi32> to vector<1xi32>
      %squeeze3A_414 = vector.extract %slice3A_413[0] : i32 from vector<1xi32>
      %add3A_415 = arith.constant 7 : i32
      %add3A_416 = arith.addi %add3A_323, %add3A_415 : i32
      %dma_start3A_417 = arith.constant 0 : i32
      %dma_start3A_418 = tpu.memref_slice %arg6[%add3A_416, %dma_start3A_417] : memref<200x64xf32, #tpu.memory_space<vmem>> -> memref<1x64xf32, #tpu.memory_space<vmem>>
      %dma_start3A_419 = arith.constant 0 : i32
      %dma_start3A_420 = tpu.memref_slice %arg3[%squeeze3A_414, %dma_start3A_419] : memref<1000000x64xf32, #tpu.memory_space<hbm>> -> memref<1x64xf32, #tpu.memory_space<hbm>>
      %dma_start3A_421 = arith.constant 0 : i32
      %dma_start3A_422 = tpu.memref_slice %arg6[%add3A_416, %dma_start3A_421] : memref<200x64xf32, #tpu.memory_space<vmem>> -> memref<1x64xf32, #tpu.memory_space<vmem>>
      %dma_start3A_423 = arith.constant 0 : i32
      %dma_start3A_424 = tpu.memref_slice %arg3[%squeeze3A_414, %dma_start3A_423] : memref<1000000x64xf32, #tpu.memory_space<hbm>> -> memref<1x64xf32, #tpu.memory_space<hbm>>
      tpu.enqueue_dma source(%dma_start3A_424 : memref<1x64xf32, #tpu.memory_space<hbm>>) target(%dma_start3A_422 : memref<1x64xf32, #tpu.memory_space<vmem>>) target_semaphore(%arg9 : memref<!tpu.dma_semaphore, #tpu.memory_space<semaphore_mem>>)
      %slice3A_425 = vector.extract_strided_slice %get3A_328 {offsets = [8], sizes = [1], strides = [1]} : vector<16xi32> to vector<1xi32>
      %squeeze3A_426 = vector.extract %slice3A_425[0] : i32 from vector<1xi32>
      %add3A_427 = arith.constant 8 : i32
      %add3A_428 = arith.addi %add3A_323, %add3A_427 : i32
      %dma_start3A_429 = arith.constant 0 : i32
      %dma_start3A_430 = tpu.memref_slice %arg6[%add3A_428, %dma_start3A_429] : memref<200x64xf32, #tpu.memory_space<vmem>> -> memref<1x64xf32, #tpu.memory_space<vmem>>
      %dma_start3A_431 = arith.constant 0 : i32
      %dma_start3A_432 = tpu.memref_slice %arg3[%squeeze3A_426, %dma_start3A_431] : memref<1000000x64xf32, #tpu.memory_space<hbm>> -> memref<1x64xf32, #tpu.memory_space<hbm>>
      %dma_start3A_433 = arith.constant 0 : i32
      %dma_start3A_434 = tpu.memref_slice %arg6[%add3A_428, %dma_start3A_433] : memref<200x64xf32, #tpu.memory_space<vmem>> -> memref<1x64xf32, #tpu.memory_space<vmem>>
      %dma_start3A_435 = arith.constant 0 : i32
      %dma_start3A_436 = tpu.memref_slice %arg3[%squeeze3A_426, %dma_start3A_435] : memref<1000000x64xf32, #tpu.memory_space<hbm>> -> memref<1x64xf32, #tpu.memory_space<hbm>>
      tpu.enqueue_dma source(%dma_start3A_436 : memref<1x64xf32, #tpu.memory_space<hbm>>) target(%dma_start3A_434 : memref<1x64xf32, #tpu.memory_space<vmem>>) target_semaphore(%arg9 : memref<!tpu.dma_semaphore, #tpu.memory_space<semaphore_mem>>)
      %slice3A_437 = vector.extract_strided_slice %get3A_328 {offsets = [9], sizes = [1], strides = [1]} : vector<16xi32> to vector<1xi32>
      %squeeze3A_438 = vector.extract %slice3A_437[0] : i32 from vector<1xi32>
      %add3A_439 = arith.constant 9 : i32
      %add3A_440 = arith.addi %add3A_323, %add3A_439 : i32
      %dma_start3A_441 = arith.constant 0 : i32
      %dma_start3A_442 = tpu.memref_slice %arg6[%add3A_440, %dma_start3A_441] : memref<200x64xf32, #tpu.memory_space<vmem>> -> memref<1x64xf32, #tpu.memory_space<vmem>>
      %dma_start3A_443 = arith.constant 0 : i32
      %dma_start3A_444 = tpu.memref_slice %arg3[%squeeze3A_438, %dma_start3A_443] : memref<1000000x64xf32, #tpu.memory_space<hbm>> -> memref<1x64xf32, #tpu.memory_space<hbm>>
      %dma_start3A_445 = arith.constant 0 : i32
      %dma_start3A_446 = tpu.memref_slice %arg6[%add3A_440, %dma_start3A_445] : memref<200x64xf32, #tpu.memory_space<vmem>> -> memref<1x64xf32, #tpu.memory_space<vmem>>
      %dma_start3A_447 = arith.constant 0 : i32
      %dma_start3A_448 = tpu.memref_slice %arg3[%squeeze3A_438, %dma_start3A_447] : memref<1000000x64xf32, #tpu.memory_space<hbm>> -> memref<1x64xf32, #tpu.memory_space<hbm>>
      tpu.enqueue_dma source(%dma_start3A_448 : memref<1x64xf32, #tpu.memory_space<hbm>>) target(%dma_start3A_446 : memref<1x64xf32, #tpu.memory_space<vmem>>) target_semaphore(%arg9 : memref<!tpu.dma_semaphore, #tpu.memory_space<semaphore_mem>>)
      %slice3A_449 = vector.extract_strided_slice %get3A_328 {offsets = [10], sizes = [1], strides = [1]} : vector<16xi32> to vector<1xi32>
      %squeeze3A_450 = vector.extract %slice3A_449[0] : i32 from vector<1xi32>
      %add3A_451 = arith.constant 10 : i32
      %add3A_452 = arith.addi %add3A_323, %add3A_451 : i32
      %dma_start3A_453 = arith.constant 0 : i32
      %dma_start3A_454 = tpu.memref_slice %arg6[%add3A_452, %dma_start3A_453] : memref<200x64xf32, #tpu.memory_space<vmem>> -> memref<1x64xf32, #tpu.memory_space<vmem>>
      %dma_start3A_455 = arith.constant 0 : i32
      %dma_start3A_456 = tpu.memref_slice %arg3[%squeeze3A_450, %dma_start3A_455] : memref<1000000x64xf32, #tpu.memory_space<hbm>> -> memref<1x64xf32, #tpu.memory_space<hbm>>
      %dma_start3A_457 = arith.constant 0 : i32
      %dma_start3A_458 = tpu.memref_slice %arg6[%add3A_452, %dma_start3A_457] : memref<200x64xf32, #tpu.memory_space<vmem>> -> memref<1x64xf32, #tpu.memory_space<vmem>>
      %dma_start3A_459 = arith.constant 0 : i32
      %dma_start3A_460 = tpu.memref_slice %arg3[%squeeze3A_450, %dma_start3A_459] : memref<1000000x64xf32, #tpu.memory_space<hbm>> -> memref<1x64xf32, #tpu.memory_space<hbm>>
      tpu.enqueue_dma source(%dma_start3A_460 : memref<1x64xf32, #tpu.memory_space<hbm>>) target(%dma_start3A_458 : memref<1x64xf32, #tpu.memory_space<vmem>>) target_semaphore(%arg9 : memref<!tpu.dma_semaphore, #tpu.memory_space<semaphore_mem>>)
      %slice3A_461 = vector.extract_strided_slice %get3A_328 {offsets = [11], sizes = [1], strides = [1]} : vector<16xi32> to vector<1xi32>
      %squeeze3A_462 = vector.extract %slice3A_461[0] : i32 from vector<1xi32>
      %add3A_463 = arith.constant 11 : i32
      %add3A_464 = arith.addi %add3A_323, %add3A_463 : i32
      %dma_start3A_465 = arith.constant 0 : i32
      %dma_start3A_466 = tpu.memref_slice %arg6[%add3A_464, %dma_start3A_465] : memref<200x64xf32, #tpu.memory_space<vmem>> -> memref<1x64xf32, #tpu.memory_space<vmem>>
      %dma_start3A_467 = arith.constant 0 : i32
      %dma_start3A_468 = tpu.memref_slice %arg3[%squeeze3A_462, %dma_start3A_467] : memref<1000000x64xf32, #tpu.memory_space<hbm>> -> memref<1x64xf32, #tpu.memory_space<hbm>>
      %dma_start3A_469 = arith.constant 0 : i32
      %dma_start3A_470 = tpu.memref_slice %arg6[%add3A_464, %dma_start3A_469] : memref<200x64xf32, #tpu.memory_space<vmem>> -> memref<1x64xf32, #tpu.memory_space<vmem>>
      %dma_start3A_471 = arith.constant 0 : i32
      %dma_start3A_472 = tpu.memref_slice %arg3[%squeeze3A_462, %dma_start3A_471] : memref<1000000x64xf32, #tpu.memory_space<hbm>> -> memref<1x64xf32, #tpu.memory_space<hbm>>
      tpu.enqueue_dma source(%dma_start3A_472 : memref<1x64xf32, #tpu.memory_space<hbm>>) target(%dma_start3A_470 : memref<1x64xf32, #tpu.memory_space<vmem>>) target_semaphore(%arg9 : memref<!tpu.dma_semaphore, #tpu.memory_space<semaphore_mem>>)
      %slice3A_473 = vector.extract_strided_slice %get3A_328 {offsets = [12], sizes = [1], strides = [1]} : vector<16xi32> to vector<1xi32>
      %squeeze3A_474 = vector.extract %slice3A_473[0] : i32 from vector<1xi32>
      %add3A_475 = arith.constant 12 : i32
      %add3A_476 = arith.addi %add3A_323, %add3A_475 : i32
      %dma_start3A_477 = arith.constant 0 : i32
      %dma_start3A_478 = tpu.memref_slice %arg6[%add3A_476, %dma_start3A_477] : memref<200x64xf32, #tpu.memory_space<vmem>> -> memref<1x64xf32, #tpu.memory_space<vmem>>
      %dma_start3A_479 = arith.constant 0 : i32
      %dma_start3A_480 = tpu.memref_slice %arg3[%squeeze3A_474, %dma_start3A_479] : memref<1000000x64xf32, #tpu.memory_space<hbm>> -> memref<1x64xf32, #tpu.memory_space<hbm>>
      %dma_start3A_481 = arith.constant 0 : i32
      %dma_start3A_482 = tpu.memref_slice %arg6[%add3A_476, %dma_start3A_481] : memref<200x64xf32, #tpu.memory_space<vmem>> -> memref<1x64xf32, #tpu.memory_space<vmem>>
      %dma_start3A_483 = arith.constant 0 : i32
      %dma_start3A_484 = tpu.memref_slice %arg3[%squeeze3A_474, %dma_start3A_483] : memref<1000000x64xf32, #tpu.memory_space<hbm>> -> memref<1x64xf32, #tpu.memory_space<hbm>>
      tpu.enqueue_dma source(%dma_start3A_484 : memref<1x64xf32, #tpu.memory_space<hbm>>) target(%dma_start3A_482 : memref<1x64xf32, #tpu.memory_space<vmem>>) target_semaphore(%arg9 : memref<!tpu.dma_semaphore, #tpu.memory_space<semaphore_mem>>)
      %slice3A_485 = vector.extract_strided_slice %get3A_328 {offsets = [13], sizes = [1], strides = [1]} : vector<16xi32> to vector<1xi32>
      %squeeze3A_486 = vector.extract %slice3A_485[0] : i32 from vector<1xi32>
      %add3A_487 = arith.constant 13 : i32
      %add3A_488 = arith.addi %add3A_323, %add3A_487 : i32
      %dma_start3A_489 = arith.constant 0 : i32
      %dma_start3A_490 = tpu.memref_slice %arg6[%add3A_488, %dma_start3A_489] : memref<200x64xf32, #tpu.memory_space<vmem>> -> memref<1x64xf32, #tpu.memory_space<vmem>>
      %dma_start3A_491 = arith.constant 0 : i32
      %dma_start3A_492 = tpu.memref_slice %arg3[%squeeze3A_486, %dma_start3A_491] : memref<1000000x64xf32, #tpu.memory_space<hbm>> -> memref<1x64xf32, #tpu.memory_space<hbm>>
      %dma_start3A_493 = arith.constant 0 : i32
      %dma_start3A_494 = tpu.memref_slice %arg6[%add3A_488, %dma_start3A_493] : memref<200x64xf32, #tpu.memory_space<vmem>> -> memref<1x64xf32, #tpu.memory_space<vmem>>
      %dma_start3A_495 = arith.constant 0 : i32
      %dma_start3A_496 = tpu.memref_slice %arg3[%squeeze3A_486, %dma_start3A_495] : memref<1000000x64xf32, #tpu.memory_space<hbm>> -> memref<1x64xf32, #tpu.memory_space<hbm>>
      tpu.enqueue_dma source(%dma_start3A_496 : memref<1x64xf32, #tpu.memory_space<hbm>>) target(%dma_start3A_494 : memref<1x64xf32, #tpu.memory_space<vmem>>) target_semaphore(%arg9 : memref<!tpu.dma_semaphore, #tpu.memory_space<semaphore_mem>>)
      %slice3A_497 = vector.extract_strided_slice %get3A_328 {offsets = [14], sizes = [1], strides = [1]} : vector<16xi32> to vector<1xi32>
      %squeeze3A_498 = vector.extract %slice3A_497[0] : i32 from vector<1xi32>
      %add3A_499 = arith.constant 14 : i32
      %add3A_500 = arith.addi %add3A_323, %add3A_499 : i32
      %dma_start3A_501 = arith.constant 0 : i32
      %dma_start3A_502 = tpu.memref_slice %arg6[%add3A_500, %dma_start3A_501] : memref<200x64xf32, #tpu.memory_space<vmem>> -> memref<1x64xf32, #tpu.memory_space<vmem>>
      %dma_start3A_503 = arith.constant 0 : i32
      %dma_start3A_504 = tpu.memref_slice %arg3[%squeeze3A_498, %dma_start3A_503] : memref<1000000x64xf32, #tpu.memory_space<hbm>> -> memref<1x64xf32, #tpu.memory_space<hbm>>
      %dma_start3A_505 = arith.constant 0 : i32
      %dma_start3A_506 = tpu.memref_slice %arg6[%add3A_500, %dma_start3A_505] : memref<200x64xf32, #tpu.memory_space<vmem>> -> memref<1x64xf32, #tpu.memory_space<vmem>>
      %dma_start3A_507 = arith.constant 0 : i32
      %dma_start3A_508 = tpu.memref_slice %arg3[%squeeze3A_498, %dma_start3A_507] : memref<1000000x64xf32, #tpu.memory_space<hbm>> -> memref<1x64xf32, #tpu.memory_space<hbm>>
      tpu.enqueue_dma source(%dma_start3A_508 : memref<1x64xf32, #tpu.memory_space<hbm>>) target(%dma_start3A_506 : memref<1x64xf32, #tpu.memory_space<vmem>>) target_semaphore(%arg9 : memref<!tpu.dma_semaphore, #tpu.memory_space<semaphore_mem>>)
      %slice3A_509 = vector.extract_strided_slice %get3A_328 {offsets = [15], sizes = [1], strides = [1]} : vector<16xi32> to vector<1xi32>
      %squeeze3A_510 = vector.extract %slice3A_509[0] : i32 from vector<1xi32>
      %add3A_511 = arith.constant 15 : i32
      %add3A_512 = arith.addi %add3A_323, %add3A_511 : i32
      %dma_start3A_513 = arith.constant 0 : i32
      %dma_start3A_514 = tpu.memref_slice %arg6[%add3A_512, %dma_start3A_513] : memref<200x64xf32, #tpu.memory_space<vmem>> -> memref<1x64xf32, #tpu.memory_space<vmem>>
      %dma_start3A_515 = arith.constant 0 : i32
      %dma_start3A_516 = tpu.memref_slice %arg3[%squeeze3A_510, %dma_start3A_515] : memref<1000000x64xf32, #tpu.memory_space<hbm>> -> memref<1x64xf32, #tpu.memory_space<hbm>>
      %dma_start3A_517 = arith.constant 0 : i32
      %dma_start3A_518 = tpu.memref_slice %arg6[%add3A_512, %dma_start3A_517] : memref<200x64xf32, #tpu.memory_space<vmem>> -> memref<1x64xf32, #tpu.memory_space<vmem>>
      %dma_start3A_519 = arith.constant 0 : i32
      %dma_start3A_520 = tpu.memref_slice %arg3[%squeeze3A_510, %dma_start3A_519] : memref<1000000x64xf32, #tpu.memory_space<hbm>> -> memref<1x64xf32, #tpu.memory_space<hbm>>
      tpu.enqueue_dma source(%dma_start3A_520 : memref<1x64xf32, #tpu.memory_space<hbm>>) target(%dma_start3A_518 : memref<1x64xf32, #tpu.memory_space<vmem>>) target_semaphore(%arg9 : memref<!tpu.dma_semaphore, #tpu.memory_space<semaphore_mem>>)
    }
    %scan3A_7 = arith.constant 6 : i32
    %get3A = arith.constant 0 : i32
    %get3A_8 = arith.index_cast %get3A : i32 to index
    %get3A_9 = arith.constant 184 : index
    %get3A_10 = tpu.vector_load %arg5[%get3A_8, %get3A_9] {strides = array<i32>} : memref<128x200xi32, #tpu.memory_space<vmem>>, vector<1x16xi32>,
    %get3A_11 = vector.shape_cast %get3A_10 : vector<1x16xi32> to vector<16xi32>
    %slice3A = vector.extract_strided_slice %get3A_11 {offsets = [8], sizes = [1], strides = [1]} : vector<16xi32> to vector<1xi32>
    %squeeze3A = vector.extract %slice3A[0] : i32 from vector<1xi32>
    %dma_start3A = arith.constant 192 : i32
    %dma_start3A_12 = arith.constant 0 : i32
    %dma_start3A_13 = tpu.memref_slice %arg6[%dma_start3A, %dma_start3A_12] : memref<200x64xf32, #tpu.memory_space<vmem>> -> memref<1x64xf32, #tpu.memory_space<vmem>>
    %dma_start3A_14 = arith.constant 0 : i32
    %dma_start3A_15 = tpu.memref_slice %arg3[%squeeze3A, %dma_start3A_14] : memref<1000000x64xf32, #tpu.memory_space<hbm>> -> memref<1x64xf32, #tpu.memory_space<hbm>>
    %dma_start3A_16 = arith.constant 192 : i32
    %dma_start3A_17 = arith.constant 0 : i32
    %dma_start3A_18 = tpu.memref_slice %arg6[%dma_start3A_16, %dma_start3A_17] : memref<200x64xf32, #tpu.memory_space<vmem>> -> memref<1x64xf32, #tpu.memory_space<vmem>>
    %dma_start3A_19 = arith.constant 0 : i32
    %dma_start3A_20 = tpu.memref_slice %arg3[%squeeze3A, %dma_start3A_19] : memref<1000000x64xf32, #tpu.memory_space<hbm>> -> memref<1x64xf32, #tpu.memory_space<hbm>>
    tpu.enqueue_dma source(%dma_start3A_20 : memref<1x64xf32, #tpu.memory_space<hbm>>) target(%dma_start3A_18 : memref<1x64xf32, #tpu.memory_space<vmem>>) target_semaphore(%arg9 : memref<!tpu.dma_semaphore, #tpu.memory_space<semaphore_mem>>)
    %slice3A_21 = vector.extract_strided_slice %get3A_11 {offsets = [9], sizes = [1], strides = [1]} : vector<16xi32> to vector<1xi32>
    %squeeze3A_22 = vector.extract %slice3A_21[0] : i32 from vector<1xi32>
    %dma_start3A_23 = arith.constant 193 : i32
    %dma_start3A_24 = arith.constant 0 : i32
    %dma_start3A_25 = tpu.memref_slice %arg6[%dma_start3A_23, %dma_start3A_24] : memref<200x64xf32, #tpu.memory_space<vmem>> -> memref<1x64xf32, #tpu.memory_space<vmem>>
    %dma_start3A_26 = arith.constant 0 : i32
    %dma_start3A_27 = tpu.memref_slice %arg3[%squeeze3A_22, %dma_start3A_26] : memref<1000000x64xf32, #tpu.memory_space<hbm>> -> memref<1x64xf32, #tpu.memory_space<hbm>>
    %dma_start3A_28 = arith.constant 193 : i32
    %dma_start3A_29 = arith.constant 0 : i32
    %dma_start3A_30 = tpu.memref_slice %arg6[%dma_start3A_28, %dma_start3A_29] : memref<200x64xf32, #tpu.memory_space<vmem>> -> memref<1x64xf32, #tpu.memory_space<vmem>>
    %dma_start3A_31 = arith.constant 0 : i32
    %dma_start3A_32 = tpu.memref_slice %arg3[%squeeze3A_22, %dma_start3A_31] : memref<1000000x64xf32, #tpu.memory_space<hbm>> -> memref<1x64xf32, #tpu.memory_space<hbm>>
    tpu.enqueue_dma source(%dma_start3A_32 : memref<1x64xf32, #tpu.memory_space<hbm>>) target(%dma_start3A_30 : memref<1x64xf32, #tpu.memory_space<vmem>>) target_semaphore(%arg9 : memref<!tpu.dma_semaphore, #tpu.memory_space<semaphore_mem>>)
    %slice3A_33 = vector.extract_strided_slice %get3A_11 {offsets = [10], sizes = [1], strides = [1]} : vector<16xi32> to vector<1xi32>
    %squeeze3A_34 = vector.extract %slice3A_33[0] : i32 from vector<1xi32>
    %dma_start3A_35 = arith.constant 194 : i32
    %dma_start3A_36 = arith.constant 0 : i32
    %dma_start3A_37 = tpu.memref_slice %arg6[%dma_start3A_35, %dma_start3A_36] : memref<200x64xf32, #tpu.memory_space<vmem>> -> memref<1x64xf32, #tpu.memory_space<vmem>>
    %dma_start3A_38 = arith.constant 0 : i32
    %dma_start3A_39 = tpu.memref_slice %arg3[%squeeze3A_34, %dma_start3A_38] : memref<1000000x64xf32, #tpu.memory_space<hbm>> -> memref<1x64xf32, #tpu.memory_space<hbm>>
    %dma_start3A_40 = arith.constant 194 : i32
    %dma_start3A_41 = arith.constant 0 : i32
    %dma_start3A_42 = tpu.memref_slice %arg6[%dma_start3A_40, %dma_start3A_41] : memref<200x64xf32, #tpu.memory_space<vmem>> -> memref<1x64xf32, #tpu.memory_space<vmem>>
    %dma_start3A_43 = arith.constant 0 : i32
    %dma_start3A_44 = tpu.memref_slice %arg3[%squeeze3A_34, %dma_start3A_43] : memref<1000000x64xf32, #tpu.memory_space<hbm>> -> memref<1x64xf32, #tpu.memory_space<hbm>>
    tpu.enqueue_dma source(%dma_start3A_44 : memref<1x64xf32, #tpu.memory_space<hbm>>) target(%dma_start3A_42 : memref<1x64xf32, #tpu.memory_space<vmem>>) target_semaphore(%arg9 : memref<!tpu.dma_semaphore, #tpu.memory_space<semaphore_mem>>)
    %slice3A_45 = vector.extract_strided_slice %get3A_11 {offsets = [11], sizes = [1], strides = [1]} : vector<16xi32> to vector<1xi32>
    %squeeze3A_46 = vector.extract %slice3A_45[0] : i32 from vector<1xi32>
    %dma_start3A_47 = arith.constant 195 : i32
    %dma_start3A_48 = arith.constant 0 : i32
    %dma_start3A_49 = tpu.memref_slice %arg6[%dma_start3A_47, %dma_start3A_48] : memref<200x64xf32, #tpu.memory_space<vmem>> -> memref<1x64xf32, #tpu.memory_space<vmem>>
    %dma_start3A_50 = arith.constant 0 : i32
    %dma_start3A_51 = tpu.memref_slice %arg3[%squeeze3A_46, %dma_start3A_50] : memref<1000000x64xf32, #tpu.memory_space<hbm>> -> memref<1x64xf32, #tpu.memory_space<hbm>>
    %dma_start3A_52 = arith.constant 195 : i32
    %dma_start3A_53 = arith.constant 0 : i32
    %dma_start3A_54 = tpu.memref_slice %arg6[%dma_start3A_52, %dma_start3A_53] : memref<200x64xf32, #tpu.memory_space<vmem>> -> memref<1x64xf32, #tpu.memory_space<vmem>>
    %dma_start3A_55 = arith.constant 0 : i32
    %dma_start3A_56 = tpu.memref_slice %arg3[%squeeze3A_46, %dma_start3A_55] : memref<1000000x64xf32, #tpu.memory_space<hbm>> -> memref<1x64xf32, #tpu.memory_space<hbm>>
    tpu.enqueue_dma source(%dma_start3A_56 : memref<1x64xf32, #tpu.memory_space<hbm>>) target(%dma_start3A_54 : memref<1x64xf32, #tpu.memory_space<vmem>>) target_semaphore(%arg9 : memref<!tpu.dma_semaphore, #tpu.memory_space<semaphore_mem>>)
    %slice3A_57 = vector.extract_strided_slice %get3A_11 {offsets = [12], sizes = [1], strides = [1]} : vector<16xi32> to vector<1xi32>
    %squeeze3A_58 = vector.extract %slice3A_57[0] : i32 from vector<1xi32>
    %dma_start3A_59 = arith.constant 196 : i32
    %dma_start3A_60 = arith.constant 0 : i32
    %dma_start3A_61 = tpu.memref_slice %arg6[%dma_start3A_59, %dma_start3A_60] : memref<200x64xf32, #tpu.memory_space<vmem>> -> memref<1x64xf32, #tpu.memory_space<vmem>>
    %dma_start3A_62 = arith.constant 0 : i32
    %dma_start3A_63 = tpu.memref_slice %arg3[%squeeze3A_58, %dma_start3A_62] : memref<1000000x64xf32, #tpu.memory_space<hbm>> -> memref<1x64xf32, #tpu.memory_space<hbm>>
    %dma_start3A_64 = arith.constant 196 : i32
    %dma_start3A_65 = arith.constant 0 : i32
    %dma_start3A_66 = tpu.memref_slice %arg6[%dma_start3A_64, %dma_start3A_65] : memref<200x64xf32, #tpu.memory_space<vmem>> -> memref<1x64xf32, #tpu.memory_space<vmem>>
    %dma_start3A_67 = arith.constant 0 : i32
    %dma_start3A_68 = tpu.memref_slice %arg3[%squeeze3A_58, %dma_start3A_67] : memref<1000000x64xf32, #tpu.memory_space<hbm>> -> memref<1x64xf32, #tpu.memory_space<hbm>>
    tpu.enqueue_dma source(%dma_start3A_68 : memref<1x64xf32, #tpu.memory_space<hbm>>) target(%dma_start3A_66 : memref<1x64xf32, #tpu.memory_space<vmem>>) target_semaphore(%arg9 : memref<!tpu.dma_semaphore, #tpu.memory_space<semaphore_mem>>)
    %slice3A_69 = vector.extract_strided_slice %get3A_11 {offsets = [13], sizes = [1], strides = [1]} : vector<16xi32> to vector<1xi32>
    %squeeze3A_70 = vector.extract %slice3A_69[0] : i32 from vector<1xi32>
    %dma_start3A_71 = arith.constant 197 : i32
    %dma_start3A_72 = arith.constant 0 : i32
    %dma_start3A_73 = tpu.memref_slice %arg6[%dma_start3A_71, %dma_start3A_72] : memref<200x64xf32, #tpu.memory_space<vmem>> -> memref<1x64xf32, #tpu.memory_space<vmem>>
    %dma_start3A_74 = arith.constant 0 : i32
    %dma_start3A_75 = tpu.memref_slice %arg3[%squeeze3A_70, %dma_start3A_74] : memref<1000000x64xf32, #tpu.memory_space<hbm>> -> memref<1x64xf32, #tpu.memory_space<hbm>>
    %dma_start3A_76 = arith.constant 197 : i32
    %dma_start3A_77 = arith.constant 0 : i32
    %dma_start3A_78 = tpu.memref_slice %arg6[%dma_start3A_76, %dma_start3A_77] : memref<200x64xf32, #tpu.memory_space<vmem>> -> memref<1x64xf32, #tpu.memory_space<vmem>>
    %dma_start3A_79 = arith.constant 0 : i32
    %dma_start3A_80 = tpu.memref_slice %arg3[%squeeze3A_70, %dma_start3A_79] : memref<1000000x64xf32, #tpu.memory_space<hbm>> -> memref<1x64xf32, #tpu.memory_space<hbm>>
    tpu.enqueue_dma source(%dma_start3A_80 : memref<1x64xf32, #tpu.memory_space<hbm>>) target(%dma_start3A_78 : memref<1x64xf32, #tpu.memory_space<vmem>>) target_semaphore(%arg9 : memref<!tpu.dma_semaphore, #tpu.memory_space<semaphore_mem>>)
    %slice3A_81 = vector.extract_strided_slice %get3A_11 {offsets = [14], sizes = [1], strides = [1]} : vector<16xi32> to vector<1xi32>
    %squeeze3A_82 = vector.extract %slice3A_81[0] : i32 from vector<1xi32>
    %dma_start3A_83 = arith.constant 198 : i32
    %dma_start3A_84 = arith.constant 0 : i32
    %dma_start3A_85 = tpu.memref_slice %arg6[%dma_start3A_83, %dma_start3A_84] : memref<200x64xf32, #tpu.memory_space<vmem>> -> memref<1x64xf32, #tpu.memory_space<vmem>>
    %dma_start3A_86 = arith.constant 0 : i32
    %dma_start3A_87 = tpu.memref_slice %arg3[%squeeze3A_82, %dma_start3A_86] : memref<1000000x64xf32, #tpu.memory_space<hbm>> -> memref<1x64xf32, #tpu.memory_space<hbm>>
    %dma_start3A_88 = arith.constant 198 : i32
    %dma_start3A_89 = arith.constant 0 : i32
    %dma_start3A_90 = tpu.memref_slice %arg6[%dma_start3A_88, %dma_start3A_89] : memref<200x64xf32, #tpu.memory_space<vmem>> -> memref<1x64xf32, #tpu.memory_space<vmem>>
    %dma_start3A_91 = arith.constant 0 : i32
    %dma_start3A_92 = tpu.memref_slice %arg3[%squeeze3A_82, %dma_start3A_91] : memref<1000000x64xf32, #tpu.memory_space<hbm>> -> memref<1x64xf32, #tpu.memory_space<hbm>>
    tpu.enqueue_dma source(%dma_start3A_92 : memref<1x64xf32, #tpu.memory_space<hbm>>) target(%dma_start3A_90 : memref<1x64xf32, #tpu.memory_space<vmem>>) target_semaphore(%arg9 : memref<!tpu.dma_semaphore, #tpu.memory_space<semaphore_mem>>)
    %slice3A_93 = vector.extract_strided_slice %get3A_11 {offsets = [15], sizes = [1], strides = [1]} : vector<16xi32> to vector<1xi32>
    %squeeze3A_94 = vector.extract %slice3A_93[0] : i32 from vector<1xi32>
    %dma_start3A_95 = arith.constant 199 : i32
    %dma_start3A_96 = arith.constant 0 : i32
    %dma_start3A_97 = tpu.memref_slice %arg6[%dma_start3A_95, %dma_start3A_96] : memref<200x64xf32, #tpu.memory_space<vmem>> -> memref<1x64xf32, #tpu.memory_space<vmem>>
    %dma_start3A_98 = arith.constant 0 : i32
    %dma_start3A_99 = tpu.memref_slice %arg3[%squeeze3A_94, %dma_start3A_98] : memref<1000000x64xf32, #tpu.memory_space<hbm>> -> memref<1x64xf32, #tpu.memory_space<hbm>>
    %dma_start3A_100 = arith.constant 199 : i32
    %dma_start3A_101 = arith.constant 0 : i32
    %dma_start3A_102 = tpu.memref_slice %arg6[%dma_start3A_100, %dma_start3A_101] : memref<200x64xf32, #tpu.memory_space<vmem>> -> memref<1x64xf32, #tpu.memory_space<vmem>>
    %dma_start3A_103 = arith.constant 0 : i32
    %dma_start3A_104 = tpu.memref_slice %arg3[%squeeze3A_94, %dma_start3A_103] : memref<1000000x64xf32, #tpu.memory_space<hbm>> -> memref<1x64xf32, #tpu.memory_space<hbm>>
    tpu.enqueue_dma source(%dma_start3A_104 : memref<1x64xf32, #tpu.memory_space<hbm>>) target(%dma_start3A_102 : memref<1x64xf32, #tpu.memory_space<vmem>>) target_semaphore(%arg9 : memref<!tpu.dma_semaphore, #tpu.memory_space<semaphore_mem>>)
    %scan3A_105 = arith.constant 0 : i32
    %scan3A_106 = arith.constant 0 : i32
    %scan3A_107 = arith.constant 64 : i32
    %scan3A_108 = arith.addi %scan3A_106, %scan3A_107 : i32
    %scan3A_109 = arith.constant 1 : i32
    scf.for %scan3A_118 = %scan3A_106 to %scan3A_108 step %scan3A_109  : i32 {
      %mul3A_119 = arith.constant 2 : i32
      %mul3A_120 = arith.muli %mul3A_119, %scan3A_118 : i32
      %add3A_121 = arith.constant 1 : i32
      %add3A_122 = arith.addi %mul3A_120, %add3A_121 : i32
      %scan3A_123 = arith.constant 0 : i32
      %scan3A_124 = arith.constant 0 : i32
      %scan3A_125 = arith.constant 6 : i32
      %scan3A_126 = arith.addi %scan3A_124, %scan3A_125 : i32
      %scan3A_127 = arith.constant 1 : i32
      scf.for %scan3A_440 = %scan3A_124 to %scan3A_126 step %scan3A_127  : i32 {
        %mul3A_441 = arith.constant 32 : i32
        %mul3A_442 = arith.muli %mul3A_441, %scan3A_440 : i32
        %add3A_443 = arith.constant 0 : i32
        %add3A_444 = arith.addi %mul3A_442, %add3A_443 : i32
        %get3A_445 = arith.index_cast %add3A_122 : i32 to index
        %get3A_446 = arith.index_cast %add3A_444 : i32 to index
        %get3A_447 = tpu.vector_load %arg5[%get3A_445, %get3A_446] {strides = array<i32>} : memref<128x200xi32, #tpu.memory_space<vmem>>, vector<1x16xi32>,
        %get3A_448 = vector.shape_cast %get3A_447 : vector<1x16xi32> to vector<16xi32>
        %slice3A_449 = vector.extract_strided_slice %get3A_448 {offsets = [0], sizes = [1], strides = [1]} : vector<16xi32> to vector<1xi32>
        %squeeze3A_450 = vector.extract %slice3A_449[0] : i32 from vector<1xi32>
        %add3A_451 = arith.constant 0 : i32
        %add3A_452 = arith.addi %add3A_444, %add3A_451 : i32
        %dma_start3A_453 = arith.constant 0 : i32
        %dma_start3A_454 = tpu.memref_slice %arg7[%add3A_452, %dma_start3A_453] : memref<200x64xf32, #tpu.memory_space<vmem>> -> memref<1x64xf32, #tpu.memory_space<vmem>>
        %dma_start3A_455 = arith.constant 0 : i32
        %dma_start3A_456 = tpu.memref_slice %arg3[%squeeze3A_450, %dma_start3A_455] : memref<1000000x64xf32, #tpu.memory_space<hbm>> -> memref<1x64xf32, #tpu.memory_space<hbm>>
        %dma_start3A_457 = arith.constant 0 : i32
        %dma_start3A_458 = tpu.memref_slice %arg7[%add3A_452, %dma_start3A_457] : memref<200x64xf32, #tpu.memory_space<vmem>> -> memref<1x64xf32, #tpu.memory_space<vmem>>
        %dma_start3A_459 = arith.constant 0 : i32
        %dma_start3A_460 = tpu.memref_slice %arg3[%squeeze3A_450, %dma_start3A_459] : memref<1000000x64xf32, #tpu.memory_space<hbm>> -> memref<1x64xf32, #tpu.memory_space<hbm>>
        tpu.enqueue_dma source(%dma_start3A_460 : memref<1x64xf32, #tpu.memory_space<hbm>>) target(%dma_start3A_458 : memref<1x64xf32, #tpu.memory_space<vmem>>) target_semaphore(%arg10 : memref<!tpu.dma_semaphore, #tpu.memory_space<semaphore_mem>>)
        %slice3A_461 = vector.extract_strided_slice %get3A_448 {offsets = [1], sizes = [1], strides = [1]} : vector<16xi32> to vector<1xi32>
        %squeeze3A_462 = vector.extract %slice3A_461[0] : i32 from vector<1xi32>
        %add3A_463 = arith.constant 1 : i32
        %add3A_464 = arith.addi %add3A_444, %add3A_463 : i32
        %dma_start3A_465 = arith.constant 0 : i32
        %dma_start3A_466 = tpu.memref_slice %arg7[%add3A_464, %dma_start3A_465] : memref<200x64xf32, #tpu.memory_space<vmem>> -> memref<1x64xf32, #tpu.memory_space<vmem>>
        %dma_start3A_467 = arith.constant 0 : i32
        %dma_start3A_468 = tpu.memref_slice %arg3[%squeeze3A_462, %dma_start3A_467] : memref<1000000x64xf32, #tpu.memory_space<hbm>> -> memref<1x64xf32, #tpu.memory_space<hbm>>
        %dma_start3A_469 = arith.constant 0 : i32
        %dma_start3A_470 = tpu.memref_slice %arg7[%add3A_464, %dma_start3A_469] : memref<200x64xf32, #tpu.memory_space<vmem>> -> memref<1x64xf32, #tpu.memory_space<vmem>>
        %dma_start3A_471 = arith.constant 0 : i32
        %dma_start3A_472 = tpu.memref_slice %arg3[%squeeze3A_462, %dma_start3A_471] : memref<1000000x64xf32, #tpu.memory_space<hbm>> -> memref<1x64xf32, #tpu.memory_space<hbm>>
        tpu.enqueue_dma source(%dma_start3A_472 : memref<1x64xf32, #tpu.memory_space<hbm>>) target(%dma_start3A_470 : memref<1x64xf32, #tpu.memory_space<vmem>>) target_semaphore(%arg10 : memref<!tpu.dma_semaphore, #tpu.memory_space<semaphore_mem>>)
        %slice3A_473 = vector.extract_strided_slice %get3A_448 {offsets = [2], sizes = [1], strides = [1]} : vector<16xi32> to vector<1xi32>
        %squeeze3A_474 = vector.extract %slice3A_473[0] : i32 from vector<1xi32>
        %add3A_475 = arith.constant 2 : i32
        %add3A_476 = arith.addi %add3A_444, %add3A_475 : i32
        %dma_start3A_477 = arith.constant 0 : i32
        %dma_start3A_478 = tpu.memref_slice %arg7[%add3A_476, %dma_start3A_477] : memref<200x64xf32, #tpu.memory_space<vmem>> -> memref<1x64xf32, #tpu.memory_space<vmem>>
        %dma_start3A_479 = arith.constant 0 : i32
        %dma_start3A_480 = tpu.memref_slice %arg3[%squeeze3A_474, %dma_start3A_479] : memref<1000000x64xf32, #tpu.memory_space<hbm>> -> memref<1x64xf32, #tpu.memory_space<hbm>>
        %dma_start3A_481 = arith.constant 0 : i32
        %dma_start3A_482 = tpu.memref_slice %arg7[%add3A_476, %dma_start3A_481] : memref<200x64xf32, #tpu.memory_space<vmem>> -> memref<1x64xf32, #tpu.memory_space<vmem>>
        %dma_start3A_483 = arith.constant 0 : i32
        %dma_start3A_484 = tpu.memref_slice %arg3[%squeeze3A_474, %dma_start3A_483] : memref<1000000x64xf32, #tpu.memory_space<hbm>> -> memref<1x64xf32, #tpu.memory_space<hbm>>
        tpu.enqueue_dma source(%dma_start3A_484 : memref<1x64xf32, #tpu.memory_space<hbm>>) target(%dma_start3A_482 : memref<1x64xf32, #tpu.memory_space<vmem>>) target_semaphore(%arg10 : memref<!tpu.dma_semaphore, #tpu.memory_space<semaphore_mem>>)
        %slice3A_485 = vector.extract_strided_slice %get3A_448 {offsets = [3], sizes = [1], strides = [1]} : vector<16xi32> to vector<1xi32>
        %squeeze3A_486 = vector.extract %slice3A_485[0] : i32 from vector<1xi32>
        %add3A_487 = arith.constant 3 : i32
        %add3A_488 = arith.addi %add3A_444, %add3A_487 : i32
        %dma_start3A_489 = arith.constant 0 : i32
        %dma_start3A_490 = tpu.memref_slice %arg7[%add3A_488, %dma_start3A_489] : memref<200x64xf32, #tpu.memory_space<vmem>> -> memref<1x64xf32, #tpu.memory_space<vmem>>
        %dma_start3A_491 = arith.constant 0 : i32
        %dma_start3A_492 = tpu.memref_slice %arg3[%squeeze3A_486, %dma_start3A_491] : memref<1000000x64xf32, #tpu.memory_space<hbm>> -> memref<1x64xf32, #tpu.memory_space<hbm>>
        %dma_start3A_493 = arith.constant 0 : i32
        %dma_start3A_494 = tpu.memref_slice %arg7[%add3A_488, %dma_start3A_493] : memref<200x64xf32, #tpu.memory_space<vmem>> -> memref<1x64xf32, #tpu.memory_space<vmem>>
        %dma_start3A_495 = arith.constant 0 : i32
        %dma_start3A_496 = tpu.memref_slice %arg3[%squeeze3A_486, %dma_start3A_495] : memref<1000000x64xf32, #tpu.memory_space<hbm>> -> memref<1x64xf32, #tpu.memory_space<hbm>>
        tpu.enqueue_dma source(%dma_start3A_496 : memref<1x64xf32, #tpu.memory_space<hbm>>) target(%dma_start3A_494 : memref<1x64xf32, #tpu.memory_space<vmem>>) target_semaphore(%arg10 : memref<!tpu.dma_semaphore, #tpu.memory_space<semaphore_mem>>)
        %slice3A_497 = vector.extract_strided_slice %get3A_448 {offsets = [4], sizes = [1], strides = [1]} : vector<16xi32> to vector<1xi32>
        %squeeze3A_498 = vector.extract %slice3A_497[0] : i32 from vector<1xi32>
        %add3A_499 = arith.constant 4 : i32
        %add3A_500 = arith.addi %add3A_444, %add3A_499 : i32
        %dma_start3A_501 = arith.constant 0 : i32
        %dma_start3A_502 = tpu.memref_slice %arg7[%add3A_500, %dma_start3A_501] : memref<200x64xf32, #tpu.memory_space<vmem>> -> memref<1x64xf32, #tpu.memory_space<vmem>>
        %dma_start3A_503 = arith.constant 0 : i32
        %dma_start3A_504 = tpu.memref_slice %arg3[%squeeze3A_498, %dma_start3A_503] : memref<1000000x64xf32, #tpu.memory_space<hbm>> -> memref<1x64xf32, #tpu.memory_space<hbm>>
        %dma_start3A_505 = arith.constant 0 : i32
        %dma_start3A_506 = tpu.memref_slice %arg7[%add3A_500, %dma_start3A_505] : memref<200x64xf32, #tpu.memory_space<vmem>> -> memref<1x64xf32, #tpu.memory_space<vmem>>
        %dma_start3A_507 = arith.constant 0 : i32
        %dma_start3A_508 = tpu.memref_slice %arg3[%squeeze3A_498, %dma_start3A_507] : memref<1000000x64xf32, #tpu.memory_space<hbm>> -> memref<1x64xf32, #tpu.memory_space<hbm>>
        tpu.enqueue_dma source(%dma_start3A_508 : memref<1x64xf32, #tpu.memory_space<hbm>>) target(%dma_start3A_506 : memref<1x64xf32, #tpu.memory_space<vmem>>) target_semaphore(%arg10 : memref<!tpu.dma_semaphore, #tpu.memory_space<semaphore_mem>>)
        %slice3A_509 = vector.extract_strided_slice %get3A_448 {offsets = [5], sizes = [1], strides = [1]} : vector<16xi32> to vector<1xi32>
        %squeeze3A_510 = vector.extract %slice3A_509[0] : i32 from vector<1xi32>
        %add3A_511 = arith.constant 5 : i32
        %add3A_512 = arith.addi %add3A_444, %add3A_511 : i32
        %dma_start3A_513 = arith.constant 0 : i32
        %dma_start3A_514 = tpu.memref_slice %arg7[%add3A_512, %dma_start3A_513] : memref<200x64xf32, #tpu.memory_space<vmem>> -> memref<1x64xf32, #tpu.memory_space<vmem>>
        %dma_start3A_515 = arith.constant 0 : i32
        %dma_start3A_516 = tpu.memref_slice %arg3[%squeeze3A_510, %dma_start3A_515] : memref<1000000x64xf32, #tpu.memory_space<hbm>> -> memref<1x64xf32, #tpu.memory_space<hbm>>
        %dma_start3A_517 = arith.constant 0 : i32
        %dma_start3A_518 = tpu.memref_slice %arg7[%add3A_512, %dma_start3A_517] : memref<200x64xf32, #tpu.memory_space<vmem>> -> memref<1x64xf32, #tpu.memory_space<vmem>>
        %dma_start3A_519 = arith.constant 0 : i32
        %dma_start3A_520 = tpu.memref_slice %arg3[%squeeze3A_510, %dma_start3A_519] : memref<1000000x64xf32, #tpu.memory_space<hbm>> -> memref<1x64xf32, #tpu.memory_space<hbm>>
        tpu.enqueue_dma source(%dma_start3A_520 : memref<1x64xf32, #tpu.memory_space<hbm>>) target(%dma_start3A_518 : memref<1x64xf32, #tpu.memory_space<vmem>>) target_semaphore(%arg10 : memref<!tpu.dma_semaphore, #tpu.memory_space<semaphore_mem>>)
        %slice3A_521 = vector.extract_strided_slice %get3A_448 {offsets = [6], sizes = [1], strides = [1]} : vector<16xi32> to vector<1xi32>
        %squeeze3A_522 = vector.extract %slice3A_521[0] : i32 from vector<1xi32>
        %add3A_523 = arith.constant 6 : i32
        %add3A_524 = arith.addi %add3A_444, %add3A_523 : i32
        %dma_start3A_525 = arith.constant 0 : i32
        %dma_start3A_526 = tpu.memref_slice %arg7[%add3A_524, %dma_start3A_525] : memref<200x64xf32, #tpu.memory_space<vmem>> -> memref<1x64xf32, #tpu.memory_space<vmem>>
        %dma_start3A_527 = arith.constant 0 : i32
        %dma_start3A_528 = tpu.memref_slice %arg3[%squeeze3A_522, %dma_start3A_527] : memref<1000000x64xf32, #tpu.memory_space<hbm>> -> memref<1x64xf32, #tpu.memory_space<hbm>>
        %dma_start3A_529 = arith.constant 0 : i32
        %dma_start3A_530 = tpu.memref_slice %arg7[%add3A_524, %dma_start3A_529] : memref<200x64xf32, #tpu.memory_space<vmem>> -> memref<1x64xf32, #tpu.memory_space<vmem>>
        %dma_start3A_531 = arith.constant 0 : i32
        %dma_start3A_532 = tpu.memref_slice %arg3[%squeeze3A_522, %dma_start3A_531] : memref<1000000x64xf32, #tpu.memory_space<hbm>> -> memref<1x64xf32, #tpu.memory_space<hbm>>
        tpu.enqueue_dma source(%dma_start3A_532 : memref<1x64xf32, #tpu.memory_space<hbm>>) target(%dma_start3A_530 : memref<1x64xf32, #tpu.memory_space<vmem>>) target_semaphore(%arg10 : memref<!tpu.dma_semaphore, #tpu.memory_space<semaphore_mem>>)
        %slice3A_533 = vector.extract_strided_slice %get3A_448 {offsets = [7], sizes = [1], strides = [1]} : vector<16xi32> to vector<1xi32>
        %squeeze3A_534 = vector.extract %slice3A_533[0] : i32 from vector<1xi32>
        %add3A_535 = arith.constant 7 : i32
        %add3A_536 = arith.addi %add3A_444, %add3A_535 : i32
        %dma_start3A_537 = arith.constant 0 : i32
        %dma_start3A_538 = tpu.memref_slice %arg7[%add3A_536, %dma_start3A_537] : memref<200x64xf32, #tpu.memory_space<vmem>> -> memref<1x64xf32, #tpu.memory_space<vmem>>
        %dma_start3A_539 = arith.constant 0 : i32
        %dma_start3A_540 = tpu.memref_slice %arg3[%squeeze3A_534, %dma_start3A_539] : memref<1000000x64xf32, #tpu.memory_space<hbm>> -> memref<1x64xf32, #tpu.memory_space<hbm>>
        %dma_start3A_541 = arith.constant 0 : i32
        %dma_start3A_542 = tpu.memref_slice %arg7[%add3A_536, %dma_start3A_541] : memref<200x64xf32, #tpu.memory_space<vmem>> -> memref<1x64xf32, #tpu.memory_space<vmem>>
        %dma_start3A_543 = arith.constant 0 : i32
        %dma_start3A_544 = tpu.memref_slice %arg3[%squeeze3A_534, %dma_start3A_543] : memref<1000000x64xf32, #tpu.memory_space<hbm>> -> memref<1x64xf32, #tpu.memory_space<hbm>>
        tpu.enqueue_dma source(%dma_start3A_544 : memref<1x64xf32, #tpu.memory_space<hbm>>) target(%dma_start3A_542 : memref<1x64xf32, #tpu.memory_space<vmem>>) target_semaphore(%arg10 : memref<!tpu.dma_semaphore, #tpu.memory_space<semaphore_mem>>)
        %slice3A_545 = vector.extract_strided_slice %get3A_448 {offsets = [8], sizes = [1], strides = [1]} : vector<16xi32> to vector<1xi32>
        %squeeze3A_546 = vector.extract %slice3A_545[0] : i32 from vector<1xi32>
        %add3A_547 = arith.constant 8 : i32
        %add3A_548 = arith.addi %add3A_444, %add3A_547 : i32
        %dma_start3A_549 = arith.constant 0 : i32
        %dma_start3A_550 = tpu.memref_slice %arg7[%add3A_548, %dma_start3A_549] : memref<200x64xf32, #tpu.memory_space<vmem>> -> memref<1x64xf32, #tpu.memory_space<vmem>>
        %dma_start3A_551 = arith.constant 0 : i32
        %dma_start3A_552 = tpu.memref_slice %arg3[%squeeze3A_546, %dma_start3A_551] : memref<1000000x64xf32, #tpu.memory_space<hbm>> -> memref<1x64xf32, #tpu.memory_space<hbm>>
        %dma_start3A_553 = arith.constant 0 : i32
        %dma_start3A_554 = tpu.memref_slice %arg7[%add3A_548, %dma_start3A_553] : memref<200x64xf32, #tpu.memory_space<vmem>> -> memref<1x64xf32, #tpu.memory_space<vmem>>
        %dma_start3A_555 = arith.constant 0 : i32
        %dma_start3A_556 = tpu.memref_slice %arg3[%squeeze3A_546, %dma_start3A_555] : memref<1000000x64xf32, #tpu.memory_space<hbm>> -> memref<1x64xf32, #tpu.memory_space<hbm>>
        tpu.enqueue_dma source(%dma_start3A_556 : memref<1x64xf32, #tpu.memory_space<hbm>>) target(%dma_start3A_554 : memref<1x64xf32, #tpu.memory_space<vmem>>) target_semaphore(%arg10 : memref<!tpu.dma_semaphore, #tpu.memory_space<semaphore_mem>>)
        %slice3A_557 = vector.extract_strided_slice %get3A_448 {offsets = [9], sizes = [1], strides = [1]} : vector<16xi32> to vector<1xi32>
        %squeeze3A_558 = vector.extract %slice3A_557[0] : i32 from vector<1xi32>
        %add3A_559 = arith.constant 9 : i32
        %add3A_560 = arith.addi %add3A_444, %add3A_559 : i32
        %dma_start3A_561 = arith.constant 0 : i32
        %dma_start3A_562 = tpu.memref_slice %arg7[%add3A_560, %dma_start3A_561] : memref<200x64xf32, #tpu.memory_space<vmem>> -> memref<1x64xf32, #tpu.memory_space<vmem>>
        %dma_start3A_563 = arith.constant 0 : i32
        %dma_start3A_564 = tpu.memref_slice %arg3[%squeeze3A_558, %dma_start3A_563] : memref<1000000x64xf32, #tpu.memory_space<hbm>> -> memref<1x64xf32, #tpu.memory_space<hbm>>
        %dma_start3A_565 = arith.constant 0 : i32
        %dma_start3A_566 = tpu.memref_slice %arg7[%add3A_560, %dma_start3A_565] : memref<200x64xf32, #tpu.memory_space<vmem>> -> memref<1x64xf32, #tpu.memory_space<vmem>>
        %dma_start3A_567 = arith.constant 0 : i32
        %dma_start3A_568 = tpu.memref_slice %arg3[%squeeze3A_558, %dma_start3A_567] : memref<1000000x64xf32, #tpu.memory_space<hbm>> -> memref<1x64xf32, #tpu.memory_space<hbm>>
        tpu.enqueue_dma source(%dma_start3A_568 : memref<1x64xf32, #tpu.memory_space<hbm>>) target(%dma_start3A_566 : memref<1x64xf32, #tpu.memory_space<vmem>>) target_semaphore(%arg10 : memref<!tpu.dma_semaphore, #tpu.memory_space<semaphore_mem>>)
        %slice3A_569 = vector.extract_strided_slice %get3A_448 {offsets = [10], sizes = [1], strides = [1]} : vector<16xi32> to vector<1xi32>
        %squeeze3A_570 = vector.extract %slice3A_569[0] : i32 from vector<1xi32>
        %add3A_571 = arith.constant 10 : i32
        %add3A_572 = arith.addi %add3A_444, %add3A_571 : i32
        %dma_start3A_573 = arith.constant 0 : i32
        %dma_start3A_574 = tpu.memref_slice %arg7[%add3A_572, %dma_start3A_573] : memref<200x64xf32, #tpu.memory_space<vmem>> -> memref<1x64xf32, #tpu.memory_space<vmem>>
        %dma_start3A_575 = arith.constant 0 : i32
        %dma_start3A_576 = tpu.memref_slice %arg3[%squeeze3A_570, %dma_start3A_575] : memref<1000000x64xf32, #tpu.memory_space<hbm>> -> memref<1x64xf32, #tpu.memory_space<hbm>>
        %dma_start3A_577 = arith.constant 0 : i32
        %dma_start3A_578 = tpu.memref_slice %arg7[%add3A_572, %dma_start3A_577] : memref<200x64xf32, #tpu.memory_space<vmem>> -> memref<1x64xf32, #tpu.memory_space<vmem>>
        %dma_start3A_579 = arith.constant 0 : i32
        %dma_start3A_580 = tpu.memref_slice %arg3[%squeeze3A_570, %dma_start3A_579] : memref<1000000x64xf32, #tpu.memory_space<hbm>> -> memref<1x64xf32, #tpu.memory_space<hbm>>
        tpu.enqueue_dma source(%dma_start3A_580 : memref<1x64xf32, #tpu.memory_space<hbm>>) target(%dma_start3A_578 : memref<1x64xf32, #tpu.memory_space<vmem>>) target_semaphore(%arg10 : memref<!tpu.dma_semaphore, #tpu.memory_space<semaphore_mem>>)
        %slice3A_581 = vector.extract_strided_slice %get3A_448 {offsets = [11], sizes = [1], strides = [1]} : vector<16xi32> to vector<1xi32>
        %squeeze3A_582 = vector.extract %slice3A_581[0] : i32 from vector<1xi32>
        %add3A_583 = arith.constant 11 : i32
        %add3A_584 = arith.addi %add3A_444, %add3A_583 : i32
        %dma_start3A_585 = arith.constant 0 : i32
        %dma_start3A_586 = tpu.memref_slice %arg7[%add3A_584, %dma_start3A_585] : memref<200x64xf32, #tpu.memory_space<vmem>> -> memref<1x64xf32, #tpu.memory_space<vmem>>
        %dma_start3A_587 = arith.constant 0 : i32
        %dma_start3A_588 = tpu.memref_slice %arg3[%squeeze3A_582, %dma_start3A_587] : memref<1000000x64xf32, #tpu.memory_space<hbm>> -> memref<1x64xf32, #tpu.memory_space<hbm>>
        %dma_start3A_589 = arith.constant 0 : i32
        %dma_start3A_590 = tpu.memref_slice %arg7[%add3A_584, %dma_start3A_589] : memref<200x64xf32, #tpu.memory_space<vmem>> -> memref<1x64xf32, #tpu.memory_space<vmem>>
        %dma_start3A_591 = arith.constant 0 : i32
        %dma_start3A_592 = tpu.memref_slice %arg3[%squeeze3A_582, %dma_start3A_591] : memref<1000000x64xf32, #tpu.memory_space<hbm>> -> memref<1x64xf32, #tpu.memory_space<hbm>>
        tpu.enqueue_dma source(%dma_start3A_592 : memref<1x64xf32, #tpu.memory_space<hbm>>) target(%dma_start3A_590 : memref<1x64xf32, #tpu.memory_space<vmem>>) target_semaphore(%arg10 : memref<!tpu.dma_semaphore, #tpu.memory_space<semaphore_mem>>)
        %slice3A_593 = vector.extract_strided_slice %get3A_448 {offsets = [12], sizes = [1], strides = [1]} : vector<16xi32> to vector<1xi32>
        %squeeze3A_594 = vector.extract %slice3A_593[0] : i32 from vector<1xi32>
        %add3A_595 = arith.constant 12 : i32
        %add3A_596 = arith.addi %add3A_444, %add3A_595 : i32
        %dma_start3A_597 = arith.constant 0 : i32
        %dma_start3A_598 = tpu.memref_slice %arg7[%add3A_596, %dma_start3A_597] : memref<200x64xf32, #tpu.memory_space<vmem>> -> memref<1x64xf32, #tpu.memory_space<vmem>>
        %dma_start3A_599 = arith.constant 0 : i32
        %dma_start3A_600 = tpu.memref_slice %arg3[%squeeze3A_594, %dma_start3A_599] : memref<1000000x64xf32, #tpu.memory_space<hbm>> -> memref<1x64xf32, #tpu.memory_space<hbm>>
        %dma_start3A_601 = arith.constant 0 : i32
        %dma_start3A_602 = tpu.memref_slice %arg7[%add3A_596, %dma_start3A_601] : memref<200x64xf32, #tpu.memory_space<vmem>> -> memref<1x64xf32, #tpu.memory_space<vmem>>
        %dma_start3A_603 = arith.constant 0 : i32
        %dma_start3A_604 = tpu.memref_slice %arg3[%squeeze3A_594, %dma_start3A_603] : memref<1000000x64xf32, #tpu.memory_space<hbm>> -> memref<1x64xf32, #tpu.memory_space<hbm>>
        tpu.enqueue_dma source(%dma_start3A_604 : memref<1x64xf32, #tpu.memory_space<hbm>>) target(%dma_start3A_602 : memref<1x64xf32, #tpu.memory_space<vmem>>) target_semaphore(%arg10 : memref<!tpu.dma_semaphore, #tpu.memory_space<semaphore_mem>>)
        %slice3A_605 = vector.extract_strided_slice %get3A_448 {offsets = [13], sizes = [1], strides = [1]} : vector<16xi32> to vector<1xi32>
        %squeeze3A_606 = vector.extract %slice3A_605[0] : i32 from vector<1xi32>
        %add3A_607 = arith.constant 13 : i32
        %add3A_608 = arith.addi %add3A_444, %add3A_607 : i32
        %dma_start3A_609 = arith.constant 0 : i32
        %dma_start3A_610 = tpu.memref_slice %arg7[%add3A_608, %dma_start3A_609] : memref<200x64xf32, #tpu.memory_space<vmem>> -> memref<1x64xf32, #tpu.memory_space<vmem>>
        %dma_start3A_611 = arith.constant 0 : i32
        %dma_start3A_612 = tpu.memref_slice %arg3[%squeeze3A_606, %dma_start3A_611] : memref<1000000x64xf32, #tpu.memory_space<hbm>> -> memref<1x64xf32, #tpu.memory_space<hbm>>
        %dma_start3A_613 = arith.constant 0 : i32
        %dma_start3A_614 = tpu.memref_slice %arg7[%add3A_608, %dma_start3A_613] : memref<200x64xf32, #tpu.memory_space<vmem>> -> memref<1x64xf32, #tpu.memory_space<vmem>>
        %dma_start3A_615 = arith.constant 0 : i32
        %dma_start3A_616 = tpu.memref_slice %arg3[%squeeze3A_606, %dma_start3A_615] : memref<1000000x64xf32, #tpu.memory_space<hbm>> -> memref<1x64xf32, #tpu.memory_space<hbm>>
        tpu.enqueue_dma source(%dma_start3A_616 : memref<1x64xf32, #tpu.memory_space<hbm>>) target(%dma_start3A_614 : memref<1x64xf32, #tpu.memory_space<vmem>>) target_semaphore(%arg10 : memref<!tpu.dma_semaphore, #tpu.memory_space<semaphore_mem>>)
        %slice3A_617 = vector.extract_strided_slice %get3A_448 {offsets = [14], sizes = [1], strides = [1]} : vector<16xi32> to vector<1xi32>
        %squeeze3A_618 = vector.extract %slice3A_617[0] : i32 from vector<1xi32>
        %add3A_619 = arith.constant 14 : i32
        %add3A_620 = arith.addi %add3A_444, %add3A_619 : i32
        %dma_start3A_621 = arith.constant 0 : i32
        %dma_start3A_622 = tpu.memref_slice %arg7[%add3A_620, %dma_start3A_621] : memref<200x64xf32, #tpu.memory_space<vmem>> -> memref<1x64xf32, #tpu.memory_space<vmem>>
        %dma_start3A_623 = arith.constant 0 : i32
        %dma_start3A_624 = tpu.memref_slice %arg3[%squeeze3A_618, %dma_start3A_623] : memref<1000000x64xf32, #tpu.memory_space<hbm>> -> memref<1x64xf32, #tpu.memory_space<hbm>>
        %dma_start3A_625 = arith.constant 0 : i32
        %dma_start3A_626 = tpu.memref_slice %arg7[%add3A_620, %dma_start3A_625] : memref<200x64xf32, #tpu.memory_space<vmem>> -> memref<1x64xf32, #tpu.memory_space<vmem>>
        %dma_start3A_627 = arith.constant 0 : i32
        %dma_start3A_628 = tpu.memref_slice %arg3[%squeeze3A_618, %dma_start3A_627] : memref<1000000x64xf32, #tpu.memory_space<hbm>> -> memref<1x64xf32, #tpu.memory_space<hbm>>
        tpu.enqueue_dma source(%dma_start3A_628 : memref<1x64xf32, #tpu.memory_space<hbm>>) target(%dma_start3A_626 : memref<1x64xf32, #tpu.memory_space<vmem>>) target_semaphore(%arg10 : memref<!tpu.dma_semaphore, #tpu.memory_space<semaphore_mem>>)
        %slice3A_629 = vector.extract_strided_slice %get3A_448 {offsets = [15], sizes = [1], strides = [1]} : vector<16xi32> to vector<1xi32>
        %squeeze3A_630 = vector.extract %slice3A_629[0] : i32 from vector<1xi32>
        %add3A_631 = arith.constant 15 : i32
        %add3A_632 = arith.addi %add3A_444, %add3A_631 : i32
        %dma_start3A_633 = arith.constant 0 : i32
        %dma_start3A_634 = tpu.memref_slice %arg7[%add3A_632, %dma_start3A_633] : memref<200x64xf32, #tpu.memory_space<vmem>> -> memref<1x64xf32, #tpu.memory_space<vmem>>
        %dma_start3A_635 = arith.constant 0 : i32
        %dma_start3A_636 = tpu.memref_slice %arg3[%squeeze3A_630, %dma_start3A_635] : memref<1000000x64xf32, #tpu.memory_space<hbm>> -> memref<1x64xf32, #tpu.memory_space<hbm>>
        %dma_start3A_637 = arith.constant 0 : i32
        %dma_start3A_638 = tpu.memref_slice %arg7[%add3A_632, %dma_start3A_637] : memref<200x64xf32, #tpu.memory_space<vmem>> -> memref<1x64xf32, #tpu.memory_space<vmem>>
        %dma_start3A_639 = arith.constant 0 : i32
        %dma_start3A_640 = tpu.memref_slice %arg3[%squeeze3A_630, %dma_start3A_639] : memref<1000000x64xf32, #tpu.memory_space<hbm>> -> memref<1x64xf32, #tpu.memory_space<hbm>>
        tpu.enqueue_dma source(%dma_start3A_640 : memref<1x64xf32, #tpu.memory_space<hbm>>) target(%dma_start3A_638 : memref<1x64xf32, #tpu.memory_space<vmem>>) target_semaphore(%arg10 : memref<!tpu.dma_semaphore, #tpu.memory_space<semaphore_mem>>)
        %mul3A_641 = arith.constant 32 : i32
        %mul3A_642 = arith.muli %mul3A_641, %scan3A_440 : i32
        %add3A_643 = arith.constant 16 : i32
        %add3A_644 = arith.addi %mul3A_642, %add3A_643 : i32
        %get3A_645 = arith.index_cast %add3A_122 : i32 to index
        %get3A_646 = arith.index_cast %add3A_644 : i32 to index
        %get3A_647 = tpu.vector_load %arg5[%get3A_645, %get3A_646] {strides = array<i32>} : memref<128x200xi32, #tpu.memory_space<vmem>>, vector<1x16xi32>,
        %get3A_648 = vector.shape_cast %get3A_647 : vector<1x16xi32> to vector<16xi32>
        %slice3A_649 = vector.extract_strided_slice %get3A_648 {offsets = [0], sizes = [1], strides = [1]} : vector<16xi32> to vector<1xi32>
        %squeeze3A_650 = vector.extract %slice3A_649[0] : i32 from vector<1xi32>
        %add3A_651 = arith.constant 0 : i32
        %add3A_652 = arith.addi %add3A_644, %add3A_651 : i32
        %dma_start3A_653 = arith.constant 0 : i32
        %dma_start3A_654 = tpu.memref_slice %arg7[%add3A_652, %dma_start3A_653] : memref<200x64xf32, #tpu.memory_space<vmem>> -> memref<1x64xf32, #tpu.memory_space<vmem>>
        %dma_start3A_655 = arith.constant 0 : i32
        %dma_start3A_656 = tpu.memref_slice %arg3[%squeeze3A_650, %dma_start3A_655] : memref<1000000x64xf32, #tpu.memory_space<hbm>> -> memref<1x64xf32, #tpu.memory_space<hbm>>
        %dma_start3A_657 = arith.constant 0 : i32
        %dma_start3A_658 = tpu.memref_slice %arg7[%add3A_652, %dma_start3A_657] : memref<200x64xf32, #tpu.memory_space<vmem>> -> memref<1x64xf32, #tpu.memory_space<vmem>>
        %dma_start3A_659 = arith.constant 0 : i32
        %dma_start3A_660 = tpu.memref_slice %arg3[%squeeze3A_650, %dma_start3A_659] : memref<1000000x64xf32, #tpu.memory_space<hbm>> -> memref<1x64xf32, #tpu.memory_space<hbm>>
        tpu.enqueue_dma source(%dma_start3A_660 : memref<1x64xf32, #tpu.memory_space<hbm>>) target(%dma_start3A_658 : memref<1x64xf32, #tpu.memory_space<vmem>>) target_semaphore(%arg10 : memref<!tpu.dma_semaphore, #tpu.memory_space<semaphore_mem>>)
        %slice3A_661 = vector.extract_strided_slice %get3A_648 {offsets = [1], sizes = [1], strides = [1]} : vector<16xi32> to vector<1xi32>
        %squeeze3A_662 = vector.extract %slice3A_661[0] : i32 from vector<1xi32>
        %add3A_663 = arith.constant 1 : i32
        %add3A_664 = arith.addi %add3A_644, %add3A_663 : i32
        %dma_start3A_665 = arith.constant 0 : i32
        %dma_start3A_666 = tpu.memref_slice %arg7[%add3A_664, %dma_start3A_665] : memref<200x64xf32, #tpu.memory_space<vmem>> -> memref<1x64xf32, #tpu.memory_space<vmem>>
        %dma_start3A_667 = arith.constant 0 : i32
        %dma_start3A_668 = tpu.memref_slice %arg3[%squeeze3A_662, %dma_start3A_667] : memref<1000000x64xf32, #tpu.memory_space<hbm>> -> memref<1x64xf32, #tpu.memory_space<hbm>>
        %dma_start3A_669 = arith.constant 0 : i32
        %dma_start3A_670 = tpu.memref_slice %arg7[%add3A_664, %dma_start3A_669] : memref<200x64xf32, #tpu.memory_space<vmem>> -> memref<1x64xf32, #tpu.memory_space<vmem>>
        %dma_start3A_671 = arith.constant 0 : i32
        %dma_start3A_672 = tpu.memref_slice %arg3[%squeeze3A_662, %dma_start3A_671] : memref<1000000x64xf32, #tpu.memory_space<hbm>> -> memref<1x64xf32, #tpu.memory_space<hbm>>
        tpu.enqueue_dma source(%dma_start3A_672 : memref<1x64xf32, #tpu.memory_space<hbm>>) target(%dma_start3A_670 : memref<1x64xf32, #tpu.memory_space<vmem>>) target_semaphore(%arg10 : memref<!tpu.dma_semaphore, #tpu.memory_space<semaphore_mem>>)
        %slice3A_673 = vector.extract_strided_slice %get3A_648 {offsets = [2], sizes = [1], strides = [1]} : vector<16xi32> to vector<1xi32>
        %squeeze3A_674 = vector.extract %slice3A_673[0] : i32 from vector<1xi32>
        %add3A_675 = arith.constant 2 : i32
        %add3A_676 = arith.addi %add3A_644, %add3A_675 : i32
        %dma_start3A_677 = arith.constant 0 : i32
        %dma_start3A_678 = tpu.memref_slice %arg7[%add3A_676, %dma_start3A_677] : memref<200x64xf32, #tpu.memory_space<vmem>> -> memref<1x64xf32, #tpu.memory_space<vmem>>
        %dma_start3A_679 = arith.constant 0 : i32
        %dma_start3A_680 = tpu.memref_slice %arg3[%squeeze3A_674, %dma_start3A_679] : memref<1000000x64xf32, #tpu.memory_space<hbm>> -> memref<1x64xf32, #tpu.memory_space<hbm>>
        %dma_start3A_681 = arith.constant 0 : i32
        %dma_start3A_682 = tpu.memref_slice %arg7[%add3A_676, %dma_start3A_681] : memref<200x64xf32, #tpu.memory_space<vmem>> -> memref<1x64xf32, #tpu.memory_space<vmem>>
        %dma_start3A_683 = arith.constant 0 : i32
        %dma_start3A_684 = tpu.memref_slice %arg3[%squeeze3A_674, %dma_start3A_683] : memref<1000000x64xf32, #tpu.memory_space<hbm>> -> memref<1x64xf32, #tpu.memory_space<hbm>>
        tpu.enqueue_dma source(%dma_start3A_684 : memref<1x64xf32, #tpu.memory_space<hbm>>) target(%dma_start3A_682 : memref<1x64xf32, #tpu.memory_space<vmem>>) target_semaphore(%arg10 : memref<!tpu.dma_semaphore, #tpu.memory_space<semaphore_mem>>)
        %slice3A_685 = vector.extract_strided_slice %get3A_648 {offsets = [3], sizes = [1], strides = [1]} : vector<16xi32> to vector<1xi32>
        %squeeze3A_686 = vector.extract %slice3A_685[0] : i32 from vector<1xi32>
        %add3A_687 = arith.constant 3 : i32
        %add3A_688 = arith.addi %add3A_644, %add3A_687 : i32
        %dma_start3A_689 = arith.constant 0 : i32
        %dma_start3A_690 = tpu.memref_slice %arg7[%add3A_688, %dma_start3A_689] : memref<200x64xf32, #tpu.memory_space<vmem>> -> memref<1x64xf32, #tpu.memory_space<vmem>>
        %dma_start3A_691 = arith.constant 0 : i32
        %dma_start3A_692 = tpu.memref_slice %arg3[%squeeze3A_686, %dma_start3A_691] : memref<1000000x64xf32, #tpu.memory_space<hbm>> -> memref<1x64xf32, #tpu.memory_space<hbm>>
        %dma_start3A_693 = arith.constant 0 : i32
        %dma_start3A_694 = tpu.memref_slice %arg7[%add3A_688, %dma_start3A_693] : memref<200x64xf32, #tpu.memory_space<vmem>> -> memref<1x64xf32, #tpu.memory_space<vmem>>
        %dma_start3A_695 = arith.constant 0 : i32
        %dma_start3A_696 = tpu.memref_slice %arg3[%squeeze3A_686, %dma_start3A_695] : memref<1000000x64xf32, #tpu.memory_space<hbm>> -> memref<1x64xf32, #tpu.memory_space<hbm>>
        tpu.enqueue_dma source(%dma_start3A_696 : memref<1x64xf32, #tpu.memory_space<hbm>>) target(%dma_start3A_694 : memref<1x64xf32, #tpu.memory_space<vmem>>) target_semaphore(%arg10 : memref<!tpu.dma_semaphore, #tpu.memory_space<semaphore_mem>>)
        %slice3A_697 = vector.extract_strided_slice %get3A_648 {offsets = [4], sizes = [1], strides = [1]} : vector<16xi32> to vector<1xi32>
        %squeeze3A_698 = vector.extract %slice3A_697[0] : i32 from vector<1xi32>
        %add3A_699 = arith.constant 4 : i32
        %add3A_700 = arith.addi %add3A_644, %add3A_699 : i32
        %dma_start3A_701 = arith.constant 0 : i32
        %dma_start3A_702 = tpu.memref_slice %arg7[%add3A_700, %dma_start3A_701] : memref<200x64xf32, #tpu.memory_space<vmem>> -> memref<1x64xf32, #tpu.memory_space<vmem>>
        %dma_start3A_703 = arith.constant 0 : i32
        %dma_start3A_704 = tpu.memref_slice %arg3[%squeeze3A_698, %dma_start3A_703] : memref<1000000x64xf32, #tpu.memory_space<hbm>> -> memref<1x64xf32, #tpu.memory_space<hbm>>
        %dma_start3A_705 = arith.constant 0 : i32
        %dma_start3A_706 = tpu.memref_slice %arg7[%add3A_700, %dma_start3A_705] : memref<200x64xf32, #tpu.memory_space<vmem>> -> memref<1x64xf32, #tpu.memory_space<vmem>>
        %dma_start3A_707 = arith.constant 0 : i32
        %dma_start3A_708 = tpu.memref_slice %arg3[%squeeze3A_698, %dma_start3A_707] : memref<1000000x64xf32, #tpu.memory_space<hbm>> -> memref<1x64xf32, #tpu.memory_space<hbm>>
        tpu.enqueue_dma source(%dma_start3A_708 : memref<1x64xf32, #tpu.memory_space<hbm>>) target(%dma_start3A_706 : memref<1x64xf32, #tpu.memory_space<vmem>>) target_semaphore(%arg10 : memref<!tpu.dma_semaphore, #tpu.memory_space<semaphore_mem>>)
        %slice3A_709 = vector.extract_strided_slice %get3A_648 {offsets = [5], sizes = [1], strides = [1]} : vector<16xi32> to vector<1xi32>
        %squeeze3A_710 = vector.extract %slice3A_709[0] : i32 from vector<1xi32>
        %add3A_711 = arith.constant 5 : i32
        %add3A_712 = arith.addi %add3A_644, %add3A_711 : i32
        %dma_start3A_713 = arith.constant 0 : i32
        %dma_start3A_714 = tpu.memref_slice %arg7[%add3A_712, %dma_start3A_713] : memref<200x64xf32, #tpu.memory_space<vmem>> -> memref<1x64xf32, #tpu.memory_space<vmem>>
        %dma_start3A_715 = arith.constant 0 : i32
        %dma_start3A_716 = tpu.memref_slice %arg3[%squeeze3A_710, %dma_start3A_715] : memref<1000000x64xf32, #tpu.memory_space<hbm>> -> memref<1x64xf32, #tpu.memory_space<hbm>>
        %dma_start3A_717 = arith.constant 0 : i32
        %dma_start3A_718 = tpu.memref_slice %arg7[%add3A_712, %dma_start3A_717] : memref<200x64xf32, #tpu.memory_space<vmem>> -> memref<1x64xf32, #tpu.memory_space<vmem>>
        %dma_start3A_719 = arith.constant 0 : i32
        %dma_start3A_720 = tpu.memref_slice %arg3[%squeeze3A_710, %dma_start3A_719] : memref<1000000x64xf32, #tpu.memory_space<hbm>> -> memref<1x64xf32, #tpu.memory_space<hbm>>
        tpu.enqueue_dma source(%dma_start3A_720 : memref<1x64xf32, #tpu.memory_space<hbm>>) target(%dma_start3A_718 : memref<1x64xf32, #tpu.memory_space<vmem>>) target_semaphore(%arg10 : memref<!tpu.dma_semaphore, #tpu.memory_space<semaphore_mem>>)
        %slice3A_721 = vector.extract_strided_slice %get3A_648 {offsets = [6], sizes = [1], strides = [1]} : vector<16xi32> to vector<1xi32>
        %squeeze3A_722 = vector.extract %slice3A_721[0] : i32 from vector<1xi32>
        %add3A_723 = arith.constant 6 : i32
        %add3A_724 = arith.addi %add3A_644, %add3A_723 : i32
        %dma_start3A_725 = arith.constant 0 : i32
        %dma_start3A_726 = tpu.memref_slice %arg7[%add3A_724, %dma_start3A_725] : memref<200x64xf32, #tpu.memory_space<vmem>> -> memref<1x64xf32, #tpu.memory_space<vmem>>
        %dma_start3A_727 = arith.constant 0 : i32
        %dma_start3A_728 = tpu.memref_slice %arg3[%squeeze3A_722, %dma_start3A_727] : memref<1000000x64xf32, #tpu.memory_space<hbm>> -> memref<1x64xf32, #tpu.memory_space<hbm>>
        %dma_start3A_729 = arith.constant 0 : i32
        %dma_start3A_730 = tpu.memref_slice %arg7[%add3A_724, %dma_start3A_729] : memref<200x64xf32, #tpu.memory_space<vmem>> -> memref<1x64xf32, #tpu.memory_space<vmem>>
        %dma_start3A_731 = arith.constant 0 : i32
        %dma_start3A_732 = tpu.memref_slice %arg3[%squeeze3A_722, %dma_start3A_731] : memref<1000000x64xf32, #tpu.memory_space<hbm>> -> memref<1x64xf32, #tpu.memory_space<hbm>>
        tpu.enqueue_dma source(%dma_start3A_732 : memref<1x64xf32, #tpu.memory_space<hbm>>) target(%dma_start3A_730 : memref<1x64xf32, #tpu.memory_space<vmem>>) target_semaphore(%arg10 : memref<!tpu.dma_semaphore, #tpu.memory_space<semaphore_mem>>)
        %slice3A_733 = vector.extract_strided_slice %get3A_648 {offsets = [7], sizes = [1], strides = [1]} : vector<16xi32> to vector<1xi32>
        %squeeze3A_734 = vector.extract %slice3A_733[0] : i32 from vector<1xi32>
        %add3A_735 = arith.constant 7 : i32
        %add3A_736 = arith.addi %add3A_644, %add3A_735 : i32
        %dma_start3A_737 = arith.constant 0 : i32
        %dma_start3A_738 = tpu.memref_slice %arg7[%add3A_736, %dma_start3A_737] : memref<200x64xf32, #tpu.memory_space<vmem>> -> memref<1x64xf32, #tpu.memory_space<vmem>>
        %dma_start3A_739 = arith.constant 0 : i32
        %dma_start3A_740 = tpu.memref_slice %arg3[%squeeze3A_734, %dma_start3A_739] : memref<1000000x64xf32, #tpu.memory_space<hbm>> -> memref<1x64xf32, #tpu.memory_space<hbm>>
        %dma_start3A_741 = arith.constant 0 : i32
        %dma_start3A_742 = tpu.memref_slice %arg7[%add3A_736, %dma_start3A_741] : memref<200x64xf32, #tpu.memory_space<vmem>> -> memref<1x64xf32, #tpu.memory_space<vmem>>
        %dma_start3A_743 = arith.constant 0 : i32
        %dma_start3A_744 = tpu.memref_slice %arg3[%squeeze3A_734, %dma_start3A_743] : memref<1000000x64xf32, #tpu.memory_space<hbm>> -> memref<1x64xf32, #tpu.memory_space<hbm>>
        tpu.enqueue_dma source(%dma_start3A_744 : memref<1x64xf32, #tpu.memory_space<hbm>>) target(%dma_start3A_742 : memref<1x64xf32, #tpu.memory_space<vmem>>) target_semaphore(%arg10 : memref<!tpu.dma_semaphore, #tpu.memory_space<semaphore_mem>>)
        %slice3A_745 = vector.extract_strided_slice %get3A_648 {offsets = [8], sizes = [1], strides = [1]} : vector<16xi32> to vector<1xi32>
        %squeeze3A_746 = vector.extract %slice3A_745[0] : i32 from vector<1xi32>
        %add3A_747 = arith.constant 8 : i32
        %add3A_748 = arith.addi %add3A_644, %add3A_747 : i32
        %dma_start3A_749 = arith.constant 0 : i32
        %dma_start3A_750 = tpu.memref_slice %arg7[%add3A_748, %dma_start3A_749] : memref<200x64xf32, #tpu.memory_space<vmem>> -> memref<1x64xf32, #tpu.memory_space<vmem>>
        %dma_start3A_751 = arith.constant 0 : i32
        %dma_start3A_752 = tpu.memref_slice %arg3[%squeeze3A_746, %dma_start3A_751] : memref<1000000x64xf32, #tpu.memory_space<hbm>> -> memref<1x64xf32, #tpu.memory_space<hbm>>
        %dma_start3A_753 = arith.constant 0 : i32
        %dma_start3A_754 = tpu.memref_slice %arg7[%add3A_748, %dma_start3A_753] : memref<200x64xf32, #tpu.memory_space<vmem>> -> memref<1x64xf32, #tpu.memory_space<vmem>>
        %dma_start3A_755 = arith.constant 0 : i32
        %dma_start3A_756 = tpu.memref_slice %arg3[%squeeze3A_746, %dma_start3A_755] : memref<1000000x64xf32, #tpu.memory_space<hbm>> -> memref<1x64xf32, #tpu.memory_space<hbm>>
        tpu.enqueue_dma source(%dma_start3A_756 : memref<1x64xf32, #tpu.memory_space<hbm>>) target(%dma_start3A_754 : memref<1x64xf32, #tpu.memory_space<vmem>>) target_semaphore(%arg10 : memref<!tpu.dma_semaphore, #tpu.memory_space<semaphore_mem>>)
        %slice3A_757 = vector.extract_strided_slice %get3A_648 {offsets = [9], sizes = [1], strides = [1]} : vector<16xi32> to vector<1xi32>
        %squeeze3A_758 = vector.extract %slice3A_757[0] : i32 from vector<1xi32>
        %add3A_759 = arith.constant 9 : i32
        %add3A_760 = arith.addi %add3A_644, %add3A_759 : i32
        %dma_start3A_761 = arith.constant 0 : i32
        %dma_start3A_762 = tpu.memref_slice %arg7[%add3A_760, %dma_start3A_761] : memref<200x64xf32, #tpu.memory_space<vmem>> -> memref<1x64xf32, #tpu.memory_space<vmem>>
        %dma_start3A_763 = arith.constant 0 : i32
        %dma_start3A_764 = tpu.memref_slice %arg3[%squeeze3A_758, %dma_start3A_763] : memref<1000000x64xf32, #tpu.memory_space<hbm>> -> memref<1x64xf32, #tpu.memory_space<hbm>>
        %dma_start3A_765 = arith.constant 0 : i32
        %dma_start3A_766 = tpu.memref_slice %arg7[%add3A_760, %dma_start3A_765] : memref<200x64xf32, #tpu.memory_space<vmem>> -> memref<1x64xf32, #tpu.memory_space<vmem>>
        %dma_start3A_767 = arith.constant 0 : i32
        %dma_start3A_768 = tpu.memref_slice %arg3[%squeeze3A_758, %dma_start3A_767] : memref<1000000x64xf32, #tpu.memory_space<hbm>> -> memref<1x64xf32, #tpu.memory_space<hbm>>
        tpu.enqueue_dma source(%dma_start3A_768 : memref<1x64xf32, #tpu.memory_space<hbm>>) target(%dma_start3A_766 : memref<1x64xf32, #tpu.memory_space<vmem>>) target_semaphore(%arg10 : memref<!tpu.dma_semaphore, #tpu.memory_space<semaphore_mem>>)
        %slice3A_769 = vector.extract_strided_slice %get3A_648 {offsets = [10], sizes = [1], strides = [1]} : vector<16xi32> to vector<1xi32>
        %squeeze3A_770 = vector.extract %slice3A_769[0] : i32 from vector<1xi32>
        %add3A_771 = arith.constant 10 : i32
        %add3A_772 = arith.addi %add3A_644, %add3A_771 : i32
        %dma_start3A_773 = arith.constant 0 : i32
        %dma_start3A_774 = tpu.memref_slice %arg7[%add3A_772, %dma_start3A_773] : memref<200x64xf32, #tpu.memory_space<vmem>> -> memref<1x64xf32, #tpu.memory_space<vmem>>
        %dma_start3A_775 = arith.constant 0 : i32
        %dma_start3A_776 = tpu.memref_slice %arg3[%squeeze3A_770, %dma_start3A_775] : memref<1000000x64xf32, #tpu.memory_space<hbm>> -> memref<1x64xf32, #tpu.memory_space<hbm>>
        %dma_start3A_777 = arith.constant 0 : i32
        %dma_start3A_778 = tpu.memref_slice %arg7[%add3A_772, %dma_start3A_777] : memref<200x64xf32, #tpu.memory_space<vmem>> -> memref<1x64xf32, #tpu.memory_space<vmem>>
        %dma_start3A_779 = arith.constant 0 : i32
        %dma_start3A_780 = tpu.memref_slice %arg3[%squeeze3A_770, %dma_start3A_779] : memref<1000000x64xf32, #tpu.memory_space<hbm>> -> memref<1x64xf32, #tpu.memory_space<hbm>>
        tpu.enqueue_dma source(%dma_start3A_780 : memref<1x64xf32, #tpu.memory_space<hbm>>) target(%dma_start3A_778 : memref<1x64xf32, #tpu.memory_space<vmem>>) target_semaphore(%arg10 : memref<!tpu.dma_semaphore, #tpu.memory_space<semaphore_mem>>)
        %slice3A_781 = vector.extract_strided_slice %get3A_648 {offsets = [11], sizes = [1], strides = [1]} : vector<16xi32> to vector<1xi32>
        %squeeze3A_782 = vector.extract %slice3A_781[0] : i32 from vector<1xi32>
        %add3A_783 = arith.constant 11 : i32
        %add3A_784 = arith.addi %add3A_644, %add3A_783 : i32
        %dma_start3A_785 = arith.constant 0 : i32
        %dma_start3A_786 = tpu.memref_slice %arg7[%add3A_784, %dma_start3A_785] : memref<200x64xf32, #tpu.memory_space<vmem>> -> memref<1x64xf32, #tpu.memory_space<vmem>>
        %dma_start3A_787 = arith.constant 0 : i32
        %dma_start3A_788 = tpu.memref_slice %arg3[%squeeze3A_782, %dma_start3A_787] : memref<1000000x64xf32, #tpu.memory_space<hbm>> -> memref<1x64xf32, #tpu.memory_space<hbm>>
        %dma_start3A_789 = arith.constant 0 : i32
        %dma_start3A_790 = tpu.memref_slice %arg7[%add3A_784, %dma_start3A_789] : memref<200x64xf32, #tpu.memory_space<vmem>> -> memref<1x64xf32, #tpu.memory_space<vmem>>
        %dma_start3A_791 = arith.constant 0 : i32
        %dma_start3A_792 = tpu.memref_slice %arg3[%squeeze3A_782, %dma_start3A_791] : memref<1000000x64xf32, #tpu.memory_space<hbm>> -> memref<1x64xf32, #tpu.memory_space<hbm>>
        tpu.enqueue_dma source(%dma_start3A_792 : memref<1x64xf32, #tpu.memory_space<hbm>>) target(%dma_start3A_790 : memref<1x64xf32, #tpu.memory_space<vmem>>) target_semaphore(%arg10 : memref<!tpu.dma_semaphore, #tpu.memory_space<semaphore_mem>>)
        %slice3A_793 = vector.extract_strided_slice %get3A_648 {offsets = [12], sizes = [1], strides = [1]} : vector<16xi32> to vector<1xi32>
        %squeeze3A_794 = vector.extract %slice3A_793[0] : i32 from vector<1xi32>
        %add3A_795 = arith.constant 12 : i32
        %add3A_796 = arith.addi %add3A_644, %add3A_795 : i32
        %dma_start3A_797 = arith.constant 0 : i32
        %dma_start3A_798 = tpu.memref_slice %arg7[%add3A_796, %dma_start3A_797] : memref<200x64xf32, #tpu.memory_space<vmem>> -> memref<1x64xf32, #tpu.memory_space<vmem>>
        %dma_start3A_799 = arith.constant 0 : i32
        %dma_start3A_800 = tpu.memref_slice %arg3[%squeeze3A_794, %dma_start3A_799] : memref<1000000x64xf32, #tpu.memory_space<hbm>> -> memref<1x64xf32, #tpu.memory_space<hbm>>
        %dma_start3A_801 = arith.constant 0 : i32
        %dma_start3A_802 = tpu.memref_slice %arg7[%add3A_796, %dma_start3A_801] : memref<200x64xf32, #tpu.memory_space<vmem>> -> memref<1x64xf32, #tpu.memory_space<vmem>>
        %dma_start3A_803 = arith.constant 0 : i32
        %dma_start3A_804 = tpu.memref_slice %arg3[%squeeze3A_794, %dma_start3A_803] : memref<1000000x64xf32, #tpu.memory_space<hbm>> -> memref<1x64xf32, #tpu.memory_space<hbm>>
        tpu.enqueue_dma source(%dma_start3A_804 : memref<1x64xf32, #tpu.memory_space<hbm>>) target(%dma_start3A_802 : memref<1x64xf32, #tpu.memory_space<vmem>>) target_semaphore(%arg10 : memref<!tpu.dma_semaphore, #tpu.memory_space<semaphore_mem>>)
        %slice3A_805 = vector.extract_strided_slice %get3A_648 {offsets = [13], sizes = [1], strides = [1]} : vector<16xi32> to vector<1xi32>
        %squeeze3A_806 = vector.extract %slice3A_805[0] : i32 from vector<1xi32>
        %add3A_807 = arith.constant 13 : i32
        %add3A_808 = arith.addi %add3A_644, %add3A_807 : i32
        %dma_start3A_809 = arith.constant 0 : i32
        %dma_start3A_810 = tpu.memref_slice %arg7[%add3A_808, %dma_start3A_809] : memref<200x64xf32, #tpu.memory_space<vmem>> -> memref<1x64xf32, #tpu.memory_space<vmem>>
        %dma_start3A_811 = arith.constant 0 : i32
        %dma_start3A_812 = tpu.memref_slice %arg3[%squeeze3A_806, %dma_start3A_811] : memref<1000000x64xf32, #tpu.memory_space<hbm>> -> memref<1x64xf32, #tpu.memory_space<hbm>>
        %dma_start3A_813 = arith.constant 0 : i32
        %dma_start3A_814 = tpu.memref_slice %arg7[%add3A_808, %dma_start3A_813] : memref<200x64xf32, #tpu.memory_space<vmem>> -> memref<1x64xf32, #tpu.memory_space<vmem>>
        %dma_start3A_815 = arith.constant 0 : i32
        %dma_start3A_816 = tpu.memref_slice %arg3[%squeeze3A_806, %dma_start3A_815] : memref<1000000x64xf32, #tpu.memory_space<hbm>> -> memref<1x64xf32, #tpu.memory_space<hbm>>
        tpu.enqueue_dma source(%dma_start3A_816 : memref<1x64xf32, #tpu.memory_space<hbm>>) target(%dma_start3A_814 : memref<1x64xf32, #tpu.memory_space<vmem>>) target_semaphore(%arg10 : memref<!tpu.dma_semaphore, #tpu.memory_space<semaphore_mem>>)
        %slice3A_817 = vector.extract_strided_slice %get3A_648 {offsets = [14], sizes = [1], strides = [1]} : vector<16xi32> to vector<1xi32>
        %squeeze3A_818 = vector.extract %slice3A_817[0] : i32 from vector<1xi32>
        %add3A_819 = arith.constant 14 : i32
        %add3A_820 = arith.addi %add3A_644, %add3A_819 : i32
        %dma_start3A_821 = arith.constant 0 : i32
        %dma_start3A_822 = tpu.memref_slice %arg7[%add3A_820, %dma_start3A_821] : memref<200x64xf32, #tpu.memory_space<vmem>> -> memref<1x64xf32, #tpu.memory_space<vmem>>
        %dma_start3A_823 = arith.constant 0 : i32
        %dma_start3A_824 = tpu.memref_slice %arg3[%squeeze3A_818, %dma_start3A_823] : memref<1000000x64xf32, #tpu.memory_space<hbm>> -> memref<1x64xf32, #tpu.memory_space<hbm>>
        %dma_start3A_825 = arith.constant 0 : i32
        %dma_start3A_826 = tpu.memref_slice %arg7[%add3A_820, %dma_start3A_825] : memref<200x64xf32, #tpu.memory_space<vmem>> -> memref<1x64xf32, #tpu.memory_space<vmem>>
        %dma_start3A_827 = arith.constant 0 : i32
        %dma_start3A_828 = tpu.memref_slice %arg3[%squeeze3A_818, %dma_start3A_827] : memref<1000000x64xf32, #tpu.memory_space<hbm>> -> memref<1x64xf32, #tpu.memory_space<hbm>>
        tpu.enqueue_dma source(%dma_start3A_828 : memref<1x64xf32, #tpu.memory_space<hbm>>) target(%dma_start3A_826 : memref<1x64xf32, #tpu.memory_space<vmem>>) target_semaphore(%arg10 : memref<!tpu.dma_semaphore, #tpu.memory_space<semaphore_mem>>)
        %slice3A_829 = vector.extract_strided_slice %get3A_648 {offsets = [15], sizes = [1], strides = [1]} : vector<16xi32> to vector<1xi32>
        %squeeze3A_830 = vector.extract %slice3A_829[0] : i32 from vector<1xi32>
        %add3A_831 = arith.constant 15 : i32
        %add3A_832 = arith.addi %add3A_644, %add3A_831 : i32
        %dma_start3A_833 = arith.constant 0 : i32
        %dma_start3A_834 = tpu.memref_slice %arg7[%add3A_832, %dma_start3A_833] : memref<200x64xf32, #tpu.memory_space<vmem>> -> memref<1x64xf32, #tpu.memory_space<vmem>>
        %dma_start3A_835 = arith.constant 0 : i32
        %dma_start3A_836 = tpu.memref_slice %arg3[%squeeze3A_830, %dma_start3A_835] : memref<1000000x64xf32, #tpu.memory_space<hbm>> -> memref<1x64xf32, #tpu.memory_space<hbm>>
        %dma_start3A_837 = arith.constant 0 : i32
        %dma_start3A_838 = tpu.memref_slice %arg7[%add3A_832, %dma_start3A_837] : memref<200x64xf32, #tpu.memory_space<vmem>> -> memref<1x64xf32, #tpu.memory_space<vmem>>
        %dma_start3A_839 = arith.constant 0 : i32
        %dma_start3A_840 = tpu.memref_slice %arg3[%squeeze3A_830, %dma_start3A_839] : memref<1000000x64xf32, #tpu.memory_space<hbm>> -> memref<1x64xf32, #tpu.memory_space<hbm>>
        tpu.enqueue_dma source(%dma_start3A_840 : memref<1x64xf32, #tpu.memory_space<hbm>>) target(%dma_start3A_838 : memref<1x64xf32, #tpu.memory_space<vmem>>) target_semaphore(%arg10 : memref<!tpu.dma_semaphore, #tpu.memory_space<semaphore_mem>>)
      }
      %scan3A_128 = arith.constant 6 : i32
      %get3A_129 = arith.index_cast %add3A_122 : i32 to index
      %get3A_130 = arith.constant 184 : index
      %get3A_131 = tpu.vector_load %arg5[%get3A_129, %get3A_130] {strides = array<i32>} : memref<128x200xi32, #tpu.memory_space<vmem>>, vector<1x16xi32>,
      %get3A_132 = vector.shape_cast %get3A_131 : vector<1x16xi32> to vector<16xi32>
      %slice3A_133 = vector.extract_strided_slice %get3A_132 {offsets = [8], sizes = [1], strides = [1]} : vector<16xi32> to vector<1xi32>
      %squeeze3A_134 = vector.extract %slice3A_133[0] : i32 from vector<1xi32>
      %dma_start3A_135 = arith.constant 192 : i32
      %dma_start3A_136 = arith.constant 0 : i32
      %dma_start3A_137 = tpu.memref_slice %arg7[%dma_start3A_135, %dma_start3A_136] : memref<200x64xf32, #tpu.memory_space<vmem>> -> memref<1x64xf32, #tpu.memory_space<vmem>>
      %dma_start3A_138 = arith.constant 0 : i32
      %dma_start3A_139 = tpu.memref_slice %arg3[%squeeze3A_134, %dma_start3A_138] : memref<1000000x64xf32, #tpu.memory_space<hbm>> -> memref<1x64xf32, #tpu.memory_space<hbm>>
      %dma_start3A_140 = arith.constant 192 : i32
      %dma_start3A_141 = arith.constant 0 : i32
      %dma_start3A_142 = tpu.memref_slice %arg7[%dma_start3A_140, %dma_start3A_141] : memref<200x64xf32, #tpu.memory_space<vmem>> -> memref<1x64xf32, #tpu.memory_space<vmem>>
      %dma_start3A_143 = arith.constant 0 : i32
      %dma_start3A_144 = tpu.memref_slice %arg3[%squeeze3A_134, %dma_start3A_143] : memref<1000000x64xf32, #tpu.memory_space<hbm>> -> memref<1x64xf32, #tpu.memory_space<hbm>>
      tpu.enqueue_dma source(%dma_start3A_144 : memref<1x64xf32, #tpu.memory_space<hbm>>) target(%dma_start3A_142 : memref<1x64xf32, #tpu.memory_space<vmem>>) target_semaphore(%arg10 : memref<!tpu.dma_semaphore, #tpu.memory_space<semaphore_mem>>)
      %slice3A_145 = vector.extract_strided_slice %get3A_132 {offsets = [9], sizes = [1], strides = [1]} : vector<16xi32> to vector<1xi32>
      %squeeze3A_146 = vector.extract %slice3A_145[0] : i32 from vector<1xi32>
      %dma_start3A_147 = arith.constant 193 : i32
      %dma_start3A_148 = arith.constant 0 : i32
      %dma_start3A_149 = tpu.memref_slice %arg7[%dma_start3A_147, %dma_start3A_148] : memref<200x64xf32, #tpu.memory_space<vmem>> -> memref<1x64xf32, #tpu.memory_space<vmem>>
      %dma_start3A_150 = arith.constant 0 : i32
      %dma_start3A_151 = tpu.memref_slice %arg3[%squeeze3A_146, %dma_start3A_150] : memref<1000000x64xf32, #tpu.memory_space<hbm>> -> memref<1x64xf32, #tpu.memory_space<hbm>>
      %dma_start3A_152 = arith.constant 193 : i32
      %dma_start3A_153 = arith.constant 0 : i32
      %dma_start3A_154 = tpu.memref_slice %arg7[%dma_start3A_152, %dma_start3A_153] : memref<200x64xf32, #tpu.memory_space<vmem>> -> memref<1x64xf32, #tpu.memory_space<vmem>>
      %dma_start3A_155 = arith.constant 0 : i32
      %dma_start3A_156 = tpu.memref_slice %arg3[%squeeze3A_146, %dma_start3A_155] : memref<1000000x64xf32, #tpu.memory_space<hbm>> -> memref<1x64xf32, #tpu.memory_space<hbm>>
      tpu.enqueue_dma source(%dma_start3A_156 : memref<1x64xf32, #tpu.memory_space<hbm>>) target(%dma_start3A_154 : memref<1x64xf32, #tpu.memory_space<vmem>>) target_semaphore(%arg10 : memref<!tpu.dma_semaphore, #tpu.memory_space<semaphore_mem>>)
      %slice3A_157 = vector.extract_strided_slice %get3A_132 {offsets = [10], sizes = [1], strides = [1]} : vector<16xi32> to vector<1xi32>
      %squeeze3A_158 = vector.extract %slice3A_157[0] : i32 from vector<1xi32>
      %dma_start3A_159 = arith.constant 194 : i32
      %dma_start3A_160 = arith.constant 0 : i32
      %dma_start3A_161 = tpu.memref_slice %arg7[%dma_start3A_159, %dma_start3A_160] : memref<200x64xf32, #tpu.memory_space<vmem>> -> memref<1x64xf32, #tpu.memory_space<vmem>>
      %dma_start3A_162 = arith.constant 0 : i32
      %dma_start3A_163 = tpu.memref_slice %arg3[%squeeze3A_158, %dma_start3A_162] : memref<1000000x64xf32, #tpu.memory_space<hbm>> -> memref<1x64xf32, #tpu.memory_space<hbm>>
      %dma_start3A_164 = arith.constant 194 : i32
      %dma_start3A_165 = arith.constant 0 : i32
      %dma_start3A_166 = tpu.memref_slice %arg7[%dma_start3A_164, %dma_start3A_165] : memref<200x64xf32, #tpu.memory_space<vmem>> -> memref<1x64xf32, #tpu.memory_space<vmem>>
      %dma_start3A_167 = arith.constant 0 : i32
      %dma_start3A_168 = tpu.memref_slice %arg3[%squeeze3A_158, %dma_start3A_167] : memref<1000000x64xf32, #tpu.memory_space<hbm>> -> memref<1x64xf32, #tpu.memory_space<hbm>>
      tpu.enqueue_dma source(%dma_start3A_168 : memref<1x64xf32, #tpu.memory_space<hbm>>) target(%dma_start3A_166 : memref<1x64xf32, #tpu.memory_space<vmem>>) target_semaphore(%arg10 : memref<!tpu.dma_semaphore, #tpu.memory_space<semaphore_mem>>)
      %slice3A_169 = vector.extract_strided_slice %get3A_132 {offsets = [11], sizes = [1], strides = [1]} : vector<16xi32> to vector<1xi32>
      %squeeze3A_170 = vector.extract %slice3A_169[0] : i32 from vector<1xi32>
      %dma_start3A_171 = arith.constant 195 : i32
      %dma_start3A_172 = arith.constant 0 : i32
      %dma_start3A_173 = tpu.memref_slice %arg7[%dma_start3A_171, %dma_start3A_172] : memref<200x64xf32, #tpu.memory_space<vmem>> -> memref<1x64xf32, #tpu.memory_space<vmem>>
      %dma_start3A_174 = arith.constant 0 : i32
      %dma_start3A_175 = tpu.memref_slice %arg3[%squeeze3A_170, %dma_start3A_174] : memref<1000000x64xf32, #tpu.memory_space<hbm>> -> memref<1x64xf32, #tpu.memory_space<hbm>>
      %dma_start3A_176 = arith.constant 195 : i32
      %dma_start3A_177 = arith.constant 0 : i32
      %dma_start3A_178 = tpu.memref_slice %arg7[%dma_start3A_176, %dma_start3A_177] : memref<200x64xf32, #tpu.memory_space<vmem>> -> memref<1x64xf32, #tpu.memory_space<vmem>>
      %dma_start3A_179 = arith.constant 0 : i32
      %dma_start3A_180 = tpu.memref_slice %arg3[%squeeze3A_170, %dma_start3A_179] : memref<1000000x64xf32, #tpu.memory_space<hbm>> -> memref<1x64xf32, #tpu.memory_space<hbm>>
      tpu.enqueue_dma source(%dma_start3A_180 : memref<1x64xf32, #tpu.memory_space<hbm>>) target(%dma_start3A_178 : memref<1x64xf32, #tpu.memory_space<vmem>>) target_semaphore(%arg10 : memref<!tpu.dma_semaphore, #tpu.memory_space<semaphore_mem>>)
      %slice3A_181 = vector.extract_strided_slice %get3A_132 {offsets = [12], sizes = [1], strides = [1]} : vector<16xi32> to vector<1xi32>
      %squeeze3A_182 = vector.extract %slice3A_181[0] : i32 from vector<1xi32>
      %dma_start3A_183 = arith.constant 196 : i32
      %dma_start3A_184 = arith.constant 0 : i32
      %dma_start3A_185 = tpu.memref_slice %arg7[%dma_start3A_183, %dma_start3A_184] : memref<200x64xf32, #tpu.memory_space<vmem>> -> memref<1x64xf32, #tpu.memory_space<vmem>>
      %dma_start3A_186 = arith.constant 0 : i32
      %dma_start3A_187 = tpu.memref_slice %arg3[%squeeze3A_182, %dma_start3A_186] : memref<1000000x64xf32, #tpu.memory_space<hbm>> -> memref<1x64xf32, #tpu.memory_space<hbm>>
      %dma_start3A_188 = arith.constant 196 : i32
      %dma_start3A_189 = arith.constant 0 : i32
      %dma_start3A_190 = tpu.memref_slice %arg7[%dma_start3A_188, %dma_start3A_189] : memref<200x64xf32, #tpu.memory_space<vmem>> -> memref<1x64xf32, #tpu.memory_space<vmem>>
      %dma_start3A_191 = arith.constant 0 : i32
      %dma_start3A_192 = tpu.memref_slice %arg3[%squeeze3A_182, %dma_start3A_191] : memref<1000000x64xf32, #tpu.memory_space<hbm>> -> memref<1x64xf32, #tpu.memory_space<hbm>>
      tpu.enqueue_dma source(%dma_start3A_192 : memref<1x64xf32, #tpu.memory_space<hbm>>) target(%dma_start3A_190 : memref<1x64xf32, #tpu.memory_space<vmem>>) target_semaphore(%arg10 : memref<!tpu.dma_semaphore, #tpu.memory_space<semaphore_mem>>)
      %slice3A_193 = vector.extract_strided_slice %get3A_132 {offsets = [13], sizes = [1], strides = [1]} : vector<16xi32> to vector<1xi32>
      %squeeze3A_194 = vector.extract %slice3A_193[0] : i32 from vector<1xi32>
      %dma_start3A_195 = arith.constant 197 : i32
      %dma_start3A_196 = arith.constant 0 : i32
      %dma_start3A_197 = tpu.memref_slice %arg7[%dma_start3A_195, %dma_start3A_196] : memref<200x64xf32, #tpu.memory_space<vmem>> -> memref<1x64xf32, #tpu.memory_space<vmem>>
      %dma_start3A_198 = arith.constant 0 : i32
      %dma_start3A_199 = tpu.memref_slice %arg3[%squeeze3A_194, %dma_start3A_198] : memref<1000000x64xf32, #tpu.memory_space<hbm>> -> memref<1x64xf32, #tpu.memory_space<hbm>>
      %dma_start3A_200 = arith.constant 197 : i32
      %dma_start3A_201 = arith.constant 0 : i32
      %dma_start3A_202 = tpu.memref_slice %arg7[%dma_start3A_200, %dma_start3A_201] : memref<200x64xf32, #tpu.memory_space<vmem>> -> memref<1x64xf32, #tpu.memory_space<vmem>>
      %dma_start3A_203 = arith.constant 0 : i32
      %dma_start3A_204 = tpu.memref_slice %arg3[%squeeze3A_194, %dma_start3A_203] : memref<1000000x64xf32, #tpu.memory_space<hbm>> -> memref<1x64xf32, #tpu.memory_space<hbm>>
      tpu.enqueue_dma source(%dma_start3A_204 : memref<1x64xf32, #tpu.memory_space<hbm>>) target(%dma_start3A_202 : memref<1x64xf32, #tpu.memory_space<vmem>>) target_semaphore(%arg10 : memref<!tpu.dma_semaphore, #tpu.memory_space<semaphore_mem>>)
      %slice3A_205 = vector.extract_strided_slice %get3A_132 {offsets = [14], sizes = [1], strides = [1]} : vector<16xi32> to vector<1xi32>
      %squeeze3A_206 = vector.extract %slice3A_205[0] : i32 from vector<1xi32>
      %dma_start3A_207 = arith.constant 198 : i32
      %dma_start3A_208 = arith.constant 0 : i32
      %dma_start3A_209 = tpu.memref_slice %arg7[%dma_start3A_207, %dma_start3A_208] : memref<200x64xf32, #tpu.memory_space<vmem>> -> memref<1x64xf32, #tpu.memory_space<vmem>>
      %dma_start3A_210 = arith.constant 0 : i32
      %dma_start3A_211 = tpu.memref_slice %arg3[%squeeze3A_206, %dma_start3A_210] : memref<1000000x64xf32, #tpu.memory_space<hbm>> -> memref<1x64xf32, #tpu.memory_space<hbm>>
      %dma_start3A_212 = arith.constant 198 : i32
      %dma_start3A_213 = arith.constant 0 : i32
      %dma_start3A_214 = tpu.memref_slice %arg7[%dma_start3A_212, %dma_start3A_213] : memref<200x64xf32, #tpu.memory_space<vmem>> -> memref<1x64xf32, #tpu.memory_space<vmem>>
      %dma_start3A_215 = arith.constant 0 : i32
      %dma_start3A_216 = tpu.memref_slice %arg3[%squeeze3A_206, %dma_start3A_215] : memref<1000000x64xf32, #tpu.memory_space<hbm>> -> memref<1x64xf32, #tpu.memory_space<hbm>>
      tpu.enqueue_dma source(%dma_start3A_216 : memref<1x64xf32, #tpu.memory_space<hbm>>) target(%dma_start3A_214 : memref<1x64xf32, #tpu.memory_space<vmem>>) target_semaphore(%arg10 : memref<!tpu.dma_semaphore, #tpu.memory_space<semaphore_mem>>)
      %slice3A_217 = vector.extract_strided_slice %get3A_132 {offsets = [15], sizes = [1], strides = [1]} : vector<16xi32> to vector<1xi32>
      %squeeze3A_218 = vector.extract %slice3A_217[0] : i32 from vector<1xi32>
      %dma_start3A_219 = arith.constant 199 : i32
      %dma_start3A_220 = arith.constant 0 : i32
      %dma_start3A_221 = tpu.memref_slice %arg7[%dma_start3A_219, %dma_start3A_220] : memref<200x64xf32, #tpu.memory_space<vmem>> -> memref<1x64xf32, #tpu.memory_space<vmem>>
      %dma_start3A_222 = arith.constant 0 : i32
      %dma_start3A_223 = tpu.memref_slice %arg3[%squeeze3A_218, %dma_start3A_222] : memref<1000000x64xf32, #tpu.memory_space<hbm>> -> memref<1x64xf32, #tpu.memory_space<hbm>>
      %dma_start3A_224 = arith.constant 199 : i32
      %dma_start3A_225 = arith.constant 0 : i32
      %dma_start3A_226 = tpu.memref_slice %arg7[%dma_start3A_224, %dma_start3A_225] : memref<200x64xf32, #tpu.memory_space<vmem>> -> memref<1x64xf32, #tpu.memory_space<vmem>>
      %dma_start3A_227 = arith.constant 0 : i32
      %dma_start3A_228 = tpu.memref_slice %arg3[%squeeze3A_218, %dma_start3A_227] : memref<1000000x64xf32, #tpu.memory_space<hbm>> -> memref<1x64xf32, #tpu.memory_space<hbm>>
      tpu.enqueue_dma source(%dma_start3A_228 : memref<1x64xf32, #tpu.memory_space<hbm>>) target(%dma_start3A_226 : memref<1x64xf32, #tpu.memory_space<vmem>>) target_semaphore(%arg10 : memref<!tpu.dma_semaphore, #tpu.memory_space<semaphore_mem>>)
      %dma_wait3A_229 = arith.constant 0 : i32
      %dma_wait3A_230 = arith.constant 0 : i32
      %dma_wait3A_231 = tpu.memref_slice %arg3[%dma_wait3A_229, %dma_wait3A_230] : memref<1000000x64xf32, #tpu.memory_space<hbm>> -> memref<200x64xf32, #tpu.memory_space<hbm>>
      %dma_wait3A_232 = arith.constant 0 : i32
      %dma_wait3A_233 = arith.constant 0 : i32
      %dma_wait3A_234 = tpu.memref_slice %arg3[%dma_wait3A_232, %dma_wait3A_233] : memref<1000000x64xf32, #tpu.memory_space<hbm>> -> memref<200x64xf32, #tpu.memory_space<hbm>>
      tpu.wait_dma2 semaphore(%arg9 : memref<!tpu.dma_semaphore, #tpu.memory_space<semaphore_mem>>) src(%dma_wait3A_234 : memref<200x64xf32, #tpu.memory_space<hbm>>) dst(%arg6 : memref<200x64xf32, #tpu.memory_space<vmem>>)
      %broadcast_in_dim3A = arith.constant 0.000000e+00 : f32
      %broadcast_in_dim3A_235 = vector.broadcast %broadcast_in_dim3A : f32 to vector<16xf32>
      %broadcast_in_dim3A_236 = arith.constant 0.000000e+00 : f32
      %broadcast_in_dim3A_237 = vector.broadcast %broadcast_in_dim3A_236 : f32 to vector<16xf32>
      %broadcast_in_dim3A_238 = arith.constant 0.000000e+00 : f32
      %broadcast_in_dim3A_239 = vector.broadcast %broadcast_in_dim3A_238 : f32 to vector<16xf32>
      %broadcast_in_dim3A_240 = arith.constant 0.000000e+00 : f32
      %broadcast_in_dim3A_241 = vector.broadcast %broadcast_in_dim3A_240 : f32 to vector<16xf32>
      %scan3A_242 = arith.constant 0 : i32
      %scan3A_243 = arith.constant 25 : i32
      %scan3A_244 = arith.addi %scan3A_242, %scan3A_243 : i32
      %scan3A_245 = arith.constant 1 : i32
      %scan3A_246:4 = scf.for %scan3A_440 = %scan3A_242 to %scan3A_244 step %scan3A_245 iter_args(%scan3A_441 = %broadcast_in_dim3A_235, %scan3A_442 = %broadcast_in_dim3A_237, %scan3A_443 = %broadcast_in_dim3A_239, %scan3A_444 = %broadcast_in_dim3A_241) -> (vector<16xf32>, vector<16xf32>, vector<16xf32>, vector<16xf32>)  : i32 {
        %mul3A_445 = arith.constant 8 : i32
        %mul3A_446 = arith.muli %scan3A_440, %mul3A_445 : i32
        %add3A_447 = arith.constant 0 : i32
        %add3A_448 = arith.addi %mul3A_446, %add3A_447 : i32
        %get3A_449 = arith.index_cast %add3A_448 : i32 to index
        %get3A_450 = arith.constant 0 : index
        %get3A_451 = tpu.vector_load %arg6[%get3A_449, %get3A_450] {strides = array<i32>} : memref<200x64xf32, #tpu.memory_space<vmem>>, vector<1x16xf32>,
        %get3A_452 = vector.shape_cast %get3A_451 : vector<1x16xf32> to vector<16xf32>
        %add3A_453 = arith.addf %scan3A_441, %get3A_452 : vector<16xf32>
        %add3A_454 = arith.constant 0 : i32
        %add3A_455 = arith.addi %mul3A_446, %add3A_454 : i32
        %get3A_456 = arith.index_cast %add3A_455 : i32 to index
        %get3A_457 = arith.constant 16 : index
        %get3A_458 = tpu.vector_load %arg6[%get3A_456, %get3A_457] {strides = array<i32>} : memref<200x64xf32, #tpu.memory_space<vmem>>, vector<1x16xf32>,
        %get3A_459 = vector.shape_cast %get3A_458 : vector<1x16xf32> to vector<16xf32>
        %add3A_460 = arith.addf %scan3A_442, %get3A_459 : vector<16xf32>
        %add3A_461 = arith.constant 0 : i32
        %add3A_462 = arith.addi %mul3A_446, %add3A_461 : i32
        %get3A_463 = arith.index_cast %add3A_462 : i32 to index
        %get3A_464 = arith.constant 32 : index
        %get3A_465 = tpu.vector_load %arg6[%get3A_463, %get3A_464] {strides = array<i32>} : memref<200x64xf32, #tpu.memory_space<vmem>>, vector<1x16xf32>,
        %get3A_466 = vector.shape_cast %get3A_465 : vector<1x16xf32> to vector<16xf32>
        %add3A_467 = arith.addf %scan3A_443, %get3A_466 : vector<16xf32>
        %add3A_468 = arith.constant 0 : i32
        %add3A_469 = arith.addi %mul3A_446, %add3A_468 : i32
        %get3A_470 = arith.index_cast %add3A_469 : i32 to index
        %get3A_471 = arith.constant 48 : index
        %get3A_472 = tpu.vector_load %arg6[%get3A_470, %get3A_471] {strides = array<i32>} : memref<200x64xf32, #tpu.memory_space<vmem>>, vector<1x16xf32>,
        %get3A_473 = vector.shape_cast %get3A_472 : vector<1x16xf32> to vector<16xf32>
        %add3A_474 = arith.addf %scan3A_444, %get3A_473 : vector<16xf32>
        %add3A_475 = arith.constant 1 : i32
        %add3A_476 = arith.addi %mul3A_446, %add3A_475 : i32
        %get3A_477 = arith.index_cast %add3A_476 : i32 to index
        %get3A_478 = arith.constant 0 : index
        %get3A_479 = tpu.vector_load %arg6[%get3A_477, %get3A_478] {strides = array<i32>} : memref<200x64xf32, #tpu.memory_space<vmem>>, vector<1x16xf32>,
        %get3A_480 = vector.shape_cast %get3A_479 : vector<1x16xf32> to vector<16xf32>
        %add3A_481 = arith.addf %add3A_453, %get3A_480 : vector<16xf32>
        %add3A_482 = arith.constant 1 : i32
        %add3A_483 = arith.addi %mul3A_446, %add3A_482 : i32
        %get3A_484 = arith.index_cast %add3A_483 : i32 to index
        %get3A_485 = arith.constant 16 : index
        %get3A_486 = tpu.vector_load %arg6[%get3A_484, %get3A_485] {strides = array<i32>} : memref<200x64xf32, #tpu.memory_space<vmem>>, vector<1x16xf32>,
        %get3A_487 = vector.shape_cast %get3A_486 : vector<1x16xf32> to vector<16xf32>
        %add3A_488 = arith.addf %add3A_460, %get3A_487 : vector<16xf32>
        %add3A_489 = arith.constant 1 : i32
        %add3A_490 = arith.addi %mul3A_446, %add3A_489 : i32
        %get3A_491 = arith.index_cast %add3A_490 : i32 to index
        %get3A_492 = arith.constant 32 : index
        %get3A_493 = tpu.vector_load %arg6[%get3A_491, %get3A_492] {strides = array<i32>} : memref<200x64xf32, #tpu.memory_space<vmem>>, vector<1x16xf32>,
        %get3A_494 = vector.shape_cast %get3A_493 : vector<1x16xf32> to vector<16xf32>
        %add3A_495 = arith.addf %add3A_467, %get3A_494 : vector<16xf32>
        %add3A_496 = arith.constant 1 : i32
        %add3A_497 = arith.addi %mul3A_446, %add3A_496 : i32
        %get3A_498 = arith.index_cast %add3A_497 : i32 to index
        %get3A_499 = arith.constant 48 : index
        %get3A_500 = tpu.vector_load %arg6[%get3A_498, %get3A_499] {strides = array<i32>} : memref<200x64xf32, #tpu.memory_space<vmem>>, vector<1x16xf32>,
        %get3A_501 = vector.shape_cast %get3A_500 : vector<1x16xf32> to vector<16xf32>
        %add3A_502 = arith.addf %add3A_474, %get3A_501 : vector<16xf32>
        %add3A_503 = arith.constant 2 : i32
        %add3A_504 = arith.addi %mul3A_446, %add3A_503 : i32
        %get3A_505 = arith.index_cast %add3A_504 : i32 to index
        %get3A_506 = arith.constant 0 : index
        %get3A_507 = tpu.vector_load %arg6[%get3A_505, %get3A_506] {strides = array<i32>} : memref<200x64xf32, #tpu.memory_space<vmem>>, vector<1x16xf32>,
        %get3A_508 = vector.shape_cast %get3A_507 : vector<1x16xf32> to vector<16xf32>
        %add3A_509 = arith.addf %add3A_481, %get3A_508 : vector<16xf32>
        %add3A_510 = arith.constant 2 : i32
        %add3A_511 = arith.addi %mul3A_446, %add3A_510 : i32
        %get3A_512 = arith.index_cast %add3A_511 : i32 to index
        %get3A_513 = arith.constant 16 : index
        %get3A_514 = tpu.vector_load %arg6[%get3A_512, %get3A_513] {strides = array<i32>} : memref<200x64xf32, #tpu.memory_space<vmem>>, vector<1x16xf32>,
        %get3A_515 = vector.shape_cast %get3A_514 : vector<1x16xf32> to vector<16xf32>
        %add3A_516 = arith.addf %add3A_488, %get3A_515 : vector<16xf32>
        %add3A_517 = arith.constant 2 : i32
        %add3A_518 = arith.addi %mul3A_446, %add3A_517 : i32
        %get3A_519 = arith.index_cast %add3A_518 : i32 to index
        %get3A_520 = arith.constant 32 : index
        %get3A_521 = tpu.vector_load %arg6[%get3A_519, %get3A_520] {strides = array<i32>} : memref<200x64xf32, #tpu.memory_space<vmem>>, vector<1x16xf32>,
        %get3A_522 = vector.shape_cast %get3A_521 : vector<1x16xf32> to vector<16xf32>
        %add3A_523 = arith.addf %add3A_495, %get3A_522 : vector<16xf32>
        %add3A_524 = arith.constant 2 : i32
        %add3A_525 = arith.addi %mul3A_446, %add3A_524 : i32
        %get3A_526 = arith.index_cast %add3A_525 : i32 to index
        %get3A_527 = arith.constant 48 : index
        %get3A_528 = tpu.vector_load %arg6[%get3A_526, %get3A_527] {strides = array<i32>} : memref<200x64xf32, #tpu.memory_space<vmem>>, vector<1x16xf32>,
        %get3A_529 = vector.shape_cast %get3A_528 : vector<1x16xf32> to vector<16xf32>
        %add3A_530 = arith.addf %add3A_502, %get3A_529 : vector<16xf32>
        %add3A_531 = arith.constant 3 : i32
        %add3A_532 = arith.addi %mul3A_446, %add3A_531 : i32
        %get3A_533 = arith.index_cast %add3A_532 : i32 to index
        %get3A_534 = arith.constant 0 : index
        %get3A_535 = tpu.vector_load %arg6[%get3A_533, %get3A_534] {strides = array<i32>} : memref<200x64xf32, #tpu.memory_space<vmem>>, vector<1x16xf32>,
        %get3A_536 = vector.shape_cast %get3A_535 : vector<1x16xf32> to vector<16xf32>
        %add3A_537 = arith.addf %add3A_509, %get3A_536 : vector<16xf32>
        %add3A_538 = arith.constant 3 : i32
        %add3A_539 = arith.addi %mul3A_446, %add3A_538 : i32
        %get3A_540 = arith.index_cast %add3A_539 : i32 to index
        %get3A_541 = arith.constant 16 : index
        %get3A_542 = tpu.vector_load %arg6[%get3A_540, %get3A_541] {strides = array<i32>} : memref<200x64xf32, #tpu.memory_space<vmem>>, vector<1x16xf32>,
        %get3A_543 = vector.shape_cast %get3A_542 : vector<1x16xf32> to vector<16xf32>
        %add3A_544 = arith.addf %add3A_516, %get3A_543 : vector<16xf32>
        %add3A_545 = arith.constant 3 : i32
        %add3A_546 = arith.addi %mul3A_446, %add3A_545 : i32
        %get3A_547 = arith.index_cast %add3A_546 : i32 to index
        %get3A_548 = arith.constant 32 : index
        %get3A_549 = tpu.vector_load %arg6[%get3A_547, %get3A_548] {strides = array<i32>} : memref<200x64xf32, #tpu.memory_space<vmem>>, vector<1x16xf32>,
        %get3A_550 = vector.shape_cast %get3A_549 : vector<1x16xf32> to vector<16xf32>
        %add3A_551 = arith.addf %add3A_523, %get3A_550 : vector<16xf32>
        %add3A_552 = arith.constant 3 : i32
        %add3A_553 = arith.addi %mul3A_446, %add3A_552 : i32
        %get3A_554 = arith.index_cast %add3A_553 : i32 to index
        %get3A_555 = arith.constant 48 : index
        %get3A_556 = tpu.vector_load %arg6[%get3A_554, %get3A_555] {strides = array<i32>} : memref<200x64xf32, #tpu.memory_space<vmem>>, vector<1x16xf32>,
        %get3A_557 = vector.shape_cast %get3A_556 : vector<1x16xf32> to vector<16xf32>
        %add3A_558 = arith.addf %add3A_530, %get3A_557 : vector<16xf32>
        %add3A_559 = arith.constant 4 : i32
        %add3A_560 = arith.addi %mul3A_446, %add3A_559 : i32
        %get3A_561 = arith.index_cast %add3A_560 : i32 to index
        %get3A_562 = arith.constant 0 : index
        %get3A_563 = tpu.vector_load %arg6[%get3A_561, %get3A_562] {strides = array<i32>} : memref<200x64xf32, #tpu.memory_space<vmem>>, vector<1x16xf32>,
        %get3A_564 = vector.shape_cast %get3A_563 : vector<1x16xf32> to vector<16xf32>
        %add3A_565 = arith.addf %add3A_537, %get3A_564 : vector<16xf32>
        %add3A_566 = arith.constant 4 : i32
        %add3A_567 = arith.addi %mul3A_446, %add3A_566 : i32
        %get3A_568 = arith.index_cast %add3A_567 : i32 to index
        %get3A_569 = arith.constant 16 : index
        %get3A_570 = tpu.vector_load %arg6[%get3A_568, %get3A_569] {strides = array<i32>} : memref<200x64xf32, #tpu.memory_space<vmem>>, vector<1x16xf32>,
        %get3A_571 = vector.shape_cast %get3A_570 : vector<1x16xf32> to vector<16xf32>
        %add3A_572 = arith.addf %add3A_544, %get3A_571 : vector<16xf32>
        %add3A_573 = arith.constant 4 : i32
        %add3A_574 = arith.addi %mul3A_446, %add3A_573 : i32
        %get3A_575 = arith.index_cast %add3A_574 : i32 to index
        %get3A_576 = arith.constant 32 : index
        %get3A_577 = tpu.vector_load %arg6[%get3A_575, %get3A_576] {strides = array<i32>} : memref<200x64xf32, #tpu.memory_space<vmem>>, vector<1x16xf32>,
        %get3A_578 = vector.shape_cast %get3A_577 : vector<1x16xf32> to vector<16xf32>
        %add3A_579 = arith.addf %add3A_551, %get3A_578 : vector<16xf32>
        %add3A_580 = arith.constant 4 : i32
        %add3A_581 = arith.addi %mul3A_446, %add3A_580 : i32
        %get3A_582 = arith.index_cast %add3A_581 : i32 to index
        %get3A_583 = arith.constant 48 : index
        %get3A_584 = tpu.vector_load %arg6[%get3A_582, %get3A_583] {strides = array<i32>} : memref<200x64xf32, #tpu.memory_space<vmem>>, vector<1x16xf32>,
        %get3A_585 = vector.shape_cast %get3A_584 : vector<1x16xf32> to vector<16xf32>
        %add3A_586 = arith.addf %add3A_558, %get3A_585 : vector<16xf32>
        %add3A_587 = arith.constant 5 : i32
        %add3A_588 = arith.addi %mul3A_446, %add3A_587 : i32
        %get3A_589 = arith.index_cast %add3A_588 : i32 to index
        %get3A_590 = arith.constant 0 : index
        %get3A_591 = tpu.vector_load %arg6[%get3A_589, %get3A_590] {strides = array<i32>} : memref<200x64xf32, #tpu.memory_space<vmem>>, vector<1x16xf32>,
        %get3A_592 = vector.shape_cast %get3A_591 : vector<1x16xf32> to vector<16xf32>
        %add3A_593 = arith.addf %add3A_565, %get3A_592 : vector<16xf32>
        %add3A_594 = arith.constant 5 : i32
        %add3A_595 = arith.addi %mul3A_446, %add3A_594 : i32
        %get3A_596 = arith.index_cast %add3A_595 : i32 to index
        %get3A_597 = arith.constant 16 : index
        %get3A_598 = tpu.vector_load %arg6[%get3A_596, %get3A_597] {strides = array<i32>} : memref<200x64xf32, #tpu.memory_space<vmem>>, vector<1x16xf32>,
        %get3A_599 = vector.shape_cast %get3A_598 : vector<1x16xf32> to vector<16xf32>
        %add3A_600 = arith.addf %add3A_572, %get3A_599 : vector<16xf32>
        %add3A_601 = arith.constant 5 : i32
        %add3A_602 = arith.addi %mul3A_446, %add3A_601 : i32
        %get3A_603 = arith.index_cast %add3A_602 : i32 to index
        %get3A_604 = arith.constant 32 : index
        %get3A_605 = tpu.vector_load %arg6[%get3A_603, %get3A_604] {strides = array<i32>} : memref<200x64xf32, #tpu.memory_space<vmem>>, vector<1x16xf32>,
        %get3A_606 = vector.shape_cast %get3A_605 : vector<1x16xf32> to vector<16xf32>
        %add3A_607 = arith.addf %add3A_579, %get3A_606 : vector<16xf32>
        %add3A_608 = arith.constant 5 : i32
        %add3A_609 = arith.addi %mul3A_446, %add3A_608 : i32
        %get3A_610 = arith.index_cast %add3A_609 : i32 to index
        %get3A_611 = arith.constant 48 : index
        %get3A_612 = tpu.vector_load %arg6[%get3A_610, %get3A_611] {strides = array<i32>} : memref<200x64xf32, #tpu.memory_space<vmem>>, vector<1x16xf32>,
        %get3A_613 = vector.shape_cast %get3A_612 : vector<1x16xf32> to vector<16xf32>
        %add3A_614 = arith.addf %add3A_586, %get3A_613 : vector<16xf32>
        %add3A_615 = arith.constant 6 : i32
        %add3A_616 = arith.addi %mul3A_446, %add3A_615 : i32
        %get3A_617 = arith.index_cast %add3A_616 : i32 to index
        %get3A_618 = arith.constant 0 : index
        %get3A_619 = tpu.vector_load %arg6[%get3A_617, %get3A_618] {strides = array<i32>} : memref<200x64xf32, #tpu.memory_space<vmem>>, vector<1x16xf32>,
        %get3A_620 = vector.shape_cast %get3A_619 : vector<1x16xf32> to vector<16xf32>
        %add3A_621 = arith.addf %add3A_593, %get3A_620 : vector<16xf32>
        %add3A_622 = arith.constant 6 : i32
        %add3A_623 = arith.addi %mul3A_446, %add3A_622 : i32
        %get3A_624 = arith.index_cast %add3A_623 : i32 to index
        %get3A_625 = arith.constant 16 : index
        %get3A_626 = tpu.vector_load %arg6[%get3A_624, %get3A_625] {strides = array<i32>} : memref<200x64xf32, #tpu.memory_space<vmem>>, vector<1x16xf32>,
        %get3A_627 = vector.shape_cast %get3A_626 : vector<1x16xf32> to vector<16xf32>
        %add3A_628 = arith.addf %add3A_600, %get3A_627 : vector<16xf32>
        %add3A_629 = arith.constant 6 : i32
        %add3A_630 = arith.addi %mul3A_446, %add3A_629 : i32
        %get3A_631 = arith.index_cast %add3A_630 : i32 to index
        %get3A_632 = arith.constant 32 : index
        %get3A_633 = tpu.vector_load %arg6[%get3A_631, %get3A_632] {strides = array<i32>} : memref<200x64xf32, #tpu.memory_space<vmem>>, vector<1x16xf32>,
        %get3A_634 = vector.shape_cast %get3A_633 : vector<1x16xf32> to vector<16xf32>
        %add3A_635 = arith.addf %add3A_607, %get3A_634 : vector<16xf32>
        %add3A_636 = arith.constant 6 : i32
        %add3A_637 = arith.addi %mul3A_446, %add3A_636 : i32
        %get3A_638 = arith.index_cast %add3A_637 : i32 to index
        %get3A_639 = arith.constant 48 : index
        %get3A_640 = tpu.vector_load %arg6[%get3A_638, %get3A_639] {strides = array<i32>} : memref<200x64xf32, #tpu.memory_space<vmem>>, vector<1x16xf32>,
        %get3A_641 = vector.shape_cast %get3A_640 : vector<1x16xf32> to vector<16xf32>
        %add3A_642 = arith.addf %add3A_614, %get3A_641 : vector<16xf32>
        %add3A_643 = arith.constant 7 : i32
        %add3A_644 = arith.addi %mul3A_446, %add3A_643 : i32
        %get3A_645 = arith.index_cast %add3A_644 : i32 to index
        %get3A_646 = arith.constant 0 : index
        %get3A_647 = tpu.vector_load %arg6[%get3A_645, %get3A_646] {strides = array<i32>} : memref<200x64xf32, #tpu.memory_space<vmem>>, vector<1x16xf32>,
        %get3A_648 = vector.shape_cast %get3A_647 : vector<1x16xf32> to vector<16xf32>
        %add3A_649 = arith.addf %add3A_621, %get3A_648 : vector<16xf32>
        %add3A_650 = arith.constant 7 : i32
        %add3A_651 = arith.addi %mul3A_446, %add3A_650 : i32
        %get3A_652 = arith.index_cast %add3A_651 : i32 to index
        %get3A_653 = arith.constant 16 : index
        %get3A_654 = tpu.vector_load %arg6[%get3A_652, %get3A_653] {strides = array<i32>} : memref<200x64xf32, #tpu.memory_space<vmem>>, vector<1x16xf32>,
        %get3A_655 = vector.shape_cast %get3A_654 : vector<1x16xf32> to vector<16xf32>
        %add3A_656 = arith.addf %add3A_628, %get3A_655 : vector<16xf32>
        %add3A_657 = arith.constant 7 : i32
        %add3A_658 = arith.addi %mul3A_446, %add3A_657 : i32
        %get3A_659 = arith.index_cast %add3A_658 : i32 to index
        %get3A_660 = arith.constant 32 : index
        %get3A_661 = tpu.vector_load %arg6[%get3A_659, %get3A_660] {strides = array<i32>} : memref<200x64xf32, #tpu.memory_space<vmem>>, vector<1x16xf32>,
        %get3A_662 = vector.shape_cast %get3A_661 : vector<1x16xf32> to vector<16xf32>
        %add3A_663 = arith.addf %add3A_635, %get3A_662 : vector<16xf32>
        %add3A_664 = arith.constant 7 : i32
        %add3A_665 = arith.addi %mul3A_446, %add3A_664 : i32
        %get3A_666 = arith.index_cast %add3A_665 : i32 to index
        %get3A_667 = arith.constant 48 : index
        %get3A_668 = tpu.vector_load %arg6[%get3A_666, %get3A_667] {strides = array<i32>} : memref<200x64xf32, #tpu.memory_space<vmem>>, vector<1x16xf32>,
        %get3A_669 = vector.shape_cast %get3A_668 : vector<1x16xf32> to vector<16xf32>
        %add3A_670 = arith.addf %add3A_642, %get3A_669 : vector<16xf32>
        scf.yield %add3A_649, %add3A_656, %add3A_663, %add3A_670 : vector<16xf32>, vector<16xf32>, vector<16xf32>, vector<16xf32>
      }
      %scan3A_247 = arith.constant 25 : i32
      %mul3A_248 = arith.constant 5.000000e-03 : f32
      %mul3A_249 = vector.broadcast %mul3A_248 : f32 to vector<16xf32>
      %mul3A_250 = arith.mulf %scan3A_246#0, %mul3A_249 : vector<16xf32>
      %swap3A = arith.index_cast %scan3A_118 : i32 to index
      %swap3A_251 = arith.constant 0 : index
      %swap3A_252 = tpu.vector_load %arg8[%swap3A, %swap3A_251] {strides = array<i32>} : memref<64x128xf32, #tpu.memory_space<vmem>>, vector<1x16xf32>,
      %swap3A_253 = vector.shape_cast %swap3A_252 : vector<1x16xf32> to vector<16xf32>
      %swap3A_254 = vector.shape_cast %mul3A_250 : vector<16xf32> to vector<1x16xf32>
      tpu.vector_store %arg8[%swap3A, %swap3A_251], %swap3A_254 {strides = array<i32>} : memref<64x128xf32, #tpu.memory_space<vmem>>, vector<1x16xf32>,
      %mul3A_255 = arith.constant 5.000000e-03 : f32
      %mul3A_256 = vector.broadcast %mul3A_255 : f32 to vector<16xf32>
      %mul3A_257 = arith.mulf %scan3A_246#1, %mul3A_256 : vector<16xf32>
      %swap3A_258 = arith.index_cast %scan3A_118 : i32 to index
      %swap3A_259 = arith.constant 16 : index
      %swap3A_260 = tpu.vector_load %arg8[%swap3A_258, %swap3A_259] {strides = array<i32>} : memref<64x128xf32, #tpu.memory_space<vmem>>, vector<1x16xf32>,
      %swap3A_261 = vector.shape_cast %swap3A_260 : vector<1x16xf32> to vector<16xf32>
      %swap3A_262 = vector.shape_cast %mul3A_257 : vector<16xf32> to vector<1x16xf32>
      tpu.vector_store %arg8[%swap3A_258, %swap3A_259], %swap3A_262 {strides = array<i32>} : memref<64x128xf32, #tpu.memory_space<vmem>>, vector<1x16xf32>,
      %mul3A_263 = arith.constant 5.000000e-03 : f32
      %mul3A_264 = vector.broadcast %mul3A_263 : f32 to vector<16xf32>
      %mul3A_265 = arith.mulf %scan3A_246#2, %mul3A_264 : vector<16xf32>
      %swap3A_266 = arith.index_cast %scan3A_118 : i32 to index
      %swap3A_267 = arith.constant 32 : index
      %swap3A_268 = tpu.vector_load %arg8[%swap3A_266, %swap3A_267] {strides = array<i32>} : memref<64x128xf32, #tpu.memory_space<vmem>>, vector<1x16xf32>,
      %swap3A_269 = vector.shape_cast %swap3A_268 : vector<1x16xf32> to vector<16xf32>
      %swap3A_270 = vector.shape_cast %mul3A_265 : vector<16xf32> to vector<1x16xf32>
      tpu.vector_store %arg8[%swap3A_266, %swap3A_267], %swap3A_270 {strides = array<i32>} : memref<64x128xf32, #tpu.memory_space<vmem>>, vector<1x16xf32>,
      %mul3A_271 = arith.constant 5.000000e-03 : f32
      %mul3A_272 = vector.broadcast %mul3A_271 : f32 to vector<16xf32>
      %mul3A_273 = arith.mulf %scan3A_246#3, %mul3A_272 : vector<16xf32>
      %swap3A_274 = arith.index_cast %scan3A_118 : i32 to index
      %swap3A_275 = arith.constant 48 : index
      %swap3A_276 = tpu.vector_load %arg8[%swap3A_274, %swap3A_275] {strides = array<i32>} : memref<64x128xf32, #tpu.memory_space<vmem>>, vector<1x16xf32>,
      %swap3A_277 = vector.shape_cast %swap3A_276 : vector<1x16xf32> to vector<16xf32>
      %swap3A_278 = vector.shape_cast %mul3A_273 : vector<16xf32> to vector<1x16xf32>
      tpu.vector_store %arg8[%swap3A_274, %swap3A_275], %swap3A_278 {strides = array<i32>} : memref<64x128xf32, #tpu.memory_space<vmem>>, vector<1x16xf32>,
      %add3A_279 = arith.constant 2 : i32
      %add3A_280 = arith.addi %mul3A_120, %add3A_279 : i32
      %min3A = arith.constant 127 : i32
      %min3A_281 = arith.minsi %add3A_280, %min3A : i32
      %scan3A_282 = arith.constant 0 : i32
      %scan3A_283 = arith.constant 0 : i32
      %scan3A_284 = arith.constant 6 : i32
      %scan3A_285 = arith.addi %scan3A_283, %scan3A_284 : i32
      %scan3A_286 = arith.constant 1 : i32
      scf.for %scan3A_440 = %scan3A_283 to %scan3A_285 step %scan3A_286  : i32 {
        %mul3A_441 = arith.constant 32 : i32
        %mul3A_442 = arith.muli %mul3A_441, %scan3A_440 : i32
        %add3A_443 = arith.constant 0 : i32
        %add3A_444 = arith.addi %mul3A_442, %add3A_443 : i32
        %get3A_445 = arith.index_cast %min3A_281 : i32 to index
        %get3A_446 = arith.index_cast %add3A_444 : i32 to index
        %get3A_447 = tpu.vector_load %arg5[%get3A_445, %get3A_446] {strides = array<i32>} : memref<128x200xi32, #tpu.memory_space<vmem>>, vector<1x16xi32>,
        %get3A_448 = vector.shape_cast %get3A_447 : vector<1x16xi32> to vector<16xi32>
        %slice3A_449 = vector.extract_strided_slice %get3A_448 {offsets = [0], sizes = [1], strides = [1]} : vector<16xi32> to vector<1xi32>
        %squeeze3A_450 = vector.extract %slice3A_449[0] : i32 from vector<1xi32>
        %add3A_451 = arith.constant 0 : i32
        %add3A_452 = arith.addi %add3A_444, %add3A_451 : i32
        %dma_start3A_453 = arith.constant 0 : i32
        %dma_start3A_454 = tpu.memref_slice %arg6[%add3A_452, %dma_start3A_453] : memref<200x64xf32, #tpu.memory_space<vmem>> -> memref<1x64xf32, #tpu.memory_space<vmem>>
        %dma_start3A_455 = arith.constant 0 : i32
        %dma_start3A_456 = tpu.memref_slice %arg3[%squeeze3A_450, %dma_start3A_455] : memref<1000000x64xf32, #tpu.memory_space<hbm>> -> memref<1x64xf32, #tpu.memory_space<hbm>>
        %dma_start3A_457 = arith.constant 0 : i32
        %dma_start3A_458 = tpu.memref_slice %arg6[%add3A_452, %dma_start3A_457] : memref<200x64xf32, #tpu.memory_space<vmem>> -> memref<1x64xf32, #tpu.memory_space<vmem>>
        %dma_start3A_459 = arith.constant 0 : i32
        %dma_start3A_460 = tpu.memref_slice %arg3[%squeeze3A_450, %dma_start3A_459] : memref<1000000x64xf32, #tpu.memory_space<hbm>> -> memref<1x64xf32, #tpu.memory_space<hbm>>
        tpu.enqueue_dma source(%dma_start3A_460 : memref<1x64xf32, #tpu.memory_space<hbm>>) target(%dma_start3A_458 : memref<1x64xf32, #tpu.memory_space<vmem>>) target_semaphore(%arg9 : memref<!tpu.dma_semaphore, #tpu.memory_space<semaphore_mem>>)
        %slice3A_461 = vector.extract_strided_slice %get3A_448 {offsets = [1], sizes = [1], strides = [1]} : vector<16xi32> to vector<1xi32>
        %squeeze3A_462 = vector.extract %slice3A_461[0] : i32 from vector<1xi32>
        %add3A_463 = arith.constant 1 : i32
        %add3A_464 = arith.addi %add3A_444, %add3A_463 : i32
        %dma_start3A_465 = arith.constant 0 : i32
        %dma_start3A_466 = tpu.memref_slice %arg6[%add3A_464, %dma_start3A_465] : memref<200x64xf32, #tpu.memory_space<vmem>> -> memref<1x64xf32, #tpu.memory_space<vmem>>
        %dma_start3A_467 = arith.constant 0 : i32
        %dma_start3A_468 = tpu.memref_slice %arg3[%squeeze3A_462, %dma_start3A_467] : memref<1000000x64xf32, #tpu.memory_space<hbm>> -> memref<1x64xf32, #tpu.memory_space<hbm>>
        %dma_start3A_469 = arith.constant 0 : i32
        %dma_start3A_470 = tpu.memref_slice %arg6[%add3A_464, %dma_start3A_469] : memref<200x64xf32, #tpu.memory_space<vmem>> -> memref<1x64xf32, #tpu.memory_space<vmem>>
        %dma_start3A_471 = arith.constant 0 : i32
        %dma_start3A_472 = tpu.memref_slice %arg3[%squeeze3A_462, %dma_start3A_471] : memref<1000000x64xf32, #tpu.memory_space<hbm>> -> memref<1x64xf32, #tpu.memory_space<hbm>>
        tpu.enqueue_dma source(%dma_start3A_472 : memref<1x64xf32, #tpu.memory_space<hbm>>) target(%dma_start3A_470 : memref<1x64xf32, #tpu.memory_space<vmem>>) target_semaphore(%arg9 : memref<!tpu.dma_semaphore, #tpu.memory_space<semaphore_mem>>)
        %slice3A_473 = vector.extract_strided_slice %get3A_448 {offsets = [2], sizes = [1], strides = [1]} : vector<16xi32> to vector<1xi32>
        %squeeze3A_474 = vector.extract %slice3A_473[0] : i32 from vector<1xi32>
        %add3A_475 = arith.constant 2 : i32
        %add3A_476 = arith.addi %add3A_444, %add3A_475 : i32
        %dma_start3A_477 = arith.constant 0 : i32
        %dma_start3A_478 = tpu.memref_slice %arg6[%add3A_476, %dma_start3A_477] : memref<200x64xf32, #tpu.memory_space<vmem>> -> memref<1x64xf32, #tpu.memory_space<vmem>>
        %dma_start3A_479 = arith.constant 0 : i32
        %dma_start3A_480 = tpu.memref_slice %arg3[%squeeze3A_474, %dma_start3A_479] : memref<1000000x64xf32, #tpu.memory_space<hbm>> -> memref<1x64xf32, #tpu.memory_space<hbm>>
        %dma_start3A_481 = arith.constant 0 : i32
        %dma_start3A_482 = tpu.memref_slice %arg6[%add3A_476, %dma_start3A_481] : memref<200x64xf32, #tpu.memory_space<vmem>> -> memref<1x64xf32, #tpu.memory_space<vmem>>
        %dma_start3A_483 = arith.constant 0 : i32
        %dma_start3A_484 = tpu.memref_slice %arg3[%squeeze3A_474, %dma_start3A_483] : memref<1000000x64xf32, #tpu.memory_space<hbm>> -> memref<1x64xf32, #tpu.memory_space<hbm>>
        tpu.enqueue_dma source(%dma_start3A_484 : memref<1x64xf32, #tpu.memory_space<hbm>>) target(%dma_start3A_482 : memref<1x64xf32, #tpu.memory_space<vmem>>) target_semaphore(%arg9 : memref<!tpu.dma_semaphore, #tpu.memory_space<semaphore_mem>>)
        %slice3A_485 = vector.extract_strided_slice %get3A_448 {offsets = [3], sizes = [1], strides = [1]} : vector<16xi32> to vector<1xi32>
        %squeeze3A_486 = vector.extract %slice3A_485[0] : i32 from vector<1xi32>
        %add3A_487 = arith.constant 3 : i32
        %add3A_488 = arith.addi %add3A_444, %add3A_487 : i32
        %dma_start3A_489 = arith.constant 0 : i32
        %dma_start3A_490 = tpu.memref_slice %arg6[%add3A_488, %dma_start3A_489] : memref<200x64xf32, #tpu.memory_space<vmem>> -> memref<1x64xf32, #tpu.memory_space<vmem>>
        %dma_start3A_491 = arith.constant 0 : i32
        %dma_start3A_492 = tpu.memref_slice %arg3[%squeeze3A_486, %dma_start3A_491] : memref<1000000x64xf32, #tpu.memory_space<hbm>> -> memref<1x64xf32, #tpu.memory_space<hbm>>
        %dma_start3A_493 = arith.constant 0 : i32
        %dma_start3A_494 = tpu.memref_slice %arg6[%add3A_488, %dma_start3A_493] : memref<200x64xf32, #tpu.memory_space<vmem>> -> memref<1x64xf32, #tpu.memory_space<vmem>>
        %dma_start3A_495 = arith.constant 0 : i32
        %dma_start3A_496 = tpu.memref_slice %arg3[%squeeze3A_486, %dma_start3A_495] : memref<1000000x64xf32, #tpu.memory_space<hbm>> -> memref<1x64xf32, #tpu.memory_space<hbm>>
        tpu.enqueue_dma source(%dma_start3A_496 : memref<1x64xf32, #tpu.memory_space<hbm>>) target(%dma_start3A_494 : memref<1x64xf32, #tpu.memory_space<vmem>>) target_semaphore(%arg9 : memref<!tpu.dma_semaphore, #tpu.memory_space<semaphore_mem>>)
        %slice3A_497 = vector.extract_strided_slice %get3A_448 {offsets = [4], sizes = [1], strides = [1]} : vector<16xi32> to vector<1xi32>
        %squeeze3A_498 = vector.extract %slice3A_497[0] : i32 from vector<1xi32>
        %add3A_499 = arith.constant 4 : i32
        %add3A_500 = arith.addi %add3A_444, %add3A_499 : i32
        %dma_start3A_501 = arith.constant 0 : i32
        %dma_start3A_502 = tpu.memref_slice %arg6[%add3A_500, %dma_start3A_501] : memref<200x64xf32, #tpu.memory_space<vmem>> -> memref<1x64xf32, #tpu.memory_space<vmem>>
        %dma_start3A_503 = arith.constant 0 : i32
        %dma_start3A_504 = tpu.memref_slice %arg3[%squeeze3A_498, %dma_start3A_503] : memref<1000000x64xf32, #tpu.memory_space<hbm>> -> memref<1x64xf32, #tpu.memory_space<hbm>>
        %dma_start3A_505 = arith.constant 0 : i32
        %dma_start3A_506 = tpu.memref_slice %arg6[%add3A_500, %dma_start3A_505] : memref<200x64xf32, #tpu.memory_space<vmem>> -> memref<1x64xf32, #tpu.memory_space<vmem>>
        %dma_start3A_507 = arith.constant 0 : i32
        %dma_start3A_508 = tpu.memref_slice %arg3[%squeeze3A_498, %dma_start3A_507] : memref<1000000x64xf32, #tpu.memory_space<hbm>> -> memref<1x64xf32, #tpu.memory_space<hbm>>
        tpu.enqueue_dma source(%dma_start3A_508 : memref<1x64xf32, #tpu.memory_space<hbm>>) target(%dma_start3A_506 : memref<1x64xf32, #tpu.memory_space<vmem>>) target_semaphore(%arg9 : memref<!tpu.dma_semaphore, #tpu.memory_space<semaphore_mem>>)
        %slice3A_509 = vector.extract_strided_slice %get3A_448 {offsets = [5], sizes = [1], strides = [1]} : vector<16xi32> to vector<1xi32>
        %squeeze3A_510 = vector.extract %slice3A_509[0] : i32 from vector<1xi32>
        %add3A_511 = arith.constant 5 : i32
        %add3A_512 = arith.addi %add3A_444, %add3A_511 : i32
        %dma_start3A_513 = arith.constant 0 : i32
        %dma_start3A_514 = tpu.memref_slice %arg6[%add3A_512, %dma_start3A_513] : memref<200x64xf32, #tpu.memory_space<vmem>> -> memref<1x64xf32, #tpu.memory_space<vmem>>
        %dma_start3A_515 = arith.constant 0 : i32
        %dma_start3A_516 = tpu.memref_slice %arg3[%squeeze3A_510, %dma_start3A_515] : memref<1000000x64xf32, #tpu.memory_space<hbm>> -> memref<1x64xf32, #tpu.memory_space<hbm>>
        %dma_start3A_517 = arith.constant 0 : i32
        %dma_start3A_518 = tpu.memref_slice %arg6[%add3A_512, %dma_start3A_517] : memref<200x64xf32, #tpu.memory_space<vmem>> -> memref<1x64xf32, #tpu.memory_space<vmem>>
        %dma_start3A_519 = arith.constant 0 : i32
        %dma_start3A_520 = tpu.memref_slice %arg3[%squeeze3A_510, %dma_start3A_519] : memref<1000000x64xf32, #tpu.memory_space<hbm>> -> memref<1x64xf32, #tpu.memory_space<hbm>>
        tpu.enqueue_dma source(%dma_start3A_520 : memref<1x64xf32, #tpu.memory_space<hbm>>) target(%dma_start3A_518 : memref<1x64xf32, #tpu.memory_space<vmem>>) target_semaphore(%arg9 : memref<!tpu.dma_semaphore, #tpu.memory_space<semaphore_mem>>)
        %slice3A_521 = vector.extract_strided_slice %get3A_448 {offsets = [6], sizes = [1], strides = [1]} : vector<16xi32> to vector<1xi32>
        %squeeze3A_522 = vector.extract %slice3A_521[0] : i32 from vector<1xi32>
        %add3A_523 = arith.constant 6 : i32
        %add3A_524 = arith.addi %add3A_444, %add3A_523 : i32
        %dma_start3A_525 = arith.constant 0 : i32
        %dma_start3A_526 = tpu.memref_slice %arg6[%add3A_524, %dma_start3A_525] : memref<200x64xf32, #tpu.memory_space<vmem>> -> memref<1x64xf32, #tpu.memory_space<vmem>>
        %dma_start3A_527 = arith.constant 0 : i32
        %dma_start3A_528 = tpu.memref_slice %arg3[%squeeze3A_522, %dma_start3A_527] : memref<1000000x64xf32, #tpu.memory_space<hbm>> -> memref<1x64xf32, #tpu.memory_space<hbm>>
        %dma_start3A_529 = arith.constant 0 : i32
        %dma_start3A_530 = tpu.memref_slice %arg6[%add3A_524, %dma_start3A_529] : memref<200x64xf32, #tpu.memory_space<vmem>> -> memref<1x64xf32, #tpu.memory_space<vmem>>
        %dma_start3A_531 = arith.constant 0 : i32
        %dma_start3A_532 = tpu.memref_slice %arg3[%squeeze3A_522, %dma_start3A_531] : memref<1000000x64xf32, #tpu.memory_space<hbm>> -> memref<1x64xf32, #tpu.memory_space<hbm>>
        tpu.enqueue_dma source(%dma_start3A_532 : memref<1x64xf32, #tpu.memory_space<hbm>>) target(%dma_start3A_530 : memref<1x64xf32, #tpu.memory_space<vmem>>) target_semaphore(%arg9 : memref<!tpu.dma_semaphore, #tpu.memory_space<semaphore_mem>>)
        %slice3A_533 = vector.extract_strided_slice %get3A_448 {offsets = [7], sizes = [1], strides = [1]} : vector<16xi32> to vector<1xi32>
        %squeeze3A_534 = vector.extract %slice3A_533[0] : i32 from vector<1xi32>
        %add3A_535 = arith.constant 7 : i32
        %add3A_536 = arith.addi %add3A_444, %add3A_535 : i32
        %dma_start3A_537 = arith.constant 0 : i32
        %dma_start3A_538 = tpu.memref_slice %arg6[%add3A_536, %dma_start3A_537] : memref<200x64xf32, #tpu.memory_space<vmem>> -> memref<1x64xf32, #tpu.memory_space<vmem>>
        %dma_start3A_539 = arith.constant 0 : i32
        %dma_start3A_540 = tpu.memref_slice %arg3[%squeeze3A_534, %dma_start3A_539] : memref<1000000x64xf32, #tpu.memory_space<hbm>> -> memref<1x64xf32, #tpu.memory_space<hbm>>
        %dma_start3A_541 = arith.constant 0 : i32
        %dma_start3A_542 = tpu.memref_slice %arg6[%add3A_536, %dma_start3A_541] : memref<200x64xf32, #tpu.memory_space<vmem>> -> memref<1x64xf32, #tpu.memory_space<vmem>>
        %dma_start3A_543 = arith.constant 0 : i32
        %dma_start3A_544 = tpu.memref_slice %arg3[%squeeze3A_534, %dma_start3A_543] : memref<1000000x64xf32, #tpu.memory_space<hbm>> -> memref<1x64xf32, #tpu.memory_space<hbm>>
        tpu.enqueue_dma source(%dma_start3A_544 : memref<1x64xf32, #tpu.memory_space<hbm>>) target(%dma_start3A_542 : memref<1x64xf32, #tpu.memory_space<vmem>>) target_semaphore(%arg9 : memref<!tpu.dma_semaphore, #tpu.memory_space<semaphore_mem>>)
        %slice3A_545 = vector.extract_strided_slice %get3A_448 {offsets = [8], sizes = [1], strides = [1]} : vector<16xi32> to vector<1xi32>
        %squeeze3A_546 = vector.extract %slice3A_545[0] : i32 from vector<1xi32>
        %add3A_547 = arith.constant 8 : i32
        %add3A_548 = arith.addi %add3A_444, %add3A_547 : i32
        %dma_start3A_549 = arith.constant 0 : i32
        %dma_start3A_550 = tpu.memref_slice %arg6[%add3A_548, %dma_start3A_549] : memref<200x64xf32, #tpu.memory_space<vmem>> -> memref<1x64xf32, #tpu.memory_space<vmem>>
        %dma_start3A_551 = arith.constant 0 : i32
        %dma_start3A_552 = tpu.memref_slice %arg3[%squeeze3A_546, %dma_start3A_551] : memref<1000000x64xf32, #tpu.memory_space<hbm>> -> memref<1x64xf32, #tpu.memory_space<hbm>>
        %dma_start3A_553 = arith.constant 0 : i32
        %dma_start3A_554 = tpu.memref_slice %arg6[%add3A_548, %dma_start3A_553] : memref<200x64xf32, #tpu.memory_space<vmem>> -> memref<1x64xf32, #tpu.memory_space<vmem>>
        %dma_start3A_555 = arith.constant 0 : i32
        %dma_start3A_556 = tpu.memref_slice %arg3[%squeeze3A_546, %dma_start3A_555] : memref<1000000x64xf32, #tpu.memory_space<hbm>> -> memref<1x64xf32, #tpu.memory_space<hbm>>
        tpu.enqueue_dma source(%dma_start3A_556 : memref<1x64xf32, #tpu.memory_space<hbm>>) target(%dma_start3A_554 : memref<1x64xf32, #tpu.memory_space<vmem>>) target_semaphore(%arg9 : memref<!tpu.dma_semaphore, #tpu.memory_space<semaphore_mem>>)
        %slice3A_557 = vector.extract_strided_slice %get3A_448 {offsets = [9], sizes = [1], strides = [1]} : vector<16xi32> to vector<1xi32>
        %squeeze3A_558 = vector.extract %slice3A_557[0] : i32 from vector<1xi32>
        %add3A_559 = arith.constant 9 : i32
        %add3A_560 = arith.addi %add3A_444, %add3A_559 : i32
        %dma_start3A_561 = arith.constant 0 : i32
        %dma_start3A_562 = tpu.memref_slice %arg6[%add3A_560, %dma_start3A_561] : memref<200x64xf32, #tpu.memory_space<vmem>> -> memref<1x64xf32, #tpu.memory_space<vmem>>
        %dma_start3A_563 = arith.constant 0 : i32
        %dma_start3A_564 = tpu.memref_slice %arg3[%squeeze3A_558, %dma_start3A_563] : memref<1000000x64xf32, #tpu.memory_space<hbm>> -> memref<1x64xf32, #tpu.memory_space<hbm>>
        %dma_start3A_565 = arith.constant 0 : i32
        %dma_start3A_566 = tpu.memref_slice %arg6[%add3A_560, %dma_start3A_565] : memref<200x64xf32, #tpu.memory_space<vmem>> -> memref<1x64xf32, #tpu.memory_space<vmem>>
        %dma_start3A_567 = arith.constant 0 : i32
        %dma_start3A_568 = tpu.memref_slice %arg3[%squeeze3A_558, %dma_start3A_567] : memref<1000000x64xf32, #tpu.memory_space<hbm>> -> memref<1x64xf32, #tpu.memory_space<hbm>>
        tpu.enqueue_dma source(%dma_start3A_568 : memref<1x64xf32, #tpu.memory_space<hbm>>) target(%dma_start3A_566 : memref<1x64xf32, #tpu.memory_space<vmem>>) target_semaphore(%arg9 : memref<!tpu.dma_semaphore, #tpu.memory_space<semaphore_mem>>)
        %slice3A_569 = vector.extract_strided_slice %get3A_448 {offsets = [10], sizes = [1], strides = [1]} : vector<16xi32> to vector<1xi32>
        %squeeze3A_570 = vector.extract %slice3A_569[0] : i32 from vector<1xi32>
        %add3A_571 = arith.constant 10 : i32
        %add3A_572 = arith.addi %add3A_444, %add3A_571 : i32
        %dma_start3A_573 = arith.constant 0 : i32
        %dma_start3A_574 = tpu.memref_slice %arg6[%add3A_572, %dma_start3A_573] : memref<200x64xf32, #tpu.memory_space<vmem>> -> memref<1x64xf32, #tpu.memory_space<vmem>>
        %dma_start3A_575 = arith.constant 0 : i32
        %dma_start3A_576 = tpu.memref_slice %arg3[%squeeze3A_570, %dma_start3A_575] : memref<1000000x64xf32, #tpu.memory_space<hbm>> -> memref<1x64xf32, #tpu.memory_space<hbm>>
        %dma_start3A_577 = arith.constant 0 : i32
        %dma_start3A_578 = tpu.memref_slice %arg6[%add3A_572, %dma_start3A_577] : memref<200x64xf32, #tpu.memory_space<vmem>> -> memref<1x64xf32, #tpu.memory_space<vmem>>
        %dma_start3A_579 = arith.constant 0 : i32
        %dma_start3A_580 = tpu.memref_slice %arg3[%squeeze3A_570, %dma_start3A_579] : memref<1000000x64xf32, #tpu.memory_space<hbm>> -> memref<1x64xf32, #tpu.memory_space<hbm>>
        tpu.enqueue_dma source(%dma_start3A_580 : memref<1x64xf32, #tpu.memory_space<hbm>>) target(%dma_start3A_578 : memref<1x64xf32, #tpu.memory_space<vmem>>) target_semaphore(%arg9 : memref<!tpu.dma_semaphore, #tpu.memory_space<semaphore_mem>>)
        %slice3A_581 = vector.extract_strided_slice %get3A_448 {offsets = [11], sizes = [1], strides = [1]} : vector<16xi32> to vector<1xi32>
        %squeeze3A_582 = vector.extract %slice3A_581[0] : i32 from vector<1xi32>
        %add3A_583 = arith.constant 11 : i32
        %add3A_584 = arith.addi %add3A_444, %add3A_583 : i32
        %dma_start3A_585 = arith.constant 0 : i32
        %dma_start3A_586 = tpu.memref_slice %arg6[%add3A_584, %dma_start3A_585] : memref<200x64xf32, #tpu.memory_space<vmem>> -> memref<1x64xf32, #tpu.memory_space<vmem>>
        %dma_start3A_587 = arith.constant 0 : i32
        %dma_start3A_588 = tpu.memref_slice %arg3[%squeeze3A_582, %dma_start3A_587] : memref<1000000x64xf32, #tpu.memory_space<hbm>> -> memref<1x64xf32, #tpu.memory_space<hbm>>
        %dma_start3A_589 = arith.constant 0 : i32
        %dma_start3A_590 = tpu.memref_slice %arg6[%add3A_584, %dma_start3A_589] : memref<200x64xf32, #tpu.memory_space<vmem>> -> memref<1x64xf32, #tpu.memory_space<vmem>>
        %dma_start3A_591 = arith.constant 0 : i32
        %dma_start3A_592 = tpu.memref_slice %arg3[%squeeze3A_582, %dma_start3A_591] : memref<1000000x64xf32, #tpu.memory_space<hbm>> -> memref<1x64xf32, #tpu.memory_space<hbm>>
        tpu.enqueue_dma source(%dma_start3A_592 : memref<1x64xf32, #tpu.memory_space<hbm>>) target(%dma_start3A_590 : memref<1x64xf32, #tpu.memory_space<vmem>>) target_semaphore(%arg9 : memref<!tpu.dma_semaphore, #tpu.memory_space<semaphore_mem>>)
        %slice3A_593 = vector.extract_strided_slice %get3A_448 {offsets = [12], sizes = [1], strides = [1]} : vector<16xi32> to vector<1xi32>
        %squeeze3A_594 = vector.extract %slice3A_593[0] : i32 from vector<1xi32>
        %add3A_595 = arith.constant 12 : i32
        %add3A_596 = arith.addi %add3A_444, %add3A_595 : i32
        %dma_start3A_597 = arith.constant 0 : i32
        %dma_start3A_598 = tpu.memref_slice %arg6[%add3A_596, %dma_start3A_597] : memref<200x64xf32, #tpu.memory_space<vmem>> -> memref<1x64xf32, #tpu.memory_space<vmem>>
        %dma_start3A_599 = arith.constant 0 : i32
        %dma_start3A_600 = tpu.memref_slice %arg3[%squeeze3A_594, %dma_start3A_599] : memref<1000000x64xf32, #tpu.memory_space<hbm>> -> memref<1x64xf32, #tpu.memory_space<hbm>>
        %dma_start3A_601 = arith.constant 0 : i32
        %dma_start3A_602 = tpu.memref_slice %arg6[%add3A_596, %dma_start3A_601] : memref<200x64xf32, #tpu.memory_space<vmem>> -> memref<1x64xf32, #tpu.memory_space<vmem>>
        %dma_start3A_603 = arith.constant 0 : i32
        %dma_start3A_604 = tpu.memref_slice %arg3[%squeeze3A_594, %dma_start3A_603] : memref<1000000x64xf32, #tpu.memory_space<hbm>> -> memref<1x64xf32, #tpu.memory_space<hbm>>
        tpu.enqueue_dma source(%dma_start3A_604 : memref<1x64xf32, #tpu.memory_space<hbm>>) target(%dma_start3A_602 : memref<1x64xf32, #tpu.memory_space<vmem>>) target_semaphore(%arg9 : memref<!tpu.dma_semaphore, #tpu.memory_space<semaphore_mem>>)
        %slice3A_605 = vector.extract_strided_slice %get3A_448 {offsets = [13], sizes = [1], strides = [1]} : vector<16xi32> to vector<1xi32>
        %squeeze3A_606 = vector.extract %slice3A_605[0] : i32 from vector<1xi32>
        %add3A_607 = arith.constant 13 : i32
        %add3A_608 = arith.addi %add3A_444, %add3A_607 : i32
        %dma_start3A_609 = arith.constant 0 : i32
        %dma_start3A_610 = tpu.memref_slice %arg6[%add3A_608, %dma_start3A_609] : memref<200x64xf32, #tpu.memory_space<vmem>> -> memref<1x64xf32, #tpu.memory_space<vmem>>
        %dma_start3A_611 = arith.constant 0 : i32
        %dma_start3A_612 = tpu.memref_slice %arg3[%squeeze3A_606, %dma_start3A_611] : memref<1000000x64xf32, #tpu.memory_space<hbm>> -> memref<1x64xf32, #tpu.memory_space<hbm>>
        %dma_start3A_613 = arith.constant 0 : i32
        %dma_start3A_614 = tpu.memref_slice %arg6[%add3A_608, %dma_start3A_613] : memref<200x64xf32, #tpu.memory_space<vmem>> -> memref<1x64xf32, #tpu.memory_space<vmem>>
        %dma_start3A_615 = arith.constant 0 : i32
        %dma_start3A_616 = tpu.memref_slice %arg3[%squeeze3A_606, %dma_start3A_615] : memref<1000000x64xf32, #tpu.memory_space<hbm>> -> memref<1x64xf32, #tpu.memory_space<hbm>>
        tpu.enqueue_dma source(%dma_start3A_616 : memref<1x64xf32, #tpu.memory_space<hbm>>) target(%dma_start3A_614 : memref<1x64xf32, #tpu.memory_space<vmem>>) target_semaphore(%arg9 : memref<!tpu.dma_semaphore, #tpu.memory_space<semaphore_mem>>)
        %slice3A_617 = vector.extract_strided_slice %get3A_448 {offsets = [14], sizes = [1], strides = [1]} : vector<16xi32> to vector<1xi32>
        %squeeze3A_618 = vector.extract %slice3A_617[0] : i32 from vector<1xi32>
        %add3A_619 = arith.constant 14 : i32
        %add3A_620 = arith.addi %add3A_444, %add3A_619 : i32
        %dma_start3A_621 = arith.constant 0 : i32
        %dma_start3A_622 = tpu.memref_slice %arg6[%add3A_620, %dma_start3A_621] : memref<200x64xf32, #tpu.memory_space<vmem>> -> memref<1x64xf32, #tpu.memory_space<vmem>>
        %dma_start3A_623 = arith.constant 0 : i32
        %dma_start3A_624 = tpu.memref_slice %arg3[%squeeze3A_618, %dma_start3A_623] : memref<1000000x64xf32, #tpu.memory_space<hbm>> -> memref<1x64xf32, #tpu.memory_space<hbm>>
        %dma_start3A_625 = arith.constant 0 : i32
        %dma_start3A_626 = tpu.memref_slice %arg6[%add3A_620, %dma_start3A_625] : memref<200x64xf32, #tpu.memory_space<vmem>> -> memref<1x64xf32, #tpu.memory_space<vmem>>
        %dma_start3A_627 = arith.constant 0 : i32
        %dma_start3A_628 = tpu.memref_slice %arg3[%squeeze3A_618, %dma_start3A_627] : memref<1000000x64xf32, #tpu.memory_space<hbm>> -> memref<1x64xf32, #tpu.memory_space<hbm>>
        tpu.enqueue_dma source(%dma_start3A_628 : memref<1x64xf32, #tpu.memory_space<hbm>>) target(%dma_start3A_626 : memref<1x64xf32, #tpu.memory_space<vmem>>) target_semaphore(%arg9 : memref<!tpu.dma_semaphore, #tpu.memory_space<semaphore_mem>>)
        %slice3A_629 = vector.extract_strided_slice %get3A_448 {offsets = [15], sizes = [1], strides = [1]} : vector<16xi32> to vector<1xi32>
        %squeeze3A_630 = vector.extract %slice3A_629[0] : i32 from vector<1xi32>
        %add3A_631 = arith.constant 15 : i32
        %add3A_632 = arith.addi %add3A_444, %add3A_631 : i32
        %dma_start3A_633 = arith.constant 0 : i32
        %dma_start3A_634 = tpu.memref_slice %arg6[%add3A_632, %dma_start3A_633] : memref<200x64xf32, #tpu.memory_space<vmem>> -> memref<1x64xf32, #tpu.memory_space<vmem>>
        %dma_start3A_635 = arith.constant 0 : i32
        %dma_start3A_636 = tpu.memref_slice %arg3[%squeeze3A_630, %dma_start3A_635] : memref<1000000x64xf32, #tpu.memory_space<hbm>> -> memref<1x64xf32, #tpu.memory_space<hbm>>
        %dma_start3A_637 = arith.constant 0 : i32
        %dma_start3A_638 = tpu.memref_slice %arg6[%add3A_632, %dma_start3A_637] : memref<200x64xf32, #tpu.memory_space<vmem>> -> memref<1x64xf32, #tpu.memory_space<vmem>>
        %dma_start3A_639 = arith.constant 0 : i32
        %dma_start3A_640 = tpu.memref_slice %arg3[%squeeze3A_630, %dma_start3A_639] : memref<1000000x64xf32, #tpu.memory_space<hbm>> -> memref<1x64xf32, #tpu.memory_space<hbm>>
        tpu.enqueue_dma source(%dma_start3A_640 : memref<1x64xf32, #tpu.memory_space<hbm>>) target(%dma_start3A_638 : memref<1x64xf32, #tpu.memory_space<vmem>>) target_semaphore(%arg9 : memref<!tpu.dma_semaphore, #tpu.memory_space<semaphore_mem>>)
        %mul3A_641 = arith.constant 32 : i32
        %mul3A_642 = arith.muli %mul3A_641, %scan3A_440 : i32
        %add3A_643 = arith.constant 16 : i32
        %add3A_644 = arith.addi %mul3A_642, %add3A_643 : i32
        %get3A_645 = arith.index_cast %min3A_281 : i32 to index
        %get3A_646 = arith.index_cast %add3A_644 : i32 to index
        %get3A_647 = tpu.vector_load %arg5[%get3A_645, %get3A_646] {strides = array<i32>} : memref<128x200xi32, #tpu.memory_space<vmem>>, vector<1x16xi32>,
        %get3A_648 = vector.shape_cast %get3A_647 : vector<1x16xi32> to vector<16xi32>
        %slice3A_649 = vector.extract_strided_slice %get3A_648 {offsets = [0], sizes = [1], strides = [1]} : vector<16xi32> to vector<1xi32>
        %squeeze3A_650 = vector.extract %slice3A_649[0] : i32 from vector<1xi32>
        %add3A_651 = arith.constant 0 : i32
        %add3A_652 = arith.addi %add3A_644, %add3A_651 : i32
        %dma_start3A_653 = arith.constant 0 : i32
        %dma_start3A_654 = tpu.memref_slice %arg6[%add3A_652, %dma_start3A_653] : memref<200x64xf32, #tpu.memory_space<vmem>> -> memref<1x64xf32, #tpu.memory_space<vmem>>
        %dma_start3A_655 = arith.constant 0 : i32
        %dma_start3A_656 = tpu.memref_slice %arg3[%squeeze3A_650, %dma_start3A_655] : memref<1000000x64xf32, #tpu.memory_space<hbm>> -> memref<1x64xf32, #tpu.memory_space<hbm>>
        %dma_start3A_657 = arith.constant 0 : i32
        %dma_start3A_658 = tpu.memref_slice %arg6[%add3A_652, %dma_start3A_657] : memref<200x64xf32, #tpu.memory_space<vmem>> -> memref<1x64xf32, #tpu.memory_space<vmem>>
        %dma_start3A_659 = arith.constant 0 : i32
        %dma_start3A_660 = tpu.memref_slice %arg3[%squeeze3A_650, %dma_start3A_659] : memref<1000000x64xf32, #tpu.memory_space<hbm>> -> memref<1x64xf32, #tpu.memory_space<hbm>>
        tpu.enqueue_dma source(%dma_start3A_660 : memref<1x64xf32, #tpu.memory_space<hbm>>) target(%dma_start3A_658 : memref<1x64xf32, #tpu.memory_space<vmem>>) target_semaphore(%arg9 : memref<!tpu.dma_semaphore, #tpu.memory_space<semaphore_mem>>)
        %slice3A_661 = vector.extract_strided_slice %get3A_648 {offsets = [1], sizes = [1], strides = [1]} : vector<16xi32> to vector<1xi32>
        %squeeze3A_662 = vector.extract %slice3A_661[0] : i32 from vector<1xi32>
        %add3A_663 = arith.constant 1 : i32
        %add3A_664 = arith.addi %add3A_644, %add3A_663 : i32
        %dma_start3A_665 = arith.constant 0 : i32
        %dma_start3A_666 = tpu.memref_slice %arg6[%add3A_664, %dma_start3A_665] : memref<200x64xf32, #tpu.memory_space<vmem>> -> memref<1x64xf32, #tpu.memory_space<vmem>>
        %dma_start3A_667 = arith.constant 0 : i32
        %dma_start3A_668 = tpu.memref_slice %arg3[%squeeze3A_662, %dma_start3A_667] : memref<1000000x64xf32, #tpu.memory_space<hbm>> -> memref<1x64xf32, #tpu.memory_space<hbm>>
        %dma_start3A_669 = arith.constant 0 : i32
        %dma_start3A_670 = tpu.memref_slice %arg6[%add3A_664, %dma_start3A_669] : memref<200x64xf32, #tpu.memory_space<vmem>> -> memref<1x64xf32, #tpu.memory_space<vmem>>
        %dma_start3A_671 = arith.constant 0 : i32
        %dma_start3A_672 = tpu.memref_slice %arg3[%squeeze3A_662, %dma_start3A_671] : memref<1000000x64xf32, #tpu.memory_space<hbm>> -> memref<1x64xf32, #tpu.memory_space<hbm>>
        tpu.enqueue_dma source(%dma_start3A_672 : memref<1x64xf32, #tpu.memory_space<hbm>>) target(%dma_start3A_670 : memref<1x64xf32, #tpu.memory_space<vmem>>) target_semaphore(%arg9 : memref<!tpu.dma_semaphore, #tpu.memory_space<semaphore_mem>>)
        %slice3A_673 = vector.extract_strided_slice %get3A_648 {offsets = [2], sizes = [1], strides = [1]} : vector<16xi32> to vector<1xi32>
        %squeeze3A_674 = vector.extract %slice3A_673[0] : i32 from vector<1xi32>
        %add3A_675 = arith.constant 2 : i32
        %add3A_676 = arith.addi %add3A_644, %add3A_675 : i32
        %dma_start3A_677 = arith.constant 0 : i32
        %dma_start3A_678 = tpu.memref_slice %arg6[%add3A_676, %dma_start3A_677] : memref<200x64xf32, #tpu.memory_space<vmem>> -> memref<1x64xf32, #tpu.memory_space<vmem>>
        %dma_start3A_679 = arith.constant 0 : i32
        %dma_start3A_680 = tpu.memref_slice %arg3[%squeeze3A_674, %dma_start3A_679] : memref<1000000x64xf32, #tpu.memory_space<hbm>> -> memref<1x64xf32, #tpu.memory_space<hbm>>
        %dma_start3A_681 = arith.constant 0 : i32
        %dma_start3A_682 = tpu.memref_slice %arg6[%add3A_676, %dma_start3A_681] : memref<200x64xf32, #tpu.memory_space<vmem>> -> memref<1x64xf32, #tpu.memory_space<vmem>>
        %dma_start3A_683 = arith.constant 0 : i32
        %dma_start3A_684 = tpu.memref_slice %arg3[%squeeze3A_674, %dma_start3A_683] : memref<1000000x64xf32, #tpu.memory_space<hbm>> -> memref<1x64xf32, #tpu.memory_space<hbm>>
        tpu.enqueue_dma source(%dma_start3A_684 : memref<1x64xf32, #tpu.memory_space<hbm>>) target(%dma_start3A_682 : memref<1x64xf32, #tpu.memory_space<vmem>>) target_semaphore(%arg9 : memref<!tpu.dma_semaphore, #tpu.memory_space<semaphore_mem>>)
        %slice3A_685 = vector.extract_strided_slice %get3A_648 {offsets = [3], sizes = [1], strides = [1]} : vector<16xi32> to vector<1xi32>
        %squeeze3A_686 = vector.extract %slice3A_685[0] : i32 from vector<1xi32>
        %add3A_687 = arith.constant 3 : i32
        %add3A_688 = arith.addi %add3A_644, %add3A_687 : i32
        %dma_start3A_689 = arith.constant 0 : i32
        %dma_start3A_690 = tpu.memref_slice %arg6[%add3A_688, %dma_start3A_689] : memref<200x64xf32, #tpu.memory_space<vmem>> -> memref<1x64xf32, #tpu.memory_space<vmem>>
        %dma_start3A_691 = arith.constant 0 : i32
        %dma_start3A_692 = tpu.memref_slice %arg3[%squeeze3A_686, %dma_start3A_691] : memref<1000000x64xf32, #tpu.memory_space<hbm>> -> memref<1x64xf32, #tpu.memory_space<hbm>>
        %dma_start3A_693 = arith.constant 0 : i32
        %dma_start3A_694 = tpu.memref_slice %arg6[%add3A_688, %dma_start3A_693] : memref<200x64xf32, #tpu.memory_space<vmem>> -> memref<1x64xf32, #tpu.memory_space<vmem>>
        %dma_start3A_695 = arith.constant 0 : i32
        %dma_start3A_696 = tpu.memref_slice %arg3[%squeeze3A_686, %dma_start3A_695] : memref<1000000x64xf32, #tpu.memory_space<hbm>> -> memref<1x64xf32, #tpu.memory_space<hbm>>
        tpu.enqueue_dma source(%dma_start3A_696 : memref<1x64xf32, #tpu.memory_space<hbm>>) target(%dma_start3A_694 : memref<1x64xf32, #tpu.memory_space<vmem>>) target_semaphore(%arg9 : memref<!tpu.dma_semaphore, #tpu.memory_space<semaphore_mem>>)
        %slice3A_697 = vector.extract_strided_slice %get3A_648 {offsets = [4], sizes = [1], strides = [1]} : vector<16xi32> to vector<1xi32>
        %squeeze3A_698 = vector.extract %slice3A_697[0] : i32 from vector<1xi32>
        %add3A_699 = arith.constant 4 : i32
        %add3A_700 = arith.addi %add3A_644, %add3A_699 : i32
        %dma_start3A_701 = arith.constant 0 : i32
        %dma_start3A_702 = tpu.memref_slice %arg6[%add3A_700, %dma_start3A_701] : memref<200x64xf32, #tpu.memory_space<vmem>> -> memref<1x64xf32, #tpu.memory_space<vmem>>
        %dma_start3A_703 = arith.constant 0 : i32
        %dma_start3A_704 = tpu.memref_slice %arg3[%squeeze3A_698, %dma_start3A_703] : memref<1000000x64xf32, #tpu.memory_space<hbm>> -> memref<1x64xf32, #tpu.memory_space<hbm>>
        %dma_start3A_705 = arith.constant 0 : i32
        %dma_start3A_706 = tpu.memref_slice %arg6[%add3A_700, %dma_start3A_705] : memref<200x64xf32, #tpu.memory_space<vmem>> -> memref<1x64xf32, #tpu.memory_space<vmem>>
        %dma_start3A_707 = arith.constant 0 : i32
        %dma_start3A_708 = tpu.memref_slice %arg3[%squeeze3A_698, %dma_start3A_707] : memref<1000000x64xf32, #tpu.memory_space<hbm>> -> memref<1x64xf32, #tpu.memory_space<hbm>>
        tpu.enqueue_dma source(%dma_start3A_708 : memref<1x64xf32, #tpu.memory_space<hbm>>) target(%dma_start3A_706 : memref<1x64xf32, #tpu.memory_space<vmem>>) target_semaphore(%arg9 : memref<!tpu.dma_semaphore, #tpu.memory_space<semaphore_mem>>)
        %slice3A_709 = vector.extract_strided_slice %get3A_648 {offsets = [5], sizes = [1], strides = [1]} : vector<16xi32> to vector<1xi32>
        %squeeze3A_710 = vector.extract %slice3A_709[0] : i32 from vector<1xi32>
        %add3A_711 = arith.constant 5 : i32
        %add3A_712 = arith.addi %add3A_644, %add3A_711 : i32
        %dma_start3A_713 = arith.constant 0 : i32
        %dma_start3A_714 = tpu.memref_slice %arg6[%add3A_712, %dma_start3A_713] : memref<200x64xf32, #tpu.memory_space<vmem>> -> memref<1x64xf32, #tpu.memory_space<vmem>>
        %dma_start3A_715 = arith.constant 0 : i32
        %dma_start3A_716 = tpu.memref_slice %arg3[%squeeze3A_710, %dma_start3A_715] : memref<1000000x64xf32, #tpu.memory_space<hbm>> -> memref<1x64xf32, #tpu.memory_space<hbm>>
        %dma_start3A_717 = arith.constant 0 : i32
        %dma_start3A_718 = tpu.memref_slice %arg6[%add3A_712, %dma_start3A_717] : memref<200x64xf32, #tpu.memory_space<vmem>> -> memref<1x64xf32, #tpu.memory_space<vmem>>
        %dma_start3A_719 = arith.constant 0 : i32
        %dma_start3A_720 = tpu.memref_slice %arg3[%squeeze3A_710, %dma_start3A_719] : memref<1000000x64xf32, #tpu.memory_space<hbm>> -> memref<1x64xf32, #tpu.memory_space<hbm>>
        tpu.enqueue_dma source(%dma_start3A_720 : memref<1x64xf32, #tpu.memory_space<hbm>>) target(%dma_start3A_718 : memref<1x64xf32, #tpu.memory_space<vmem>>) target_semaphore(%arg9 : memref<!tpu.dma_semaphore, #tpu.memory_space<semaphore_mem>>)
        %slice3A_721 = vector.extract_strided_slice %get3A_648 {offsets = [6], sizes = [1], strides = [1]} : vector<16xi32> to vector<1xi32>
        %squeeze3A_722 = vector.extract %slice3A_721[0] : i32 from vector<1xi32>
        %add3A_723 = arith.constant 6 : i32
        %add3A_724 = arith.addi %add3A_644, %add3A_723 : i32
        %dma_start3A_725 = arith.constant 0 : i32
        %dma_start3A_726 = tpu.memref_slice %arg6[%add3A_724, %dma_start3A_725] : memref<200x64xf32, #tpu.memory_space<vmem>> -> memref<1x64xf32, #tpu.memory_space<vmem>>
        %dma_start3A_727 = arith.constant 0 : i32
        %dma_start3A_728 = tpu.memref_slice %arg3[%squeeze3A_722, %dma_start3A_727] : memref<1000000x64xf32, #tpu.memory_space<hbm>> -> memref<1x64xf32, #tpu.memory_space<hbm>>
        %dma_start3A_729 = arith.constant 0 : i32
        %dma_start3A_730 = tpu.memref_slice %arg6[%add3A_724, %dma_start3A_729] : memref<200x64xf32, #tpu.memory_space<vmem>> -> memref<1x64xf32, #tpu.memory_space<vmem>>
        %dma_start3A_731 = arith.constant 0 : i32
        %dma_start3A_732 = tpu.memref_slice %arg3[%squeeze3A_722, %dma_start3A_731] : memref<1000000x64xf32, #tpu.memory_space<hbm>> -> memref<1x64xf32, #tpu.memory_space<hbm>>
        tpu.enqueue_dma source(%dma_start3A_732 : memref<1x64xf32, #tpu.memory_space<hbm>>) target(%dma_start3A_730 : memref<1x64xf32, #tpu.memory_space<vmem>>) target_semaphore(%arg9 : memref<!tpu.dma_semaphore, #tpu.memory_space<semaphore_mem>>)
        %slice3A_733 = vector.extract_strided_slice %get3A_648 {offsets = [7], sizes = [1], strides = [1]} : vector<16xi32> to vector<1xi32>
        %squeeze3A_734 = vector.extract %slice3A_733[0] : i32 from vector<1xi32>
        %add3A_735 = arith.constant 7 : i32
        %add3A_736 = arith.addi %add3A_644, %add3A_735 : i32
        %dma_start3A_737 = arith.constant 0 : i32
        %dma_start3A_738 = tpu.memref_slice %arg6[%add3A_736, %dma_start3A_737] : memref<200x64xf32, #tpu.memory_space<vmem>> -> memref<1x64xf32, #tpu.memory_space<vmem>>
        %dma_start3A_739 = arith.constant 0 : i32
        %dma_start3A_740 = tpu.memref_slice %arg3[%squeeze3A_734, %dma_start3A_739] : memref<1000000x64xf32, #tpu.memory_space<hbm>> -> memref<1x64xf32, #tpu.memory_space<hbm>>
        %dma_start3A_741 = arith.constant 0 : i32
        %dma_start3A_742 = tpu.memref_slice %arg6[%add3A_736, %dma_start3A_741] : memref<200x64xf32, #tpu.memory_space<vmem>> -> memref<1x64xf32, #tpu.memory_space<vmem>>
        %dma_start3A_743 = arith.constant 0 : i32
        %dma_start3A_744 = tpu.memref_slice %arg3[%squeeze3A_734, %dma_start3A_743] : memref<1000000x64xf32, #tpu.memory_space<hbm>> -> memref<1x64xf32, #tpu.memory_space<hbm>>
        tpu.enqueue_dma source(%dma_start3A_744 : memref<1x64xf32, #tpu.memory_space<hbm>>) target(%dma_start3A_742 : memref<1x64xf32, #tpu.memory_space<vmem>>) target_semaphore(%arg9 : memref<!tpu.dma_semaphore, #tpu.memory_space<semaphore_mem>>)
        %slice3A_745 = vector.extract_strided_slice %get3A_648 {offsets = [8], sizes = [1], strides = [1]} : vector<16xi32> to vector<1xi32>
        %squeeze3A_746 = vector.extract %slice3A_745[0] : i32 from vector<1xi32>
        %add3A_747 = arith.constant 8 : i32
        %add3A_748 = arith.addi %add3A_644, %add3A_747 : i32
        %dma_start3A_749 = arith.constant 0 : i32
        %dma_start3A_750 = tpu.memref_slice %arg6[%add3A_748, %dma_start3A_749] : memref<200x64xf32, #tpu.memory_space<vmem>> -> memref<1x64xf32, #tpu.memory_space<vmem>>
        %dma_start3A_751 = arith.constant 0 : i32
        %dma_start3A_752 = tpu.memref_slice %arg3[%squeeze3A_746, %dma_start3A_751] : memref<1000000x64xf32, #tpu.memory_space<hbm>> -> memref<1x64xf32, #tpu.memory_space<hbm>>
        %dma_start3A_753 = arith.constant 0 : i32
        %dma_start3A_754 = tpu.memref_slice %arg6[%add3A_748, %dma_start3A_753] : memref<200x64xf32, #tpu.memory_space<vmem>> -> memref<1x64xf32, #tpu.memory_space<vmem>>
        %dma_start3A_755 = arith.constant 0 : i32
        %dma_start3A_756 = tpu.memref_slice %arg3[%squeeze3A_746, %dma_start3A_755] : memref<1000000x64xf32, #tpu.memory_space<hbm>> -> memref<1x64xf32, #tpu.memory_space<hbm>>
        tpu.enqueue_dma source(%dma_start3A_756 : memref<1x64xf32, #tpu.memory_space<hbm>>) target(%dma_start3A_754 : memref<1x64xf32, #tpu.memory_space<vmem>>) target_semaphore(%arg9 : memref<!tpu.dma_semaphore, #tpu.memory_space<semaphore_mem>>)
        %slice3A_757 = vector.extract_strided_slice %get3A_648 {offsets = [9], sizes = [1], strides = [1]} : vector<16xi32> to vector<1xi32>
        %squeeze3A_758 = vector.extract %slice3A_757[0] : i32 from vector<1xi32>
        %add3A_759 = arith.constant 9 : i32
        %add3A_760 = arith.addi %add3A_644, %add3A_759 : i32
        %dma_start3A_761 = arith.constant 0 : i32
        %dma_start3A_762 = tpu.memref_slice %arg6[%add3A_760, %dma_start3A_761] : memref<200x64xf32, #tpu.memory_space<vmem>> -> memref<1x64xf32, #tpu.memory_space<vmem>>
        %dma_start3A_763 = arith.constant 0 : i32
        %dma_start3A_764 = tpu.memref_slice %arg3[%squeeze3A_758, %dma_start3A_763] : memref<1000000x64xf32, #tpu.memory_space<hbm>> -> memref<1x64xf32, #tpu.memory_space<hbm>>
        %dma_start3A_765 = arith.constant 0 : i32
        %dma_start3A_766 = tpu.memref_slice %arg6[%add3A_760, %dma_start3A_765] : memref<200x64xf32, #tpu.memory_space<vmem>> -> memref<1x64xf32, #tpu.memory_space<vmem>>
        %dma_start3A_767 = arith.constant 0 : i32
        %dma_start3A_768 = tpu.memref_slice %arg3[%squeeze3A_758, %dma_start3A_767] : memref<1000000x64xf32, #tpu.memory_space<hbm>> -> memref<1x64xf32, #tpu.memory_space<hbm>>
        tpu.enqueue_dma source(%dma_start3A_768 : memref<1x64xf32, #tpu.memory_space<hbm>>) target(%dma_start3A_766 : memref<1x64xf32, #tpu.memory_space<vmem>>) target_semaphore(%arg9 : memref<!tpu.dma_semaphore, #tpu.memory_space<semaphore_mem>>)
        %slice3A_769 = vector.extract_strided_slice %get3A_648 {offsets = [10], sizes = [1], strides = [1]} : vector<16xi32> to vector<1xi32>
        %squeeze3A_770 = vector.extract %slice3A_769[0] : i32 from vector<1xi32>
        %add3A_771 = arith.constant 10 : i32
        %add3A_772 = arith.addi %add3A_644, %add3A_771 : i32
        %dma_start3A_773 = arith.constant 0 : i32
        %dma_start3A_774 = tpu.memref_slice %arg6[%add3A_772, %dma_start3A_773] : memref<200x64xf32, #tpu.memory_space<vmem>> -> memref<1x64xf32, #tpu.memory_space<vmem>>
        %dma_start3A_775 = arith.constant 0 : i32
        %dma_start3A_776 = tpu.memref_slice %arg3[%squeeze3A_770, %dma_start3A_775] : memref<1000000x64xf32, #tpu.memory_space<hbm>> -> memref<1x64xf32, #tpu.memory_space<hbm>>
        %dma_start3A_777 = arith.constant 0 : i32
        %dma_start3A_778 = tpu.memref_slice %arg6[%add3A_772, %dma_start3A_777] : memref<200x64xf32, #tpu.memory_space<vmem>> -> memref<1x64xf32, #tpu.memory_space<vmem>>
        %dma_start3A_779 = arith.constant 0 : i32
        %dma_start3A_780 = tpu.memref_slice %arg3[%squeeze3A_770, %dma_start3A_779] : memref<1000000x64xf32, #tpu.memory_space<hbm>> -> memref<1x64xf32, #tpu.memory_space<hbm>>
        tpu.enqueue_dma source(%dma_start3A_780 : memref<1x64xf32, #tpu.memory_space<hbm>>) target(%dma_start3A_778 : memref<1x64xf32, #tpu.memory_space<vmem>>) target_semaphore(%arg9 : memref<!tpu.dma_semaphore, #tpu.memory_space<semaphore_mem>>)
        %slice3A_781 = vector.extract_strided_slice %get3A_648 {offsets = [11], sizes = [1], strides = [1]} : vector<16xi32> to vector<1xi32>
        %squeeze3A_782 = vector.extract %slice3A_781[0] : i32 from vector<1xi32>
        %add3A_783 = arith.constant 11 : i32
        %add3A_784 = arith.addi %add3A_644, %add3A_783 : i32
        %dma_start3A_785 = arith.constant 0 : i32
        %dma_start3A_786 = tpu.memref_slice %arg6[%add3A_784, %dma_start3A_785] : memref<200x64xf32, #tpu.memory_space<vmem>> -> memref<1x64xf32, #tpu.memory_space<vmem>>
        %dma_start3A_787 = arith.constant 0 : i32
        %dma_start3A_788 = tpu.memref_slice %arg3[%squeeze3A_782, %dma_start3A_787] : memref<1000000x64xf32, #tpu.memory_space<hbm>> -> memref<1x64xf32, #tpu.memory_space<hbm>>
        %dma_start3A_789 = arith.constant 0 : i32
        %dma_start3A_790 = tpu.memref_slice %arg6[%add3A_784, %dma_start3A_789] : memref<200x64xf32, #tpu.memory_space<vmem>> -> memref<1x64xf32, #tpu.memory_space<vmem>>
        %dma_start3A_791 = arith.constant 0 : i32
        %dma_start3A_792 = tpu.memref_slice %arg3[%squeeze3A_782, %dma_start3A_791] : memref<1000000x64xf32, #tpu.memory_space<hbm>> -> memref<1x64xf32, #tpu.memory_space<hbm>>
        tpu.enqueue_dma source(%dma_start3A_792 : memref<1x64xf32, #tpu.memory_space<hbm>>) target(%dma_start3A_790 : memref<1x64xf32, #tpu.memory_space<vmem>>) target_semaphore(%arg9 : memref<!tpu.dma_semaphore, #tpu.memory_space<semaphore_mem>>)
        %slice3A_793 = vector.extract_strided_slice %get3A_648 {offsets = [12], sizes = [1], strides = [1]} : vector<16xi32> to vector<1xi32>
        %squeeze3A_794 = vector.extract %slice3A_793[0] : i32 from vector<1xi32>
        %add3A_795 = arith.constant 12 : i32
        %add3A_796 = arith.addi %add3A_644, %add3A_795 : i32
        %dma_start3A_797 = arith.constant 0 : i32
        %dma_start3A_798 = tpu.memref_slice %arg6[%add3A_796, %dma_start3A_797] : memref<200x64xf32, #tpu.memory_space<vmem>> -> memref<1x64xf32, #tpu.memory_space<vmem>>
        %dma_start3A_799 = arith.constant 0 : i32
        %dma_start3A_800 = tpu.memref_slice %arg3[%squeeze3A_794, %dma_start3A_799] : memref<1000000x64xf32, #tpu.memory_space<hbm>> -> memref<1x64xf32, #tpu.memory_space<hbm>>
        %dma_start3A_801 = arith.constant 0 : i32
        %dma_start3A_802 = tpu.memref_slice %arg6[%add3A_796, %dma_start3A_801] : memref<200x64xf32, #tpu.memory_space<vmem>> -> memref<1x64xf32, #tpu.memory_space<vmem>>
        %dma_start3A_803 = arith.constant 0 : i32
        %dma_start3A_804 = tpu.memref_slice %arg3[%squeeze3A_794, %dma_start3A_803] : memref<1000000x64xf32, #tpu.memory_space<hbm>> -> memref<1x64xf32, #tpu.memory_space<hbm>>
        tpu.enqueue_dma source(%dma_start3A_804 : memref<1x64xf32, #tpu.memory_space<hbm>>) target(%dma_start3A_802 : memref<1x64xf32, #tpu.memory_space<vmem>>) target_semaphore(%arg9 : memref<!tpu.dma_semaphore, #tpu.memory_space<semaphore_mem>>)
        %slice3A_805 = vector.extract_strided_slice %get3A_648 {offsets = [13], sizes = [1], strides = [1]} : vector<16xi32> to vector<1xi32>
        %squeeze3A_806 = vector.extract %slice3A_805[0] : i32 from vector<1xi32>
        %add3A_807 = arith.constant 13 : i32
        %add3A_808 = arith.addi %add3A_644, %add3A_807 : i32
        %dma_start3A_809 = arith.constant 0 : i32
        %dma_start3A_810 = tpu.memref_slice %arg6[%add3A_808, %dma_start3A_809] : memref<200x64xf32, #tpu.memory_space<vmem>> -> memref<1x64xf32, #tpu.memory_space<vmem>>
        %dma_start3A_811 = arith.constant 0 : i32
        %dma_start3A_812 = tpu.memref_slice %arg3[%squeeze3A_806, %dma_start3A_811] : memref<1000000x64xf32, #tpu.memory_space<hbm>> -> memref<1x64xf32, #tpu.memory_space<hbm>>
        %dma_start3A_813 = arith.constant 0 : i32
        %dma_start3A_814 = tpu.memref_slice %arg6[%add3A_808, %dma_start3A_813] : memref<200x64xf32, #tpu.memory_space<vmem>> -> memref<1x64xf32, #tpu.memory_space<vmem>>
        %dma_start3A_815 = arith.constant 0 : i32
        %dma_start3A_816 = tpu.memref_slice %arg3[%squeeze3A_806, %dma_start3A_815] : memref<1000000x64xf32, #tpu.memory_space<hbm>> -> memref<1x64xf32, #tpu.memory_space<hbm>>
        tpu.enqueue_dma source(%dma_start3A_816 : memref<1x64xf32, #tpu.memory_space<hbm>>) target(%dma_start3A_814 : memref<1x64xf32, #tpu.memory_space<vmem>>) target_semaphore(%arg9 : memref<!tpu.dma_semaphore, #tpu.memory_space<semaphore_mem>>)
        %slice3A_817 = vector.extract_strided_slice %get3A_648 {offsets = [14], sizes = [1], strides = [1]} : vector<16xi32> to vector<1xi32>
        %squeeze3A_818 = vector.extract %slice3A_817[0] : i32 from vector<1xi32>
        %add3A_819 = arith.constant 14 : i32
        %add3A_820 = arith.addi %add3A_644, %add3A_819 : i32
        %dma_start3A_821 = arith.constant 0 : i32
        %dma_start3A_822 = tpu.memref_slice %arg6[%add3A_820, %dma_start3A_821] : memref<200x64xf32, #tpu.memory_space<vmem>> -> memref<1x64xf32, #tpu.memory_space<vmem>>
        %dma_start3A_823 = arith.constant 0 : i32
        %dma_start3A_824 = tpu.memref_slice %arg3[%squeeze3A_818, %dma_start3A_823] : memref<1000000x64xf32, #tpu.memory_space<hbm>> -> memref<1x64xf32, #tpu.memory_space<hbm>>
        %dma_start3A_825 = arith.constant 0 : i32
        %dma_start3A_826 = tpu.memref_slice %arg6[%add3A_820, %dma_start3A_825] : memref<200x64xf32, #tpu.memory_space<vmem>> -> memref<1x64xf32, #tpu.memory_space<vmem>>
        %dma_start3A_827 = arith.constant 0 : i32
        %dma_start3A_828 = tpu.memref_slice %arg3[%squeeze3A_818, %dma_start3A_827] : memref<1000000x64xf32, #tpu.memory_space<hbm>> -> memref<1x64xf32, #tpu.memory_space<hbm>>
        tpu.enqueue_dma source(%dma_start3A_828 : memref<1x64xf32, #tpu.memory_space<hbm>>) target(%dma_start3A_826 : memref<1x64xf32, #tpu.memory_space<vmem>>) target_semaphore(%arg9 : memref<!tpu.dma_semaphore, #tpu.memory_space<semaphore_mem>>)
        %slice3A_829 = vector.extract_strided_slice %get3A_648 {offsets = [15], sizes = [1], strides = [1]} : vector<16xi32> to vector<1xi32>
        %squeeze3A_830 = vector.extract %slice3A_829[0] : i32 from vector<1xi32>
        %add3A_831 = arith.constant 15 : i32
        %add3A_832 = arith.addi %add3A_644, %add3A_831 : i32
        %dma_start3A_833 = arith.constant 0 : i32
        %dma_start3A_834 = tpu.memref_slice %arg6[%add3A_832, %dma_start3A_833] : memref<200x64xf32, #tpu.memory_space<vmem>> -> memref<1x64xf32, #tpu.memory_space<vmem>>
        %dma_start3A_835 = arith.constant 0 : i32
        %dma_start3A_836 = tpu.memref_slice %arg3[%squeeze3A_830, %dma_start3A_835] : memref<1000000x64xf32, #tpu.memory_space<hbm>> -> memref<1x64xf32, #tpu.memory_space<hbm>>
        %dma_start3A_837 = arith.constant 0 : i32
        %dma_start3A_838 = tpu.memref_slice %arg6[%add3A_832, %dma_start3A_837] : memref<200x64xf32, #tpu.memory_space<vmem>> -> memref<1x64xf32, #tpu.memory_space<vmem>>
        %dma_start3A_839 = arith.constant 0 : i32
        %dma_start3A_840 = tpu.memref_slice %arg3[%squeeze3A_830, %dma_start3A_839] : memref<1000000x64xf32, #tpu.memory_space<hbm>> -> memref<1x64xf32, #tpu.memory_space<hbm>>
        tpu.enqueue_dma source(%dma_start3A_840 : memref<1x64xf32, #tpu.memory_space<hbm>>) target(%dma_start3A_838 : memref<1x64xf32, #tpu.memory_space<vmem>>) target_semaphore(%arg9 : memref<!tpu.dma_semaphore, #tpu.memory_space<semaphore_mem>>)
      }
      %scan3A_287 = arith.constant 6 : i32
      %get3A_288 = arith.index_cast %min3A_281 : i32 to index
      %get3A_289 = arith.constant 184 : index
      %get3A_290 = tpu.vector_load %arg5[%get3A_288, %get3A_289] {strides = array<i32>} : memref<128x200xi32, #tpu.memory_space<vmem>>, vector<1x16xi32>,
      %get3A_291 = vector.shape_cast %get3A_290 : vector<1x16xi32> to vector<16xi32>
      %slice3A_292 = vector.extract_strided_slice %get3A_291 {offsets = [8], sizes = [1], strides = [1]} : vector<16xi32> to vector<1xi32>
      %squeeze3A_293 = vector.extract %slice3A_292[0] : i32 from vector<1xi32>
      %dma_start3A_294 = arith.constant 192 : i32
      %dma_start3A_295 = arith.constant 0 : i32
      %dma_start3A_296 = tpu.memref_slice %arg6[%dma_start3A_294, %dma_start3A_295] : memref<200x64xf32, #tpu.memory_space<vmem>> -> memref<1x64xf32, #tpu.memory_space<vmem>>
      %dma_start3A_297 = arith.constant 0 : i32
      %dma_start3A_298 = tpu.memref_slice %arg3[%squeeze3A_293, %dma_start3A_297] : memref<1000000x64xf32, #tpu.memory_space<hbm>> -> memref<1x64xf32, #tpu.memory_space<hbm>>
      %dma_start3A_299 = arith.constant 192 : i32
      %dma_start3A_300 = arith.constant 0 : i32
      %dma_start3A_301 = tpu.memref_slice %arg6[%dma_start3A_299, %dma_start3A_300] : memref<200x64xf32, #tpu.memory_space<vmem>> -> memref<1x64xf32, #tpu.memory_space<vmem>>
      %dma_start3A_302 = arith.constant 0 : i32
      %dma_start3A_303 = tpu.memref_slice %arg3[%squeeze3A_293, %dma_start3A_302] : memref<1000000x64xf32, #tpu.memory_space<hbm>> -> memref<1x64xf32, #tpu.memory_space<hbm>>
      tpu.enqueue_dma source(%dma_start3A_303 : memref<1x64xf32, #tpu.memory_space<hbm>>) target(%dma_start3A_301 : memref<1x64xf32, #tpu.memory_space<vmem>>) target_semaphore(%arg9 : memref<!tpu.dma_semaphore, #tpu.memory_space<semaphore_mem>>)
      %slice3A_304 = vector.extract_strided_slice %get3A_291 {offsets = [9], sizes = [1], strides = [1]} : vector<16xi32> to vector<1xi32>
      %squeeze3A_305 = vector.extract %slice3A_304[0] : i32 from vector<1xi32>
      %dma_start3A_306 = arith.constant 193 : i32
      %dma_start3A_307 = arith.constant 0 : i32
      %dma_start3A_308 = tpu.memref_slice %arg6[%dma_start3A_306, %dma_start3A_307] : memref<200x64xf32, #tpu.memory_space<vmem>> -> memref<1x64xf32, #tpu.memory_space<vmem>>
      %dma_start3A_309 = arith.constant 0 : i32
      %dma_start3A_310 = tpu.memref_slice %arg3[%squeeze3A_305, %dma_start3A_309] : memref<1000000x64xf32, #tpu.memory_space<hbm>> -> memref<1x64xf32, #tpu.memory_space<hbm>>
      %dma_start3A_311 = arith.constant 193 : i32
      %dma_start3A_312 = arith.constant 0 : i32
      %dma_start3A_313 = tpu.memref_slice %arg6[%dma_start3A_311, %dma_start3A_312] : memref<200x64xf32, #tpu.memory_space<vmem>> -> memref<1x64xf32, #tpu.memory_space<vmem>>
      %dma_start3A_314 = arith.constant 0 : i32
      %dma_start3A_315 = tpu.memref_slice %arg3[%squeeze3A_305, %dma_start3A_314] : memref<1000000x64xf32, #tpu.memory_space<hbm>> -> memref<1x64xf32, #tpu.memory_space<hbm>>
      tpu.enqueue_dma source(%dma_start3A_315 : memref<1x64xf32, #tpu.memory_space<hbm>>) target(%dma_start3A_313 : memref<1x64xf32, #tpu.memory_space<vmem>>) target_semaphore(%arg9 : memref<!tpu.dma_semaphore, #tpu.memory_space<semaphore_mem>>)
      %slice3A_316 = vector.extract_strided_slice %get3A_291 {offsets = [10], sizes = [1], strides = [1]} : vector<16xi32> to vector<1xi32>
      %squeeze3A_317 = vector.extract %slice3A_316[0] : i32 from vector<1xi32>
      %dma_start3A_318 = arith.constant 194 : i32
      %dma_start3A_319 = arith.constant 0 : i32
      %dma_start3A_320 = tpu.memref_slice %arg6[%dma_start3A_318, %dma_start3A_319] : memref<200x64xf32, #tpu.memory_space<vmem>> -> memref<1x64xf32, #tpu.memory_space<vmem>>
      %dma_start3A_321 = arith.constant 0 : i32
      %dma_start3A_322 = tpu.memref_slice %arg3[%squeeze3A_317, %dma_start3A_321] : memref<1000000x64xf32, #tpu.memory_space<hbm>> -> memref<1x64xf32, #tpu.memory_space<hbm>>
      %dma_start3A_323 = arith.constant 194 : i32
      %dma_start3A_324 = arith.constant 0 : i32
      %dma_start3A_325 = tpu.memref_slice %arg6[%dma_start3A_323, %dma_start3A_324] : memref<200x64xf32, #tpu.memory_space<vmem>> -> memref<1x64xf32, #tpu.memory_space<vmem>>
      %dma_start3A_326 = arith.constant 0 : i32
      %dma_start3A_327 = tpu.memref_slice %arg3[%squeeze3A_317, %dma_start3A_326] : memref<1000000x64xf32, #tpu.memory_space<hbm>> -> memref<1x64xf32, #tpu.memory_space<hbm>>
      tpu.enqueue_dma source(%dma_start3A_327 : memref<1x64xf32, #tpu.memory_space<hbm>>) target(%dma_start3A_325 : memref<1x64xf32, #tpu.memory_space<vmem>>) target_semaphore(%arg9 : memref<!tpu.dma_semaphore, #tpu.memory_space<semaphore_mem>>)
      %slice3A_328 = vector.extract_strided_slice %get3A_291 {offsets = [11], sizes = [1], strides = [1]} : vector<16xi32> to vector<1xi32>
      %squeeze3A_329 = vector.extract %slice3A_328[0] : i32 from vector<1xi32>
      %dma_start3A_330 = arith.constant 195 : i32
      %dma_start3A_331 = arith.constant 0 : i32
      %dma_start3A_332 = tpu.memref_slice %arg6[%dma_start3A_330, %dma_start3A_331] : memref<200x64xf32, #tpu.memory_space<vmem>> -> memref<1x64xf32, #tpu.memory_space<vmem>>
      %dma_start3A_333 = arith.constant 0 : i32
      %dma_start3A_334 = tpu.memref_slice %arg3[%squeeze3A_329, %dma_start3A_333] : memref<1000000x64xf32, #tpu.memory_space<hbm>> -> memref<1x64xf32, #tpu.memory_space<hbm>>
      %dma_start3A_335 = arith.constant 195 : i32
      %dma_start3A_336 = arith.constant 0 : i32
      %dma_start3A_337 = tpu.memref_slice %arg6[%dma_start3A_335, %dma_start3A_336] : memref<200x64xf32, #tpu.memory_space<vmem>> -> memref<1x64xf32, #tpu.memory_space<vmem>>
      %dma_start3A_338 = arith.constant 0 : i32
      %dma_start3A_339 = tpu.memref_slice %arg3[%squeeze3A_329, %dma_start3A_338] : memref<1000000x64xf32, #tpu.memory_space<hbm>> -> memref<1x64xf32, #tpu.memory_space<hbm>>
      tpu.enqueue_dma source(%dma_start3A_339 : memref<1x64xf32, #tpu.memory_space<hbm>>) target(%dma_start3A_337 : memref<1x64xf32, #tpu.memory_space<vmem>>) target_semaphore(%arg9 : memref<!tpu.dma_semaphore, #tpu.memory_space<semaphore_mem>>)
      %slice3A_340 = vector.extract_strided_slice %get3A_291 {offsets = [12], sizes = [1], strides = [1]} : vector<16xi32> to vector<1xi32>
      %squeeze3A_341 = vector.extract %slice3A_340[0] : i32 from vector<1xi32>
      %dma_start3A_342 = arith.constant 196 : i32
      %dma_start3A_343 = arith.constant 0 : i32
      %dma_start3A_344 = tpu.memref_slice %arg6[%dma_start3A_342, %dma_start3A_343] : memref<200x64xf32, #tpu.memory_space<vmem>> -> memref<1x64xf32, #tpu.memory_space<vmem>>
      %dma_start3A_345 = arith.constant 0 : i32
      %dma_start3A_346 = tpu.memref_slice %arg3[%squeeze3A_341, %dma_start3A_345] : memref<1000000x64xf32, #tpu.memory_space<hbm>> -> memref<1x64xf32, #tpu.memory_space<hbm>>
      %dma_start3A_347 = arith.constant 196 : i32
      %dma_start3A_348 = arith.constant 0 : i32
      %dma_start3A_349 = tpu.memref_slice %arg6[%dma_start3A_347, %dma_start3A_348] : memref<200x64xf32, #tpu.memory_space<vmem>> -> memref<1x64xf32, #tpu.memory_space<vmem>>
      %dma_start3A_350 = arith.constant 0 : i32
      %dma_start3A_351 = tpu.memref_slice %arg3[%squeeze3A_341, %dma_start3A_350] : memref<1000000x64xf32, #tpu.memory_space<hbm>> -> memref<1x64xf32, #tpu.memory_space<hbm>>
      tpu.enqueue_dma source(%dma_start3A_351 : memref<1x64xf32, #tpu.memory_space<hbm>>) target(%dma_start3A_349 : memref<1x64xf32, #tpu.memory_space<vmem>>) target_semaphore(%arg9 : memref<!tpu.dma_semaphore, #tpu.memory_space<semaphore_mem>>)
      %slice3A_352 = vector.extract_strided_slice %get3A_291 {offsets = [13], sizes = [1], strides = [1]} : vector<16xi32> to vector<1xi32>
      %squeeze3A_353 = vector.extract %slice3A_352[0] : i32 from vector<1xi32>
      %dma_start3A_354 = arith.constant 197 : i32
      %dma_start3A_355 = arith.constant 0 : i32
      %dma_start3A_356 = tpu.memref_slice %arg6[%dma_start3A_354, %dma_start3A_355] : memref<200x64xf32, #tpu.memory_space<vmem>> -> memref<1x64xf32, #tpu.memory_space<vmem>>
      %dma_start3A_357 = arith.constant 0 : i32
      %dma_start3A_358 = tpu.memref_slice %arg3[%squeeze3A_353, %dma_start3A_357] : memref<1000000x64xf32, #tpu.memory_space<hbm>> -> memref<1x64xf32, #tpu.memory_space<hbm>>
      %dma_start3A_359 = arith.constant 197 : i32
      %dma_start3A_360 = arith.constant 0 : i32
      %dma_start3A_361 = tpu.memref_slice %arg6[%dma_start3A_359, %dma_start3A_360] : memref<200x64xf32, #tpu.memory_space<vmem>> -> memref<1x64xf32, #tpu.memory_space<vmem>>
      %dma_start3A_362 = arith.constant 0 : i32
      %dma_start3A_363 = tpu.memref_slice %arg3[%squeeze3A_353, %dma_start3A_362] : memref<1000000x64xf32, #tpu.memory_space<hbm>> -> memref<1x64xf32, #tpu.memory_space<hbm>>
      tpu.enqueue_dma source(%dma_start3A_363 : memref<1x64xf32, #tpu.memory_space<hbm>>) target(%dma_start3A_361 : memref<1x64xf32, #tpu.memory_space<vmem>>) target_semaphore(%arg9 : memref<!tpu.dma_semaphore, #tpu.memory_space<semaphore_mem>>)
      %slice3A_364 = vector.extract_strided_slice %get3A_291 {offsets = [14], sizes = [1], strides = [1]} : vector<16xi32> to vector<1xi32>
      %squeeze3A_365 = vector.extract %slice3A_364[0] : i32 from vector<1xi32>
      %dma_start3A_366 = arith.constant 198 : i32
      %dma_start3A_367 = arith.constant 0 : i32
      %dma_start3A_368 = tpu.memref_slice %arg6[%dma_start3A_366, %dma_start3A_367] : memref<200x64xf32, #tpu.memory_space<vmem>> -> memref<1x64xf32, #tpu.memory_space<vmem>>
      %dma_start3A_369 = arith.constant 0 : i32
      %dma_start3A_370 = tpu.memref_slice %arg3[%squeeze3A_365, %dma_start3A_369] : memref<1000000x64xf32, #tpu.memory_space<hbm>> -> memref<1x64xf32, #tpu.memory_space<hbm>>
      %dma_start3A_371 = arith.constant 198 : i32
      %dma_start3A_372 = arith.constant 0 : i32
      %dma_start3A_373 = tpu.memref_slice %arg6[%dma_start3A_371, %dma_start3A_372] : memref<200x64xf32, #tpu.memory_space<vmem>> -> memref<1x64xf32, #tpu.memory_space<vmem>>
      %dma_start3A_374 = arith.constant 0 : i32
      %dma_start3A_375 = tpu.memref_slice %arg3[%squeeze3A_365, %dma_start3A_374] : memref<1000000x64xf32, #tpu.memory_space<hbm>> -> memref<1x64xf32, #tpu.memory_space<hbm>>
      tpu.enqueue_dma source(%dma_start3A_375 : memref<1x64xf32, #tpu.memory_space<hbm>>) target(%dma_start3A_373 : memref<1x64xf32, #tpu.memory_space<vmem>>) target_semaphore(%arg9 : memref<!tpu.dma_semaphore, #tpu.memory_space<semaphore_mem>>)
      %slice3A_376 = vector.extract_strided_slice %get3A_291 {offsets = [15], sizes = [1], strides = [1]} : vector<16xi32> to vector<1xi32>
      %squeeze3A_377 = vector.extract %slice3A_376[0] : i32 from vector<1xi32>
      %dma_start3A_378 = arith.constant 199 : i32
      %dma_start3A_379 = arith.constant 0 : i32
      %dma_start3A_380 = tpu.memref_slice %arg6[%dma_start3A_378, %dma_start3A_379] : memref<200x64xf32, #tpu.memory_space<vmem>> -> memref<1x64xf32, #tpu.memory_space<vmem>>
      %dma_start3A_381 = arith.constant 0 : i32
      %dma_start3A_382 = tpu.memref_slice %arg3[%squeeze3A_377, %dma_start3A_381] : memref<1000000x64xf32, #tpu.memory_space<hbm>> -> memref<1x64xf32, #tpu.memory_space<hbm>>
      %dma_start3A_383 = arith.constant 199 : i32
      %dma_start3A_384 = arith.constant 0 : i32
      %dma_start3A_385 = tpu.memref_slice %arg6[%dma_start3A_383, %dma_start3A_384] : memref<200x64xf32, #tpu.memory_space<vmem>> -> memref<1x64xf32, #tpu.memory_space<vmem>>
      %dma_start3A_386 = arith.constant 0 : i32
      %dma_start3A_387 = tpu.memref_slice %arg3[%squeeze3A_377, %dma_start3A_386] : memref<1000000x64xf32, #tpu.memory_space<hbm>> -> memref<1x64xf32, #tpu.memory_space<hbm>>
      tpu.enqueue_dma source(%dma_start3A_387 : memref<1x64xf32, #tpu.memory_space<hbm>>) target(%dma_start3A_385 : memref<1x64xf32, #tpu.memory_space<vmem>>) target_semaphore(%arg9 : memref<!tpu.dma_semaphore, #tpu.memory_space<semaphore_mem>>)
      %dma_wait3A_388 = arith.constant 0 : i32
      %dma_wait3A_389 = arith.constant 0 : i32
      %dma_wait3A_390 = tpu.memref_slice %arg3[%dma_wait3A_388, %dma_wait3A_389] : memref<1000000x64xf32, #tpu.memory_space<hbm>> -> memref<200x64xf32, #tpu.memory_space<hbm>>
      %dma_wait3A_391 = arith.constant 0 : i32
      %dma_wait3A_392 = arith.constant 0 : i32
      %dma_wait3A_393 = tpu.memref_slice %arg3[%dma_wait3A_391, %dma_wait3A_392] : memref<1000000x64xf32, #tpu.memory_space<hbm>> -> memref<200x64xf32, #tpu.memory_space<hbm>>
      tpu.wait_dma2 semaphore(%arg10 : memref<!tpu.dma_semaphore, #tpu.memory_space<semaphore_mem>>) src(%dma_wait3A_393 : memref<200x64xf32, #tpu.memory_space<hbm>>) dst(%arg7 : memref<200x64xf32, #tpu.memory_space<vmem>>)
      %broadcast_in_dim3A_394 = arith.constant 0.000000e+00 : f32
      %broadcast_in_dim3A_395 = vector.broadcast %broadcast_in_dim3A_394 : f32 to vector<16xf32>
      %broadcast_in_dim3A_396 = arith.constant 0.000000e+00 : f32
      %broadcast_in_dim3A_397 = vector.broadcast %broadcast_in_dim3A_396 : f32 to vector<16xf32>
      %broadcast_in_dim3A_398 = arith.constant 0.000000e+00 : f32
      %broadcast_in_dim3A_399 = vector.broadcast %broadcast_in_dim3A_398 : f32 to vector<16xf32>
      %broadcast_in_dim3A_400 = arith.constant 0.000000e+00 : f32
      %broadcast_in_dim3A_401 = vector.broadcast %broadcast_in_dim3A_400 : f32 to vector<16xf32>
      %scan3A_402 = arith.constant 0 : i32
      %scan3A_403 = arith.constant 25 : i32
      %scan3A_404 = arith.addi %scan3A_402, %scan3A_403 : i32
      %scan3A_405 = arith.constant 1 : i32
      %scan3A_406:4 = scf.for %scan3A_440 = %scan3A_402 to %scan3A_404 step %scan3A_405 iter_args(%scan3A_441 = %broadcast_in_dim3A_395, %scan3A_442 = %broadcast_in_dim3A_397, %scan3A_443 = %broadcast_in_dim3A_399, %scan3A_444 = %broadcast_in_dim3A_401) -> (vector<16xf32>, vector<16xf32>, vector<16xf32>, vector<16xf32>)  : i32 {
        %mul3A_445 = arith.constant 8 : i32
        %mul3A_446 = arith.muli %scan3A_440, %mul3A_445 : i32
        %add3A_447 = arith.constant 0 : i32
        %add3A_448 = arith.addi %mul3A_446, %add3A_447 : i32
        %get3A_449 = arith.index_cast %add3A_448 : i32 to index
        %get3A_450 = arith.constant 0 : index
        %get3A_451 = tpu.vector_load %arg7[%get3A_449, %get3A_450] {strides = array<i32>} : memref<200x64xf32, #tpu.memory_space<vmem>>, vector<1x16xf32>,
        %get3A_452 = vector.shape_cast %get3A_451 : vector<1x16xf32> to vector<16xf32>
        %add3A_453 = arith.addf %scan3A_441, %get3A_452 : vector<16xf32>
        %add3A_454 = arith.constant 0 : i32
        %add3A_455 = arith.addi %mul3A_446, %add3A_454 : i32
        %get3A_456 = arith.index_cast %add3A_455 : i32 to index
        %get3A_457 = arith.constant 16 : index
        %get3A_458 = tpu.vector_load %arg7[%get3A_456, %get3A_457] {strides = array<i32>} : memref<200x64xf32, #tpu.memory_space<vmem>>, vector<1x16xf32>,
        %get3A_459 = vector.shape_cast %get3A_458 : vector<1x16xf32> to vector<16xf32>
        %add3A_460 = arith.addf %scan3A_442, %get3A_459 : vector<16xf32>
        %add3A_461 = arith.constant 0 : i32
        %add3A_462 = arith.addi %mul3A_446, %add3A_461 : i32
        %get3A_463 = arith.index_cast %add3A_462 : i32 to index
        %get3A_464 = arith.constant 32 : index
        %get3A_465 = tpu.vector_load %arg7[%get3A_463, %get3A_464] {strides = array<i32>} : memref<200x64xf32, #tpu.memory_space<vmem>>, vector<1x16xf32>,
        %get3A_466 = vector.shape_cast %get3A_465 : vector<1x16xf32> to vector<16xf32>
        %add3A_467 = arith.addf %scan3A_443, %get3A_466 : vector<16xf32>
        %add3A_468 = arith.constant 0 : i32
        %add3A_469 = arith.addi %mul3A_446, %add3A_468 : i32
        %get3A_470 = arith.index_cast %add3A_469 : i32 to index
        %get3A_471 = arith.constant 48 : index
        %get3A_472 = tpu.vector_load %arg7[%get3A_470, %get3A_471] {strides = array<i32>} : memref<200x64xf32, #tpu.memory_space<vmem>>, vector<1x16xf32>,
        %get3A_473 = vector.shape_cast %get3A_472 : vector<1x16xf32> to vector<16xf32>
        %add3A_474 = arith.addf %scan3A_444, %get3A_473 : vector<16xf32>
        %add3A_475 = arith.constant 1 : i32
        %add3A_476 = arith.addi %mul3A_446, %add3A_475 : i32
        %get3A_477 = arith.index_cast %add3A_476 : i32 to index
        %get3A_478 = arith.constant 0 : index
        %get3A_479 = tpu.vector_load %arg7[%get3A_477, %get3A_478] {strides = array<i32>} : memref<200x64xf32, #tpu.memory_space<vmem>>, vector<1x16xf32>,
        %get3A_480 = vector.shape_cast %get3A_479 : vector<1x16xf32> to vector<16xf32>
        %add3A_481 = arith.addf %add3A_453, %get3A_480 : vector<16xf32>
        %add3A_482 = arith.constant 1 : i32
        %add3A_483 = arith.addi %mul3A_446, %add3A_482 : i32
        %get3A_484 = arith.index_cast %add3A_483 : i32 to index
        %get3A_485 = arith.constant 16 : index
        %get3A_486 = tpu.vector_load %arg7[%get3A_484, %get3A_485] {strides = array<i32>} : memref<200x64xf32, #tpu.memory_space<vmem>>, vector<1x16xf32>,
        %get3A_487 = vector.shape_cast %get3A_486 : vector<1x16xf32> to vector<16xf32>
        %add3A_488 = arith.addf %add3A_460, %get3A_487 : vector<16xf32>
        %add3A_489 = arith.constant 1 : i32
        %add3A_490 = arith.addi %mul3A_446, %add3A_489 : i32
        %get3A_491 = arith.index_cast %add3A_490 : i32 to index
        %get3A_492 = arith.constant 32 : index
        %get3A_493 = tpu.vector_load %arg7[%get3A_491, %get3A_492] {strides = array<i32>} : memref<200x64xf32, #tpu.memory_space<vmem>>, vector<1x16xf32>,
        %get3A_494 = vector.shape_cast %get3A_493 : vector<1x16xf32> to vector<16xf32>
        %add3A_495 = arith.addf %add3A_467, %get3A_494 : vector<16xf32>
        %add3A_496 = arith.constant 1 : i32
        %add3A_497 = arith.addi %mul3A_446, %add3A_496 : i32
        %get3A_498 = arith.index_cast %add3A_497 : i32 to index
        %get3A_499 = arith.constant 48 : index
        %get3A_500 = tpu.vector_load %arg7[%get3A_498, %get3A_499] {strides = array<i32>} : memref<200x64xf32, #tpu.memory_space<vmem>>, vector<1x16xf32>,
        %get3A_501 = vector.shape_cast %get3A_500 : vector<1x16xf32> to vector<16xf32>
        %add3A_502 = arith.addf %add3A_474, %get3A_501 : vector<16xf32>
        %add3A_503 = arith.constant 2 : i32
        %add3A_504 = arith.addi %mul3A_446, %add3A_503 : i32
        %get3A_505 = arith.index_cast %add3A_504 : i32 to index
        %get3A_506 = arith.constant 0 : index
        %get3A_507 = tpu.vector_load %arg7[%get3A_505, %get3A_506] {strides = array<i32>} : memref<200x64xf32, #tpu.memory_space<vmem>>, vector<1x16xf32>,
        %get3A_508 = vector.shape_cast %get3A_507 : vector<1x16xf32> to vector<16xf32>
        %add3A_509 = arith.addf %add3A_481, %get3A_508 : vector<16xf32>
        %add3A_510 = arith.constant 2 : i32
        %add3A_511 = arith.addi %mul3A_446, %add3A_510 : i32
        %get3A_512 = arith.index_cast %add3A_511 : i32 to index
        %get3A_513 = arith.constant 16 : index
        %get3A_514 = tpu.vector_load %arg7[%get3A_512, %get3A_513] {strides = array<i32>} : memref<200x64xf32, #tpu.memory_space<vmem>>, vector<1x16xf32>,
        %get3A_515 = vector.shape_cast %get3A_514 : vector<1x16xf32> to vector<16xf32>
        %add3A_516 = arith.addf %add3A_488, %get3A_515 : vector<16xf32>
        %add3A_517 = arith.constant 2 : i32
        %add3A_518 = arith.addi %mul3A_446, %add3A_517 : i32
        %get3A_519 = arith.index_cast %add3A_518 : i32 to index
        %get3A_520 = arith.constant 32 : index
        %get3A_521 = tpu.vector_load %arg7[%get3A_519, %get3A_520] {strides = array<i32>} : memref<200x64xf32, #tpu.memory_space<vmem>>, vector<1x16xf32>,
        %get3A_522 = vector.shape_cast %get3A_521 : vector<1x16xf32> to vector<16xf32>
        %add3A_523 = arith.addf %add3A_495, %get3A_522 : vector<16xf32>
        %add3A_524 = arith.constant 2 : i32
        %add3A_525 = arith.addi %mul3A_446, %add3A_524 : i32
        %get3A_526 = arith.index_cast %add3A_525 : i32 to index
        %get3A_527 = arith.constant 48 : index
        %get3A_528 = tpu.vector_load %arg7[%get3A_526, %get3A_527] {strides = array<i32>} : memref<200x64xf32, #tpu.memory_space<vmem>>, vector<1x16xf32>,
        %get3A_529 = vector.shape_cast %get3A_528 : vector<1x16xf32> to vector<16xf32>
        %add3A_530 = arith.addf %add3A_502, %get3A_529 : vector<16xf32>
        %add3A_531 = arith.constant 3 : i32
        %add3A_532 = arith.addi %mul3A_446, %add3A_531 : i32
        %get3A_533 = arith.index_cast %add3A_532 : i32 to index
        %get3A_534 = arith.constant 0 : index
        %get3A_535 = tpu.vector_load %arg7[%get3A_533, %get3A_534] {strides = array<i32>} : memref<200x64xf32, #tpu.memory_space<vmem>>, vector<1x16xf32>,
        %get3A_536 = vector.shape_cast %get3A_535 : vector<1x16xf32> to vector<16xf32>
        %add3A_537 = arith.addf %add3A_509, %get3A_536 : vector<16xf32>
        %add3A_538 = arith.constant 3 : i32
        %add3A_539 = arith.addi %mul3A_446, %add3A_538 : i32
        %get3A_540 = arith.index_cast %add3A_539 : i32 to index
        %get3A_541 = arith.constant 16 : index
        %get3A_542 = tpu.vector_load %arg7[%get3A_540, %get3A_541] {strides = array<i32>} : memref<200x64xf32, #tpu.memory_space<vmem>>, vector<1x16xf32>,
        %get3A_543 = vector.shape_cast %get3A_542 : vector<1x16xf32> to vector<16xf32>
        %add3A_544 = arith.addf %add3A_516, %get3A_543 : vector<16xf32>
        %add3A_545 = arith.constant 3 : i32
        %add3A_546 = arith.addi %mul3A_446, %add3A_545 : i32
        %get3A_547 = arith.index_cast %add3A_546 : i32 to index
        %get3A_548 = arith.constant 32 : index
        %get3A_549 = tpu.vector_load %arg7[%get3A_547, %get3A_548] {strides = array<i32>} : memref<200x64xf32, #tpu.memory_space<vmem>>, vector<1x16xf32>,
        %get3A_550 = vector.shape_cast %get3A_549 : vector<1x16xf32> to vector<16xf32>
        %add3A_551 = arith.addf %add3A_523, %get3A_550 : vector<16xf32>
        %add3A_552 = arith.constant 3 : i32
        %add3A_553 = arith.addi %mul3A_446, %add3A_552 : i32
        %get3A_554 = arith.index_cast %add3A_553 : i32 to index
        %get3A_555 = arith.constant 48 : index
        %get3A_556 = tpu.vector_load %arg7[%get3A_554, %get3A_555] {strides = array<i32>} : memref<200x64xf32, #tpu.memory_space<vmem>>, vector<1x16xf32>,
        %get3A_557 = vector.shape_cast %get3A_556 : vector<1x16xf32> to vector<16xf32>
        %add3A_558 = arith.addf %add3A_530, %get3A_557 : vector<16xf32>
        %add3A_559 = arith.constant 4 : i32
        %add3A_560 = arith.addi %mul3A_446, %add3A_559 : i32
        %get3A_561 = arith.index_cast %add3A_560 : i32 to index
        %get3A_562 = arith.constant 0 : index
        %get3A_563 = tpu.vector_load %arg7[%get3A_561, %get3A_562] {strides = array<i32>} : memref<200x64xf32, #tpu.memory_space<vmem>>, vector<1x16xf32>,
        %get3A_564 = vector.shape_cast %get3A_563 : vector<1x16xf32> to vector<16xf32>
        %add3A_565 = arith.addf %add3A_537, %get3A_564 : vector<16xf32>
        %add3A_566 = arith.constant 4 : i32
        %add3A_567 = arith.addi %mul3A_446, %add3A_566 : i32
        %get3A_568 = arith.index_cast %add3A_567 : i32 to index
        %get3A_569 = arith.constant 16 : index
        %get3A_570 = tpu.vector_load %arg7[%get3A_568, %get3A_569] {strides = array<i32>} : memref<200x64xf32, #tpu.memory_space<vmem>>, vector<1x16xf32>,
        %get3A_571 = vector.shape_cast %get3A_570 : vector<1x16xf32> to vector<16xf32>
        %add3A_572 = arith.addf %add3A_544, %get3A_571 : vector<16xf32>
        %add3A_573 = arith.constant 4 : i32
        %add3A_574 = arith.addi %mul3A_446, %add3A_573 : i32
        %get3A_575 = arith.index_cast %add3A_574 : i32 to index
        %get3A_576 = arith.constant 32 : index
        %get3A_577 = tpu.vector_load %arg7[%get3A_575, %get3A_576] {strides = array<i32>} : memref<200x64xf32, #tpu.memory_space<vmem>>, vector<1x16xf32>,
        %get3A_578 = vector.shape_cast %get3A_577 : vector<1x16xf32> to vector<16xf32>
        %add3A_579 = arith.addf %add3A_551, %get3A_578 : vector<16xf32>
        %add3A_580 = arith.constant 4 : i32
        %add3A_581 = arith.addi %mul3A_446, %add3A_580 : i32
        %get3A_582 = arith.index_cast %add3A_581 : i32 to index
        %get3A_583 = arith.constant 48 : index
        %get3A_584 = tpu.vector_load %arg7[%get3A_582, %get3A_583] {strides = array<i32>} : memref<200x64xf32, #tpu.memory_space<vmem>>, vector<1x16xf32>,
        %get3A_585 = vector.shape_cast %get3A_584 : vector<1x16xf32> to vector<16xf32>
        %add3A_586 = arith.addf %add3A_558, %get3A_585 : vector<16xf32>
        %add3A_587 = arith.constant 5 : i32
        %add3A_588 = arith.addi %mul3A_446, %add3A_587 : i32
        %get3A_589 = arith.index_cast %add3A_588 : i32 to index
        %get3A_590 = arith.constant 0 : index
        %get3A_591 = tpu.vector_load %arg7[%get3A_589, %get3A_590] {strides = array<i32>} : memref<200x64xf32, #tpu.memory_space<vmem>>, vector<1x16xf32>,
        %get3A_592 = vector.shape_cast %get3A_591 : vector<1x16xf32> to vector<16xf32>
        %add3A_593 = arith.addf %add3A_565, %get3A_592 : vector<16xf32>
        %add3A_594 = arith.constant 5 : i32
        %add3A_595 = arith.addi %mul3A_446, %add3A_594 : i32
        %get3A_596 = arith.index_cast %add3A_595 : i32 to index
        %get3A_597 = arith.constant 16 : index
        %get3A_598 = tpu.vector_load %arg7[%get3A_596, %get3A_597] {strides = array<i32>} : memref<200x64xf32, #tpu.memory_space<vmem>>, vector<1x16xf32>,
        %get3A_599 = vector.shape_cast %get3A_598 : vector<1x16xf32> to vector<16xf32>
        %add3A_600 = arith.addf %add3A_572, %get3A_599 : vector<16xf32>
        %add3A_601 = arith.constant 5 : i32
        %add3A_602 = arith.addi %mul3A_446, %add3A_601 : i32
        %get3A_603 = arith.index_cast %add3A_602 : i32 to index
        %get3A_604 = arith.constant 32 : index
        %get3A_605 = tpu.vector_load %arg7[%get3A_603, %get3A_604] {strides = array<i32>} : memref<200x64xf32, #tpu.memory_space<vmem>>, vector<1x16xf32>,
        %get3A_606 = vector.shape_cast %get3A_605 : vector<1x16xf32> to vector<16xf32>
        %add3A_607 = arith.addf %add3A_579, %get3A_606 : vector<16xf32>
        %add3A_608 = arith.constant 5 : i32
        %add3A_609 = arith.addi %mul3A_446, %add3A_608 : i32
        %get3A_610 = arith.index_cast %add3A_609 : i32 to index
        %get3A_611 = arith.constant 48 : index
        %get3A_612 = tpu.vector_load %arg7[%get3A_610, %get3A_611] {strides = array<i32>} : memref<200x64xf32, #tpu.memory_space<vmem>>, vector<1x16xf32>,
        %get3A_613 = vector.shape_cast %get3A_612 : vector<1x16xf32> to vector<16xf32>
        %add3A_614 = arith.addf %add3A_586, %get3A_613 : vector<16xf32>
        %add3A_615 = arith.constant 6 : i32
        %add3A_616 = arith.addi %mul3A_446, %add3A_615 : i32
        %get3A_617 = arith.index_cast %add3A_616 : i32 to index
        %get3A_618 = arith.constant 0 : index
        %get3A_619 = tpu.vector_load %arg7[%get3A_617, %get3A_618] {strides = array<i32>} : memref<200x64xf32, #tpu.memory_space<vmem>>, vector<1x16xf32>,
        %get3A_620 = vector.shape_cast %get3A_619 : vector<1x16xf32> to vector<16xf32>
        %add3A_621 = arith.addf %add3A_593, %get3A_620 : vector<16xf32>
        %add3A_622 = arith.constant 6 : i32
        %add3A_623 = arith.addi %mul3A_446, %add3A_622 : i32
        %get3A_624 = arith.index_cast %add3A_623 : i32 to index
        %get3A_625 = arith.constant 16 : index
        %get3A_626 = tpu.vector_load %arg7[%get3A_624, %get3A_625] {strides = array<i32>} : memref<200x64xf32, #tpu.memory_space<vmem>>, vector<1x16xf32>,
        %get3A_627 = vector.shape_cast %get3A_626 : vector<1x16xf32> to vector<16xf32>
        %add3A_628 = arith.addf %add3A_600, %get3A_627 : vector<16xf32>
        %add3A_629 = arith.constant 6 : i32
        %add3A_630 = arith.addi %mul3A_446, %add3A_629 : i32
        %get3A_631 = arith.index_cast %add3A_630 : i32 to index
        %get3A_632 = arith.constant 32 : index
        %get3A_633 = tpu.vector_load %arg7[%get3A_631, %get3A_632] {strides = array<i32>} : memref<200x64xf32, #tpu.memory_space<vmem>>, vector<1x16xf32>,
        %get3A_634 = vector.shape_cast %get3A_633 : vector<1x16xf32> to vector<16xf32>
        %add3A_635 = arith.addf %add3A_607, %get3A_634 : vector<16xf32>
        %add3A_636 = arith.constant 6 : i32
        %add3A_637 = arith.addi %mul3A_446, %add3A_636 : i32
        %get3A_638 = arith.index_cast %add3A_637 : i32 to index
        %get3A_639 = arith.constant 48 : index
        %get3A_640 = tpu.vector_load %arg7[%get3A_638, %get3A_639] {strides = array<i32>} : memref<200x64xf32, #tpu.memory_space<vmem>>, vector<1x16xf32>,
        %get3A_641 = vector.shape_cast %get3A_640 : vector<1x16xf32> to vector<16xf32>
        %add3A_642 = arith.addf %add3A_614, %get3A_641 : vector<16xf32>
        %add3A_643 = arith.constant 7 : i32
        %add3A_644 = arith.addi %mul3A_446, %add3A_643 : i32
        %get3A_645 = arith.index_cast %add3A_644 : i32 to index
        %get3A_646 = arith.constant 0 : index
        %get3A_647 = tpu.vector_load %arg7[%get3A_645, %get3A_646] {strides = array<i32>} : memref<200x64xf32, #tpu.memory_space<vmem>>, vector<1x16xf32>,
        %get3A_648 = vector.shape_cast %get3A_647 : vector<1x16xf32> to vector<16xf32>
        %add3A_649 = arith.addf %add3A_621, %get3A_648 : vector<16xf32>
        %add3A_650 = arith.constant 7 : i32
        %add3A_651 = arith.addi %mul3A_446, %add3A_650 : i32
        %get3A_652 = arith.index_cast %add3A_651 : i32 to index
        %get3A_653 = arith.constant 16 : index
        %get3A_654 = tpu.vector_load %arg7[%get3A_652, %get3A_653] {strides = array<i32>} : memref<200x64xf32, #tpu.memory_space<vmem>>, vector<1x16xf32>,
        %get3A_655 = vector.shape_cast %get3A_654 : vector<1x16xf32> to vector<16xf32>
        %add3A_656 = arith.addf %add3A_628, %get3A_655 : vector<16xf32>
        %add3A_657 = arith.constant 7 : i32
        %add3A_658 = arith.addi %mul3A_446, %add3A_657 : i32
        %get3A_659 = arith.index_cast %add3A_658 : i32 to index
        %get3A_660 = arith.constant 32 : index
        %get3A_661 = tpu.vector_load %arg7[%get3A_659, %get3A_660] {strides = array<i32>} : memref<200x64xf32, #tpu.memory_space<vmem>>, vector<1x16xf32>,
        %get3A_662 = vector.shape_cast %get3A_661 : vector<1x16xf32> to vector<16xf32>
        %add3A_663 = arith.addf %add3A_635, %get3A_662 : vector<16xf32>
        %add3A_664 = arith.constant 7 : i32
        %add3A_665 = arith.addi %mul3A_446, %add3A_664 : i32
        %get3A_666 = arith.index_cast %add3A_665 : i32 to index
        %get3A_667 = arith.constant 48 : index
        %get3A_668 = tpu.vector_load %arg7[%get3A_666, %get3A_667] {strides = array<i32>} : memref<200x64xf32, #tpu.memory_space<vmem>>, vector<1x16xf32>,
        %get3A_669 = vector.shape_cast %get3A_668 : vector<1x16xf32> to vector<16xf32>
        %add3A_670 = arith.addf %add3A_642, %get3A_669 : vector<16xf32>
        scf.yield %add3A_649, %add3A_656, %add3A_663, %add3A_670 : vector<16xf32>, vector<16xf32>, vector<16xf32>, vector<16xf32>
      }
      %scan3A_407 = arith.constant 25 : i32
      %mul3A_408 = arith.constant 5.000000e-03 : f32
      %mul3A_409 = vector.broadcast %mul3A_408 : f32 to vector<16xf32>
      %mul3A_410 = arith.mulf %scan3A_406#0, %mul3A_409 : vector<16xf32>
      %swap3A_411 = arith.index_cast %scan3A_118 : i32 to index
      %swap3A_412 = arith.constant 64 : index
      %swap3A_413 = tpu.vector_load %arg8[%swap3A_411, %swap3A_412] {strides = array<i32>} : memref<64x128xf32, #tpu.memory_space<vmem>>, vector<1x16xf32>,
      %swap3A_414 = vector.shape_cast %swap3A_413 : vector<1x16xf32> to vector<16xf32>
      %swap3A_415 = vector.shape_cast %mul3A_410 : vector<16xf32> to vector<1x16xf32>
      tpu.vector_store %arg8[%swap3A_411, %swap3A_412], %swap3A_415 {strides = array<i32>} : memref<64x128xf32, #tpu.memory_space<vmem>>, vector<1x16xf32>,
      %mul3A_416 = arith.constant 5.000000e-03 : f32
      %mul3A_417 = vector.broadcast %mul3A_416 : f32 to vector<16xf32>
      %mul3A_418 = arith.mulf %scan3A_406#1, %mul3A_417 : vector<16xf32>
      %swap3A_419 = arith.index_cast %scan3A_118 : i32 to index
      %swap3A_420 = arith.constant 80 : index
      %swap3A_421 = tpu.vector_load %arg8[%swap3A_419, %swap3A_420] {strides = array<i32>} : memref<64x128xf32, #tpu.memory_space<vmem>>, vector<1x16xf32>,
      %swap3A_422 = vector.shape_cast %swap3A_421 : vector<1x16xf32> to vector<16xf32>
      %swap3A_423 = vector.shape_cast %mul3A_418 : vector<16xf32> to vector<1x16xf32>
      tpu.vector_store %arg8[%swap3A_419, %swap3A_420], %swap3A_423 {strides = array<i32>} : memref<64x128xf32, #tpu.memory_space<vmem>>, vector<1x16xf32>,
      %mul3A_424 = arith.constant 5.000000e-03 : f32
      %mul3A_425 = vector.broadcast %mul3A_424 : f32 to vector<16xf32>
      %mul3A_426 = arith.mulf %scan3A_406#2, %mul3A_425 : vector<16xf32>
      %swap3A_427 = arith.index_cast %scan3A_118 : i32 to index
      %swap3A_428 = arith.constant 96 : index
      %swap3A_429 = tpu.vector_load %arg8[%swap3A_427, %swap3A_428] {strides = array<i32>} : memref<64x128xf32, #tpu.memory_space<vmem>>, vector<1x16xf32>,
      %swap3A_430 = vector.shape_cast %swap3A_429 : vector<1x16xf32> to vector<16xf32>
      %swap3A_431 = vector.shape_cast %mul3A_426 : vector<16xf32> to vector<1x16xf32>
      tpu.vector_store %arg8[%swap3A_427, %swap3A_428], %swap3A_431 {strides = array<i32>} : memref<64x128xf32, #tpu.memory_space<vmem>>, vector<1x16xf32>,
      %mul3A_432 = arith.constant 5.000000e-03 : f32
      %mul3A_433 = vector.broadcast %mul3A_432 : f32 to vector<16xf32>
      %mul3A_434 = arith.mulf %scan3A_406#3, %mul3A_433 : vector<16xf32>
      %swap3A_435 = arith.index_cast %scan3A_118 : i32 to index
      %swap3A_436 = arith.constant 112 : index
      %swap3A_437 = tpu.vector_load %arg8[%swap3A_435, %swap3A_436] {strides = array<i32>} : memref<64x128xf32, #tpu.memory_space<vmem>>, vector<1x16xf32>,
      %swap3A_438 = vector.shape_cast %swap3A_437 : vector<1x16xf32> to vector<16xf32>
      %swap3A_439 = vector.shape_cast %mul3A_434 : vector<16xf32> to vector<1x16xf32>
      tpu.vector_store %arg8[%swap3A_435, %swap3A_436], %swap3A_439 {strides = array<i32>} : memref<64x128xf32, #tpu.memory_space<vmem>>, vector<1x16xf32>,
    }
    %scan3A_110 = arith.constant 64 : i32
    %dma_wait3A = arith.constant 0 : i32
    %dma_wait3A_111 = arith.constant 0 : i32
    %dma_wait3A_112 = tpu.memref_slice %arg3[%dma_wait3A, %dma_wait3A_111] : memref<1000000x64xf32, #tpu.memory_space<hbm>> -> memref<200x64xf32, #tpu.memory_space<hbm>>
    %dma_wait3A_113 = arith.constant 0 : i32
    %dma_wait3A_114 = arith.constant 0 : i32
    %dma_wait3A_115 = tpu.memref_slice %arg3[%dma_wait3A_113, %dma_wait3A_114] : memref<1000000x64xf32, #tpu.memory_space<hbm>> -> memref<200x64xf32, #tpu.memory_space<hbm>>
    tpu.wait_dma2 semaphore(%arg9 : memref<!tpu.dma_semaphore, #tpu.memory_space<semaphore_mem>>) src(%dma_wait3A_115 : memref<200x64xf32, #tpu.memory_space<hbm>>) dst(%arg6 : memref<200x64xf32, #tpu.memory_space<vmem>>)
    %mul3A_116 = arith.constant 64 : i32
    %mul3A_117 = arith.muli %add3A, %mul3A_116 : i32
    "tpu.region"() ({
      %run_scoped3A = tpu.sem_alloc : memref<!tpu.dma_semaphore, #tpu.memory_space<semaphore_mem>>
      %dma_start3A_118 = arith.constant 0 : i32
      %dma_start3A_119 = tpu.memref_slice %arg4[%mul3A_117, %dma_start3A_118] : memref<2048x128xf32, #tpu.memory_space<hbm>> -> memref<64x128xf32, #tpu.memory_space<hbm>>
      %dma_start3A_120 = arith.constant 0 : i32
      %dma_start3A_121 = tpu.memref_slice %arg4[%mul3A_117, %dma_start3A_120] : memref<2048x128xf32, #tpu.memory_space<hbm>> -> memref<64x128xf32, #tpu.memory_space<hbm>>
      tpu.enqueue_dma source(%arg8 : memref<64x128xf32, #tpu.memory_space<vmem>>) target(%dma_start3A_121 : memref<64x128xf32, #tpu.memory_space<hbm>>) target_semaphore(%run_scoped3A : memref<!tpu.dma_semaphore, #tpu.memory_space<semaphore_mem>>)
      %dma_wait3A_122 = arith.constant 0 : i32
      %dma_wait3A_123 = tpu.memref_slice %arg4[%mul3A_117, %dma_wait3A_122] : memref<2048x128xf32, #tpu.memory_space<hbm>> -> memref<64x128xf32, #tpu.memory_space<hbm>>
      %dma_wait3A_124 = arith.constant 0 : i32
      %dma_wait3A_125 = tpu.memref_slice %arg4[%mul3A_117, %dma_wait3A_124] : memref<2048x128xf32, #tpu.memory_space<hbm>> -> memref<64x128xf32, #tpu.memory_space<hbm>>
      tpu.wait_dma2 semaphore(%run_scoped3A : memref<!tpu.dma_semaphore, #tpu.memory_space<semaphore_mem>>) src(%arg8 : memref<64x128xf32, #tpu.memory_space<vmem>>) dst(%dma_wait3A_125 : memref<64x128xf32, #tpu.memory_space<hbm>>)
      tpu.yield
    }) : () -> ()
    return
  }
}

</mosaic_0001>

<sc_bundles>
// kernel: kernel.3.cloned.1.call-start
scs
__scs_entry_jumppad:
0x0: {  	(pc) =	sbr.rel $0x88, $3  }
0x1: {  	(tag) =	ssettag $0x0;
	lr =	simm.s32 $0x1  }
0x2: {  	[smem:$0x3F9F] =	sst lr;
	_ =	strace $0xD0000000  }
0x3: {  	_ = 	snop  }
0x4: {  	_ = 	snop  }
0x5: {  	_ = 	snop  }
0x6: {  	_ = 	snop  }
0x7: {  	_ = 	snop  }
__scs_overlays_trampoline_lowered:
0x8: {  	[smem:$0x3FAE] =	sst s0  }
0x9: {  	[smem:$0x3FAF] =	sst s1  }
0xa: {  	[smem:$0x3FB0] =	sst s2  }
0xb: {  	[smem:$0x3FB1] =	sst s3  }
0xc: {  	[smem:$0x3FB2] =	sst s4  }
0xd: {  	[smem:$0x3FB3] =	sst s5  }
0xe: {  	[smem:$0x3FB4] =	sst s6  }
0xf: {  	[smem:$0x3FB5] =	sst s7  }
0x10: {  	[smem:$0x3FB6] =	sst s8  }
0x11: {  	[smem:$0x3FB7] =	sst s9;
	s0 =	simm.s32 @!p0 $0x0  }
0x12: {  	s1 =	sld [smem:$0x3F9D];
	s0 =	simm.s32 @p0 $0x1  }
0x13: {  	[smem:$0x3FB8] =	sst s0;
	s0 =	simm.s32 @!p1 $0x0  }
0x14: {  	s2 =	sld [smem:$0x3F9C];
	s0 =	simm.s32 @p1 $0x1  }
0x15: {  	[smem:$0x3FB9] =	sst s0;
	s0 =	simm.s32 @!p2 $0x0  }
0x16: {  	s3 =	sld [smem:$0x3FDB];
	s0 =	simm.s32 @p2 $0x1  }
0x17: {  	s4 =	simm.s32 $0x1BF5;
	[smem:$0x3FBB] =	sst s0  }
0x18: {  	s0 =	sld [smem:$0x3F9E];
	_ =	swait.ge [sflag:s4], $0x0  }
0x19: {  	s7 =	sld [smem:$0x3F9F]  }
0x1a: {  	s8 =	sadd.s32 $0xFFFFE003, lr  }
0x1b: {  	s9 =	sadd.s32 $0xFFFFFEF7, lr;
	s5 =	simm.s32 $0xFFFFFFFF;
	p2 =	slt.u32 s8, $0xFFFFF086  }
0x1c: {  	p1 =	slt.u32 s9, $0xF7A;
	s5 =	simm.s32 @!p2 $0x0  }
0x1d: {  	s5 =	simm.s32 @p1 $0x1;
	p0 =	seq.s32 s7, s2  }
0x1e: {  	s7 =	smul.u32 @!p0 $0xF7A, s2;
	p2 =	seq.s32 @!p0 s5, $0x0  }
0x1f: {  	s9 =	smul.u32 $0xF7A, s1;
	s8 =	simm.s32 @!p0 $0x1BF5;
	p2 =	por !p2, p0  }
0x20: {  	[sflag:s8] =	ssyncset.s32 @!p0 $0xFFFFF086;
	s6 =	sadd.s32 @!p0 s3, s7;
	s7 =	simm.s32 @!p0 $0x108  }
0x21: {  	s3 =	sadd.s32 s3, s9;
	s6 =	sadd.s32 @!p0 $0x88, s6;
	s7 =	simm.s32 @p2 $0x1082  }
0x22: {  	[simem:s7], [sflag:s8] =	dma.local @!p0 [hbm:s6], $0xF7A  }
0x23: {  	s9 =	sor.u32 $0xD0000000, s2;
	s6 =	simm.s32 $0x108;
	_ =	swait.ge @!p0 [sflag:s8], $0x0  }
0x24: {  	s3 =	sadd.s32 $0x88, s3;
	s6 =	simm.s32 @!p1 $0x1082;
	[sflag:s4] =	ssyncset.s32 $0xFFFFF086  }
0x25: {  	[simem:s6], [sflag:s4] =	dma.local [hbm:s3], $0xF7A  }
0x26: {  	[smem:$0x3F9F] =	sst s1;
	(tag) =	ssettag s2;
	_ =	strace s9  }
0x27: {  	s1 =	sld [smem:$0x3FAF]  }
0x28: {  	s2 =	sld [smem:$0x3FB0]  }
0x29: {  	s4 =	sld [smem:$0x3FB2]  }
0x2a: {  	p0 =	seq.s32 s5, $0x0;
	s5 =	sld [smem:$0x3FB3]  }
0x2b: {  	s6 =	sld [smem:$0x3FB4]  }
0x2c: {  	s7 =	sld [smem:$0x3FB5]  }
0x2d: {  	s3 =	simm.s32 $0x108;
	s8 =	sld [smem:$0x3FB6]  }
0x2e: {  	s3 =	simm.s32 @!p0 $0x1082;
	s9 =	sld [smem:$0x3FB7]  }
0x2f: {  	lr =	sadd.s32 s0, s3;
	s0 =	sld [smem:$0x3FAE]  }
0x30: {  	s3 =	sld [smem:$0x3FB1]  }
0x31: {  	[smem:$0x3FBA] =	sst s10  }
0x32: {  	s10 =	sld [smem:$0x3FB8];
	_ =	sdelay $0x3  }
0x33: {  	p0 =	seq.s32 s10, $0x1;
	s10 =	sld [smem:$0x3FBA];
	_ =	sdelay $0x3  }
0x34: {  	[smem:$0x3FBA] =	sst s10  }
0x35: {  	s10 =	sld [smem:$0x3FB9];
	_ =	sdelay $0x3  }
0x36: {  	p1 =	seq.s32 s10, $0x1;
	s10 =	sld [smem:$0x3FBA];
	_ =	sdelay $0x3  }
0x37: {  	[smem:$0x3FBA] =	sst s10  }
0x38: {  	s10 =	sld [smem:$0x3FBB]  }
0x39: {  	_ = 	snop;
	(pc) =	sbr.ind lr, $3  }
0x3a: {  	_ = 	snop  }
0x3b: {  	_ = 	snop  }
0x3c: {  	p2 =	seq.s32 s10, $0x1;
	s10 =	sld [smem:$0x3FBA]  }
0x3d: {  	_ =	shalt  }
0x3e: {  	_ =	shalt  }
0x3f: {  	_ =	shalt  }
0x40: {  	_ =	shalt  }
0x41: {  	_ =	shalt  }
0x42: {  	_ =	shalt  }
0x43: {  	_ =	shalt  }
0x44: {  	_ =	shalt  }
0x45: {  	_ =	shalt  }
0x46: {  	_ =	shalt  }
0x47: {  	_ =	shalt  }
0x48: {  	_ =	shalt  }
0x49: {  	_ =	shalt  }
0x4a: {  	_ =	shalt  }
0x4b: {  	_ =	shalt  }
0x4c: {  	_ =	shalt  }
0x4d: {  	_ =	shalt  }
0x4e: {  	_ =	shalt  }
0x4f: {  	_ =	shalt  }
0x50: {  	_ =	shalt  }
0x51: {  	_ =	shalt  }
0x52: {  	_ =	shalt  }
0x53: {  	_ =	shalt  }
0x54: {  	_ =	shalt  }
0x55: {  	_ =	shalt  }
0x56: {  	_ =	shalt  }
0x57: {  	_ =	shalt  }
0x58: {  	_ =	shalt  }
0x59: {  	_ =	shalt  }
0x5a: {  	_ =	shalt  }
0x5b: {  	_ =	shalt  }
0x5c: {  	_ =	shalt  }
0x5d: {  	_ =	shalt  }
0x5e: {  	_ =	shalt  }
0x5f: {  	_ =	shalt  }
0x60: {  	_ =	shalt  }
0x61: {  	_ =	shalt  }
0x62: {  	_ =	shalt  }
0x63: {  	_ =	shalt  }
0x64: {  	_ =	shalt  }
0x65: {  	_ =	shalt  }
0x66: {  	_ =	shalt  }
0x67: {  	_ =	shalt  }
0x68: {  	_ =	shalt  }
0x69: {  	_ =	shalt  }
0x6a: {  	_ =	shalt  }
0x6b: {  	_ =	shalt  }
0x6c: {  	_ =	shalt  }
0x6d: {  	_ =	shalt  }
0x6e: {  	_ =	shalt  }
0x6f: {  	_ =	shalt  }
0x70: {  	_ =	shalt  }
0x71: {  	_ =	shalt  }
0x72: {  	_ =	shalt  }
0x73: {  	_ =	shalt  }
0x74: {  	_ =	shalt  }
0x75: {  	_ =	shalt  }
0x76: {  	_ =	shalt  }
0x77: {  	_ =	shalt  }
0x78: {  	_ =	shalt  }
0x79: {  	_ =	shalt  }
0x7a: {  	_ =	shalt  }
0x7b: {  	_ =	shalt  }
0x7c: {  	_ =	shalt  }
0x7d: {  	_ =	shalt  }
0x7e: {  	_ =	shalt  }
0x7f: {  	_ =	shalt  }
0x80: {  	_ =	shalt  }
0x81: {  	_ =	shalt  }
0x82: {  	_ =	shalt  }
0x83: {  	_ =	shalt  }
0x84: {  	_ =	shalt  }
0x85: {  	_ =	shalt  }
0x86: {  	_ =	shalt  }
0x87: {  	_ =	shalt  }
.Lfunc_end0:
.L_simem_size_0:
called_computation_lowered:
.L_overlay_start_0:
0x88: {  	s2 =	sld [smem:$0x3FD9]  }
0x89: {  	s3 =	sld [smem:$0x3FFE];
	_ =	sdelay $0x1  }
0x8a: {  	s1 =	srdreg.scid  }
0x8b: {  	s0 =	sand.u32 $0x1, s1  }
0x8c: {  	s17 =	sshll.u32 s0, $0xA;
	s2 =	sadd.s32 s3, s2  }
0x8d: {  	s2 =	sadd.s32 s2, s17  }
0x8e: {  	[smem:$0x3FC6] =	sst s2  }
0x8f: {  	_ = 	snop  }
0x90: {  	s2 =	sld [smem:$0x3FD0];
	(tm) =	ssettm $0x1  }
0x91: {  	s18 =	sld [smem:$0x3FFB];
	_ =	sdelay $0x3  }
0x92: {  	_ =	strace s18  }
0x93: {  	s3 =	sld [smem:$0x3FFC];
	_ =	sdelay $0x3  }
0x94: {  	_ =	strace s3  }
0x95: {  	s3 =	sld [smem:$0x3FFD];
	_ =	sdelay $0x3  }
0x96: {  	_ =	strace s3  }
0x97: {  	_ =	strace $0x8FFFFFFF  }
0x98: {  	s19 =	sld [smem:$0x3FDB];
	_ =	sdelay $0x1  }
0x99: {  	s4 =	simm.s32 $_scs_section_size  }
0x9a: {  	s5 =	simm.s32 $_size__tile_overlayer_lowered;
	s6 =	simm.s32 $_tile_overlayer_lowered  }
0x9b: {  	s22 =	simm.s32 $0x1BFF;
	s21 =	sshll.u32 s6, $0x1;
	s3 =	sadd.s32 s4, s19  }
0x9c: {  	s7 =	simm.s32 $0x0;
	s20 =	sshll.u32 s5, $0x1;
	s5 =	sadd.s32 s21, s3  }
0x9d: {  	[timem:s7], [sflag:s22] =	dma.local [hbm:s5], s20  }
0x9e: {  	_ =	swait.ge [sflag:s22], s20  }
0x9f: {  	s4 =	ssub.s32 $0x0, s20;
	[sflag:s22] =	ssyncset.done $0x0  }
0xa0: {  	[sflag:s22] =	ssyncadd.s32 s4;
	_ =	sdelay $0x1  }
0xa1: {  	s23 =	simm.s32 $0x1B8B  }
0xa2: {  	_ =	swait.ge [sflag:s23], $0x1  }
0xa3: {  	[sflag:s23] =	ssyncset.done $0x0  }
0xa4: {  	s25 =	simm.s32 $0x1B8E;
	s24 =	sld [smem:$0x3FFE];
	[sflag:s23] =	ssyncadd.s32 $0xFFFFFFFF  }
0xa5: {  	s26 =	simm.s32 $execute0_lowered;
	[smem:$0x3FD2] =	sst s25  }
0xa6: {  	s5 =	sshll.u32 s26, $0x1;
	_ =	strace $0x80000046;
	[dreg:$0x1] =	wrdreg $0xFFFFFFFF  }
0xa7: {  	s28 =	simm.s32 $_size_execute0_lowered;
	s3 =	sadd.s32 s3, s5;
	[dreg:$0x0] =	wrdreg $0x0  }
0xa8: {  	s5 =	sshll.u32 s28, $0x1;
	[dreg:$0x2] =	wrdreg s3  }
0xa9: {  	[dreg:$0x3] =	wrdreg s5  }
0xaa: {  	[dreg:$0x4] =	wrdreg $0xC0  }
0xab: {  	_ =	task [dreg:s7], $0x5FFFF  }
0xac: {  	[dreg:$0x1] =	wrdreg $0xFFFFFFFF  }
0xad: {  	[dreg:$0x0] =	wrdreg $0x60  }
0xae: {  	[dreg:$0x2] =	wrdreg s24  }
0xaf: {  	[dreg:$0x3] =	wrdreg s2  }
0xb0: {  	[dreg:$0x4] =	wrdreg $0x9  }
0xb1: {  	_ =	task.clear_ibuf [dreg:s7], $0x5FFFF;
	_ =	strace $0x90000046  }
0xb2: {  	s29 =	simm.s32 $0x9;
	_ =	strace $0x80000048  }
0xb3: {  	_ =	swait.ge [sflag:s29], $0x1  }
0xb4: {  	[sflag:s29] =	ssyncadd.s32 $0xFFFFFFFF  }
0xb5: {  	_ =	strace $0x90000048  }
0xb6: {  	_ =	sfence  }
0xb7: {  	s30 =	sld [smem:$0x0];
	_ =	sdelay $0x2  }
0xb8: {  	s31 =	sshll.u32 s1, $0xD;
	s1 =	sshrl.u32 s1, $0x2  }
0xb9: {  	s3 =	sand.u32 $0x4000, s31;
	s1 =	sadd.s32 s1, s30  }
0xba: {  	s0 =	sor.u32 s3, s0;
	s1 =	sshll.u32 s1, $0x11  }
0xbb: {  	s0 =	sor.u32 s1, s0  }
0xbc: {  	s0 =	sadd.s32 $0x8F2B, s0  }
0xbd: {  	[sflag:s0] =	ssyncadd.remote.s32 $0x1  }
0xbe: {  	_ =	sfence.sel $0xFFFF  }
0xbf: {  	[dreg:$0x0] =	wrdreg $0xFFFFFFFF;
	(pc) =	sbr.abs _section_cstart, $3  }
0xc0: {  	[dreg:$0x1] =	wrdreg $0xFFFFFFFF  }
0xc1: {  	_ =	task.clear_ibuf [dreg:s7], $0x2FFFF;
	_ =	strace $0x9FFFFFFF  }
0xc2: {  	(tm) =	ssettm $0x7FFFFFFF  }
0xc3: {  	_ =	shalt  }
tec
execute0_lowered:
.L_overlay_start_1:
0x0: {  	(tag) =	ssettag $0x1  }
0x1: {  	s0 =	rddreg [dreg:$0x0];
	s1 =	srdreg.scid  }
0x2: {  	s2 =	stileid.u32;
	s4 =	rddreg [dreg:$0x1]  }
0x3: {  	s1 =	sand.u32 $0x1, s1;
	s3 =	sshll.u32 s2, $0x1;
	s2 =	simm.s32 $0x0  }
0x4: {  	s5 =	sor.u32 s1, s3;
	[smem:$0x7FF] =	sst s2;
	s1 =	ssub.s32 $0x2, s1  }
0x5: {  	s3 =	sshll.u32 s5, $0xC;
	s7 =	sshrl.u32 s1, $0x1;
	s30 =	sshll.u32 s5, $0xA  }
0x6: {  	s6 =	sadd.s32 s3, s0;
	s29 =	ssub.s32 s1, s7;
	s1 =	sadd.s32 s4, s30  }
0x7: {  	_ =	strace $0x80000047;
	s31 =	sadd.s32 $0x400, s6;
	[dreg:$0x4] =	wrdreg s1  }
0x8: {  	s3 =	sadd.s32 $0x20400, s0;
	s0 =	smax.u32 s29, $0x1;
	[dreg:$0x3] =	wrdreg s31  }
0x9: {  	s4 =	simm.s32 $0x3;
	s1 =	simm.s32 $0x0;
	[dreg:$0x5] =	wrdreg s0  }
.LBB2_1:
0xa: {  	[dreg:$0x6] =	wrdreg s1  }
0xb: {  	s0 =	rddreg [dreg:$0x3]  }
0xc: {  	[tilespmem:s2], [sflag:$0x3] =	stream.linear.gather [hbm4b:s0+s2], $0x8000, $0x38;
	[tilespmem:$0x16800] =	vst v63  }
0xd: {  	s22 =	simm.s32 $0x0;
	_ =	swait.ge [sflag:s4], $0x8000  }
0xe: {  	s23 =	sand.u32 $0x60, s22;
	s0 =	sand.u32 $0x400, s2;
	[sflag:s4] =	ssyncset.done $0x0  }
0xf: {  	s1 =	sor.u32 s23, s0;
	[sflag:s4] =	ssyncadd.s32 $0xFFFF8000  }
0x10: {  	v0 =	vld [tilespmem:s1+$0x0];
	_ =	sdelay $0x4  }
0x11: {  	v0 =	vshll.u32 v0, $0x4  }
0x12: {  	(v2sf) =	vpush v0, $0x0  }
0x13: {  	(v2sf) =	vpush v0, $0x1  }
0x14: {  	(v2sf) =	vpush v0, $0x2;
	_ =	sdelay $0x1  }
0x15: {  	(v2sf) =	vpush v0, $0x3  }
0x16: {  	(v2sf) =	vpush v0, $0x4;
	_ =	sdelay $0x1  }
0x17: {  	(v2sf) =	vpush v0, $0x5;
	_ =	sdelay $0x1  }
0x18: {  	(v2sf) =	vpush v0, $0x6;
	_ =	sdelay $0x1  }
0x19: {  	s6 =	simm.s32 $0x8080;
	(v2sf) =	vpush v0, $0x7  }
0x1a: {  	s7 =	simm.s32 $0x8300;
	s8 =	simm.s32 $0x8380;
	s9 =	simm.s32 $0x8000  }
0x1b: {  	s10 =	simm.s32 $0x8200;
	s5 =	simm.s32 $0x8500;
	s11 =	simm.s32 $0x8280;
	(v2sf) =	vpush v0, $0x8  }
0x1c: {  	s17 =	simm.s32 $0x8400;
	s25 =	simm.s32 $0x8100;
	s28 =	simm.s32 $0x8180  }
0x1d: {  	s15 =	simm.s32 $0x8480;
	s4 =	simm.s32 $0x8580;
	s16 =	spop (v2sf)  }
0x1e: {  	s1 =	simm.s32 $0x10;
	s16 =	sand.u32 $0x1FFFFFF0, s16;
	s18 =	spop (v2sf)  }
0x1f: {  	s1 =	sand.u32 $0x70, s1;
	(v2sf) =	vpush v0, $0x9;
	s19 =	spop (v2sf);
	s16 =	sadd.s32 s3, s16  }
0x20: {  	[tilespmem:s9], [sflag:$0x1] =	stream.linear.gather [hbm4b:s16+s2], $0x80, $0x38;
	[tilespmem:$0x16800] =	vst v63  }
0x21: {  	(v2sf) =	vpush v0, $0xA;
	s18 =	sand.u32 $0x1FFFFFF0, s18;
	s9 =	simm.s32 $0x8600;
	s26 =	spop (v2sf)  }
0x22: {  	s24 =	sand.u32 $0x1FFFFFF0, s19;
	s18 =	sadd.s32 s3, s18;
	s30 =	spop (v2sf)  }
0x23: {  	(v2sf) =	vpush v0, $0xB;
	[tilespmem:s6], [sflag:$0x1] =	stream.linear.gather [hbm4b:s18+s2], $0x80, $0x38;
	[tilespmem:$0x16800] =	vst v63  }
0x24: {  	s16 =	sadd.s32 s3, s24;
	s29 =	sand.u32 $0x1FFFFFF0, s26;
	s31 =	spop (v2sf)  }
0x25: {  	(v2sf) =	vpush v0, $0xC;
	[tilespmem:s25], [sflag:$0x1] =	stream.linear.gather [hbm4b:s16+s2], $0x80, $0x38;
	[tilespmem:$0x16800] =	vst v63  }
0x26: {  	s18 =	sand.u32 $0x1FFFFFF0, s30;
	s13 =	spop (v2sf);
	s16 =	sadd.s32 s3, s29  }
0x27: {  	(v2sf) =	vpush v0, $0xD;
	[tilespmem:s28], [sflag:$0x1] =	stream.linear.gather [hbm4b:s16+s2], $0x80, $0x38;
	[tilespmem:$0x16800] =	vst v63  }
0x28: {  	s12 =	sand.u32 $0x1FFFFFF0, s31;
	s18 =	sadd.s32 s3, s18;
	s14 =	spop (v2sf)  }
0x29: {  	(v2sf) =	vpush v0, $0xE;
	[tilespmem:s10], [sflag:$0x1] =	stream.linear.gather [hbm4b:s18+s2], $0x80, $0x38;
	[tilespmem:$0x16800] =	vst v63  }
0x2a: {  	s6 =	sadd.s32 s3, s12;
	s19 =	sand.u32 $0x1FFFFFF0, s13;
	s20 =	spop (v2sf)  }
0x2b: {  	(v2sf) =	vpush v0, $0xF;
	[tilespmem:s11], [sflag:$0x1] =	stream.linear.gather [hbm4b:s6+s2], $0x80, $0x38;
	[tilespmem:$0x16800] =	vst v63  }
0x2c: {  	s22 =	sand.u32 $0x1FFFFFF0, s20;
	s18 =	sand.u32 $0x1FFFFFF0, s14;
	s11 =	sadd.s32 s3, s19  }
0x2d: {  	[tilespmem:s7], [sflag:$0x1] =	stream.linear.gather [hbm4b:s11+s2], $0x80, $0x38;
	[tilespmem:$0x16800] =	vst v63  }
0x2e: {  	s10 =	simm.s32 $0x8680;
	s23 =	sadd.s32 s3, s18;
	s21 =	spop (v2sf)  }
0x2f: {  	[tilespmem:s8], [sflag:$0x1] =	stream.linear.gather [hbm4b:s23+s2], $0x80, $0x38;
	[tilespmem:$0x16800] =	vst v63  }
0x30: {  	s7 =	sadd.s32 s3, s22;
	s24 =	spop (v2sf);
	s25 =	sand.u32 $0x1FFFFFF0, s21  }
0x31: {  	[tilespmem:s17], [sflag:$0x1] =	stream.linear.gather [hbm4b:s7+s2], $0x80, $0x38;
	[tilespmem:$0x16800] =	vst v63  }
0x32: {  	s26 =	spop (v2sf);
	s28 =	sand.u32 $0x1FFFFFF0, s24;
	s8 =	sadd.s32 s3, s25  }
0x33: {  	[tilespmem:s15], [sflag:$0x1] =	stream.linear.gather [hbm4b:s8+s2], $0x80, $0x38;
	[tilespmem:$0x16800] =	vst v63  }
0x34: {  	s29 =	spop (v2sf);
	s30 =	sand.u32 $0x1FFFFFF0, s26;
	s7 =	sadd.s32 s3, s28  }
0x35: {  	[tilespmem:s5], [sflag:$0x1] =	stream.linear.gather [hbm4b:s7+s2], $0x80, $0x38;
	[tilespmem:$0x16800] =	vst v63  }
0x36: {  	s6 =	sadd.s32 s3, s30;
	s31 =	spop (v2sf);
	s7 =	sand.u32 $0x1FFFFFF0, s29  }
0x37: {  	[tilespmem:s4], [sflag:$0x1] =	stream.linear.gather [hbm4b:s6+s2], $0x80, $0x38;
	[tilespmem:$0x16800] =	vst v63  }
0x38: {  	s11 =	spop (v2sf);
	s12 =	sand.u32 $0x1FFFFFF0, s31;
	s5 =	sadd.s32 s3, s7  }
0x39: {  	[tilespmem:s9], [sflag:$0x1] =	stream.linear.gather [hbm4b:s5+s2], $0x80, $0x38;
	[tilespmem:$0x16800] =	vst v63  }
0x3a: {  	s13 =	spop (v2sf);
	s14 =	sand.u32 $0x1FFFFFF0, s11;
	s4 =	sadd.s32 s3, s12  }
0x3b: {  	[tilespmem:s10], [sflag:$0x1] =	stream.linear.gather [hbm4b:s4+s2], $0x80, $0x38;
	[tilespmem:$0x16800] =	vst v63  }
0x3c: {  	s15 =	simm.s32 $0x8700;
	s6 =	sand.u32 $0x1FFFFFF0, s13;
	s5 =	sadd.s32 s3, s14  }
0x3d: {  	[tilespmem:s15], [sflag:$0x1] =	stream.linear.gather [hbm4b:s5+s2], $0x80, $0x38;
	[tilespmem:$0x16800] =	vst v63  }
0x3e: {  	s0 =	sor.u32 s1, s0;
	s16 =	simm.s32 $0x8780;
	s17 =	sadd.s32 s3, s6  }
0x3f: {  	[tilespmem:s16], [sflag:$0x1] =	stream.linear.gather [hbm4b:s17+s2], $0x80, $0x38;
	[tilespmem:$0x16800] =	vst v63  }
0x40: {  	v63 =	vld [tilespmem:s0+$0x0];
	_ =	sdelay $0x4  }
0x41: {  	v0 =	vshll.u32 v63, $0x4  }
0x42: {  	(v2sf) =	vpush v0, $0x0  }
0x43: {  	(v2sf) =	vpush v0, $0x1  }
0x44: {  	(v2sf) =	vpush v0, $0x2;
	_ =	sdelay $0x5  }
0x45: {  	(v2sf) =	vpush v0, $0x3  }
0x46: {  	(v2sf) =	vpush v0, $0x4;
	_ =	sdelay $0x1  }
0x47: {  	(v2sf) =	vpush v0, $0x5  }
0x48: {  	(v2sf) =	vpush v0, $0x6;
	_ =	sdelay $0x1  }
0x49: {  	(v2sf) =	vpush v0, $0x7  }
0x4a: {  	s18 =	spop (v2sf)  }
0x4b: {  	(v2sf) =	vpush v0, $0x8;
	s20 =	spop (v2sf)  }
0x4c: {  	s21 =	spop (v2sf);
	(v2sf) =	vpush v0, $0x9;
	_ =	sdelay $0x1  }
0x4d: {  	s1 =	simm.s32 $0x4000;
	s19 =	simm.s32 $0x8800  }
0x4e: {  	s22 =	simm.s32 $0x8880;
	s25 =	simm.s32 $0x8900;
	s9 =	sand.u32 $0x1FFFFFF0, s18  }
0x4f: {  	s26 =	simm.s32 $0x8F80;
	s8 =	simm.s32 $0x8B00;
	s9 =	sadd.s32 s3, s9  }
0x50: {  	[tilespmem:s19], [sflag:$0x1] =	stream.linear.gather [hbm4b:s9+s2], $0x80, $0x38;
	[tilespmem:$0x16800] =	vst v63  }
0x51: {  	s29 =	simm.s32 $0x8980;
	s11 =	sand.u32 $0x1FFFFFF0, s20;
	s28 =	spop (v2sf)  }
0x52: {  	s7 =	simm.s32 $0x8C80;
	s23 =	sadd.s32 s3, s11;
	s30 =	spop (v2sf)  }
0x53: {  	[tilespmem:s22], [sflag:$0x1] =	stream.linear.gather [hbm4b:s23+s2], $0x80, $0x38;
	[tilespmem:$0x16800] =	vst v63  }
0x54: {  	s12 =	simm.s32 $0x8A00;
	s24 =	sand.u32 $0x1FFFFFF0, s21;
	s31 =	spop (v2sf)  }
0x55: {  	s11 =	sadd.s32 s3, s24;
	s10 =	sand.u32 $0x1FFFFFF0, s28;
	s18 =	spop (v2sf)  }
0x56: {  	[tilespmem:s25], [sflag:$0x1] =	stream.linear.gather [hbm4b:s11+s2], $0x80, $0x38;
	[tilespmem:$0x16800] =	vst v63  }
0x57: {  	s6 =	simm.s32 $0x0;
	s10 =	sadd.s32 s3, s10;
	s20 =	spop (v2sf)  }
0x58: {  	(v2sf) =	vpush v0, $0xA;
	[tilespmem:s29], [sflag:$0x1] =	stream.linear.gather [hbm4b:s10+s2], $0x80, $0x38;
	[tilespmem:$0x16800] =	vst v63  }
0x59: {  	s4 =	simm.s32 $0x8000;
	s5 =	simm.s32 $0x20;
	(v2sf) =	vpush v0, $0xB;
	s21 =	spop (v2sf)  }
0x5a: {  	s15 =	simm.s32 $0x8A80;
	s11 =	sand.u32 $0x1FFFFFF0, s30;
	s24 =	spop (v2sf);
	(v2sf) =	vpush v0, $0xC  }
0x5b: {  	s17 =	simm.s32 $0x8E00;
	s14 =	sand.u32 $0x1FFFFFF0, s31;
	s13 =	sadd.s32 s3, s11  }
0x5c: {  	[tilespmem:s12], [sflag:$0x1] =	stream.linear.gather [hbm4b:s13+s2], $0x80, $0x38;
	(v2sf) =	vpush v0, $0xD;
	[tilespmem:$0x16800] =	vst v63  }
0x5d: {  	s16 =	simm.s32 $0x8E80;
	s11 =	sadd.s32 s3, s14;
	s10 =	sand.u32 $0x1FFFFFF0, s18  }
0x5e: {  	[tilespmem:s15], [sflag:$0x1] =	stream.linear.gather [hbm4b:s11+s2], $0x80, $0x38;
	(v2sf) =	vpush v0, $0xE;
	[tilespmem:$0x16800] =	vst v63  }
0x5f: {  	s0 =	simm.s32 $0x30;
	s10 =	sadd.s32 s3, s10;
	s11 =	sand.u32 $0x1FFFFFF0, s20  }
0x60: {  	[tilespmem:s8], [sflag:$0x1] =	stream.linear.gather [hbm4b:s10+s2], $0x80, $0x38;
	(v2sf) =	vpush v0, $0xF;
	[tilespmem:$0x16800] =	vst v63  }
0x61: {  	s19 =	simm.s32 $0x8B80;
	s22 =	sadd.s32 s3, s11;
	s23 =	sand.u32 $0x1FFFFFF0, s21  }
0x62: {  	[tilespmem:s19], [sflag:$0x1] =	stream.linear.gather [hbm4b:s22+s2], $0x80, $0x38;
	[tilespmem:$0x16800] =	vst v63  }
0x63: {  	s25 =	simm.s32 $0x8C00;
	s28 =	sadd.s32 s3, s23;
	s29 =	sand.u32 $0x1FFFFFF0, s24  }
0x64: {  	[tilespmem:s25], [sflag:$0x1] =	stream.linear.gather [hbm4b:s28+s2], $0x80, $0x38;
	[tilespmem:$0x16800] =	vst v63  }
0x65: {  	s18 =	sand.u32 $0x60, s5;
	s20 =	simm.s32 $0x8D00;
	s30 =	sadd.s32 s3, s29  }
0x66: {  	[tilespmem:s7], [sflag:$0x1] =	stream.linear.gather [hbm4b:s30+s2], $0x80, $0x38;
	[tilespmem:$0x16800] =	vst v63  }
0x67: {  	s19 =	simm.s32 $0x8D80;
	s31 =	spop (v2sf);
	s7 =	simm.s32 $0x100  }
0x68: {  	s9 =	sand.u32 $0x1FFFFFF0, s31;
	s8 =	spop (v2sf);
	s5 =	sand.u32 $0x400, s7  }
.LBB2_2:
0x69: {  	s9 =	sadd.s32 s3, s9;
	s8 =	sand.u32 $0x1FFFFFF0, s8;
	s10 =	spop (v2sf)  }
0x6a: {  	[tilespmem:s20], [sflag:$0x1] =	stream.linear.gather [hbm4b:s9+s2], $0x80, $0x38;
	[tilespmem:$0x16800] =	vst v63  }
0x6b: {  	s8 =	sadd.s32 s3, s8;
	s9 =	sand.u32 $0x1FFFFFF0, s10;
	s10 =	spop (v2sf)  }
0x6c: {  	[tilespmem:s19], [sflag:$0x1] =	stream.linear.gather [hbm4b:s8+s2], $0x80, $0x38;
	[tilespmem:$0x16800] =	vst v63  }
0x6d: {  	s8 =	sadd.s32 s3, s9;
	s9 =	sand.u32 $0x1FFFFFF0, s10;
	s10 =	spop (v2sf)  }
0x6e: {  	[tilespmem:s17], [sflag:$0x1] =	stream.linear.gather [hbm4b:s8+s2], $0x80, $0x38;
	[tilespmem:$0x16800] =	vst v63  }
0x6f: {  	s8 =	sadd.s32 s3, s9;
	s9 =	sand.u32 $0x1FFFFFF0, s10;
	s10 =	spop (v2sf)  }
0x70: {  	[tilespmem:s16], [sflag:$0x1] =	stream.linear.gather [hbm4b:s8+s2], $0x80, $0x38;
	[tilespmem:$0x16800] =	vst v63  }
0x71: {  	s6 =	sadd.s32 $0x8F00, s6;
	s8 =	sadd.s32 s3, s9;
	s9 =	sand.u32 $0x1FFFFFF0, s10  }
0x72: {  	[tilespmem:s6], [sflag:$0x1] =	stream.linear.gather [hbm4b:s8+s2], $0x80, $0x38;
	[tilespmem:$0x16800] =	vst v63  }
0x73: {  	p0 =	sne.s32 s4, $0x14000;
	s6 =	sor.u32 s18, s5;
	s8 =	sadd.s32 s3, s9  }
0x74: {  	[tilespmem:s26], [sflag:$0x1] =	stream.linear.gather [hbm4b:s8+s2], $0x80, $0x38;
	[tilespmem:$0x16800] =	vst v63  }
0x75: {  	s8 =	smov.u32 s4;
	s4 =	sadd.s32 $0x4000, s4;
	v0 =	vld [tilespmem:s6+$0x0];
	_ =	sdelay $0x4  }
0x76: {  	v0 =	vshll.u32 v0, $0x4  }
0x77: {  	(v2sf) =	vpush v0, $0x0  }
0x78: {  	(v2sf) =	vpush v0, $0x1  }
0x79: {  	(v2sf) =	vpush v0, $0x2  }
0x7a: {  	(v2sf) =	vpush v0, $0x3;
	_ =	sdelay $0x1  }
0x7b: {  	(v2sf) =	vpush v0, $0x4;
	_ =	sdelay $0x1  }
0x7c: {  	(v2sf) =	vpush v0, $0x5  }
0x7d: {  	s6 =	sshra.s32 s1, $0x2;
	s1 =	smov.u32 s8  }
0x7e: {  	s11 =	sadd.s32 $0x8080, s6;
	s9 =	sadd.s32 $0x8300, s6;
	s8 =	sadd.s32 $0x8380, s6;
	(v2sf) =	vpush v0, $0x6  }
0x7f: {  	s23 =	sadd.s32 $0x8000, s6;
	s26 =	sadd.s32 $0x8200, s6;
	s20 =	sadd.s32 $0x8500, s6  }
0x80: {  	s10 =	sadd.s32 $0x8280, s6;
	s19 =	sadd.s32 $0x8580, s6;
	s16 =	sadd.s32 $0x8780, s6;
	(v2sf) =	vpush v0, $0x7  }
0x81: {  	s21 =	sadd.s32 $0x8400, s6;
	s18 =	sadd.s32 $0x8600, s6  }
0x82: {  	s17 =	sadd.s32 $0x8680, s6;
	(v2sf) =	vpush v0, $0x8  }
0x83: {  	s22 =	sadd.s32 $0x8480, s6  }
0x84: {  	s28 =	sadd.s32 $0x8180, s6;
	s29 =	spop (v2sf);
	(v2sf) =	vpush v0, $0x9  }
0x85: {  	s29 =	sand.u32 $0x1FFFFFF0, s29;
	s30 =	spop (v2sf)  }
0x86: {  	s31 =	sadd.s32 $0x8100, s6;
	s30 =	sand.u32 $0x1FFFFFF0, s30;
	s12 =	spop (v2sf);
	(v2sf) =	vpush v0, $0xA  }
0x87: {  	s29 =	sadd.s32 s3, s29;
	s12 =	sand.u32 $0x1FFFFFF0, s12;
	s13 =	spop (v2sf)  }
0x88: {  	[tilespmem:s23], [sflag:$0x1] =	stream.linear.gather [hbm4b:s29+s2], $0x80, $0x38;
	(v2sf) =	vpush v0, $0xB;
	[tilespmem:$0x16800] =	vst v63  }
0x89: {  	s23 =	sadd.s32 s3, s30;
	s13 =	sand.u32 $0x1FFFFFF0, s13;
	s29 =	spop (v2sf)  }
0x8a: {  	[tilespmem:s11], [sflag:$0x1] =	stream.linear.gather [hbm4b:s23+s2], $0x80, $0x38;
	(v2sf) =	vpush v0, $0xC;
	[tilespmem:$0x16800] =	vst v63  }
0x8b: {  	s11 =	sadd.s32 s3, s12;
	s12 =	sand.u32 $0x1FFFFFF0, s29;
	s23 =	spop (v2sf)  }
0x8c: {  	[tilespmem:s31], [sflag:$0x1] =	stream.linear.gather [hbm4b:s11+s2], $0x80, $0x38;
	(v2sf) =	vpush v0, $0xD;
	[tilespmem:$0x16800] =	vst v63  }
0x8d: {  	s11 =	sadd.s32 s3, s13;
	s13 =	sand.u32 $0x1FFFFFF0, s23;
	s23 =	spop (v2sf)  }
0x8e: {  	[tilespmem:s28], [sflag:$0x1] =	stream.linear.gather [hbm4b:s11+s2], $0x80, $0x38;
	(v2sf) =	vpush v0, $0xE;
	[tilespmem:$0x16800] =	vst v63  }
0x8f: {  	s11 =	sadd.s32 s3, s12;
	s12 =	sand.u32 $0x1FFFFFF0, s23;
	s23 =	spop (v2sf)  }
0x90: {  	[tilespmem:s26], [sflag:$0x1] =	stream.linear.gather [hbm4b:s11+s2], $0x80, $0x38;
	(v2sf) =	vpush v0, $0xF;
	[tilespmem:$0x16800] =	vst v63  }
0x91: {  	s11 =	sadd.s32 s3, s13;
	s13 =	sand.u32 $0x1FFFFFF0, s23;
	s23 =	spop (v2sf)  }
0x92: {  	[tilespmem:s10], [sflag:$0x1] =	stream.linear.gather [hbm4b:s11+s2], $0x80, $0x38;
	[tilespmem:$0x16800] =	vst v63  }
0x93: {  	s10 =	sadd.s32 s3, s12;
	s11 =	sand.u32 $0x1FFFFFF0, s23;
	s12 =	spop (v2sf)  }
0x94: {  	[tilespmem:s9], [sflag:$0x1] =	stream.linear.gather [hbm4b:s10+s2], $0x80, $0x38;
	[tilespmem:$0x16800] =	vst v63  }
0x95: {  	s9 =	sadd.s32 s3, s13;
	s10 =	sand.u32 $0x1FFFFFF0, s12;
	s12 =	spop (v2sf)  }
0x96: {  	[tilespmem:s8], [sflag:$0x1] =	stream.linear.gather [hbm4b:s9+s2], $0x80, $0x38;
	[tilespmem:$0x16800] =	vst v63  }
0x97: {  	s8 =	sadd.s32 s3, s11;
	s9 =	sand.u32 $0x1FFFFFF0, s12;
	s11 =	spop (v2sf)  }
0x98: {  	[tilespmem:s21], [sflag:$0x1] =	stream.linear.gather [hbm4b:s8+s2], $0x80, $0x38;
	[tilespmem:$0x16800] =	vst v63  }
0x99: {  	s8 =	sadd.s32 s3, s10;
	s10 =	sand.u32 $0x1FFFFFF0, s11;
	s11 =	spop (v2sf)  }
0x9a: {  	[tilespmem:s22], [sflag:$0x1] =	stream.linear.gather [hbm4b:s8+s2], $0x80, $0x38;
	[tilespmem:$0x16800] =	vst v63  }
0x9b: {  	s8 =	sadd.s32 s3, s9;
	s9 =	sand.u32 $0x1FFFFFF0, s11;
	s11 =	spop (v2sf)  }
0x9c: {  	[tilespmem:s20], [sflag:$0x1] =	stream.linear.gather [hbm4b:s8+s2], $0x80, $0x38;
	[tilespmem:$0x16800] =	vst v63  }
0x9d: {  	s8 =	sadd.s32 s3, s10;
	s10 =	sand.u32 $0x1FFFFFF0, s11;
	s11 =	spop (v2sf)  }
0x9e: {  	[tilespmem:s19], [sflag:$0x1] =	stream.linear.gather [hbm4b:s8+s2], $0x80, $0x38;
	[tilespmem:$0x16800] =	vst v63  }
0x9f: {  	s8 =	sadd.s32 s3, s9;
	s9 =	sand.u32 $0x1FFFFFF0, s11;
	s11 =	spop (v2sf)  }
0xa0: {  	[tilespmem:s18], [sflag:$0x1] =	stream.linear.gather [hbm4b:s8+s2], $0x80, $0x38;
	[tilespmem:$0x16800] =	vst v63  }
0xa1: {  	s8 =	sadd.s32 s3, s10;
	s10 =	sand.u32 $0x1FFFFFF0, s11  }
0xa2: {  	[tilespmem:s17], [sflag:$0x1] =	stream.linear.gather [hbm4b:s8+s2], $0x80, $0x38;
	[tilespmem:$0x16800] =	vst v63  }
0xa3: {  	s9 =	sadd.s32 s3, s9;
	s11 =	sand.u32 $0x70, s0;
	s8 =	sadd.s32 $0x8700, s6  }
0xa4: {  	[tilespmem:s8], [sflag:$0x1] =	stream.linear.gather [hbm4b:s9+s2], $0x80, $0x38;
	[tilespmem:$0x16800] =	vst v63  }
0xa5: {  	s5 =	sor.u32 s11, s5;
	s8 =	sadd.s32 s3, s10  }
0xa6: {  	[tilespmem:s16], [sflag:$0x1] =	stream.linear.gather [hbm4b:s8+s2], $0x80, $0x38;
	[tilespmem:$0x16800] =	vst v63  }
0xa7: {  	v0 =	vld [tilespmem:s5+$0x0];
	_ =	sdelay $0x4  }
0xa8: {  	v0 =	vshll.u32 v0, $0x4  }
0xa9: {  	(v2sf) =	vpush v0, $0x0  }
0xaa: {  	(v2sf) =	vpush v0, $0x1  }
0xab: {  	(v2sf) =	vpush v0, $0x2;
	_ =	sdelay $0x1  }
0xac: {  	(v2sf) =	vpush v0, $0x3;
	_ =	sdelay $0x1  }
0xad: {  	s0 =	sadd.s32 $0x20, s0;
	(v2sf) =	vpush v0, $0x4  }
0xae: {  	s5 =	sadd.s32 $0xFFFFFFF0, s0  }
0xaf: {  	s26 =	sadd.s32 $0x8F80, s6;
	s17 =	sadd.s32 $0x8E00, s6;
	s16 =	sadd.s32 $0x8E80, s6;
	(v2sf) =	vpush v0, $0x5  }
0xb0: {  	s21 =	sadd.s32 $0x8C80, s6;
	s20 =	sadd.s32 $0x8D00, s6;
	s19 =	sadd.s32 $0x8D80, s6  }
0xb1: {  	s10 =	sadd.s32 $0x8B00, s6;
	s9 =	sadd.s32 $0x8B80, s6;
	s8 =	sadd.s32 $0x8C00, s6;
	(v2sf) =	vpush v0, $0x6  }
0xb2: {  	s13 =	sadd.s32 $0x8A80, s6;
	s12 =	sadd.s32 $0x8A00, s6;
	s11 =	sadd.s32 $0x8980, s6  }
0xb3: {  	s23 =	sadd.s32 $0x8900, s6;
	s22 =	sadd.s32 $0x8880, s6;
	s18 =	sand.u32 $0x60, s5;
	(v2sf) =	vpush v0, $0x7  }
0xb4: {  	s28 =	sadd.s32 $0x8800, s6  }
0xb5: {  	(v2sf) =	vpush v0, $0x8  }
0xb6: {  	s7 =	sadd.s32 $0x100, s7;
	s29 =	spop (v2sf)  }
0xb7: {  	s5 =	sand.u32 $0x400, s7;
	s29 =	sand.u32 $0x1FFFFFF0, s29;
	s30 =	spop (v2sf);
	(v2sf) =	vpush v0, $0x9  }
0xb8: {  	s29 =	sadd.s32 s3, s29;
	s30 =	sand.u32 $0x1FFFFFF0, s30;
	s31 =	spop (v2sf)  }
0xb9: {  	[tilespmem:s28], [sflag:$0x1] =	stream.linear.gather [hbm4b:s29+s2], $0x80, $0x38;
	(v2sf) =	vpush v0, $0xA;
	[tilespmem:$0x16800] =	vst v63  }
0xba: {  	s28 =	sadd.s32 s3, s30;
	s29 =	sand.u32 $0x1FFFFFF0, s31;
	s30 =	spop (v2sf)  }
0xbb: {  	[tilespmem:s22], [sflag:$0x1] =	stream.linear.gather [hbm4b:s28+s2], $0x80, $0x38;
	(v2sf) =	vpush v0, $0xB;
	[tilespmem:$0x16800] =	vst v63  }
0xbc: {  	s22 =	sadd.s32 s3, s29;
	s28 =	sand.u32 $0x1FFFFFF0, s30;
	s29 =	spop (v2sf)  }
0xbd: {  	[tilespmem:s23], [sflag:$0x1] =	stream.linear.gather [hbm4b:s22+s2], $0x80, $0x38;
	(v2sf) =	vpush v0, $0xC;
	[tilespmem:$0x16800] =	vst v63  }
0xbe: {  	s22 =	sadd.s32 s3, s28;
	s23 =	sand.u32 $0x1FFFFFF0, s29;
	s28 =	spop (v2sf)  }
0xbf: {  	[tilespmem:s11], [sflag:$0x1] =	stream.linear.gather [hbm4b:s22+s2], $0x80, $0x38;
	(v2sf) =	vpush v0, $0xD;
	[tilespmem:$0x16800] =	vst v63  }
0xc0: {  	s11 =	sadd.s32 s3, s23;
	s22 =	sand.u32 $0x1FFFFFF0, s28;
	s23 =	spop (v2sf)  }
0xc1: {  	[tilespmem:s12], [sflag:$0x1] =	stream.linear.gather [hbm4b:s11+s2], $0x80, $0x38;
	(v2sf) =	vpush v0, $0xE;
	[tilespmem:$0x16800] =	vst v63  }
0xc2: {  	s11 =	sadd.s32 s3, s22;
	s12 =	sand.u32 $0x1FFFFFF0, s23;
	s22 =	spop (v2sf)  }
0xc3: {  	[tilespmem:s13], [sflag:$0x1] =	stream.linear.gather [hbm4b:s11+s2], $0x80, $0x38;
	(v2sf) =	vpush v0, $0xF;
	[tilespmem:$0x16800] =	vst v63  }
0xc4: {  	s11 =	sadd.s32 s3, s12;
	s12 =	sand.u32 $0x1FFFFFF0, s22;
	s13 =	spop (v2sf)  }
0xc5: {  	[tilespmem:s10], [sflag:$0x1] =	stream.linear.gather [hbm4b:s11+s2], $0x80, $0x38;
	[tilespmem:$0x16800] =	vst v63  }
0xc6: {  	s10 =	sadd.s32 s3, s12;
	s11 =	sand.u32 $0x1FFFFFF0, s13;
	s12 =	spop (v2sf)  }
0xc7: {  	[tilespmem:s9], [sflag:$0x1] =	stream.linear.gather [hbm4b:s10+s2], $0x80, $0x38;
	[tilespmem:$0x16800] =	vst v63  }
.Ltmp0:
0xc8: {  	_ = 	snop;
	(pc) =	sbr.rel @p0 .LBB2_2-.Ltmp0, $4  }
0xc9: {  	s9 =	sadd.s32 s3, s11;
	s10 =	sand.u32 $0x1FFFFFF0, s12;
	s11 =	spop (v2sf)  }
0xca: {  	[tilespmem:s8], [sflag:$0x1] =	stream.linear.gather [hbm4b:s9+s2], $0x80, $0x38;
	[tilespmem:$0x16800] =	vst v63  }
0xcb: {  	s10 =	sadd.s32 s3, s10;
	s9 =	sand.u32 $0x1FFFFFF0, s11;
	s8 =	spop (v2sf)  }
0xcc: {  	[tilespmem:s21], [sflag:$0x1] =	stream.linear.gather [hbm4b:s10+s2], $0x80, $0x38;
	[tilespmem:$0x16800] =	vst v63  }
0xcd: {  	s4 =	sadd.s32 s3, s9;
	s15 =	sand.u32 $0x1FFFFFF0, s8  }
0xce: {  	[tilespmem:s20], [sflag:$0x1] =	stream.linear.gather [hbm4b:s4+s2], $0x80, $0x38;
	[tilespmem:$0x16800] =	vst v63  }
0xcf: {  	s4 =	sadd.s32 s3, s15  }
0xd0: {  	[tilespmem:s19], [sflag:$0x1] =	stream.linear.gather [hbm4b:s4+s2], $0x80, $0x38;
	[tilespmem:$0x16800] =	vst v63  }
0xd1: {  	s19 =	spop (v2sf)  }
0xd2: {  	s4 =	sand.u32 $0x1FFFFFF0, s19  }
0xd3: {  	s20 =	spop (v2sf);
	s4 =	sadd.s32 s3, s4  }
0xd4: {  	[tilespmem:s17], [sflag:$0x1] =	stream.linear.gather [hbm4b:s4+s2], $0x80, $0x38;
	[tilespmem:$0x16800] =	vst v63  }
0xd5: {  	s4 =	sand.u32 $0x1FFFFFF0, s20  }
0xd6: {  	s21 =	spop (v2sf);
	s4 =	sadd.s32 s3, s4  }
0xd7: {  	[tilespmem:s16], [sflag:$0x1] =	stream.linear.gather [hbm4b:s4+s2], $0x80, $0x38;
	[tilespmem:$0x16800] =	vst v63  }
0xd8: {  	s4 =	sand.u32 $0x1FFFFFF0, s21  }
0xd9: {  	s6 =	sadd.s32 $0x8F00, s6;
	s22 =	spop (v2sf);
	s4 =	sadd.s32 s3, s4  }
0xda: {  	[tilespmem:s6], [sflag:$0x1] =	stream.linear.gather [hbm4b:s4+s2], $0x80, $0x38;
	[tilespmem:$0x16800] =	vst v63  }
0xdb: {  	s4 =	sand.u32 $0x1FFFFFF0, s22  }
0xdc: {  	s23 =	sor.u32 s18, s5;
	s4 =	sadd.s32 s3, s4  }
0xdd: {  	[tilespmem:s26], [sflag:$0x1] =	stream.linear.gather [hbm4b:s4+s2], $0x80, $0x38;
	[tilespmem:$0x16800] =	vst v63  }
0xde: {  	v0 =	vld [tilespmem:s23+$0x0];
	_ =	sdelay $0x4  }
0xdf: {  	v0 =	vshll.u32 v0, $0x4  }
0xe0: {  	(v2sf) =	vpush v0, $0x0;
	_ =	sdelay $0x1  }
0xe1: {  	(v2sf) =	vpush v0, $0x1;
	_ =	sdelay $0x1  }
0xe2: {  	(v2sf) =	vpush v0, $0x2;
	_ =	sdelay $0x2  }
0xe3: {  	(v2sf) =	vpush v0, $0x3;
	_ =	sdelay $0x7  }
0xe4: {  	s24 =	spop (v2sf);
	(v2sf) =	vpush v0, $0x4;
	_ =	sdelay $0x1  }
0xe5: {  	s26 =	spop (v2sf);
	(v2sf) =	vpush v0, $0x5;
	_ =	sdelay $0x1  }
0xe6: {  	s29 =	spop (v2sf);
	(v2sf) =	vpush v0, $0x6;
	_ =	sdelay $0x1  }
0xe7: {  	s1 =	sshra.s32 s1, $0x2;
	s4 =	sand.u32 $0x1FFFFFF0, s24  }
0xe8: {  	s25 =	sadd.s32 $0x8000, s1;
	s4 =	sadd.s32 s3, s4;
	s6 =	spop (v2sf);
	(v2sf) =	vpush v0, $0x7  }
0xe9: {  	[tilespmem:s25], [sflag:$0x1] =	stream.linear.gather [hbm4b:s4+s2], $0x80, $0x38;
	[tilespmem:$0x16800] =	vst v63  }
0xea: {  	s4 =	sand.u32 $0x1FFFFFF0, s26  }
0xeb: {  	s28 =	sadd.s32 $0x8080, s1;
	s4 =	sadd.s32 s3, s4  }
0xec: {  	[tilespmem:s28], [sflag:$0x1] =	stream.linear.gather [hbm4b:s4+s2], $0x80, $0x38;
	[tilespmem:$0x16800] =	vst v63  }
0xed: {  	s4 =	sand.u32 $0x1FFFFFF0, s29  }
0xee: {  	s31 =	sadd.s32 $0x8100, s1;
	s4 =	sadd.s32 s3, s4  }
0xef: {  	[tilespmem:s31], [sflag:$0x1] =	stream.linear.gather [hbm4b:s4+s2], $0x80, $0x38;
	[tilespmem:$0x16800] =	vst v63  }
0xf0: {  	s8 =	spop (v2sf);
	(v2sf) =	vpush v0, $0x8  }
0xf1: {  	s4 =	sand.u32 $0x1FFFFFF0, s6  }
0xf2: {  	s7 =	sadd.s32 $0x8180, s1;
	s4 =	sadd.s32 s3, s4;
	s10 =	spop (v2sf);
	(v2sf) =	vpush v0, $0x9  }
0xf3: {  	[tilespmem:s7], [sflag:$0x1] =	stream.linear.gather [hbm4b:s4+s2], $0x80, $0x38;
	[tilespmem:$0x16800] =	vst v63  }
0xf4: {  	s4 =	sand.u32 $0x1FFFFFF0, s8;
	s12 =	spop (v2sf);
	(v2sf) =	vpush v0, $0xA  }
0xf5: {  	s9 =	sadd.s32 $0x8200, s1;
	s4 =	sadd.s32 s3, s4  }
0xf6: {  	[tilespmem:s9], [sflag:$0x1] =	stream.linear.gather [hbm4b:s4+s2], $0x80, $0x38;
	[tilespmem:$0x16800] =	vst v63  }
0xf7: {  	s14 =	spop (v2sf);
	(v2sf) =	vpush v0, $0xB  }
0xf8: {  	s4 =	sand.u32 $0x1FFFFFF0, s10  }
0xf9: {  	s11 =	sadd.s32 $0x8280, s1;
	s4 =	sadd.s32 s3, s4  }
0xfa: {  	[tilespmem:s11], [sflag:$0x1] =	stream.linear.gather [hbm4b:s4+s2], $0x80, $0x38;
	[tilespmem:$0x16800] =	vst v63  }
0xfb: {  	s4 =	sand.u32 $0x1FFFFFF0, s12  }
0xfc: {  	s13 =	sadd.s32 $0x8300, s1;
	s4 =	sadd.s32 s3, s4  }
0xfd: {  	[tilespmem:s13], [sflag:$0x1] =	stream.linear.gather [hbm4b:s4+s2], $0x80, $0x38;
	[tilespmem:$0x16800] =	vst v63  }
0xfe: {  	s4 =	sand.u32 $0x1FFFFFF0, s14  }
0xff: {  	s15 =	sadd.s32 $0x8380, s1;
	s4 =	sadd.s32 s3, s4;
	s16 =	spop (v2sf);
	(v2sf) =	vpush v0, $0xC  }
0x100: {  	[tilespmem:s15], [sflag:$0x1] =	stream.linear.gather [hbm4b:s4+s2], $0x80, $0x38;
	[tilespmem:$0x16800] =	vst v63  }
0x101: {  	s18 =	spop (v2sf);
	(v2sf) =	vpush v0, $0xD  }
0x102: {  	s4 =	sand.u32 $0x1FFFFFF0, s16  }
0x103: {  	s17 =	sadd.s32 $0x8400, s1;
	s4 =	sadd.s32 s3, s4;
	s20 =	spop (v2sf)  }
0x104: {  	(v2sf) =	vpush v0, $0xE;
	[tilespmem:s17], [sflag:$0x1] =	stream.linear.gather [hbm4b:s4+s2], $0x80, $0x38;
	[tilespmem:$0x16800] =	vst v63  }
0x105: {  	s4 =	sand.u32 $0x1FFFFFF0, s18  }
0x106: {  	s19 =	sadd.s32 $0x8480, s1;
	s22 =	spop (v2sf);
	s4 =	sadd.s32 s3, s4  }
0x107: {  	(v2sf) =	vpush v0, $0xF;
	[tilespmem:s19], [sflag:$0x1] =	stream.linear.gather [hbm4b:s4+s2], $0x80, $0x38;
	[tilespmem:$0x16800] =	vst v63  }
0x108: {  	s4 =	sand.u32 $0x1FFFFFF0, s20  }
0x109: {  	s21 =	sadd.s32 $0x8500, s1;
	s4 =	sadd.s32 s3, s4  }
0x10a: {  	[tilespmem:s21], [sflag:$0x1] =	stream.linear.gather [hbm4b:s4+s2], $0x80, $0x38;
	[tilespmem:$0x16800] =	vst v63  }
0x10b: {  	s4 =	sand.u32 $0x1FFFFFF0, s22  }
0x10c: {  	s23 =	sadd.s32 $0x8580, s1;
	s4 =	sadd.s32 s3, s4  }
0x10d: {  	[tilespmem:s23], [sflag:$0x1] =	stream.linear.gather [hbm4b:s4+s2], $0x80, $0x38;
	[tilespmem:$0x16800] =	vst v63  }
0x10e: {  	s24 =	spop (v2sf)  }
0x10f: {  	s4 =	sand.u32 $0x1FFFFFF0, s24  }
0x110: {  	s25 =	sadd.s32 $0x8600, s1;
	s26 =	spop (v2sf);
	s4 =	sadd.s32 s3, s4  }
0x111: {  	[tilespmem:s25], [sflag:$0x1] =	stream.linear.gather [hbm4b:s4+s2], $0x80, $0x38;
	[tilespmem:$0x16800] =	vst v63  }
0x112: {  	s4 =	sand.u32 $0x1FFFFFF0, s26  }
0x113: {  	s28 =	sadd.s32 $0x8680, s1;
	s29 =	spop (v2sf);
	s4 =	sadd.s32 s3, s4  }
0x114: {  	[tilespmem:s28], [sflag:$0x1] =	stream.linear.gather [hbm4b:s4+s2], $0x80, $0x38;
	[tilespmem:$0x16800] =	vst v63  }
0x115: {  	s4 =	sand.u32 $0x1FFFFFF0, s29  }
0x116: {  	s31 =	sadd.s32 $0x8700, s1;
	s6 =	spop (v2sf);
	s4 =	sadd.s32 s3, s4  }
0x117: {  	[tilespmem:s31], [sflag:$0x1] =	stream.linear.gather [hbm4b:s4+s2], $0x80, $0x38;
	[tilespmem:$0x16800] =	vst v63  }
0x118: {  	s0 =	sand.u32 $0x70, s0;
	s4 =	sand.u32 $0x1FFFFFF0, s6  }
0x119: {  	s0 =	sor.u32 s0, s5;
	s7 =	sadd.s32 $0x8780, s1;
	s4 =	sadd.s32 s3, s4  }
0x11a: {  	[tilespmem:s7], [sflag:$0x1] =	stream.linear.gather [hbm4b:s4+s2], $0x80, $0x38;
	[tilespmem:$0x16800] =	vst v63  }
0x11b: {  	v62 =	vld [tilespmem:s0+$0x0];
	_ =	sdelay $0x4  }
0x11c: {  	v0 =	vshll.u32 v62, $0x4  }
0x11d: {  	(v2sf) =	vpush v0, $0x0;
	_ =	sdelay $0x1  }
0x11e: {  	(v2sf) =	vpush v0, $0x1;
	_ =	sdelay $0x1  }
0x11f: {  	(v2sf) =	vpush v0, $0x2;
	_ =	sdelay $0x2  }
0x120: {  	(v2sf) =	vpush v0, $0x3;
	_ =	sdelay $0x7  }
0x121: {  	s8 =	spop (v2sf);
	(v2sf) =	vpush v0, $0x4;
	_ =	sdelay $0x1  }
0x122: {  	s10 =	spop (v2sf);
	(v2sf) =	vpush v0, $0x5;
	_ =	sdelay $0x1  }
0x123: {  	s12 =	spop (v2sf);
	(v2sf) =	vpush v0, $0x6;
	_ =	sdelay $0x1  }
0x124: {  	s0 =	sand.u32 $0x1FFFFFF0, s8  }
0x125: {  	s9 =	sadd.s32 $0x8800, s1;
	s0 =	sadd.s32 s3, s0;
	s14 =	spop (v2sf);
	(v2sf) =	vpush v0, $0x7  }
0x126: {  	[tilespmem:s9], [sflag:$0x1] =	stream.linear.gather [hbm4b:s0+s2], $0x80, $0x38;
	[tilespmem:$0x16800] =	vst v63  }
0x127: {  	s0 =	sand.u32 $0x1FFFFFF0, s10  }
0x128: {  	s11 =	sadd.s32 $0x8880, s1;
	s0 =	sadd.s32 s3, s0  }
0x129: {  	[tilespmem:s11], [sflag:$0x1] =	stream.linear.gather [hbm4b:s0+s2], $0x80, $0x38;
	[tilespmem:$0x16800] =	vst v63  }
0x12a: {  	s0 =	sand.u32 $0x1FFFFFF0, s12  }
0x12b: {  	s13 =	sadd.s32 $0x8900, s1;
	s0 =	sadd.s32 s3, s0  }
0x12c: {  	[tilespmem:s13], [sflag:$0x1] =	stream.linear.gather [hbm4b:s0+s2], $0x80, $0x38;
	[tilespmem:$0x16800] =	vst v63  }
0x12d: {  	s16 =	spop (v2sf);
	(v2sf) =	vpush v0, $0x8  }
0x12e: {  	s0 =	sand.u32 $0x1FFFFFF0, s14  }
0x12f: {  	s15 =	sadd.s32 $0x8980, s1;
	s0 =	sadd.s32 s3, s0;
	s18 =	spop (v2sf);
	(v2sf) =	vpush v0, $0x9  }
0x130: {  	[tilespmem:s15], [sflag:$0x1] =	stream.linear.gather [hbm4b:s0+s2], $0x80, $0x38;
	[tilespmem:$0x16800] =	vst v63  }
0x131: {  	s0 =	sand.u32 $0x1FFFFFF0, s16;
	s20 =	spop (v2sf);
	(v2sf) =	vpush v0, $0xA  }
0x132: {  	s17 =	sadd.s32 $0x8A00, s1;
	s0 =	sadd.s32 s3, s0  }
0x133: {  	[tilespmem:s17], [sflag:$0x1] =	stream.linear.gather [hbm4b:s0+s2], $0x80, $0x38;
	[tilespmem:$0x16800] =	vst v63  }
0x134: {  	s22 =	spop (v2sf);
	(v2sf) =	vpush v0, $0xB  }
0x135: {  	s0 =	sand.u32 $0x1FFFFFF0, s18  }
0x136: {  	s19 =	sadd.s32 $0x8A80, s1;
	s0 =	sadd.s32 s3, s0  }
0x137: {  	[tilespmem:s19], [sflag:$0x1] =	stream.linear.gather [hbm4b:s0+s2], $0x80, $0x38;
	[tilespmem:$0x16800] =	vst v63  }
0x138: {  	s0 =	sand.u32 $0x1FFFFFF0, s20  }
0x139: {  	s21 =	sadd.s32 $0x8B00, s1;
	s0 =	sadd.s32 s3, s0  }
0x13a: {  	[tilespmem:s21], [sflag:$0x1] =	stream.linear.gather [hbm4b:s0+s2], $0x80, $0x38;
	[tilespmem:$0x16800] =	vst v63  }
0x13b: {  	s0 =	sand.u32 $0x1FFFFFF0, s22  }
0x13c: {  	s23 =	sadd.s32 $0x8B80, s1;
	s0 =	sadd.s32 s3, s0;
	s24 =	spop (v2sf);
	(v2sf) =	vpush v0, $0xC  }
0x13d: {  	[tilespmem:s23], [sflag:$0x1] =	stream.linear.gather [hbm4b:s0+s2], $0x80, $0x38;
	[tilespmem:$0x16800] =	vst v63  }
0x13e: {  	s26 =	spop (v2sf);
	(v2sf) =	vpush v0, $0xD  }
0x13f: {  	s0 =	sand.u32 $0x1FFFFFF0, s24  }
0x140: {  	s25 =	sadd.s32 $0x8C00, s1;
	s0 =	sadd.s32 s3, s0;
	s29 =	spop (v2sf)  }
0x141: {  	(v2sf) =	vpush v0, $0xE;
	[tilespmem:s25], [sflag:$0x1] =	stream.linear.gather [hbm4b:s0+s2], $0x80, $0x38;
	[tilespmem:$0x16800] =	vst v63  }
0x142: {  	s0 =	sand.u32 $0x1FFFFFF0, s26  }
0x143: {  	s28 =	sadd.s32 $0x8C80, s1;
	s4 =	spop (v2sf);
	s0 =	sadd.s32 s3, s0  }
0x144: {  	(v2sf) =	vpush v0, $0xF;
	[tilespmem:s28], [sflag:$0x1] =	stream.linear.gather [hbm4b:s0+s2], $0x80, $0x38;
	[tilespmem:$0x16800] =	vst v63  }
0x145: {  	s0 =	sand.u32 $0x1FFFFFF0, s29  }
0x146: {  	s31 =	sadd.s32 $0x8D00, s1;
	s0 =	sadd.s32 s3, s0  }
0x147: {  	[tilespmem:s31], [sflag:$0x1] =	stream.linear.gather [hbm4b:s0+s2], $0x80, $0x38;
	[tilespmem:$0x16800] =	vst v63  }
0x148: {  	s0 =	sand.u32 $0x1FFFFFF0, s4  }
0x149: {  	s5 =	sadd.s32 $0x8D80, s1;
	s0 =	sadd.s32 s3, s0  }
0x14a: {  	[tilespmem:s5], [sflag:$0x1] =	stream.linear.gather [hbm4b:s0+s2], $0x80, $0x38;
	[tilespmem:$0x16800] =	vst v63  }
0x14b: {  	s6 =	spop (v2sf)  }
0x14c: {  	s0 =	sand.u32 $0x1FFFFFF0, s6  }
0x14d: {  	s7 =	sadd.s32 $0x8E00, s1;
	s8 =	spop (v2sf);
	s0 =	sadd.s32 s3, s0  }
0x14e: {  	[tilespmem:s7], [sflag:$0x1] =	stream.linear.gather [hbm4b:s0+s2], $0x80, $0x38;
	[tilespmem:$0x16800] =	vst v63  }
0x14f: {  	s0 =	sand.u32 $0x1FFFFFF0, s8  }
0x150: {  	s9 =	sadd.s32 $0x8E80, s1;
	s10 =	spop (v2sf);
	s0 =	sadd.s32 s3, s0  }
0x151: {  	[tilespmem:s9], [sflag:$0x1] =	stream.linear.gather [hbm4b:s0+s2], $0x80, $0x38;
	[tilespmem:$0x16800] =	vst v63  }
0x152: {  	s0 =	sand.u32 $0x1FFFFFF0, s10  }
0x153: {  	s11 =	sadd.s32 $0x8F00, s1;
	s12 =	spop (v2sf);
	s0 =	sadd.s32 s3, s0  }
0x154: {  	[tilespmem:s11], [sflag:$0x1] =	stream.linear.gather [hbm4b:s0+s2], $0x80, $0x38;
	[tilespmem:$0x16800] =	vst v63  }
0x155: {  	s0 =	sand.u32 $0x1FFFFFF0, s12  }
0x156: {  	s1 =	sadd.s32 $0x8F80, s1;
	s0 =	sadd.s32 s3, s0  }
0x157: {  	[tilespmem:s1], [sflag:$0x1] =	stream.linear.gather [hbm4b:s0+s2], $0x80, $0x38;
	[tilespmem:$0x16800] =	vst v63  }
0x158: {  	v63 =	vld.msk [tilespmem:$0x440], $0xff;
	_ =	sdelay $0x4  }
0x159: {  	v0 =	vshll.u32 v63, $0x4  }
0x15a: {  	(v2sf) =	vpush v0, $0x0;
	_ =	sdelay $0x1  }
0x15b: {  	(v2sf) =	vpush v0, $0x1;
	_ =	sdelay $0x1  }
0x15c: {  	(v2sf) =	vpush v0, $0x2;
	_ =	sdelay $0x2  }
0x15d: {  	(v2sf) =	vpush v0, $0x3;
	_ =	sdelay $0x7  }
0x15e: {  	s13 =	spop (v2sf);
	(v2sf) =	vpush v0, $0x4;
	_ =	sdelay $0x1  }
0x15f: {  	s16 =	spop (v2sf);
	(v2sf) =	vpush v0, $0x5  }
0x160: {  	s14 =	simm.s32 $0x0;
	s0 =	sand.u32 $0x1FFFFFF0, s13  }
0x161: {  	s15 =	simm.s32 $0xE000;
	s0 =	sadd.s32 s3, s0;
	s18 =	spop (v2sf)  }
0x162: {  	(v2sf) =	vpush v0, $0x6;
	[tilespmem:s15], [sflag:$0x1] =	stream.linear.gather [hbm4b:s0+s14], $0x80, $0x38;
	[tilespmem:$0x16800] =	vst v63  }
0x163: {  	s0 =	sand.u32 $0x1FFFFFF0, s16  }
0x164: {  	s17 =	simm.s32 $0xE080;
	s20 =	spop (v2sf);
	s0 =	sadd.s32 s3, s0  }
0x165: {  	(v2sf) =	vpush v0, $0x7;
	[tilespmem:s17], [sflag:$0x1] =	stream.linear.gather [hbm4b:s0+s14], $0x80, $0x38;
	[tilespmem:$0x16800] =	vst v63  }
0x166: {  	s0 =	sand.u32 $0x1FFFFFF0, s18  }
0x167: {  	s19 =	simm.s32 $0xE100;
	s0 =	sadd.s32 s3, s0  }
0x168: {  	[tilespmem:s19], [sflag:$0x1] =	stream.linear.gather [hbm4b:s0+s14], $0x80, $0x38;
	[tilespmem:$0x16800] =	vst v63  }
0x169: {  	s0 =	sand.u32 $0x1FFFFFF0, s20  }
0x16a: {  	s21 =	simm.s32 $0xE180;
	s0 =	sadd.s32 s3, s0  }
0x16b: {  	[tilespmem:s21], [sflag:$0x1] =	stream.linear.gather [hbm4b:s0+s14], $0x80, $0x38;
	[tilespmem:$0x16800] =	vst v63  }
0x16c: {  	s22 =	spop (v2sf)  }
0x16d: {  	s0 =	sand.u32 $0x1FFFFFF0, s22  }
0x16e: {  	s23 =	simm.s32 $0xE200;
	s24 =	spop (v2sf);
	s0 =	sadd.s32 s3, s0  }
0x16f: {  	[tilespmem:s23], [sflag:$0x1] =	stream.linear.gather [hbm4b:s0+s14], $0x80, $0x38;
	[tilespmem:$0x16800] =	vst v63  }
0x170: {  	s0 =	sand.u32 $0x1FFFFFF0, s24  }
0x171: {  	s25 =	simm.s32 $0xE280;
	s26 =	spop (v2sf);
	s0 =	sadd.s32 s3, s0  }
0x172: {  	[tilespmem:s25], [sflag:$0x1] =	stream.linear.gather [hbm4b:s0+s14], $0x80, $0x38;
	[tilespmem:$0x16800] =	vst v63  }
0x173: {  	s0 =	sand.u32 $0x1FFFFFF0, s26  }
0x174: {  	s28 =	simm.s32 $0xE300;
	s29 =	spop (v2sf);
	s0 =	sadd.s32 s3, s0  }
0x175: {  	[tilespmem:s28], [sflag:$0x1] =	stream.linear.gather [hbm4b:s0+s14], $0x80, $0x38;
	[tilespmem:$0x16800] =	vst v63  }
0x176: {  	s0 =	sand.u32 $0x1FFFFFF0, s29  }
0x177: {  	s30 =	simm.s32 $0x0;
	s31 =	simm.s32 $0xE380;
	s0 =	sadd.s32 s3, s0  }
0x178: {  	[tilespmem:s31], [sflag:$0x1] =	stream.linear.gather [hbm4b:s0+s14], $0x80, $0x38;
	[tilespmem:$0x16800] =	vst v63  }
.LBB2_4:
0x179: {  	s0 =	sshll.u32 s30, $0x8  }
0x17a: {  	s0 =	sand.u32 $0x300, s0  }
0x17b: {  	s0 =	sor.u32 $0x80, s0  }
0x17c: {  	v0 =	vmov s0  }
0x17d: {  	s1 =	sshll.u32 s30, $0x9;
	s4 =	simm.s32 $0x0  }
0x17e: {  	s19 =	simm.s32 $0x0;
	s26 =	sand.u32 $0x7800, s1;
	s4 =	sand.u32 $0x400, s4  }
0x17f: {  	[dreg:$0x7] =	wrdreg s1;
	s5 =	sand.u32 $0x60, s19;
	s1 =	sadd.s32 s4, s26  }
0x180: {  	s4 =	sadd.s32 s5, s1  }
0x181: {  	v1 =	vld.idx.msk [tilespmem:v0+s4+$0x0 ss:$0x1], $0xffff;
	_ =	sdelay $0x4  }
0x182: {  	v1 =	vshll.u32 v1, $0x4  }
0x183: {  	(v2sf) =	vpush v1, $0x0  }
0x184: {  	(v2sf) =	vpush v1, $0x1  }
0x185: {  	(v2sf) =	vpush v1, $0x2;
	_ =	sdelay $0x2  }
0x186: {  	(v2sf) =	vpush v1, $0x3;
	_ =	sdelay $0x1  }
0x187: {  	(v2sf) =	vpush v1, $0x4;
	_ =	sdelay $0x1  }
0x188: {  	(v2sf) =	vpush v1, $0x5;
	_ =	sdelay $0x1  }
0x189: {  	s6 =	simm.s32 $0xEA00;
	(v2sf) =	vpush v1, $0x6  }
0x18a: {  	s8 =	simm.s32 $0xE400;
	s9 =	simm.s32 $0xE480;
	s7 =	simm.s32 $0xE980  }
0x18b: {  	s10 =	simm.s32 $0xE880;
	s11 =	simm.s32 $0xE900;
	s12 =	simm.s32 $0xE500;
	(v2sf) =	vpush v1, $0x7  }
0x18c: {  	s16 =	simm.s32 $0xE700;
	s18 =	simm.s32 $0xE800;
	s24 =	simm.s32 $0xE580  }
0x18d: {  	s31 =	simm.s32 $0xE600;
	s5 =	simm.s32 $0xEA80;
	(v2sf) =	vpush v1, $0x8;
	s13 =	spop (v2sf)  }
0x18e: {  	s4 =	simm.s32 $0x10;
	s13 =	sand.u32 $0x1FFFFFF0, s13;
	s17 =	spop (v2sf)  }
0x18f: {  	s4 =	sand.u32 $0x70, s4;
	(v2sf) =	vpush v1, $0x9;
	s13 =	sadd.s32 s3, s13;
	s21 =	spop (v2sf)  }
0x190: {  	[tilespmem:s8], [sflag:$0x2] =	stream.linear.gather [hbm4b:s13+s2], $0x80, $0x38;
	[tilespmem:$0x16800] =	vst v63  }
0x191: {  	(v2sf) =	vpush v1, $0xA;
	s17 =	sand.u32 $0x1FFFFFF0, s17;
	s8 =	simm.s32 $0xE680;
	s22 =	sand.u32 $0x1FFFFFF0, s21  }
0x192: {  	s20 =	sadd.s32 s3, s17;
	s23 =	spop (v2sf);
	s13 =	sadd.s32 s3, s22  }
0x193: {  	(v2sf) =	vpush v1, $0xB;
	[tilespmem:s9], [sflag:$0x2] =	stream.linear.gather [hbm4b:s20+s2], $0x80, $0x38;
	[tilespmem:$0x16800] =	vst v63  }
0x194: {  	s17 =	sand.u32 $0x1FFFFFF0, s23;
	s19 =	spop (v2sf);
	s9 =	simm.s32 $0xE780  }
0x195: {  	(v2sf) =	vpush v1, $0xC;
	[tilespmem:s12], [sflag:$0x2] =	stream.linear.gather [hbm4b:s13+s2], $0x80, $0x38;
	[tilespmem:$0x16800] =	vst v63  }
0x196: {  	s25 =	sadd.s32 s3, s17;
	s29 =	spop (v2sf);
	s14 =	sand.u32 $0x1FFFFFF0, s19  }
0x197: {  	(v2sf) =	vpush v1, $0xD;
	[tilespmem:s24], [sflag:$0x2] =	stream.linear.gather [hbm4b:s25+s2], $0x80, $0x38;
	[tilespmem:$0x16800] =	vst v63  }
0x198: {  	s15 =	spop (v2sf);
	s17 =	sand.u32 $0x1FFFFFF0, s29;
	s13 =	sadd.s32 s3, s14  }
0x199: {  	(v2sf) =	vpush v1, $0xE;
	[tilespmem:s31], [sflag:$0x2] =	stream.linear.gather [hbm4b:s13+s2], $0x80, $0x38;
	[tilespmem:$0x16800] =	vst v63  }
0x19a: {  	s20 =	spop (v2sf);
	s17 =	sadd.s32 s3, s17;
	s19 =	sand.u32 $0x1FFFFFF0, s15  }
0x19b: {  	(v2sf) =	vpush v1, $0xF;
	[tilespmem:s8], [sflag:$0x2] =	stream.linear.gather [hbm4b:s17+s2], $0x80, $0x38;
	[tilespmem:$0x16800] =	vst v63  }
0x19c: {  	s21 =	spop (v2sf);
	s22 =	sadd.s32 s3, s19;
	s23 =	sand.u32 $0x1FFFFFF0, s20  }
0x19d: {  	[tilespmem:s16], [sflag:$0x2] =	stream.linear.gather [hbm4b:s22+s2], $0x80, $0x38;
	[tilespmem:$0x16800] =	vst v63  }
0x19e: {  	s25 =	sadd.s32 s3, s23;
	s29 =	sand.u32 $0x1FFFFFF0, s21;
	s24 =	spop (v2sf)  }
0x19f: {  	[tilespmem:s9], [sflag:$0x2] =	stream.linear.gather [hbm4b:s25+s2], $0x80, $0x38;
	[tilespmem:$0x16800] =	vst v63  }
0x1a0: {  	s31 =	spop (v2sf);
	s12 =	sand.u32 $0x1FFFFFF0, s24;
	s9 =	sadd.s32 s3, s29  }
0x1a1: {  	[tilespmem:s18], [sflag:$0x2] =	stream.linear.gather [hbm4b:s9+s2], $0x80, $0x38;
	[tilespmem:$0x16800] =	vst v63  }
0x1a2: {  	s13 =	spop (v2sf);
	s14 =	sadd.s32 s3, s12;
	s15 =	sand.u32 $0x1FFFFFF0, s31  }
0x1a3: {  	[tilespmem:s10], [sflag:$0x2] =	stream.linear.gather [hbm4b:s14+s2], $0x80, $0x38;
	[tilespmem:$0x16800] =	vst v63  }
0x1a4: {  	s17 =	sadd.s32 s3, s15;
	s16 =	spop (v2sf);
	s18 =	sand.u32 $0x1FFFFFF0, s13  }
0x1a5: {  	[tilespmem:s11], [sflag:$0x2] =	stream.linear.gather [hbm4b:s17+s2], $0x80, $0x38;
	[tilespmem:$0x16800] =	vst v63  }
0x1a6: {  	s19 =	spop (v2sf);
	s20 =	sadd.s32 s3, s18;
	s21 =	sand.u32 $0x1FFFFFF0, s16  }
0x1a7: {  	[tilespmem:s7], [sflag:$0x2] =	stream.linear.gather [hbm4b:s20+s2], $0x80, $0x38;
	[tilespmem:$0x16800] =	vst v63  }
0x1a8: {  	s10 =	sand.u32 $0x1FFFFFF0, s19;
	s22 =	sadd.s32 s3, s21;
	s23 =	spop (v2sf)  }
0x1a9: {  	[tilespmem:s6], [sflag:$0x2] =	stream.linear.gather [hbm4b:s22+s2], $0x80, $0x38;
	[tilespmem:$0x16800] =	vst v63  }
0x1aa: {  	s24 =	sadd.s32 s3, s10;
	s25 =	sand.u32 $0x1FFFFFF0, s23;
	s29 =	spop (v2sf)  }
0x1ab: {  	[tilespmem:s5], [sflag:$0x2] =	stream.linear.gather [hbm4b:s24+s2], $0x80, $0x38;
	[tilespmem:$0x16800] =	vst v63  }
0x1ac: {  	s31 =	simm.s32 $0xEB00;
	s9 =	sadd.s32 s3, s25;
	s10 =	sand.u32 $0x1FFFFFF0, s29  }
0x1ad: {  	[tilespmem:s31], [sflag:$0x2] =	stream.linear.gather [hbm4b:s9+s2], $0x80, $0x38;
	[tilespmem:$0x16800] =	vst v63  }
0x1ae: {  	s1 =	sadd.s32 s4, s1;
	s11 =	simm.s32 $0xEB80;
	s6 =	sadd.s32 s3, s10  }
0x1af: {  	[tilespmem:s11], [sflag:$0x2] =	stream.linear.gather [hbm4b:s6+s2], $0x80, $0x38;
	[tilespmem:$0x16800] =	vst v63  }
0x1b0: {  	v1 =	vld.idx.msk [tilespmem:v0+s1+$0x0 ss:$0x1], $0xffff;
	_ =	sdelay $0x4  }
0x1b1: {  	v1 =	vshll.u32 v1, $0x4  }
0x1b2: {  	(v2sf) =	vpush v1, $0x0;
	_ =	sdelay $0x1  }
0x1b3: {  	(v2sf) =	vpush v1, $0x1  }
0x1b4: {  	(v2sf) =	vpush v1, $0x2;
	_ =	sdelay $0x1  }
0x1b5: {  	(v2sf) =	vpush v1, $0x3  }
0x1b6: {  	(v2sf) =	vpush v1, $0x4;
	_ =	sdelay $0x1  }
0x1b7: {  	(v2sf) =	vpush v1, $0x5  }
0x1b8: {  	(v2sf) =	vpush v1, $0x6;
	_ =	sdelay $0x1  }
0x1b9: {  	s28 =	simm.s32 $0x200;
	s4 =	simm.s32 $0x30;
	s12 =	sshll.u32 s30, $0x1;
	(v2sf) =	vpush v1, $0x7  }
0x1ba: {  	s8 =	simm.s32 $0x20;
	[dreg:$0x8] =	wrdreg s12;
	s13 =	simm.s32 $0x100  }
0x1bb: {  	s15 =	simm.s32 $0xEC00;
	s16 =	sand.u32 $0x400, s13;
	s18 =	simm.s32 $0xF200  }
0x1bc: {  	s21 =	simm.s32 $0xEC80;
	s17 =	simm.s32 $0xF280;
	s29 =	simm.s32 $0xED80  }
0x1bd: {  	s7 =	simm.s32 $0x50;
	s10 =	simm.s32 $0xF080;
	s14 =	spop (v2sf);
	(v2sf) =	vpush v1, $0x8  }
0x1be: {  	s5 =	simm.s32 $0x4000;
	s24 =	simm.s32 $0xED00;
	s9 =	simm.s32 $0xF100  }
0x1bf: {  	s6 =	simm.s32 $0x8000;
	s11 =	sand.u32 $0x1FFFFFF0, s14;
	s19 =	spop (v2sf);
	(v2sf) =	vpush v1, $0x9  }
0x1c0: {  	s14 =	simm.s32 $0xEE00;
	s11 =	sadd.s32 s3, s11;
	s20 =	spop (v2sf)  }
0x1c1: {  	[tilespmem:s15], [sflag:$0x2] =	stream.linear.gather [hbm4b:s11+s2], $0x80, $0x38;
	[tilespmem:$0x16800] =	vst v63  }
0x1c2: {  	s13 =	sand.u32 $0x1FFFFFF0, s19;
	s23 =	sand.u32 $0x1FFFFFF0, s20;
	s25 =	spop (v2sf)  }
0x1c3: {  	(v2sf) =	vpush v1, $0xA;
	s22 =	sadd.s32 s3, s13;
	s13 =	sadd.s32 s3, s23;
	s31 =	spop (v2sf)  }
0x1c4: {  	[tilespmem:s21], [sflag:$0x2] =	stream.linear.gather [hbm4b:s22+s2], $0x80, $0x38;
	[tilespmem:$0x16800] =	vst v63  }
0x1c5: {  	s12 =	sand.u32 $0x1FFFFFF0, s25;
	s23 =	simm.s32 $0xEF00;
	s1 =	spop (v2sf)  }
0x1c6: {  	(v2sf) =	vpush v1, $0xB;
	s12 =	sadd.s32 s3, s12;
	s21 =	simm.s32 $0xEE80;
	s22 =	spop (v2sf)  }
0x1c7: {  	[tilespmem:s24], [sflag:$0x2] =	stream.linear.gather [hbm4b:s13+s2], $0x80, $0x38;
	[tilespmem:$0x16800] =	vst v63  }
0x1c8: {  	(v2sf) =	vpush v1, $0xC;
	s20 =	sand.u32 $0x1FFFFFF0, s1;
	s13 =	sand.u32 $0x1FFFFFF0, s31;
	s24 =	spop (v2sf)  }
0x1c9: {  	[tilespmem:s29], [sflag:$0x2] =	stream.linear.gather [hbm4b:s12+s2], $0x80, $0x38;
	[tilespmem:$0x16800] =	vst v63  }
0x1ca: {  	(v2sf) =	vpush v1, $0xD;
	s15 =	sadd.s32 s3, s13;
	s13 =	sadd.s32 s3, s20;
	s20 =	sand.u32 $0x60, s8  }
0x1cb: {  	[tilespmem:s14], [sflag:$0x2] =	stream.linear.gather [hbm4b:s15+s2], $0x80, $0x38;
	[tilespmem:$0x16800] =	vst v63  }
0x1cc: {  	s12 =	sand.u32 $0x1FFFFFF0, s22;
	s29 =	simm.s32 $0xEF80;
	s25 =	spop (v2sf);
	(v2sf) =	vpush v1, $0xE  }
0x1cd: {  	[tilespmem:s21], [sflag:$0x2] =	stream.linear.gather [hbm4b:s13+s2], $0x80, $0x38;
	[tilespmem:$0x16800] =	vst v63  }
0x1ce: {  	s12 =	sadd.s32 s3, s12;
	s13 =	sand.u32 $0x1FFFFFF0, s24;
	s15 =	spop (v2sf);
	(v2sf) =	vpush v1, $0xF  }
0x1cf: {  	[tilespmem:s23], [sflag:$0x2] =	stream.linear.gather [hbm4b:s12+s2], $0x80, $0x38;
	[tilespmem:$0x16800] =	vst v63  }
0x1d0: {  	s22 =	simm.s32 $0xF180;
	s14 =	simm.s32 $0xF000;
	s31 =	sadd.s32 s3, s13  }
0x1d1: {  	[tilespmem:s29], [sflag:$0x2] =	stream.linear.gather [hbm4b:s31+s2], $0x80, $0x38;
	[tilespmem:$0x16800] =	vst v63  }
0x1d2: {  	s1 =	sand.u32 $0x1FFFFFF0, s25;
	s19 =	sand.u32 $0x1FFFFFF0, s15;
	s21 =	spop (v2sf)  }
0x1d3: {  	s13 =	sadd.s32 s3, s1;
	s23 =	sadd.s32 s3, s19;
	s24 =	sand.u32 $0x1FFFFFF0, s21  }
0x1d4: {  	[tilespmem:s14], [sflag:$0x2] =	stream.linear.gather [hbm4b:s13+s2], $0x80, $0x38;
	[tilespmem:$0x16800] =	vst v63  }
0x1d5: {  	s21 =	simm.s32 $0xF380;
	s25 =	spop (v2sf);
	s19 =	simm.s32 $0xF300  }
0x1d6: {  	[tilespmem:s10], [sflag:$0x2] =	stream.linear.gather [hbm4b:s23+s2], $0x80, $0x38;
	[tilespmem:$0x16800] =	vst v63  }
0x1d7: {  	s29 =	sadd.s32 s3, s24;
	s8 =	sand.u32 $0x1FFFFFF0, s25;
	s31 =	spop (v2sf)  }
0x1d8: {  	[tilespmem:s9], [sflag:$0x2] =	stream.linear.gather [hbm4b:s29+s2], $0x80, $0x38;
	[tilespmem:$0x16800] =	vst v63  }
0x1d9: {  	s10 =	sadd.s32 s3, s8;
	s8 =	spop (v2sf);
	s9 =	sand.u32 $0x1FFFFFF0, s31  }
.LBB2_5:
0x1da: {  	[tilespmem:s22], [sflag:$0x2] =	stream.linear.gather [hbm4b:s10+s2], $0x80, $0x38;
	[tilespmem:$0x16800] =	vst v63  }
0x1db: {  	s9 =	sadd.s32 s3, s9;
	s8 =	sand.u32 $0x1FFFFFF0, s8;
	s10 =	spop (v2sf)  }
0x1dc: {  	[tilespmem:s18], [sflag:$0x2] =	stream.linear.gather [hbm4b:s9+s2], $0x80, $0x38;
	[tilespmem:$0x16800] =	vst v63  }
0x1dd: {  	s8 =	sadd.s32 s3, s8;
	s9 =	sand.u32 $0x1FFFFFF0, s10;
	s10 =	spop (v2sf)  }
0x1de: {  	[tilespmem:s17], [sflag:$0x2] =	stream.linear.gather [hbm4b:s8+s2], $0x80, $0x38;
	[tilespmem:$0x16800] =	vst v63  }
0x1df: {  	s16 =	sadd.s32 s16, s26;
	s8 =	sadd.s32 s3, s9;
	s9 =	sand.u32 $0x1FFFFFF0, s10  }
0x1e0: {  	[tilespmem:s19], [sflag:$0x2] =	stream.linear.gather [hbm4b:s8+s2], $0x80, $0x38;
	[tilespmem:$0x16800] =	vst v63  }
0x1e1: {  	p0 =	sne.s32 s6, $0x14000;
	s9 =	sadd.s32 s3, s9;
	s8 =	sadd.s32 s20, s16  }
0x1e2: {  	[tilespmem:s21], [sflag:$0x2] =	stream.linear.gather [hbm4b:s9+s2], $0x80, $0x38;
	[tilespmem:$0x16800] =	vst v63  }
0x1e3: {  	v1 =	vld.idx.msk [tilespmem:v0+s8+$0x0 ss:$0x1], $0xffff;
	s8 =	smov.u32 s6;
	s6 =	sadd.s32 $0x4000, s6;
	_ =	sdelay $0x5  }
0x1e4: {  	v1 =	vshll.u32 v1, $0x4  }
0x1e5: {  	(v2sf) =	vpush v1, $0x0  }
0x1e6: {  	(v2sf) =	vpush v1, $0x1;
	_ =	sdelay $0x2  }
0x1e7: {  	(v2sf) =	vpush v1, $0x2;
	_ =	sdelay $0x1  }
0x1e8: {  	(v2sf) =	vpush v1, $0x3  }
0x1e9: {  	(v2sf) =	vpush v1, $0x4  }
0x1ea: {  	(v2sf) =	vpush v1, $0x5;
	_ =	sdelay $0x1  }
0x1eb: {  	s19 =	sshra.s32 s5, $0x2;
	s5 =	smov.u32 s8;
	(v2sf) =	vpush v1, $0x6  }
0x1ec: {  	s18 =	sadd.s32 $0xEA00, s19;
	s17 =	sadd.s32 $0xEA80, s19  }
0x1ed: {  	s11 =	sadd.s32 $0xE400, s19;
	s12 =	sadd.s32 $0xE480, s19;
	s20 =	sadd.s32 $0xE980, s19;
	(v2sf) =	vpush v1, $0x7  }
0x1ee: {  	s21 =	sadd.s32 $0xE880, s19;
	s8 =	sadd.s32 $0xE900, s19  }
0x1ef: {  	s13 =	sadd.s32 $0xE500, s19;
	(v2sf) =	vpush v1, $0x8  }
0x1f0: {  	s10 =	sadd.s32 $0xE700, s19;
	s9 =	sadd.s32 $0xE800, s19;
	s22 =	spop (v2sf)  }
0x1f1: {  	s23 =	sadd.s32 $0xE680, s19;
	s22 =	sand.u32 $0x1FFFFFF0, s22;
	s14 =	spop (v2sf);
	(v2sf) =	vpush v1, $0x9  }
0x1f2: {  	s15 =	sadd.s32 $0xE780, s19;
	s22 =	sadd.s32 s3, s22;
	s14 =	sand.u32 $0x1FFFFFF0, s14  }
0x1f3: {  	[tilespmem:s11], [sflag:$0x2] =	stream.linear.gather [hbm4b:s22+s2], $0x80, $0x38;
	(v2sf) =	vpush v1, $0xA;
	[tilespmem:$0x16800] =	vst v63  }
0x1f4: {  	s11 =	sadd.s32 s3, s14;
	s14 =	sadd.s32 $0xE600, s19;
	s22 =	spop (v2sf)  }
0x1f5: {  	[tilespmem:s12], [sflag:$0x2] =	stream.linear.gather [hbm4b:s11+s2], $0x80, $0x38;
	(v2sf) =	vpush v1, $0xB;
	[tilespmem:$0x16800] =	vst v63  }
0x1f6: {  	s11 =	sand.u32 $0x1FFFFFF0, s22;
	s12 =	sadd.s32 $0xE580, s19;
	s22 =	spop (v2sf)  }
0x1f7: {  	s11 =	sadd.s32 s3, s11;
	s22 =	sand.u32 $0x1FFFFFF0, s22;
	s29 =	spop (v2sf);
	(v2sf) =	vpush v1, $0xC  }
0x1f8: {  	s22 =	sadd.s32 s3, s22;
	s29 =	sand.u32 $0x1FFFFFF0, s29;
	s25 =	spop (v2sf)  }
0x1f9: {  	[tilespmem:s13], [sflag:$0x2] =	stream.linear.gather [hbm4b:s11+s2], $0x80, $0x38;
	(v2sf) =	vpush v1, $0xD;
	[tilespmem:$0x16800] =	vst v63  }
0x1fa: {  	s11 =	sadd.s32 s3, s29;
	s13 =	sand.u32 $0x1FFFFFF0, s25;
	s25 =	spop (v2sf)  }
0x1fb: {  	[tilespmem:s12], [sflag:$0x2] =	stream.linear.gather [hbm4b:s22+s2], $0x80, $0x38;
	(v2sf) =	vpush v1, $0xE;
	[tilespmem:$0x16800] =	vst v63  }
0x1fc: {  	s12 =	sadd.s32 s3, s13;
	s13 =	sand.u32 $0x1FFFFFF0, s25;
	s22 =	spop (v2sf)  }
0x1fd: {  	[tilespmem:s14], [sflag:$0x2] =	stream.linear.gather [hbm4b:s11+s2], $0x80, $0x38;
	(v2sf) =	vpush v1, $0xF;
	[tilespmem:$0x16800] =	vst v63  }
0x1fe: {  	s11 =	sadd.s32 s3, s13;
	s13 =	sand.u32 $0x1FFFFFF0, s22;
	s14 =	spop (v2sf)  }
0x1ff: {  	[tilespmem:s23], [sflag:$0x2] =	stream.linear.gather [hbm4b:s12+s2], $0x80, $0x38;
	[tilespmem:$0x16800] =	vst v63  }
0x200: {  	s12 =	sadd.s32 s3, s13;
	s13 =	sand.u32 $0x1FFFFFF0, s14;
	s14 =	spop (v2sf)  }
0x201: {  	[tilespmem:s10], [sflag:$0x2] =	stream.linear.gather [hbm4b:s11+s2], $0x80, $0x38;
	[tilespmem:$0x16800] =	vst v63  }
0x202: {  	s10 =	sadd.s32 s3, s13;
	s11 =	sand.u32 $0x1FFFFFF0, s14;
	s13 =	spop (v2sf)  }
0x203: {  	[tilespmem:s15], [sflag:$0x2] =	stream.linear.gather [hbm4b:s12+s2], $0x80, $0x38;
	[tilespmem:$0x16800] =	vst v63  }
0x204: {  	s11 =	sadd.s32 s3, s11;
	s12 =	sand.u32 $0x1FFFFFF0, s13;
	s13 =	spop (v2sf)  }
0x205: {  	[tilespmem:s9], [sflag:$0x2] =	stream.linear.gather [hbm4b:s10+s2], $0x80, $0x38;
	[tilespmem:$0x16800] =	vst v63  }
0x206: {  	s9 =	sadd.s32 s3, s12;
	s10 =	sand.u32 $0x1FFFFFF0, s13;
	s12 =	spop (v2sf)  }
0x207: {  	[tilespmem:s21], [sflag:$0x2] =	stream.linear.gather [hbm4b:s11+s2], $0x80, $0x38;
	[tilespmem:$0x16800] =	vst v63  }
0x208: {  	s10 =	sadd.s32 s3, s10;
	s11 =	sand.u32 $0x1FFFFFF0, s12;
	s12 =	spop (v2sf)  }
0x209: {  	[tilespmem:s8], [sflag:$0x2] =	stream.linear.gather [hbm4b:s9+s2], $0x80, $0x38;
	[tilespmem:$0x16800] =	vst v63  }
0x20a: {  	s8 =	sadd.s32 s3, s11;
	s9 =	sand.u32 $0x1FFFFFF0, s12;
	s11 =	spop (v2sf)  }
0x20b: {  	[tilespmem:s20], [sflag:$0x2] =	stream.linear.gather [hbm4b:s10+s2], $0x80, $0x38;
	[tilespmem:$0x16800] =	vst v63  }
0x20c: {  	s9 =	sadd.s32 s3, s9;
	s10 =	sand.u32 $0x1FFFFFF0, s11;
	s11 =	spop (v2sf)  }
0x20d: {  	[tilespmem:s18], [sflag:$0x2] =	stream.linear.gather [hbm4b:s8+s2], $0x80, $0x38;
	[tilespmem:$0x16800] =	vst v63  }
0x20e: {  	s10 =	sadd.s32 s3, s10;
	s8 =	sadd.s32 $0xEB00, s19;
	s11 =	sand.u32 $0x1FFFFFF0, s11  }
0x20f: {  	[tilespmem:s17], [sflag:$0x2] =	stream.linear.gather [hbm4b:s9+s2], $0x80, $0x38;
	[tilespmem:$0x16800] =	vst v63  }
0x210: {  	s4 =	sand.u32 $0x70, s4;
	s11 =	sadd.s32 s3, s11;
	s9 =	sadd.s32 $0xEB80, s19  }
0x211: {  	[tilespmem:s8], [sflag:$0x2] =	stream.linear.gather [hbm4b:s10+s2], $0x80, $0x38;
	[tilespmem:$0x16800] =	vst v63  }
0x212: {  	s8 =	sadd.s32 s4, s16;
	s4 =	smov.u32 s7  }
0x213: {  	[tilespmem:s9], [sflag:$0x2] =	stream.linear.gather [hbm4b:s11+s2], $0x80, $0x38;
	[tilespmem:$0x16800] =	vst v63  }
0x214: {  	v1 =	vld.idx.msk [tilespmem:v0+s8+$0x0 ss:$0x1], $0xffff;
	_ =	sdelay $0x5  }
0x215: {  	v1 =	vshll.u32 v1, $0x4  }
0x216: {  	(v2sf) =	vpush v1, $0x0  }
0x217: {  	(v2sf) =	vpush v1, $0x1  }
0x218: {  	(v2sf) =	vpush v1, $0x2;
	_ =	sdelay $0x1  }
0x219: {  	(v2sf) =	vpush v1, $0x3;
	_ =	sdelay $0x1  }
0x21a: {  	(v2sf) =	vpush v1, $0x4;
	_ =	sdelay $0x1  }
0x21b: {  	s16 =	sand.u32 $0x400, s28;
	s7 =	sadd.s32 $0x20, s7;
	s12 =	sadd.s32 $0xFFFFFFF0, s4;
	(v2sf) =	vpush v1, $0x5  }
0x21c: {  	s18 =	sadd.s32 $0xF200, s19;
	s17 =	sadd.s32 $0xF280, s19;
	s28 =	sadd.s32 $0x100, s28  }
0x21d: {  	s22 =	sadd.s32 $0xF180, s19;
	s23 =	sadd.s32 $0xF100, s19;
	s8 =	sadd.s32 $0xF080, s19;
	(v2sf) =	vpush v1, $0x6  }
0x21e: {  	s10 =	sadd.s32 $0xEF80, s19;
	s11 =	sadd.s32 $0xEF00, s19;
	s9 =	sadd.s32 $0xF000, s19  }
0x21f: {  	s14 =	sadd.s32 $0xEE00, s19;
	s15 =	sadd.s32 $0xEE80, s19;
	s13 =	sadd.s32 $0xED80, s19;
	(v2sf) =	vpush v1, $0x7  }
0x220: {  	s25 =	sadd.s32 $0xED00, s19;
	s20 =	sand.u32 $0x60, s12;
	s12 =	sadd.s32 $0xEC80, s19  }
0x221: {  	s29 =	sadd.s32 $0xEC00, s19;
	(v2sf) =	vpush v1, $0x8  }
0x222: {  	s21 =	sadd.s32 $0xF380, s19;
	s24 =	spop (v2sf)  }
0x223: {  	s19 =	sadd.s32 $0xF300, s19;
	s24 =	sand.u32 $0x1FFFFFF0, s24;
	s1 =	spop (v2sf);
	(v2sf) =	vpush v1, $0x9  }
0x224: {  	s24 =	sadd.s32 s3, s24;
	s1 =	sand.u32 $0x1FFFFFF0, s1;
	s31 =	spop (v2sf)  }
0x225: {  	[tilespmem:s29], [sflag:$0x2] =	stream.linear.gather [hbm4b:s24+s2], $0x80, $0x38;
	(v2sf) =	vpush v1, $0xA;
	[tilespmem:$0x16800] =	vst v63  }
0x226: {  	s1 =	sadd.s32 s3, s1;
	s24 =	sand.u32 $0x1FFFFFF0, s31;
	s29 =	spop (v2sf)  }
0x227: {  	[tilespmem:s12], [sflag:$0x2] =	stream.linear.gather [hbm4b:s1+s2], $0x80, $0x38;
	(v2sf) =	vpush v1, $0xB;
	[tilespmem:$0x16800] =	vst v63  }
0x228: {  	s1 =	sadd.s32 s3, s24;
	s12 =	sand.u32 $0x1FFFFFF0, s29;
	s24 =	spop (v2sf)  }
0x229: {  	[tilespmem:s25], [sflag:$0x2] =	stream.linear.gather [hbm4b:s1+s2], $0x80, $0x38;
	(v2sf) =	vpush v1, $0xC;
	[tilespmem:$0x16800] =	vst v63  }
0x22a: {  	s1 =	sadd.s32 s3, s12;
	s12 =	sand.u32 $0x1FFFFFF0, s24;
	s24 =	spop (v2sf)  }
0x22b: {  	[tilespmem:s13], [sflag:$0x2] =	stream.linear.gather [hbm4b:s1+s2], $0x80, $0x38;
	(v2sf) =	vpush v1, $0xD;
	[tilespmem:$0x16800] =	vst v63  }
0x22c: {  	s1 =	sadd.s32 s3, s12;
	s12 =	sand.u32 $0x1FFFFFF0, s24;
	s13 =	spop (v2sf)  }
0x22d: {  	[tilespmem:s14], [sflag:$0x2] =	stream.linear.gather [hbm4b:s1+s2], $0x80, $0x38;
	(v2sf) =	vpush v1, $0xE;
	[tilespmem:$0x16800] =	vst v63  }
0x22e: {  	s1 =	sadd.s32 s3, s12;
	s12 =	sand.u32 $0x1FFFFFF0, s13;
	s13 =	spop (v2sf)  }
0x22f: {  	[tilespmem:s15], [sflag:$0x2] =	stream.linear.gather [hbm4b:s1+s2], $0x80, $0x38;
	(v2sf) =	vpush v1, $0xF;
	[tilespmem:$0x16800] =	vst v63  }
0x230: {  	s1 =	sadd.s32 s3, s12;
	s12 =	sand.u32 $0x1FFFFFF0, s13;
	s13 =	spop (v2sf)  }
0x231: {  	[tilespmem:s11], [sflag:$0x2] =	stream.linear.gather [hbm4b:s1+s2], $0x80, $0x38;
	[tilespmem:$0x16800] =	vst v63  }
0x232: {  	s1 =	sadd.s32 s3, s12;
	s11 =	sand.u32 $0x1FFFFFF0, s13;
	s12 =	spop (v2sf)  }
0x233: {  	[tilespmem:s10], [sflag:$0x2] =	stream.linear.gather [hbm4b:s1+s2], $0x80, $0x38;
	[tilespmem:$0x16800] =	vst v63  }
0x234: {  	s1 =	sadd.s32 s3, s11;
	s10 =	sand.u32 $0x1FFFFFF0, s12;
	s11 =	spop (v2sf)  }
0x235: {  	[tilespmem:s9], [sflag:$0x2] =	stream.linear.gather [hbm4b:s1+s2], $0x80, $0x38;
	[tilespmem:$0x16800] =	vst v63  }
0x236: {  	s1 =	sadd.s32 s3, s10  }
.Ltmp1:
0x237: {  	s9 =	sand.u32 $0x1FFFFFF0, s11;
	s10 =	spop (v2sf);
	(pc) =	sbr.rel @p0 .LBB2_5-.Ltmp1, $4  }
0x238: {  	[tilespmem:s8], [sflag:$0x2] =	stream.linear.gather [hbm4b:s1+s2], $0x80, $0x38;
	[tilespmem:$0x16800] =	vst v63  }
0x239: {  	s1 =	sadd.s32 s3, s9;
	s8 =	sand.u32 $0x1FFFFFF0, s10;
	s9 =	spop (v2sf)  }
0x23a: {  	[tilespmem:s23], [sflag:$0x2] =	stream.linear.gather [hbm4b:s1+s2], $0x80, $0x38;
	[tilespmem:$0x16800] =	vst v63  }
0x23b: {  	s10 =	sadd.s32 s3, s8;
	s9 =	sand.u32 $0x1FFFFFF0, s9;
	s8 =	spop (v2sf)  }
0x23c: {  	[tilespmem:s22], [sflag:$0x2] =	stream.linear.gather [hbm4b:s10+s2], $0x80, $0x38;
	[tilespmem:$0x16800] =	vst v63  }
0x23d: {  	s1 =	sadd.s32 s3, s9;
	s12 =	sand.u32 $0x1FFFFFF0, s8  }
0x23e: {  	[tilespmem:s18], [sflag:$0x2] =	stream.linear.gather [hbm4b:s1+s2], $0x80, $0x38;
	[tilespmem:$0x16800] =	vst v63  }
0x23f: {  	s13 =	spop (v2sf);
	s1 =	sadd.s32 s3, s12  }
0x240: {  	[tilespmem:s17], [sflag:$0x2] =	stream.linear.gather [hbm4b:s1+s2], $0x80, $0x38;
	[tilespmem:$0x16800] =	vst v63  }
0x241: {  	s1 =	sand.u32 $0x1FFFFFF0, s13  }
0x242: {  	s14 =	spop (v2sf);
	s1 =	sadd.s32 s3, s1  }
0x243: {  	[tilespmem:s19], [sflag:$0x2] =	stream.linear.gather [hbm4b:s1+s2], $0x80, $0x38;
	[tilespmem:$0x16800] =	vst v63  }
0x244: {  	s6 =	sadd.s32 s16, s26;
	s1 =	sand.u32 $0x1FFFFFF0, s14  }
0x245: {  	s15 =	sadd.s32 s20, s6;
	s1 =	sadd.s32 s3, s1  }
0x246: {  	[tilespmem:s21], [sflag:$0x2] =	stream.linear.gather [hbm4b:s1+s2], $0x80, $0x38;
	[tilespmem:$0x16800] =	vst v63  }
0x247: {  	v1 =	vld.idx.msk [tilespmem:v0+s15+$0x0 ss:$0x1], $0xffff;
	_ =	sdelay $0x4  }
0x248: {  	v1 =	vshll.u32 v1, $0x4  }
0x249: {  	(v2sf) =	vpush v1, $0x0;
	_ =	sdelay $0x1  }
0x24a: {  	(v2sf) =	vpush v1, $0x1;
	_ =	sdelay $0x1  }
0x24b: {  	(v2sf) =	vpush v1, $0x2;
	_ =	sdelay $0x2  }
0x24c: {  	(v2sf) =	vpush v1, $0x3;
	_ =	sdelay $0x7  }
0x24d: {  	s16 =	spop (v2sf);
	(v2sf) =	vpush v1, $0x4;
	_ =	sdelay $0x1  }
0x24e: {  	s17 =	spop (v2sf);
	(v2sf) =	vpush v1, $0x5;
	_ =	sdelay $0x1  }
0x24f: {  	s19 =	spop (v2sf);
	(v2sf) =	vpush v1, $0x6;
	_ =	sdelay $0x1  }
0x250: {  	s5 =	sshra.s32 s5, $0x2;
	s1 =	sand.u32 $0x1FFFFFF0, s16  }
0x251: {  	s7 =	sadd.s32 $0xE400, s5;
	s1 =	sadd.s32 s3, s1;
	s21 =	spop (v2sf);
	(v2sf) =	vpush v1, $0x7  }
0x252: {  	[tilespmem:s7], [sflag:$0x2] =	stream.linear.gather [hbm4b:s1+s2], $0x80, $0x38;
	[tilespmem:$0x16800] =	vst v63  }
0x253: {  	s1 =	sand.u32 $0x1FFFFFF0, s17  }
0x254: {  	s18 =	sadd.s32 $0xE480, s5;
	s1 =	sadd.s32 s3, s1  }
0x255: {  	[tilespmem:s18], [sflag:$0x2] =	stream.linear.gather [hbm4b:s1+s2], $0x80, $0x38;
	[tilespmem:$0x16800] =	vst v63  }
0x256: {  	s1 =	sand.u32 $0x1FFFFFF0, s19  }
0x257: {  	s20 =	sadd.s32 $0xE500, s5;
	s1 =	sadd.s32 s3, s1  }
0x258: {  	[tilespmem:s20], [sflag:$0x2] =	stream.linear.gather [hbm4b:s1+s2], $0x80, $0x38;
	[tilespmem:$0x16800] =	vst v63  }
0x259: {  	s23 =	spop (v2sf);
	(v2sf) =	vpush v1, $0x8  }
0x25a: {  	s1 =	sand.u32 $0x1FFFFFF0, s21  }
0x25b: {  	s22 =	sadd.s32 $0xE580, s5;
	s1 =	sadd.s32 s3, s1;
	s25 =	spop (v2sf);
	(v2sf) =	vpush v1, $0x9  }
0x25c: {  	[tilespmem:s22], [sflag:$0x2] =	stream.linear.gather [hbm4b:s1+s2], $0x80, $0x38;
	[tilespmem:$0x16800] =	vst v63  }
0x25d: {  	s1 =	sand.u32 $0x1FFFFFF0, s23;
	s29 =	spop (v2sf);
	(v2sf) =	vpush v1, $0xA  }
0x25e: {  	s24 =	sadd.s32 $0xE600, s5;
	s1 =	sadd.s32 s3, s1  }
0x25f: {  	[tilespmem:s24], [sflag:$0x2] =	stream.linear.gather [hbm4b:s1+s2], $0x80, $0x38;
	[tilespmem:$0x16800] =	vst v63  }
0x260: {  	s8 =	spop (v2sf);
	(v2sf) =	vpush v1, $0xB  }
0x261: {  	s1 =	sand.u32 $0x1FFFFFF0, s25  }
0x262: {  	s28 =	sadd.s32 $0xE680, s5;
	s1 =	sadd.s32 s3, s1  }
0x263: {  	[tilespmem:s28], [sflag:$0x2] =	stream.linear.gather [hbm4b:s1+s2], $0x80, $0x38;
	[tilespmem:$0x16800] =	vst v63  }
0x264: {  	s1 =	sand.u32 $0x1FFFFFF0, s29  }
0x265: {  	s31 =	sadd.s32 $0xE700, s5;
	s1 =	sadd.s32 s3, s1  }
0x266: {  	[tilespmem:s31], [sflag:$0x2] =	stream.linear.gather [hbm4b:s1+s2], $0x80, $0x38;
	[tilespmem:$0x16800] =	vst v63  }
0x267: {  	s1 =	sand.u32 $0x1FFFFFF0, s8  }
0x268: {  	s9 =	sadd.s32 $0xE780, s5;
	s1 =	sadd.s32 s3, s1;
	s10 =	spop (v2sf);
	(v2sf) =	vpush v1, $0xC  }
0x269: {  	[tilespmem:s9], [sflag:$0x2] =	stream.linear.gather [hbm4b:s1+s2], $0x80, $0x38;
	[tilespmem:$0x16800] =	vst v63  }
0x26a: {  	s12 =	spop (v2sf);
	(v2sf) =	vpush v1, $0xD  }
0x26b: {  	s1 =	sand.u32 $0x1FFFFFF0, s10  }
0x26c: {  	s11 =	sadd.s32 $0xE800, s5;
	s1 =	sadd.s32 s3, s1;
	s14 =	spop (v2sf)  }
0x26d: {  	(v2sf) =	vpush v1, $0xE;
	[tilespmem:s11], [sflag:$0x2] =	stream.linear.gather [hbm4b:s1+s2], $0x80, $0x38;
	[tilespmem:$0x16800] =	vst v63  }
0x26e: {  	s1 =	sand.u32 $0x1FFFFFF0, s12  }
0x26f: {  	s13 =	sadd.s32 $0xE880, s5;
	s16 =	spop (v2sf);
	s1 =	sadd.s32 s3, s1  }
0x270: {  	(v2sf) =	vpush v1, $0xF;
	[tilespmem:s13], [sflag:$0x2] =	stream.linear.gather [hbm4b:s1+s2], $0x80, $0x38;
	[tilespmem:$0x16800] =	vst v63  }
0x271: {  	s1 =	sand.u32 $0x1FFFFFF0, s14  }
0x272: {  	s15 =	sadd.s32 $0xE900, s5;
	s1 =	sadd.s32 s3, s1  }
0x273: {  	[tilespmem:s15], [sflag:$0x2] =	stream.linear.gather [hbm4b:s1+s2], $0x80, $0x38;
	[tilespmem:$0x16800] =	vst v63  }
0x274: {  	s1 =	sand.u32 $0x1FFFFFF0, s16  }
0x275: {  	s17 =	sadd.s32 $0xE980, s5;
	s1 =	sadd.s32 s3, s1  }
0x276: {  	[tilespmem:s17], [sflag:$0x2] =	stream.linear.gather [hbm4b:s1+s2], $0x80, $0x38;
	[tilespmem:$0x16800] =	vst v63  }
0x277: {  	s18 =	spop (v2sf)  }
0x278: {  	s1 =	sand.u32 $0x1FFFFFF0, s18  }
0x279: {  	s19 =	sadd.s32 $0xEA00, s5;
	s20 =	spop (v2sf);
	s1 =	sadd.s32 s3, s1  }
0x27a: {  	[tilespmem:s19], [sflag:$0x2] =	stream.linear.gather [hbm4b:s1+s2], $0x80, $0x38;
	[tilespmem:$0x16800] =	vst v63  }
0x27b: {  	s1 =	sand.u32 $0x1FFFFFF0, s20  }
0x27c: {  	s21 =	sadd.s32 $0xEA80, s5;
	s22 =	spop (v2sf);
	s1 =	sadd.s32 s3, s1  }
0x27d: {  	[tilespmem:s21], [sflag:$0x2] =	stream.linear.gather [hbm4b:s1+s2], $0x80, $0x38;
	[tilespmem:$0x16800] =	vst v63  }
0x27e: {  	s1 =	sand.u32 $0x1FFFFFF0, s22  }
0x27f: {  	s23 =	sadd.s32 $0xEB00, s5;
	s24 =	spop (v2sf);
	s1 =	sadd.s32 s3, s1  }
0x280: {  	[tilespmem:s23], [sflag:$0x2] =	stream.linear.gather [hbm4b:s1+s2], $0x80, $0x38;
	[tilespmem:$0x16800] =	vst v63  }
0x281: {  	s1 =	sand.u32 $0x1FFFFFF0, s24  }
0x282: {  	s25 =	sadd.s32 $0xEB80, s5;
	s28 =	sand.u32 $0x70, s4;
	s1 =	sadd.s32 s3, s1  }
0x283: {  	[tilespmem:s25], [sflag:$0x2] =	stream.linear.gather [hbm4b:s1+s2], $0x80, $0x38;
	[tilespmem:$0x16800] =	vst v63  }
0x284: {  	s1 =	sadd.s32 s28, s6  }
0x285: {  	v0 =	vld.idx.msk [tilespmem:v0+s1+$0x0 ss:$0x1], $0xffff;
	_ =	sdelay $0x4  }
0x286: {  	v0 =	vshll.u32 v0, $0x4  }
0x287: {  	(v2sf) =	vpush v0, $0x0;
	_ =	sdelay $0x1  }
0x288: {  	(v2sf) =	vpush v0, $0x1;
	_ =	sdelay $0x1  }
0x289: {  	(v2sf) =	vpush v0, $0x2;
	_ =	sdelay $0x2  }
0x28a: {  	(v2sf) =	vpush v0, $0x3;
	_ =	sdelay $0x7  }
0x28b: {  	s29 =	spop (v2sf);
	(v2sf) =	vpush v0, $0x4;
	_ =	sdelay $0x1  }
0x28c: {  	s4 =	spop (v2sf);
	(v2sf) =	vpush v0, $0x5;
	_ =	sdelay $0x1  }
0x28d: {  	s7 =	spop (v2sf);
	(v2sf) =	vpush v0, $0x6;
	_ =	sdelay $0x1  }
0x28e: {  	s1 =	sand.u32 $0x1FFFFFF0, s29  }
0x28f: {  	s31 =	sadd.s32 $0xEC00, s5;
	s1 =	sadd.s32 s3, s1;
	s9 =	spop (v2sf);
	(v2sf) =	vpush v0, $0x7  }
0x290: {  	[tilespmem:s31], [sflag:$0x2] =	stream.linear.gather [hbm4b:s1+s2], $0x80, $0x38;
	[tilespmem:$0x16800] =	vst v63  }
0x291: {  	s1 =	sand.u32 $0x1FFFFFF0, s4  }
0x292: {  	s6 =	sadd.s32 $0xEC80, s5;
	s1 =	sadd.s32 s3, s1  }
0x293: {  	[tilespmem:s6], [sflag:$0x2] =	stream.linear.gather [hbm4b:s1+s2], $0x80, $0x38;
	[tilespmem:$0x16800] =	vst v63  }
0x294: {  	s1 =	sand.u32 $0x1FFFFFF0, s7  }
0x295: {  	s8 =	sadd.s32 $0xED00, s5;
	s1 =	sadd.s32 s3, s1  }
0x296: {  	[tilespmem:s8], [sflag:$0x2] =	stream.linear.gather [hbm4b:s1+s2], $0x80, $0x38;
	[tilespmem:$0x16800] =	vst v63  }
0x297: {  	s11 =	spop (v2sf);
	(v2sf) =	vpush v0, $0x8  }
0x298: {  	s1 =	sand.u32 $0x1FFFFFF0, s9  }
0x299: {  	s10 =	sadd.s32 $0xED80, s5;
	s1 =	sadd.s32 s3, s1;
	s13 =	spop (v2sf);
	(v2sf) =	vpush v0, $0x9  }
0x29a: {  	[tilespmem:s10], [sflag:$0x2] =	stream.linear.gather [hbm4b:s1+s2], $0x80, $0x38;
	[tilespmem:$0x16800] =	vst v63  }
0x29b: {  	s1 =	sand.u32 $0x1FFFFFF0, s11;
	s15 =	spop (v2sf);
	(v2sf) =	vpush v0, $0xA  }
0x29c: {  	s12 =	sadd.s32 $0xEE00, s5;
	s1 =	sadd.s32 s3, s1  }
0x29d: {  	[tilespmem:s12], [sflag:$0x2] =	stream.linear.gather [hbm4b:s1+s2], $0x80, $0x38;
	[tilespmem:$0x16800] =	vst v63  }
0x29e: {  	s17 =	spop (v2sf);
	(v2sf) =	vpush v0, $0xB  }
0x29f: {  	s1 =	sand.u32 $0x1FFFFFF0, s13  }
0x2a0: {  	s14 =	sadd.s32 $0xEE80, s5;
	s1 =	sadd.s32 s3, s1  }
0x2a1: {  	[tilespmem:s14], [sflag:$0x2] =	stream.linear.gather [hbm4b:s1+s2], $0x80, $0x38;
	[tilespmem:$0x16800] =	vst v63  }
0x2a2: {  	s1 =	sand.u32 $0x1FFFFFF0, s15  }
0x2a3: {  	s16 =	sadd.s32 $0xEF00, s5;
	s1 =	sadd.s32 s3, s1  }
0x2a4: {  	[tilespmem:s16], [sflag:$0x2] =	stream.linear.gather [hbm4b:s1+s2], $0x80, $0x38;
	[tilespmem:$0x16800] =	vst v63  }
0x2a5: {  	s1 =	sand.u32 $0x1FFFFFF0, s17  }
0x2a6: {  	s18 =	sadd.s32 $0xEF80, s5;
	s1 =	sadd.s32 s3, s1;
	s19 =	spop (v2sf);
	(v2sf) =	vpush v0, $0xC  }
0x2a7: {  	[tilespmem:s18], [sflag:$0x2] =	stream.linear.gather [hbm4b:s1+s2], $0x80, $0x38;
	[tilespmem:$0x16800] =	vst v63  }
0x2a8: {  	s21 =	spop (v2sf);
	(v2sf) =	vpush v0, $0xD  }
0x2a9: {  	s1 =	sand.u32 $0x1FFFFFF0, s19  }
0x2aa: {  	s20 =	sadd.s32 $0xF000, s5;
	s1 =	sadd.s32 s3, s1;
	s23 =	spop (v2sf)  }
0x2ab: {  	(v2sf) =	vpush v0, $0xE;
	[tilespmem:s20], [sflag:$0x2] =	stream.linear.gather [hbm4b:s1+s2], $0x80, $0x38;
	[tilespmem:$0x16800] =	vst v63  }
0x2ac: {  	s1 =	sand.u32 $0x1FFFFFF0, s21  }
0x2ad: {  	s22 =	sadd.s32 $0xF080, s5;
	s25 =	spop (v2sf);
	s1 =	sadd.s32 s3, s1  }
0x2ae: {  	(v2sf) =	vpush v0, $0xF;
	[tilespmem:s22], [sflag:$0x2] =	stream.linear.gather [hbm4b:s1+s2], $0x80, $0x38;
	[tilespmem:$0x16800] =	vst v63  }
0x2af: {  	s1 =	sand.u32 $0x1FFFFFF0, s23  }
0x2b0: {  	s24 =	sadd.s32 $0xF100, s5;
	s1 =	sadd.s32 s3, s1  }
0x2b1: {  	[tilespmem:s24], [sflag:$0x2] =	stream.linear.gather [hbm4b:s1+s2], $0x80, $0x38;
	[tilespmem:$0x16800] =	vst v63  }
0x2b2: {  	s1 =	sand.u32 $0x1FFFFFF0, s25  }
0x2b3: {  	s28 =	sadd.s32 $0xF180, s5;
	s1 =	sadd.s32 s3, s1  }
0x2b4: {  	[tilespmem:s28], [sflag:$0x2] =	stream.linear.gather [hbm4b:s1+s2], $0x80, $0x38;
	[tilespmem:$0x16800] =	vst v63  }
0x2b5: {  	s29 =	spop (v2sf)  }
0x2b6: {  	s1 =	sand.u32 $0x1FFFFFF0, s29  }
0x2b7: {  	s31 =	sadd.s32 $0xF200, s5;
	s6 =	spop (v2sf);
	s1 =	sadd.s32 s3, s1  }
0x2b8: {  	[tilespmem:s31], [sflag:$0x2] =	stream.linear.gather [hbm4b:s1+s2], $0x80, $0x38;
	[tilespmem:$0x16800] =	vst v63  }
0x2b9: {  	s1 =	sand.u32 $0x1FFFFFF0, s6  }
0x2ba: {  	s7 =	sadd.s32 $0xF280, s5;
	s8 =	spop (v2sf);
	s1 =	sadd.s32 s3, s1  }
0x2bb: {  	[tilespmem:s7], [sflag:$0x2] =	stream.linear.gather [hbm4b:s1+s2], $0x80, $0x38;
	[tilespmem:$0x16800] =	vst v63  }
0x2bc: {  	s1 =	sand.u32 $0x1FFFFFF0, s8  }
0x2bd: {  	s9 =	sadd.s32 $0xF300, s5;
	s10 =	spop (v2sf);
	s1 =	sadd.s32 s3, s1  }
0x2be: {  	[tilespmem:s9], [sflag:$0x2] =	stream.linear.gather [hbm4b:s1+s2], $0x80, $0x38;
	[tilespmem:$0x16800] =	vst v63  }
0x2bf: {  	s1 =	sand.u32 $0x1FFFFFF0, s10  }
0x2c0: {  	s0 =	sadd.s32 s0, s26;
	s11 =	sadd.s32 $0xF380, s5;
	s1 =	sadd.s32 s3, s1  }
0x2c1: {  	[tilespmem:s11], [sflag:$0x2] =	stream.linear.gather [hbm4b:s1+s2], $0x80, $0x38;
	[tilespmem:$0x16800] =	vst v63  }
0x2c2: {  	v0 =	vld.msk [tilespmem:s0+$0x440], $0xff;
	_ =	sdelay $0x4  }
0x2c3: {  	v0 =	vshll.u32 v0, $0x4  }
0x2c4: {  	(v2sf) =	vpush v0, $0x0;
	_ =	sdelay $0x1  }
0x2c5: {  	(v2sf) =	vpush v0, $0x1;
	_ =	sdelay $0x1  }
0x2c6: {  	(v2sf) =	vpush v0, $0x2;
	_ =	sdelay $0x2  }
0x2c7: {  	(v2sf) =	vpush v0, $0x3;
	_ =	sdelay $0x7  }
0x2c8: {  	s12 =	spop (v2sf);
	(v2sf) =	vpush v0, $0x4;
	_ =	sdelay $0x1  }
0x2c9: {  	s15 =	spop (v2sf);
	(v2sf) =	vpush v0, $0x5  }
0x2ca: {  	s13 =	simm.s32 $0x0;
	s0 =	sand.u32 $0x1FFFFFF0, s12  }
0x2cb: {  	s14 =	simm.s32 $0x14400;
	s0 =	sadd.s32 s3, s0;
	s17 =	spop (v2sf)  }
0x2cc: {  	(v2sf) =	vpush v0, $0x6;
	[tilespmem:s14], [sflag:$0x2] =	stream.linear.gather [hbm4b:s0+s13], $0x80, $0x38;
	[tilespmem:$0x16800] =	vst v63  }
0x2cd: {  	s0 =	sand.u32 $0x1FFFFFF0, s15  }
0x2ce: {  	s16 =	simm.s32 $0x14480;
	s19 =	spop (v2sf);
	s0 =	sadd.s32 s3, s0  }
0x2cf: {  	(v2sf) =	vpush v0, $0x7;
	[tilespmem:s16], [sflag:$0x2] =	stream.linear.gather [hbm4b:s0+s13], $0x80, $0x38;
	[tilespmem:$0x16800] =	vst v63  }
0x2d0: {  	s0 =	sand.u32 $0x1FFFFFF0, s17  }
0x2d1: {  	s18 =	simm.s32 $0x14500;
	s0 =	sadd.s32 s3, s0  }
0x2d2: {  	[tilespmem:s18], [sflag:$0x2] =	stream.linear.gather [hbm4b:s0+s13], $0x80, $0x38;
	[tilespmem:$0x16800] =	vst v63  }
0x2d3: {  	s0 =	sand.u32 $0x1FFFFFF0, s19  }
0x2d4: {  	s20 =	simm.s32 $0x14580;
	s0 =	sadd.s32 s3, s0  }
0x2d5: {  	[tilespmem:s20], [sflag:$0x2] =	stream.linear.gather [hbm4b:s0+s13], $0x80, $0x38;
	[tilespmem:$0x16800] =	vst v63  }
0x2d6: {  	s21 =	spop (v2sf)  }
0x2d7: {  	s0 =	sand.u32 $0x1FFFFFF0, s21  }
0x2d8: {  	s22 =	simm.s32 $0x14600;
	s23 =	spop (v2sf);
	s0 =	sadd.s32 s3, s0  }
0x2d9: {  	[tilespmem:s22], [sflag:$0x2] =	stream.linear.gather [hbm4b:s0+s13], $0x80, $0x38;
	[tilespmem:$0x16800] =	vst v63  }
0x2da: {  	s0 =	sand.u32 $0x1FFFFFF0, s23  }
0x2db: {  	s24 =	simm.s32 $0x14680;
	s25 =	spop (v2sf);
	s0 =	sadd.s32 s3, s0  }
0x2dc: {  	[tilespmem:s24], [sflag:$0x2] =	stream.linear.gather [hbm4b:s0+s13], $0x80, $0x38;
	[tilespmem:$0x16800] =	vst v63  }
0x2dd: {  	s0 =	sand.u32 $0x1FFFFFF0, s25  }
0x2de: {  	s26 =	simm.s32 $0x14700;
	s28 =	spop (v2sf);
	s0 =	sadd.s32 s3, s0  }
0x2df: {  	[tilespmem:s26], [sflag:$0x2] =	stream.linear.gather [hbm4b:s0+s13], $0x80, $0x38;
	[tilespmem:$0x16800] =	vst v63  }
0x2e0: {  	s0 =	sand.u32 $0x1FFFFFF0, s28  }
0x2e1: {  	s29 =	simm.s32 $0x14780;
	s31 =	simm.s32 $0x1;
	s0 =	sadd.s32 s3, s0  }
0x2e2: {  	[tilespmem:s29], [sflag:$0x2] =	stream.linear.gather [hbm4b:s0+s13], $0x80, $0x38;
	[tilespmem:$0x16800] =	vst v63  }
0x2e3: {  	_ =	swait.ge [sflag:s31], $0x6400  }
0x2e4: {  	[sflag:s31] =	ssyncset.done $0x0  }
0x2e5: {  	s0 =	simm.s32 $0x0;
	[sflag:s31] =	ssyncadd.s32 $0xFFFF9C00  }
0x2e6: {  	v0 =	vld [tilespmem:s0+$0x8380]  }
0x2e7: {  	v1 =	vld [tilespmem:s0+$0x8390]  }
0x2e8: {  	v2 =	vld [tilespmem:s0+$0x8300]  }
0x2e9: {  	v3 =	vld [tilespmem:s0+$0x8310]  }
0x2ea: {  	v4 =	vld [tilespmem:s0+$0x8280]  }
0x2eb: {  	v5 =	vld [tilespmem:s0+$0x8290]  }
0x2ec: {  	v6 =	vld [tilespmem:s0+$0x8200]  }
0x2ed: {  	v7 =	vld [tilespmem:s0+$0x8210]  }
0x2ee: {  	v9 =	vld [tilespmem:s0+$0x8180]  }
0x2ef: {  	v8 =	vld [tilespmem:s0+$0x8190]  }
0x2f0: {  	v11 =	vld [tilespmem:s0+$0x8100]  }
0x2f1: {  	v10 =	vld [tilespmem:s0+$0x8110]  }
0x2f2: {  	v17 =	vld [tilespmem:s0+$0x8080]  }
0x2f3: {  	v16 =	vld [tilespmem:s0+$0x8090]  }
0x2f4: {  	v19 =	vld [tilespmem:s0+$0x8000]  }
0x2f5: {  	v12 =	vimm.f32 $0.0e+00;
	v20 =	vld [tilespmem:s0+$0x8010]  }
0x2f6: {  	v15 =	vimm.f32 $0.0e+00;
	v14 =	vimm.f32 $0.0e+00;
	v13 =	vimm.f32 $0.0e+00;
	s4 =	simm.s32 $0x1000;
	v18 =	vld [tilespmem:s0+$0x8020]  }
.LBB2_7:
0x2f7: {  	p0 =	sne.s32 s4, $0x18000;
	v21 =	vld [tilespmem:s0+$0x8030]  }
0x2f8: {  	v22 =	vld [tilespmem:s0+$0x80A0]  }
0x2f9: {  	v23 =	vld [tilespmem:s0+$0x80B0]  }
0x2fa: {  	v24 =	vld [tilespmem:s0+$0x8120]  }
0x2fb: {  	v12 =	vadd.f32 v19, v12;
	v15 =	vadd.f32 v20, v15;
	v19 =	vld [tilespmem:s0+$0x8130]  }
0x2fc: {  	v14 =	vadd.f32 v18, v14;
	v13 =	vadd.f32 v21, v13;
	v18 =	vld [tilespmem:s0+$0x81A0]  }
0x2fd: {  	v12 =	vadd.f32 v17, v12;
	v15 =	vadd.f32 v16, v15;
	v16 =	vld [tilespmem:s0+$0x81B0]  }
0x2fe: {  	v14 =	vadd.f32 v22, v14;
	v13 =	vadd.f32 v23, v13;
	v17 =	vld [tilespmem:s0+$0x8220]  }
0x2ff: {  	v11 =	vadd.f32 v11, v12;
	v10 =	vadd.f32 v10, v15;
	v12 =	vld [tilespmem:s0+$0x8230]  }
0x300: {  	v14 =	vadd.f32 v24, v14;
	v13 =	vadd.f32 v19, v13;
	v15 =	vld [tilespmem:s0+$0x82A0]  }
0x301: {  	v9 =	vadd.f32 v9, v11;
	v8 =	vadd.f32 v8, v10;
	v10 =	vld [tilespmem:s0+$0x82B0]  }
0x302: {  	v11 =	vadd.f32 v18, v14;
	v13 =	vadd.f32 v16, v13;
	v14 =	vld [tilespmem:s0+$0x8320]  }
0x303: {  	v6 =	vadd.f32 v6, v9;
	v7 =	vadd.f32 v7, v8;
	v8 =	vld [tilespmem:s0+$0x8330]  }
0x304: {  	v9 =	vadd.f32 v17, v11;
	v11 =	vadd.f32 v12, v13;
	v13 =	vld [tilespmem:s0+$0x83A0]  }
0x305: {  	v4 =	vadd.f32 v4, v6;
	v5 =	vadd.f32 v5, v7;
	v6 =	vld [tilespmem:s0+$0x83B0];
	s0 =	sshra.s32 s4, $0x2  }
0x306: {  	v9 =	vadd.f32 v15, v9;
	v7 =	vld [tilespmem:s0+$0x8380];
	v10 =	vadd.f32 v10, v11  }
0x307: {  	v4 =	vadd.f32 v2, v4;
	v5 =	vadd.f32 v3, v5;
	v11 =	vld [tilespmem:s0+$0x8390]  }
0x308: {  	v9 =	vadd.f32 v14, v9;
	v2 =	vld [tilespmem:s0+$0x8300];
	v8 =	vadd.f32 v8, v10  }
0x309: {  	v12 =	vadd.f32 v0, v4;
	v15 =	vadd.f32 v1, v5;
	v3 =	vld [tilespmem:s0+$0x8310]  }
0x30a: {  	v14 =	vadd.f32 v13, v9;
	v4 =	vld [tilespmem:s0+$0x8280];
	v13 =	vadd.f32 v6, v8  }
0x30b: {  	v5 =	vld [tilespmem:s0+$0x8290];
	v0 =	vmov v7  }
0x30c: {  	v6 =	vld [tilespmem:s0+$0x8200];
	v1 =	vmov v11  }
0x30d: {  	v7 =	vld [tilespmem:s0+$0x8210]  }
0x30e: {  	v9 =	vld [tilespmem:s0+$0x8180]  }
0x30f: {  	v8 =	vld [tilespmem:s0+$0x8190]  }
0x310: {  	v11 =	vld [tilespmem:s0+$0x8100]  }
0x311: {  	v10 =	vld [tilespmem:s0+$0x8110]  }
.Ltmp2:
0x312: {  	v17 =	vld [tilespmem:s0+$0x8080];
	(pc) =	sbr.rel @p0 .LBB2_7-.Ltmp2, $4  }
0x313: {  	v16 =	vld [tilespmem:s0+$0x8090]  }
0x314: {  	v19 =	vld [tilespmem:s0+$0x8000]  }
0x315: {  	v20 =	vld [tilespmem:s0+$0x8010]  }
0x316: {  	s4 =	sadd.s32 $0x1000, s4;
	v18 =	vld [tilespmem:s0+$0x8020]  }
0x317: {  	v21 =	vld [tilespmem:s0+$0x8030]  }
0x318: {  	v22 =	vld [tilespmem:s0+$0x80A0]  }
0x319: {  	v23 =	vld [tilespmem:s0+$0x80B0];
	v12 =	vadd.f32 v19, v12  }
0x31a: {  	v45 =	vld [tilespmem:s0+$0x8120];
	v15 =	vadd.f32 v20, v15  }
0x31b: {  	v46 =	vld [tilespmem:s0+$0x8130];
	v14 =	vadd.f32 v18, v14;
	v12 =	vadd.f32 v17, v12  }
0x31c: {  	v47 =	vld [tilespmem:s0+$0x81A0];
	v13 =	vadd.f32 v21, v13;
	v15 =	vadd.f32 v16, v15  }
0x31d: {  	v48 =	vld [tilespmem:s0+$0x81B0];
	v14 =	vadd.f32 v22, v14;
	v11 =	vadd.f32 v11, v12  }
0x31e: {  	v50 =	vld [tilespmem:s0+$0x8220];
	v49 =	vadd.f32 v23, v13;
	v10 =	vadd.f32 v10, v15  }
0x31f: {  	v51 =	vld [tilespmem:s0+$0x8230];
	v14 =	vadd.f32 v45, v14;
	v9 =	vadd.f32 v9, v11  }
0x320: {  	v53 =	vld [tilespmem:s0+$0x82A0];
	v52 =	vadd.f32 v46, v49;
	v8 =	vadd.f32 v8, v10  }
0x321: {  	v54 =	vld [tilespmem:s0+$0x82B0];
	v14 =	vadd.f32 v47, v14;
	v6 =	vadd.f32 v6, v9  }
0x322: {  	v56 =	vld [tilespmem:s0+$0x8320];
	v55 =	vadd.f32 v48, v52;
	v7 =	vadd.f32 v7, v8  }
0x323: {  	v57 =	vld [tilespmem:s0+$0x8330];
	v13 =	vadd.f32 v50, v14;
	v4 =	vadd.f32 v4, v6  }
0x324: {  	v59 =	vld [tilespmem:s0+$0x83A0];
	v58 =	vadd.f32 v51, v55;
	v5 =	vadd.f32 v5, v7  }
0x325: {  	v60 =	vld [tilespmem:s0+$0x83B0];
	s19 =	rddreg [dreg:$0x8];
	v12 =	vadd.f32 v53, v13;
	v2 =	vadd.f32 v2, v4  }
0x326: {  	s0 =	smin.u32 s19, $0x7D;
	v61 =	vadd.f32 v54, v58;
	v3 =	vadd.f32 v3, v5  }
0x327: {  	s0 =	sadd.s32 $0x2, s0;
	v62 =	vadd.f32 v56, v12;
	v0 =	vadd.f32 v0, v2  }
0x328: {  	s1 =	sshll.u32 s0, $0x7;
	v2 =	vadd.f32 v57, v61;
	v1 =	vadd.f32 v1, v3  }
0x329: {  	s20 =	rddreg [dreg:$0x7];
	s4 =	sand.u32 $0x380, s1;
	v3 =	vadd.f32 v59, v62;
	v63 =	vmul.f32 $4.999999890e-03, v0  }
0x32a: {  	s31 =	sshrl.u32 s20, $0x2;
	v0 =	vmov s4;
	v2 =	vadd.f32 v60, v2;
	v1 =	vmul.f32 $4.999999890e-03, v1  }
0x32b: {  	s21 =	simm.s32 $0x0;
	s5 =	simm.s32 $0x0;
	s0 =	sshll.u32 s0, $0x8;
	[tilespmem:s31+$0x14800] =	vst v63;
	v3 =	vmul.f32 $4.999999890e-03, v3  }
0x32c: {  	s0 =	sand.u32 $0xF800, s0;
	[dreg:$0x9] =	wrdreg s4;
	s4 =	sand.u32 $0x400, s21;
	[tilespmem:s31+$0x14810] =	vst v1;
	v1 =	vmul.f32 $4.999999890e-03, v2  }
0x32d: {  	s5 =	sand.u32 $0x60, s5;
	s4 =	sadd.s32 s4, s0;
	[tilespmem:s31+$0x14820] =	vst v3  }
0x32e: {  	s5 =	sadd.s32 s5, s4;
	[tilespmem:s31+$0x14830] =	vst v1  }
0x32f: {  	v1 =	vld.idx.msk [tilespmem:v0+s5+$0x0 ss:$0x1], $0xffff;
	_ =	sdelay $0x4  }
0x330: {  	v1 =	vshll.u32 v1, $0x4  }
0x331: {  	(v2sf) =	vpush v1, $0x0  }
0x332: {  	(v2sf) =	vpush v1, $0x1  }
0x333: {  	(v2sf) =	vpush v1, $0x2;
	_ =	sdelay $0x1  }
0x334: {  	(v2sf) =	vpush v1, $0x3;
	_ =	sdelay $0x2  }
0x335: {  	(v2sf) =	vpush v1, $0x4;
	_ =	sdelay $0x1  }
0x336: {  	(v2sf) =	vpush v1, $0x5;
	_ =	sdelay $0x1  }
0x337: {  	s7 =	simm.s32 $0x8600;
	(v2sf) =	vpush v1, $0x6  }
0x338: {  	s6 =	simm.s32 $0x8680;
	s9 =	simm.s32 $0x8000;
	s10 =	simm.s32 $0x8080  }
0x339: {  	s8 =	simm.s32 $0x8580;
	s11 =	simm.s32 $0x8480;
	s12 =	simm.s32 $0x8500;
	(v2sf) =	vpush v1, $0x7  }
0x33a: {  	s13 =	simm.s32 $0x8100;
	s15 =	simm.s32 $0x8300;
	s17 =	simm.s32 $0x8400  }
0x33b: {  	s25 =	simm.s32 $0x8180;
	s20 =	simm.s32 $0x8380;
	(v2sf) =	vpush v1, $0x8;
	s14 =	spop (v2sf)  }
0x33c: {  	s5 =	simm.s32 $0x10;
	s14 =	sand.u32 $0x1FFFFFF0, s14;
	s16 =	spop (v2sf)  }
0x33d: {  	s5 =	sand.u32 $0x70, s5;
	(v2sf) =	vpush v1, $0x9;
	s14 =	sadd.s32 s3, s14;
	s23 =	spop (v2sf)  }
0x33e: {  	[tilespmem:s9], [sflag:$0x1] =	stream.linear.gather [hbm4b:s14+s2], $0x80, $0x38;
	[tilespmem:$0x16800] =	vst v63  }
0x33f: {  	(v2sf) =	vpush v1, $0xA;
	s16 =	sand.u32 $0x1FFFFFF0, s16;
	s9 =	simm.s32 $0x8280;
	s26 =	spop (v2sf)  }
0x340: {  	s22 =	sadd.s32 s3, s16;
	s24 =	sand.u32 $0x1FFFFFF0, s23;
	s16 =	sand.u32 $0x1FFFFFF0, s26  }
0x341: {  	(v2sf) =	vpush v1, $0xB;
	[tilespmem:s10], [sflag:$0x1] =	stream.linear.gather [hbm4b:s22+s2], $0x80, $0x38;
	[tilespmem:$0x16800] =	vst v63  }
0x342: {  	s18 =	spop (v2sf);
	s10 =	sadd.s32 s3, s24;
	s28 =	sadd.s32 s3, s16  }
0x343: {  	(v2sf) =	vpush v1, $0xC;
	[tilespmem:s13], [sflag:$0x1] =	stream.linear.gather [hbm4b:s10+s2], $0x80, $0x38;
	[tilespmem:$0x16800] =	vst v63  }
0x344: {  	s29 =	sand.u32 $0x1FFFFFF0, s18;
	s1 =	spop (v2sf);
	s18 =	simm.s32 $0x8200  }
0x345: {  	(v2sf) =	vpush v1, $0xD;
	[tilespmem:s25], [sflag:$0x1] =	stream.linear.gather [hbm4b:s28+s2], $0x80, $0x38;
	[tilespmem:$0x16800] =	vst v63  }
0x346: {  	s19 =	spop (v2sf);
	s21 =	sand.u32 $0x1FFFFFF0, s1;
	s13 =	sadd.s32 s3, s29  }
0x347: {  	(v2sf) =	vpush v1, $0xE;
	[tilespmem:s18], [sflag:$0x1] =	stream.linear.gather [hbm4b:s13+s2], $0x80, $0x38;
	[tilespmem:$0x16800] =	vst v63  }
0x348: {  	s22 =	spop (v2sf);
	s14 =	sand.u32 $0x1FFFFFF0, s19;
	s13 =	sadd.s32 s3, s21  }
0x349: {  	(v2sf) =	vpush v1, $0xF;
	[tilespmem:s9], [sflag:$0x1] =	stream.linear.gather [hbm4b:s13+s2], $0x80, $0x38;
	[tilespmem:$0x16800] =	vst v63  }
0x34a: {  	s23 =	spop (v2sf);
	s24 =	sadd.s32 s3, s14;
	s25 =	sand.u32 $0x1FFFFFF0, s22  }
0x34b: {  	[tilespmem:s15], [sflag:$0x1] =	stream.linear.gather [hbm4b:s24+s2], $0x80, $0x38;
	[tilespmem:$0x16800] =	vst v63  }
0x34c: {  	s29 =	sand.u32 $0x1FFFFFF0, s23;
	s28 =	sadd.s32 s3, s25;
	s26 =	spop (v2sf)  }
0x34d: {  	[tilespmem:s20], [sflag:$0x1] =	stream.linear.gather [hbm4b:s28+s2], $0x80, $0x38;
	[tilespmem:$0x16800] =	vst v63  }
0x34e: {  	s10 =	sadd.s32 s3, s29;
	s1 =	spop (v2sf);
	s13 =	sand.u32 $0x1FFFFFF0, s26  }
0x34f: {  	[tilespmem:s17], [sflag:$0x1] =	stream.linear.gather [hbm4b:s10+s2], $0x80, $0x38;
	[tilespmem:$0x16800] =	vst v63  }
0x350: {  	s14 =	spop (v2sf);
	s16 =	sadd.s32 s3, s13;
	s17 =	sand.u32 $0x1FFFFFF0, s1  }
0x351: {  	[tilespmem:s11], [sflag:$0x1] =	stream.linear.gather [hbm4b:s16+s2], $0x80, $0x38;
	[tilespmem:$0x16800] =	vst v63  }
0x352: {  	s20 =	sand.u32 $0x1FFFFFF0, s14;
	s18 =	spop (v2sf);
	s19 =	sadd.s32 s3, s17  }
0x353: {  	[tilespmem:s12], [sflag:$0x1] =	stream.linear.gather [hbm4b:s19+s2], $0x80, $0x38;
	[tilespmem:$0x16800] =	vst v63  }
0x354: {  	s22 =	sadd.s32 s3, s20;
	s21 =	spop (v2sf);
	s23 =	sand.u32 $0x1FFFFFF0, s18  }
0x355: {  	[tilespmem:s8], [sflag:$0x1] =	stream.linear.gather [hbm4b:s22+s2], $0x80, $0x38;
	[tilespmem:$0x16800] =	vst v63  }
0x356: {  	s11 =	sand.u32 $0x1FFFFFF0, s21;
	s24 =	sadd.s32 s3, s23;
	s25 =	spop (v2sf)  }
0x357: {  	[tilespmem:s7], [sflag:$0x1] =	stream.linear.gather [hbm4b:s24+s2], $0x80, $0x38;
	[tilespmem:$0x16800] =	vst v63  }
0x358: {  	s26 =	sadd.s32 s3, s11;
	s28 =	sand.u32 $0x1FFFFFF0, s25;
	s29 =	spop (v2sf)  }
0x359: {  	[tilespmem:s6], [sflag:$0x1] =	stream.linear.gather [hbm4b:s26+s2], $0x80, $0x38;
	[tilespmem:$0x16800] =	vst v63  }
0x35a: {  	s1 =	simm.s32 $0x8700;
	s10 =	sadd.s32 s3, s28;
	s11 =	sand.u32 $0x1FFFFFF0, s29  }
0x35b: {  	[tilespmem:s1], [sflag:$0x1] =	stream.linear.gather [hbm4b:s10+s2], $0x80, $0x38;
	[tilespmem:$0x16800] =	vst v63  }
0x35c: {  	s4 =	sadd.s32 s5, s4;
	s12 =	simm.s32 $0x8780;
	s7 =	sadd.s32 s3, s11  }
0x35d: {  	[tilespmem:s12], [sflag:$0x1] =	stream.linear.gather [hbm4b:s7+s2], $0x80, $0x38;
	[tilespmem:$0x16800] =	vst v63  }
0x35e: {  	v1 =	vld.idx.msk [tilespmem:v0+s4+$0x0 ss:$0x1], $0xffff;
	_ =	sdelay $0x4  }
0x35f: {  	v1 =	vshll.u32 v1, $0x4  }
0x360: {  	(v2sf) =	vpush v1, $0x0;
	_ =	sdelay $0x1  }
0x361: {  	(v2sf) =	vpush v1, $0x1  }
0x362: {  	(v2sf) =	vpush v1, $0x2;
	_ =	sdelay $0x2  }
0x363: {  	(v2sf) =	vpush v1, $0x3  }
0x364: {  	(v2sf) =	vpush v1, $0x4;
	_ =	sdelay $0x1  }
0x365: {  	(v2sf) =	vpush v1, $0x5;
	_ =	sdelay $0x1  }
0x366: {  	s5 =	simm.s32 $0x4000;
	(v2sf) =	vpush v1, $0x6  }
0x367: {  	s9 =	simm.s32 $0x8D00;
	s15 =	simm.s32 $0x8800;
	s13 =	simm.s32 $0x100  }
0x368: {  	s18 =	simm.s32 $0x8E00;
	s17 =	simm.s32 $0x8E80;
	s16 =	sand.u32 $0x400, s13;
	(v2sf) =	vpush v1, $0x7  }
0x369: {  	s21 =	simm.s32 $0x8880;
	s28 =	simm.s32 $0x8980;
	s8 =	simm.s32 $0x20  }
0x36a: {  	s24 =	simm.s32 $0x8900;
	s6 =	simm.s32 $0x8000;
	s14 =	spop (v2sf);
	(v2sf) =	vpush v1, $0x8  }
0x36b: {  	s26 =	simm.s32 $0x200;
	s10 =	simm.s32 $0x8C80;
	s7 =	simm.s32 $0x50  }
0x36c: {  	s4 =	simm.s32 $0x30;
	s11 =	sand.u32 $0x1FFFFFF0, s14;
	s19 =	spop (v2sf);
	(v2sf) =	vpush v1, $0x9  }
0x36d: {  	s11 =	sadd.s32 s3, s11;
	s13 =	sand.u32 $0x1FFFFFF0, s19;
	s20 =	spop (v2sf)  }
0x36e: {  	[tilespmem:s15], [sflag:$0x1] =	stream.linear.gather [hbm4b:s11+s2], $0x80, $0x38;
	[tilespmem:$0x16800] =	vst v63  }
0x36f: {  	s14 =	simm.s32 $0x8C00;
	s22 =	sadd.s32 s3, s13;
	s23 =	sand.u32 $0x1FFFFFF0, s20  }
0x370: {  	(v2sf) =	vpush v1, $0xA;
	s25 =	spop (v2sf);
	s15 =	simm.s32 $0x8A00;
	s13 =	sadd.s32 s3, s23  }
0x371: {  	s12 =	sand.u32 $0x1FFFFFF0, s25;
	s29 =	spop (v2sf);
	s23 =	simm.s32 $0x8B00  }
0x372: {  	[tilespmem:s21], [sflag:$0x1] =	stream.linear.gather [hbm4b:s22+s2], $0x80, $0x38;
	[tilespmem:$0x16800] =	vst v63  }
0x373: {  	(v2sf) =	vpush v1, $0xB;
	s12 =	sadd.s32 s3, s12;
	s1 =	spop (v2sf);
	s21 =	simm.s32 $0x8A80  }
0x374: {  	[tilespmem:s24], [sflag:$0x1] =	stream.linear.gather [hbm4b:s13+s2], $0x80, $0x38;
	[tilespmem:$0x16800] =	vst v63  }
0x375: {  	(v2sf) =	vpush v1, $0xC;
	s20 =	sand.u32 $0x1FFFFFF0, s1;
	s22 =	spop (v2sf);
	s13 =	sand.u32 $0x1FFFFFF0, s29  }
0x376: {  	[tilespmem:s28], [sflag:$0x1] =	stream.linear.gather [hbm4b:s12+s2], $0x80, $0x38;
	[tilespmem:$0x16800] =	vst v63  }
0x377: {  	(v2sf) =	vpush v1, $0xD;
	s24 =	spop (v2sf);
	s19 =	sadd.s32 s3, s13;
	s13 =	sadd.s32 s3, s20  }
0x378: {  	[tilespmem:s15], [sflag:$0x1] =	stream.linear.gather [hbm4b:s19+s2], $0x80, $0x38;
	[tilespmem:$0x16800] =	vst v63  }
0x379: {  	s20 =	sand.u32 $0x60, s8;
	s12 =	sand.u32 $0x1FFFFFF0, s22;
	s25 =	spop (v2sf);
	(v2sf) =	vpush v1, $0xE  }
0x37a: {  	[tilespmem:s21], [sflag:$0x1] =	stream.linear.gather [hbm4b:s13+s2], $0x80, $0x38;
	[tilespmem:$0x16800] =	vst v63  }
0x37b: {  	s12 =	sadd.s32 s3, s12;
	s13 =	sand.u32 $0x1FFFFFF0, s24;
	s15 =	spop (v2sf);
	(v2sf) =	vpush v1, $0xF  }
0x37c: {  	[tilespmem:s23], [sflag:$0x1] =	stream.linear.gather [hbm4b:s12+s2], $0x80, $0x38;
	[tilespmem:$0x16800] =	vst v63  }
0x37d: {  	s28 =	simm.s32 $0x8B80;
	s22 =	simm.s32 $0x8D80;
	s29 =	sadd.s32 s3, s13  }
0x37e: {  	[tilespmem:s28], [sflag:$0x1] =	stream.linear.gather [hbm4b:s29+s2], $0x80, $0x38;
	[tilespmem:$0x16800] =	vst v63  }
0x37f: {  	s1 =	sand.u32 $0x1FFFFFF0, s25;
	s19 =	sand.u32 $0x1FFFFFF0, s15;
	s21 =	spop (v2sf)  }
0x380: {  	s13 =	sadd.s32 s3, s1;
	s23 =	sadd.s32 s3, s19;
	s24 =	sand.u32 $0x1FFFFFF0, s21  }
0x381: {  	[tilespmem:s14], [sflag:$0x1] =	stream.linear.gather [hbm4b:s13+s2], $0x80, $0x38;
	[tilespmem:$0x16800] =	vst v63  }
0x382: {  	s21 =	simm.s32 $0x8F80;
	s25 =	spop (v2sf);
	s19 =	simm.s32 $0x8F00  }
0x383: {  	[tilespmem:s10], [sflag:$0x1] =	stream.linear.gather [hbm4b:s23+s2], $0x80, $0x38;
	[tilespmem:$0x16800] =	vst v63  }
0x384: {  	s28 =	sadd.s32 s3, s24;
	s8 =	sand.u32 $0x1FFFFFF0, s25;
	s29 =	spop (v2sf)  }
0x385: {  	[tilespmem:s9], [sflag:$0x1] =	stream.linear.gather [hbm4b:s28+s2], $0x80, $0x38;
	[tilespmem:$0x16800] =	vst v63  }
0x386: {  	s10 =	sadd.s32 s3, s8;
	s8 =	spop (v2sf);
	s9 =	sand.u32 $0x1FFFFFF0, s29  }
.LBB2_9:
0x387: {  	[tilespmem:s22], [sflag:$0x1] =	stream.linear.gather [hbm4b:s10+s2], $0x80, $0x38;
	[tilespmem:$0x16800] =	vst v63  }
0x388: {  	s9 =	sadd.s32 s3, s9;
	s8 =	sand.u32 $0x1FFFFFF0, s8;
	s10 =	spop (v2sf)  }
0x389: {  	[tilespmem:s18], [sflag:$0x1] =	stream.linear.gather [hbm4b:s9+s2], $0x80, $0x38;
	[tilespmem:$0x16800] =	vst v63  }
0x38a: {  	s8 =	sadd.s32 s3, s8;
	s9 =	sand.u32 $0x1FFFFFF0, s10;
	s10 =	spop (v2sf)  }
0x38b: {  	[tilespmem:s17], [sflag:$0x1] =	stream.linear.gather [hbm4b:s8+s2], $0x80, $0x38;
	[tilespmem:$0x16800] =	vst v63  }
0x38c: {  	s16 =	sadd.s32 s16, s0;
	s8 =	sadd.s32 s3, s9;
	s9 =	sand.u32 $0x1FFFFFF0, s10  }
0x38d: {  	[tilespmem:s19], [sflag:$0x1] =	stream.linear.gather [hbm4b:s8+s2], $0x80, $0x38;
	[tilespmem:$0x16800] =	vst v63  }
0x38e: {  	p0 =	sne.s32 s6, $0x14000;
	s9 =	sadd.s32 s3, s9;
	s8 =	sadd.s32 s20, s16  }
0x38f: {  	[tilespmem:s21], [sflag:$0x1] =	stream.linear.gather [hbm4b:s9+s2], $0x80, $0x38;
	[tilespmem:$0x16800] =	vst v63  }
0x390: {  	v1 =	vld.idx.msk [tilespmem:v0+s8+$0x0 ss:$0x1], $0xffff;
	s8 =	smov.u32 s6;
	s6 =	sadd.s32 $0x4000, s6;
	_ =	sdelay $0x5  }
0x391: {  	v1 =	vshll.u32 v1, $0x4  }
0x392: {  	(v2sf) =	vpush v1, $0x0  }
0x393: {  	(v2sf) =	vpush v1, $0x1;
	_ =	sdelay $0x2  }
0x394: {  	(v2sf) =	vpush v1, $0x2;
	_ =	sdelay $0x1  }
0x395: {  	(v2sf) =	vpush v1, $0x3  }
0x396: {  	(v2sf) =	vpush v1, $0x4  }
0x397: {  	(v2sf) =	vpush v1, $0x5;
	_ =	sdelay $0x1  }
0x398: {  	s19 =	sshra.s32 s5, $0x2;
	s5 =	smov.u32 s8;
	(v2sf) =	vpush v1, $0x6  }
0x399: {  	s18 =	sadd.s32 $0x8600, s19;
	s17 =	sadd.s32 $0x8680, s19  }
0x39a: {  	s11 =	sadd.s32 $0x8000, s19;
	s12 =	sadd.s32 $0x8080, s19;
	s20 =	sadd.s32 $0x8580, s19;
	(v2sf) =	vpush v1, $0x7  }
0x39b: {  	s21 =	sadd.s32 $0x8480, s19;
	s8 =	sadd.s32 $0x8500, s19  }
0x39c: {  	s13 =	sadd.s32 $0x8100, s19;
	(v2sf) =	vpush v1, $0x8  }
0x39d: {  	s10 =	sadd.s32 $0x8300, s19;
	s9 =	sadd.s32 $0x8400, s19;
	s14 =	spop (v2sf)  }
0x39e: {  	s15 =	sadd.s32 $0x8280, s19;
	s14 =	sand.u32 $0x1FFFFFF0, s14;
	s22 =	spop (v2sf);
	(v2sf) =	vpush v1, $0x9  }
0x39f: {  	s23 =	sadd.s32 $0x8380, s19;
	s14 =	sadd.s32 s3, s14;
	s22 =	sand.u32 $0x1FFFFFF0, s22  }
0x3a0: {  	[tilespmem:s11], [sflag:$0x1] =	stream.linear.gather [hbm4b:s14+s2], $0x80, $0x38;
	(v2sf) =	vpush v1, $0xA;
	[tilespmem:$0x16800] =	vst v63  }
0x3a1: {  	s11 =	sadd.s32 s3, s22;
	s14 =	sadd.s32 $0x8200, s19;
	s22 =	spop (v2sf)  }
0x3a2: {  	[tilespmem:s12], [sflag:$0x1] =	stream.linear.gather [hbm4b:s11+s2], $0x80, $0x38;
	(v2sf) =	vpush v1, $0xB;
	[tilespmem:$0x16800] =	vst v63  }
0x3a3: {  	s11 =	sand.u32 $0x1FFFFFF0, s22;
	s12 =	sadd.s32 $0x8180, s19;
	s22 =	spop (v2sf)  }
0x3a4: {  	s11 =	sadd.s32 s3, s11;
	s22 =	sand.u32 $0x1FFFFFF0, s22;
	s24 =	spop (v2sf);
	(v2sf) =	vpush v1, $0xC  }
0x3a5: {  	s22 =	sadd.s32 s3, s22;
	s24 =	sand.u32 $0x1FFFFFF0, s24;
	s25 =	spop (v2sf)  }
0x3a6: {  	[tilespmem:s13], [sflag:$0x1] =	stream.linear.gather [hbm4b:s11+s2], $0x80, $0x38;
	(v2sf) =	vpush v1, $0xD;
	[tilespmem:$0x16800] =	vst v63  }
0x3a7: {  	s11 =	sadd.s32 s3, s24;
	s13 =	sand.u32 $0x1FFFFFF0, s25;
	s24 =	spop (v2sf)  }
0x3a8: {  	[tilespmem:s12], [sflag:$0x1] =	stream.linear.gather [hbm4b:s22+s2], $0x80, $0x38;
	(v2sf) =	vpush v1, $0xE;
	[tilespmem:$0x16800] =	vst v63  }
0x3a9: {  	s12 =	sadd.s32 s3, s13;
	s13 =	sand.u32 $0x1FFFFFF0, s24;
	s22 =	spop (v2sf)  }
0x3aa: {  	[tilespmem:s14], [sflag:$0x1] =	stream.linear.gather [hbm4b:s11+s2], $0x80, $0x38;
	(v2sf) =	vpush v1, $0xF;
	[tilespmem:$0x16800] =	vst v63  }
0x3ab: {  	s11 =	sadd.s32 s3, s13;
	s13 =	sand.u32 $0x1FFFFFF0, s22;
	s14 =	spop (v2sf)  }
0x3ac: {  	[tilespmem:s15], [sflag:$0x1] =	stream.linear.gather [hbm4b:s12+s2], $0x80, $0x38;
	[tilespmem:$0x16800] =	vst v63  }
0x3ad: {  	s12 =	sadd.s32 s3, s13;
	s13 =	sand.u32 $0x1FFFFFF0, s14;
	s14 =	spop (v2sf)  }
0x3ae: {  	[tilespmem:s10], [sflag:$0x1] =	stream.linear.gather [hbm4b:s11+s2], $0x80, $0x38;
	[tilespmem:$0x16800] =	vst v63  }
0x3af: {  	s10 =	sadd.s32 s3, s13;
	s11 =	sand.u32 $0x1FFFFFF0, s14;
	s13 =	spop (v2sf)  }
0x3b0: {  	[tilespmem:s23], [sflag:$0x1] =	stream.linear.gather [hbm4b:s12+s2], $0x80, $0x38;
	[tilespmem:$0x16800] =	vst v63  }
0x3b1: {  	s11 =	sadd.s32 s3, s11;
	s12 =	sand.u32 $0x1FFFFFF0, s13;
	s13 =	spop (v2sf)  }
0x3b2: {  	[tilespmem:s9], [sflag:$0x1] =	stream.linear.gather [hbm4b:s10+s2], $0x80, $0x38;
	[tilespmem:$0x16800] =	vst v63  }
0x3b3: {  	s9 =	sadd.s32 s3, s12;
	s10 =	sand.u32 $0x1FFFFFF0, s13;
	s12 =	spop (v2sf)  }
0x3b4: {  	[tilespmem:s21], [sflag:$0x1] =	stream.linear.gather [hbm4b:s11+s2], $0x80, $0x38;
	[tilespmem:$0x16800] =	vst v63  }
0x3b5: {  	s10 =	sadd.s32 s3, s10;
	s11 =	sand.u32 $0x1FFFFFF0, s12;
	s12 =	spop (v2sf)  }
0x3b6: {  	[tilespmem:s8], [sflag:$0x1] =	stream.linear.gather [hbm4b:s9+s2], $0x80, $0x38;
	[tilespmem:$0x16800] =	vst v63  }
0x3b7: {  	s8 =	sadd.s32 s3, s11;
	s9 =	sand.u32 $0x1FFFFFF0, s12;
	s11 =	spop (v2sf)  }
0x3b8: {  	[tilespmem:s20], [sflag:$0x1] =	stream.linear.gather [hbm4b:s10+s2], $0x80, $0x38;
	[tilespmem:$0x16800] =	vst v63  }
0x3b9: {  	s9 =	sadd.s32 s3, s9;
	s10 =	sand.u32 $0x1FFFFFF0, s11;
	s11 =	spop (v2sf)  }
0x3ba: {  	[tilespmem:s18], [sflag:$0x1] =	stream.linear.gather [hbm4b:s8+s2], $0x80, $0x38;
	[tilespmem:$0x16800] =	vst v63  }
0x3bb: {  	s10 =	sadd.s32 s3, s10;
	s8 =	sadd.s32 $0x8700, s19;
	s11 =	sand.u32 $0x1FFFFFF0, s11  }
0x3bc: {  	[tilespmem:s17], [sflag:$0x1] =	stream.linear.gather [hbm4b:s9+s2], $0x80, $0x38;
	[tilespmem:$0x16800] =	vst v63  }
0x3bd: {  	s4 =	sand.u32 $0x70, s4;
	s11 =	sadd.s32 s3, s11;
	s9 =	sadd.s32 $0x8780, s19  }
0x3be: {  	[tilespmem:s8], [sflag:$0x1] =	stream.linear.gather [hbm4b:s10+s2], $0x80, $0x38;
	[tilespmem:$0x16800] =	vst v63  }
0x3bf: {  	s8 =	sadd.s32 s4, s16;
	s4 =	smov.u32 s7  }
0x3c0: {  	[tilespmem:s9], [sflag:$0x1] =	stream.linear.gather [hbm4b:s11+s2], $0x80, $0x38;
	[tilespmem:$0x16800] =	vst v63  }
0x3c1: {  	v1 =	vld.idx.msk [tilespmem:v0+s8+$0x0 ss:$0x1], $0xffff;
	_ =	sdelay $0x5  }
0x3c2: {  	v1 =	vshll.u32 v1, $0x4  }
0x3c3: {  	(v2sf) =	vpush v1, $0x0  }
0x3c4: {  	(v2sf) =	vpush v1, $0x1  }
0x3c5: {  	(v2sf) =	vpush v1, $0x2;
	_ =	sdelay $0x1  }
0x3c6: {  	(v2sf) =	vpush v1, $0x3;
	_ =	sdelay $0x1  }
0x3c7: {  	(v2sf) =	vpush v1, $0x4;
	_ =	sdelay $0x1  }
0x3c8: {  	s16 =	sand.u32 $0x400, s26;
	s7 =	sadd.s32 $0x20, s7;
	s12 =	sadd.s32 $0xFFFFFFF0, s4;
	(v2sf) =	vpush v1, $0x5  }
0x3c9: {  	s18 =	sadd.s32 $0x8E00, s19;
	s17 =	sadd.s32 $0x8E80, s19;
	s26 =	sadd.s32 $0x100, s26  }
0x3ca: {  	s22 =	sadd.s32 $0x8D80, s19;
	s23 =	sadd.s32 $0x8D00, s19;
	s8 =	sadd.s32 $0x8C80, s19;
	(v2sf) =	vpush v1, $0x6  }
0x3cb: {  	s10 =	sadd.s32 $0x8B80, s19;
	s11 =	sadd.s32 $0x8B00, s19;
	s9 =	sadd.s32 $0x8C00, s19  }
0x3cc: {  	s15 =	sadd.s32 $0x8A80, s19;
	s14 =	sadd.s32 $0x8A00, s19;
	s13 =	sadd.s32 $0x8980, s19;
	(v2sf) =	vpush v1, $0x7  }
0x3cd: {  	s24 =	sadd.s32 $0x8900, s19;
	s20 =	sand.u32 $0x60, s12;
	s12 =	sadd.s32 $0x8880, s19  }
0x3ce: {  	s25 =	sadd.s32 $0x8800, s19;
	(v2sf) =	vpush v1, $0x8  }
0x3cf: {  	s21 =	sadd.s32 $0x8F80, s19;
	s28 =	spop (v2sf)  }
0x3d0: {  	s19 =	sadd.s32 $0x8F00, s19;
	s28 =	sand.u32 $0x1FFFFFF0, s28;
	s29 =	spop (v2sf);
	(v2sf) =	vpush v1, $0x9  }
0x3d1: {  	s28 =	sadd.s32 s3, s28;
	s29 =	sand.u32 $0x1FFFFFF0, s29;
	s1 =	spop (v2sf)  }
0x3d2: {  	[tilespmem:s25], [sflag:$0x1] =	stream.linear.gather [hbm4b:s28+s2], $0x80, $0x38;
	(v2sf) =	vpush v1, $0xA;
	[tilespmem:$0x16800] =	vst v63  }
0x3d3: {  	s25 =	sadd.s32 s3, s29;
	s1 =	sand.u32 $0x1FFFFFF0, s1;
	s28 =	spop (v2sf)  }
0x3d4: {  	[tilespmem:s12], [sflag:$0x1] =	stream.linear.gather [hbm4b:s25+s2], $0x80, $0x38;
	(v2sf) =	vpush v1, $0xB;
	[tilespmem:$0x16800] =	vst v63  }
0x3d5: {  	s1 =	sadd.s32 s3, s1;
	s12 =	sand.u32 $0x1FFFFFF0, s28;
	s25 =	spop (v2sf)  }
0x3d6: {  	[tilespmem:s24], [sflag:$0x1] =	stream.linear.gather [hbm4b:s1+s2], $0x80, $0x38;
	(v2sf) =	vpush v1, $0xC;
	[tilespmem:$0x16800] =	vst v63  }
0x3d7: {  	s1 =	sadd.s32 s3, s12;
	s12 =	sand.u32 $0x1FFFFFF0, s25;
	s24 =	spop (v2sf)  }
0x3d8: {  	[tilespmem:s13], [sflag:$0x1] =	stream.linear.gather [hbm4b:s1+s2], $0x80, $0x38;
	(v2sf) =	vpush v1, $0xD;
	[tilespmem:$0x16800] =	vst v63  }
0x3d9: {  	s1 =	sadd.s32 s3, s12;
	s12 =	sand.u32 $0x1FFFFFF0, s24;
	s13 =	spop (v2sf)  }
0x3da: {  	[tilespmem:s14], [sflag:$0x1] =	stream.linear.gather [hbm4b:s1+s2], $0x80, $0x38;
	(v2sf) =	vpush v1, $0xE;
	[tilespmem:$0x16800] =	vst v63  }
0x3db: {  	s1 =	sadd.s32 s3, s12;
	s12 =	sand.u32 $0x1FFFFFF0, s13;
	s13 =	spop (v2sf)  }
0x3dc: {  	[tilespmem:s15], [sflag:$0x1] =	stream.linear.gather [hbm4b:s1+s2], $0x80, $0x38;
	(v2sf) =	vpush v1, $0xF;
	[tilespmem:$0x16800] =	vst v63  }
0x3dd: {  	s1 =	sadd.s32 s3, s12;
	s12 =	sand.u32 $0x1FFFFFF0, s13;
	s13 =	spop (v2sf)  }
0x3de: {  	[tilespmem:s11], [sflag:$0x1] =	stream.linear.gather [hbm4b:s1+s2], $0x80, $0x38;
	[tilespmem:$0x16800] =	vst v63  }
0x3df: {  	s1 =	sadd.s32 s3, s12;
	s11 =	sand.u32 $0x1FFFFFF0, s13;
	s12 =	spop (v2sf)  }
0x3e0: {  	[tilespmem:s10], [sflag:$0x1] =	stream.linear.gather [hbm4b:s1+s2], $0x80, $0x38;
	[tilespmem:$0x16800] =	vst v63  }
0x3e1: {  	s1 =	sadd.s32 s3, s11;
	s10 =	sand.u32 $0x1FFFFFF0, s12;
	s11 =	spop (v2sf)  }
0x3e2: {  	[tilespmem:s9], [sflag:$0x1] =	stream.linear.gather [hbm4b:s1+s2], $0x80, $0x38;
	[tilespmem:$0x16800] =	vst v63  }
0x3e3: {  	s1 =	sadd.s32 s3, s10  }
.Ltmp3:
0x3e4: {  	s9 =	sand.u32 $0x1FFFFFF0, s11;
	s10 =	spop (v2sf);
	(pc) =	sbr.rel @p0 .LBB2_9-.Ltmp3, $4  }
0x3e5: {  	[tilespmem:s8], [sflag:$0x1] =	stream.linear.gather [hbm4b:s1+s2], $0x80, $0x38;
	[tilespmem:$0x16800] =	vst v63  }
0x3e6: {  	s1 =	sadd.s32 s3, s9;
	s8 =	sand.u32 $0x1FFFFFF0, s10;
	s9 =	spop (v2sf)  }
0x3e7: {  	[tilespmem:s23], [sflag:$0x1] =	stream.linear.gather [hbm4b:s1+s2], $0x80, $0x38;
	[tilespmem:$0x16800] =	vst v63  }
0x3e8: {  	s10 =	sadd.s32 s3, s8;
	s9 =	sand.u32 $0x1FFFFFF0, s9;
	s8 =	spop (v2sf)  }
0x3e9: {  	[tilespmem:s22], [sflag:$0x1] =	stream.linear.gather [hbm4b:s10+s2], $0x80, $0x38;
	[tilespmem:$0x16800] =	vst v63  }
0x3ea: {  	s1 =	sadd.s32 s3, s9;
	s10 =	sand.u32 $0x1FFFFFF0, s8  }
0x3eb: {  	[tilespmem:s18], [sflag:$0x1] =	stream.linear.gather [hbm4b:s1+s2], $0x80, $0x38;
	[tilespmem:$0x16800] =	vst v63  }
0x3ec: {  	s11 =	spop (v2sf);
	s1 =	sadd.s32 s3, s10  }
0x3ed: {  	[tilespmem:s17], [sflag:$0x1] =	stream.linear.gather [hbm4b:s1+s2], $0x80, $0x38;
	[tilespmem:$0x16800] =	vst v63  }
0x3ee: {  	s1 =	sand.u32 $0x1FFFFFF0, s11  }
0x3ef: {  	s12 =	spop (v2sf);
	s1 =	sadd.s32 s3, s1  }
0x3f0: {  	[tilespmem:s19], [sflag:$0x1] =	stream.linear.gather [hbm4b:s1+s2], $0x80, $0x38;
	[tilespmem:$0x16800] =	vst v63  }
0x3f1: {  	s6 =	sadd.s32 s16, s0;
	s1 =	sand.u32 $0x1FFFFFF0, s12  }
0x3f2: {  	s13 =	sadd.s32 s20, s6;
	s1 =	sadd.s32 s3, s1  }
0x3f3: {  	[tilespmem:s21], [sflag:$0x1] =	stream.linear.gather [hbm4b:s1+s2], $0x80, $0x38;
	[tilespmem:$0x16800] =	vst v63  }
0x3f4: {  	v1 =	vld.idx.msk [tilespmem:v0+s13+$0x0 ss:$0x1], $0xffff;
	_ =	sdelay $0x4  }
0x3f5: {  	v1 =	vshll.u32 v1, $0x4  }
0x3f6: {  	(v2sf) =	vpush v1, $0x0;
	_ =	sdelay $0x1  }
0x3f7: {  	(v2sf) =	vpush v1, $0x1;
	_ =	sdelay $0x1  }
0x3f8: {  	(v2sf) =	vpush v1, $0x2;
	_ =	sdelay $0x2  }
0x3f9: {  	(v2sf) =	vpush v1, $0x3;
	_ =	sdelay $0x7  }
0x3fa: {  	s14 =	spop (v2sf);
	(v2sf) =	vpush v1, $0x4;
	_ =	sdelay $0x1  }
0x3fb: {  	s15 =	spop (v2sf);
	(v2sf) =	vpush v1, $0x5;
	_ =	sdelay $0x1  }
0x3fc: {  	s17 =	spop (v2sf);
	(v2sf) =	vpush v1, $0x6;
	_ =	sdelay $0x1  }
0x3fd: {  	s5 =	sshra.s32 s5, $0x2;
	s1 =	sand.u32 $0x1FFFFFF0, s14  }
0x3fe: {  	s7 =	sadd.s32 $0x8000, s5;
	s1 =	sadd.s32 s3, s1;
	s19 =	spop (v2sf);
	(v2sf) =	vpush v1, $0x7  }
0x3ff: {  	[tilespmem:s7], [sflag:$0x1] =	stream.linear.gather [hbm4b:s1+s2], $0x80, $0x38;
	[tilespmem:$0x16800] =	vst v63  }
0x400: {  	s1 =	sand.u32 $0x1FFFFFF0, s15  }
0x401: {  	s16 =	sadd.s32 $0x8080, s5;
	s1 =	sadd.s32 s3, s1  }
0x402: {  	[tilespmem:s16], [sflag:$0x1] =	stream.linear.gather [hbm4b:s1+s2], $0x80, $0x38;
	[tilespmem:$0x16800] =	vst v63  }
0x403: {  	s1 =	sand.u32 $0x1FFFFFF0, s17  }
0x404: {  	s18 =	sadd.s32 $0x8100, s5;
	s1 =	sadd.s32 s3, s1  }
0x405: {  	[tilespmem:s18], [sflag:$0x1] =	stream.linear.gather [hbm4b:s1+s2], $0x80, $0x38;
	[tilespmem:$0x16800] =	vst v63  }
0x406: {  	s21 =	spop (v2sf);
	(v2sf) =	vpush v1, $0x8  }
0x407: {  	s1 =	sand.u32 $0x1FFFFFF0, s19  }
0x408: {  	s20 =	sadd.s32 $0x8180, s5;
	s1 =	sadd.s32 s3, s1;
	s23 =	spop (v2sf);
	(v2sf) =	vpush v1, $0x9  }
0x409: {  	[tilespmem:s20], [sflag:$0x1] =	stream.linear.gather [hbm4b:s1+s2], $0x80, $0x38;
	[tilespmem:$0x16800] =	vst v63  }
0x40a: {  	s1 =	sand.u32 $0x1FFFFFF0, s21;
	s25 =	spop (v2sf);
	(v2sf) =	vpush v1, $0xA  }
0x40b: {  	s22 =	sadd.s32 $0x8200, s5;
	s1 =	sadd.s32 s3, s1  }
0x40c: {  	[tilespmem:s22], [sflag:$0x1] =	stream.linear.gather [hbm4b:s1+s2], $0x80, $0x38;
	[tilespmem:$0x16800] =	vst v63  }
0x40d: {  	s28 =	spop (v2sf);
	(v2sf) =	vpush v1, $0xB  }
0x40e: {  	s1 =	sand.u32 $0x1FFFFFF0, s23  }
0x40f: {  	s24 =	sadd.s32 $0x8280, s5;
	s1 =	sadd.s32 s3, s1  }
0x410: {  	[tilespmem:s24], [sflag:$0x1] =	stream.linear.gather [hbm4b:s1+s2], $0x80, $0x38;
	[tilespmem:$0x16800] =	vst v63  }
0x411: {  	s1 =	sand.u32 $0x1FFFFFF0, s25  }
0x412: {  	s26 =	sadd.s32 $0x8300, s5;
	s1 =	sadd.s32 s3, s1  }
0x413: {  	[tilespmem:s26], [sflag:$0x1] =	stream.linear.gather [hbm4b:s1+s2], $0x80, $0x38;
	[tilespmem:$0x16800] =	vst v63  }
0x414: {  	s1 =	sand.u32 $0x1FFFFFF0, s28  }
0x415: {  	s29 =	sadd.s32 $0x8380, s5;
	s1 =	sadd.s32 s3, s1;
	s8 =	spop (v2sf);
	(v2sf) =	vpush v1, $0xC  }
0x416: {  	[tilespmem:s29], [sflag:$0x1] =	stream.linear.gather [hbm4b:s1+s2], $0x80, $0x38;
	[tilespmem:$0x16800] =	vst v63  }
0x417: {  	s10 =	spop (v2sf);
	(v2sf) =	vpush v1, $0xD  }
0x418: {  	s1 =	sand.u32 $0x1FFFFFF0, s8  }
0x419: {  	s9 =	sadd.s32 $0x8400, s5;
	s1 =	sadd.s32 s3, s1;
	s12 =	spop (v2sf)  }
0x41a: {  	(v2sf) =	vpush v1, $0xE;
	[tilespmem:s9], [sflag:$0x1] =	stream.linear.gather [hbm4b:s1+s2], $0x80, $0x38;
	[tilespmem:$0x16800] =	vst v63  }
0x41b: {  	s1 =	sand.u32 $0x1FFFFFF0, s10  }
0x41c: {  	s11 =	sadd.s32 $0x8480, s5;
	s14 =	spop (v2sf);
	s1 =	sadd.s32 s3, s1  }
0x41d: {  	(v2sf) =	vpush v1, $0xF;
	[tilespmem:s11], [sflag:$0x1] =	stream.linear.gather [hbm4b:s1+s2], $0x80, $0x38;
	[tilespmem:$0x16800] =	vst v63  }
0x41e: {  	s1 =	sand.u32 $0x1FFFFFF0, s12  }
0x41f: {  	s13 =	sadd.s32 $0x8500, s5;
	s1 =	sadd.s32 s3, s1  }
0x420: {  	[tilespmem:s13], [sflag:$0x1] =	stream.linear.gather [hbm4b:s1+s2], $0x80, $0x38;
	[tilespmem:$0x16800] =	vst v63  }
0x421: {  	s1 =	sand.u32 $0x1FFFFFF0, s14  }
0x422: {  	s15 =	sadd.s32 $0x8580, s5;
	s1 =	sadd.s32 s3, s1  }
0x423: {  	[tilespmem:s15], [sflag:$0x1] =	stream.linear.gather [hbm4b:s1+s2], $0x80, $0x38;
	[tilespmem:$0x16800] =	vst v63  }
0x424: {  	s16 =	spop (v2sf)  }
0x425: {  	s1 =	sand.u32 $0x1FFFFFF0, s16  }
0x426: {  	s17 =	sadd.s32 $0x8600, s5;
	s18 =	spop (v2sf);
	s1 =	sadd.s32 s3, s1  }
0x427: {  	[tilespmem:s17], [sflag:$0x1] =	stream.linear.gather [hbm4b:s1+s2], $0x80, $0x38;
	[tilespmem:$0x16800] =	vst v63  }
0x428: {  	s1 =	sand.u32 $0x1FFFFFF0, s18  }
0x429: {  	s19 =	sadd.s32 $0x8680, s5;
	s20 =	spop (v2sf);
	s1 =	sadd.s32 s3, s1  }
0x42a: {  	[tilespmem:s19], [sflag:$0x1] =	stream.linear.gather [hbm4b:s1+s2], $0x80, $0x38;
	[tilespmem:$0x16800] =	vst v63  }
0x42b: {  	s1 =	sand.u32 $0x1FFFFFF0, s20  }
0x42c: {  	s21 =	sadd.s32 $0x8700, s5;
	s22 =	spop (v2sf);
	s1 =	sadd.s32 s3, s1  }
0x42d: {  	[tilespmem:s21], [sflag:$0x1] =	stream.linear.gather [hbm4b:s1+s2], $0x80, $0x38;
	[tilespmem:$0x16800] =	vst v63  }
0x42e: {  	s1 =	sand.u32 $0x1FFFFFF0, s22  }
0x42f: {  	s23 =	sadd.s32 $0x8780, s5;
	s24 =	sand.u32 $0x70, s4;
	s1 =	sadd.s32 s3, s1  }
0x430: {  	[tilespmem:s23], [sflag:$0x1] =	stream.linear.gather [hbm4b:s1+s2], $0x80, $0x38;
	[tilespmem:$0x16800] =	vst v63  }
0x431: {  	s1 =	sadd.s32 s24, s6  }
0x432: {  	v0 =	vld.idx.msk [tilespmem:v0+s1+$0x0 ss:$0x1], $0xffff;
	_ =	sdelay $0x4  }
0x433: {  	v0 =	vshll.u32 v0, $0x4  }
0x434: {  	(v2sf) =	vpush v0, $0x0;
	_ =	sdelay $0x1  }
0x435: {  	(v2sf) =	vpush v0, $0x1;
	_ =	sdelay $0x1  }
0x436: {  	(v2sf) =	vpush v0, $0x2;
	_ =	sdelay $0x2  }
0x437: {  	(v2sf) =	vpush v0, $0x3;
	_ =	sdelay $0x7  }
0x438: {  	s25 =	spop (v2sf);
	(v2sf) =	vpush v0, $0x4;
	_ =	sdelay $0x1  }
0x439: {  	s28 =	spop (v2sf);
	(v2sf) =	vpush v0, $0x5;
	_ =	sdelay $0x1  }
0x43a: {  	s4 =	spop (v2sf);
	(v2sf) =	vpush v0, $0x6;
	_ =	sdelay $0x1  }
0x43b: {  	s1 =	sand.u32 $0x1FFFFFF0, s25  }
0x43c: {  	s26 =	sadd.s32 $0x8800, s5;
	s1 =	sadd.s32 s3, s1;
	s7 =	spop (v2sf);
	(v2sf) =	vpush v0, $0x7  }
0x43d: {  	[tilespmem:s26], [sflag:$0x1] =	stream.linear.gather [hbm4b:s1+s2], $0x80, $0x38;
	[tilespmem:$0x16800] =	vst v63  }
0x43e: {  	s1 =	sand.u32 $0x1FFFFFF0, s28  }
0x43f: {  	s29 =	sadd.s32 $0x8880, s5;
	s1 =	sadd.s32 s3, s1  }
0x440: {  	[tilespmem:s29], [sflag:$0x1] =	stream.linear.gather [hbm4b:s1+s2], $0x80, $0x38;
	[tilespmem:$0x16800] =	vst v63  }
0x441: {  	s1 =	sand.u32 $0x1FFFFFF0, s4  }
0x442: {  	s6 =	sadd.s32 $0x8900, s5;
	s1 =	sadd.s32 s3, s1  }
0x443: {  	[tilespmem:s6], [sflag:$0x1] =	stream.linear.gather [hbm4b:s1+s2], $0x80, $0x38;
	[tilespmem:$0x16800] =	vst v63  }
0x444: {  	s9 =	spop (v2sf);
	(v2sf) =	vpush v0, $0x8  }
0x445: {  	s1 =	sand.u32 $0x1FFFFFF0, s7  }
0x446: {  	s8 =	sadd.s32 $0x8980, s5;
	s1 =	sadd.s32 s3, s1;
	s11 =	spop (v2sf);
	(v2sf) =	vpush v0, $0x9  }
0x447: {  	[tilespmem:s8], [sflag:$0x1] =	stream.linear.gather [hbm4b:s1+s2], $0x80, $0x38;
	[tilespmem:$0x16800] =	vst v63  }
0x448: {  	s1 =	sand.u32 $0x1FFFFFF0, s9;
	s13 =	spop (v2sf);
	(v2sf) =	vpush v0, $0xA  }
0x449: {  	s10 =	sadd.s32 $0x8A00, s5;
	s1 =	sadd.s32 s3, s1  }
0x44a: {  	[tilespmem:s10], [sflag:$0x1] =	stream.linear.gather [hbm4b:s1+s2], $0x80, $0x38;
	[tilespmem:$0x16800] =	vst v63  }
0x44b: {  	s15 =	spop (v2sf);
	(v2sf) =	vpush v0, $0xB  }
0x44c: {  	s1 =	sand.u32 $0x1FFFFFF0, s11  }
0x44d: {  	s12 =	sadd.s32 $0x8A80, s5;
	s1 =	sadd.s32 s3, s1  }
0x44e: {  	[tilespmem:s12], [sflag:$0x1] =	stream.linear.gather [hbm4b:s1+s2], $0x80, $0x38;
	[tilespmem:$0x16800] =	vst v63  }
0x44f: {  	s1 =	sand.u32 $0x1FFFFFF0, s13  }
0x450: {  	s14 =	sadd.s32 $0x8B00, s5;
	s1 =	sadd.s32 s3, s1  }
0x451: {  	[tilespmem:s14], [sflag:$0x1] =	stream.linear.gather [hbm4b:s1+s2], $0x80, $0x38;
	[tilespmem:$0x16800] =	vst v63  }
0x452: {  	s1 =	sand.u32 $0x1FFFFFF0, s15  }
0x453: {  	s16 =	sadd.s32 $0x8B80, s5;
	s1 =	sadd.s32 s3, s1;
	s17 =	spop (v2sf);
	(v2sf) =	vpush v0, $0xC  }
0x454: {  	[tilespmem:s16], [sflag:$0x1] =	stream.linear.gather [hbm4b:s1+s2], $0x80, $0x38;
	[tilespmem:$0x16800] =	vst v63  }
0x455: {  	s19 =	spop (v2sf);
	(v2sf) =	vpush v0, $0xD  }
0x456: {  	s1 =	sand.u32 $0x1FFFFFF0, s17  }
0x457: {  	s18 =	sadd.s32 $0x8C00, s5;
	s1 =	sadd.s32 s3, s1;
	s21 =	spop (v2sf)  }
0x458: {  	(v2sf) =	vpush v0, $0xE;
	[tilespmem:s18], [sflag:$0x1] =	stream.linear.gather [hbm4b:s1+s2], $0x80, $0x38;
	[tilespmem:$0x16800] =	vst v63  }
0x459: {  	s1 =	sand.u32 $0x1FFFFFF0, s19  }
0x45a: {  	s20 =	sadd.s32 $0x8C80, s5;
	s23 =	spop (v2sf);
	s1 =	sadd.s32 s3, s1  }
0x45b: {  	(v2sf) =	vpush v0, $0xF;
	[tilespmem:s20], [sflag:$0x1] =	stream.linear.gather [hbm4b:s1+s2], $0x80, $0x38;
	[tilespmem:$0x16800] =	vst v63  }
0x45c: {  	s1 =	sand.u32 $0x1FFFFFF0, s21  }
0x45d: {  	s22 =	sadd.s32 $0x8D00, s5;
	s1 =	sadd.s32 s3, s1  }
0x45e: {  	[tilespmem:s22], [sflag:$0x1] =	stream.linear.gather [hbm4b:s1+s2], $0x80, $0x38;
	[tilespmem:$0x16800] =	vst v63  }
0x45f: {  	s1 =	sand.u32 $0x1FFFFFF0, s23  }
0x460: {  	s24 =	sadd.s32 $0x8D80, s5;
	s1 =	sadd.s32 s3, s1  }
0x461: {  	[tilespmem:s24], [sflag:$0x1] =	stream.linear.gather [hbm4b:s1+s2], $0x80, $0x38;
	[tilespmem:$0x16800] =	vst v63  }
0x462: {  	s25 =	spop (v2sf)  }
0x463: {  	s1 =	sand.u32 $0x1FFFFFF0, s25  }
0x464: {  	s26 =	sadd.s32 $0x8E00, s5;
	s28 =	spop (v2sf);
	s1 =	sadd.s32 s3, s1  }
0x465: {  	[tilespmem:s26], [sflag:$0x1] =	stream.linear.gather [hbm4b:s1+s2], $0x80, $0x38;
	[tilespmem:$0x16800] =	vst v63  }
0x466: {  	s1 =	sand.u32 $0x1FFFFFF0, s28  }
0x467: {  	s29 =	sadd.s32 $0x8E80, s5;
	s4 =	spop (v2sf);
	s1 =	sadd.s32 s3, s1  }
0x468: {  	[tilespmem:s29], [sflag:$0x1] =	stream.linear.gather [hbm4b:s1+s2], $0x80, $0x38;
	[tilespmem:$0x16800] =	vst v63  }
0x469: {  	s1 =	sand.u32 $0x1FFFFFF0, s4  }
0x46a: {  	s6 =	sadd.s32 $0x8F00, s5;
	s7 =	spop (v2sf);
	s1 =	sadd.s32 s3, s1  }
0x46b: {  	[tilespmem:s6], [sflag:$0x1] =	stream.linear.gather [hbm4b:s1+s2], $0x80, $0x38;
	[tilespmem:$0x16800] =	vst v63  }
0x46c: {  	s9 =	rddreg [dreg:$0x9];
	s1 =	sand.u32 $0x1FFFFFF0, s7  }
0x46d: {  	s8 =	sadd.s32 $0x8F80, s5;
	s10 =	sadd.s32 s9, s0;
	s1 =	sadd.s32 s3, s1  }
0x46e: {  	[tilespmem:s8], [sflag:$0x1] =	stream.linear.gather [hbm4b:s1+s2], $0x80, $0x38;
	[tilespmem:$0x16800] =	vst v63  }
0x46f: {  	v0 =	vld.msk [tilespmem:s10+$0x440], $0xff;
	_ =	sdelay $0x4  }
0x470: {  	v0 =	vshll.u32 v0, $0x4  }
0x471: {  	(v2sf) =	vpush v0, $0x0;
	_ =	sdelay $0x1  }
0x472: {  	(v2sf) =	vpush v0, $0x1;
	_ =	sdelay $0x1  }
0x473: {  	(v2sf) =	vpush v0, $0x2;
	_ =	sdelay $0x2  }
0x474: {  	(v2sf) =	vpush v0, $0x3;
	_ =	sdelay $0x7  }
0x475: {  	s11 =	spop (v2sf);
	(v2sf) =	vpush v0, $0x4;
	_ =	sdelay $0x1  }
0x476: {  	s14 =	spop (v2sf);
	(v2sf) =	vpush v0, $0x5  }
0x477: {  	s12 =	simm.s32 $0x0;
	s0 =	sand.u32 $0x1FFFFFF0, s11  }
0x478: {  	s13 =	simm.s32 $0xE000;
	s0 =	sadd.s32 s3, s0;
	s16 =	spop (v2sf)  }
0x479: {  	(v2sf) =	vpush v0, $0x6;
	[tilespmem:s13], [sflag:$0x1] =	stream.linear.gather [hbm4b:s0+s12], $0x80, $0x38;
	[tilespmem:$0x16800] =	vst v63  }
0x47a: {  	s0 =	sand.u32 $0x1FFFFFF0, s14  }
0x47b: {  	s15 =	simm.s32 $0xE080;
	s18 =	spop (v2sf);
	s0 =	sadd.s32 s3, s0  }
0x47c: {  	(v2sf) =	vpush v0, $0x7;
	[tilespmem:s15], [sflag:$0x1] =	stream.linear.gather [hbm4b:s0+s12], $0x80, $0x38;
	[tilespmem:$0x16800] =	vst v63  }
0x47d: {  	s0 =	sand.u32 $0x1FFFFFF0, s16  }
0x47e: {  	s17 =	simm.s32 $0xE100;
	s0 =	sadd.s32 s3, s0  }
0x47f: {  	[tilespmem:s17], [sflag:$0x1] =	stream.linear.gather [hbm4b:s0+s12], $0x80, $0x38;
	[tilespmem:$0x16800] =	vst v63  }
0x480: {  	s0 =	sand.u32 $0x1FFFFFF0, s18  }
0x481: {  	s19 =	simm.s32 $0xE180;
	s0 =	sadd.s32 s3, s0  }
0x482: {  	[tilespmem:s19], [sflag:$0x1] =	stream.linear.gather [hbm4b:s0+s12], $0x80, $0x38;
	[tilespmem:$0x16800] =	vst v63  }
0x483: {  	s20 =	spop (v2sf)  }
0x484: {  	s0 =	sand.u32 $0x1FFFFFF0, s20  }
0x485: {  	s21 =	simm.s32 $0xE200;
	s22 =	spop (v2sf);
	s0 =	sadd.s32 s3, s0  }
0x486: {  	[tilespmem:s21], [sflag:$0x1] =	stream.linear.gather [hbm4b:s0+s12], $0x80, $0x38;
	[tilespmem:$0x16800] =	vst v63  }
0x487: {  	s0 =	sand.u32 $0x1FFFFFF0, s22  }
0x488: {  	s23 =	simm.s32 $0xE280;
	s24 =	spop (v2sf);
	s0 =	sadd.s32 s3, s0  }
0x489: {  	[tilespmem:s23], [sflag:$0x1] =	stream.linear.gather [hbm4b:s0+s12], $0x80, $0x38;
	[tilespmem:$0x16800] =	vst v63  }
0x48a: {  	s0 =	sand.u32 $0x1FFFFFF0, s24  }
0x48b: {  	s25 =	simm.s32 $0xE300;
	s26 =	spop (v2sf);
	s0 =	sadd.s32 s3, s0  }
0x48c: {  	[tilespmem:s25], [sflag:$0x1] =	stream.linear.gather [hbm4b:s0+s12], $0x80, $0x38;
	[tilespmem:$0x16800] =	vst v63  }
0x48d: {  	s0 =	sand.u32 $0x1FFFFFF0, s26  }
0x48e: {  	s28 =	simm.s32 $0xE380;
	s29 =	simm.s32 $0x2;
	s0 =	sadd.s32 s3, s0  }
0x48f: {  	[tilespmem:s28], [sflag:$0x1] =	stream.linear.gather [hbm4b:s0+s12], $0x80, $0x38;
	[tilespmem:$0x16800] =	vst v63  }
0x490: {  	_ =	swait.ge [sflag:s29], $0x6400  }
0x491: {  	[sflag:s29] =	ssyncset.done $0x0  }
0x492: {  	s0 =	simm.s32 $0x0;
	[sflag:s29] =	ssyncadd.s32 $0xFFFF9C00  }
0x493: {  	v0 =	vld [tilespmem:s0+$0xE780]  }
0x494: {  	v1 =	vld [tilespmem:s0+$0xE790]  }
0x495: {  	v2 =	vld [tilespmem:s0+$0xE700]  }
0x496: {  	v3 =	vld [tilespmem:s0+$0xE710]  }
0x497: {  	v4 =	vld [tilespmem:s0+$0xE680]  }
0x498: {  	v5 =	vld [tilespmem:s0+$0xE690]  }
0x499: {  	v6 =	vld [tilespmem:s0+$0xE600]  }
0x49a: {  	v7 =	vld [tilespmem:s0+$0xE610]  }
0x49b: {  	v9 =	vld [tilespmem:s0+$0xE580]  }
0x49c: {  	v8 =	vld [tilespmem:s0+$0xE590]  }
0x49d: {  	v11 =	vld [tilespmem:s0+$0xE500]  }
0x49e: {  	v10 =	vld [tilespmem:s0+$0xE510]  }
0x49f: {  	v17 =	vld [tilespmem:s0+$0xE480]  }
0x4a0: {  	v16 =	vld [tilespmem:s0+$0xE490]  }
0x4a1: {  	v19 =	vld [tilespmem:s0+$0xE400]  }
0x4a2: {  	v12 =	vimm.f32 $0.0e+00;
	v20 =	vld [tilespmem:s0+$0xE410]  }
0x4a3: {  	v15 =	vimm.f32 $0.0e+00;
	v14 =	vimm.f32 $0.0e+00;
	v13 =	vimm.f32 $0.0e+00;
	s1 =	simm.s32 $0x1000;
	v18 =	vld [tilespmem:s0+$0xE420]  }
.LBB2_11:
0x4a4: {  	p0 =	sne.s32 s1, $0x18000;
	v21 =	vld [tilespmem:s0+$0xE430]  }
0x4a5: {  	v22 =	vld [tilespmem:s0+$0xE4A0]  }
0x4a6: {  	v23 =	vld [tilespmem:s0+$0xE4B0]  }
0x4a7: {  	v24 =	vld [tilespmem:s0+$0xE520]  }
0x4a8: {  	v12 =	vadd.f32 v19, v12;
	v15 =	vadd.f32 v20, v15;
	v19 =	vld [tilespmem:s0+$0xE530]  }
0x4a9: {  	v14 =	vadd.f32 v18, v14;
	v13 =	vadd.f32 v21, v13;
	v18 =	vld [tilespmem:s0+$0xE5A0]  }
0x4aa: {  	v12 =	vadd.f32 v17, v12;
	v15 =	vadd.f32 v16, v15;
	v16 =	vld [tilespmem:s0+$0xE5B0]  }
0x4ab: {  	v14 =	vadd.f32 v22, v14;
	v13 =	vadd.f32 v23, v13;
	v17 =	vld [tilespmem:s0+$0xE620]  }
0x4ac: {  	v11 =	vadd.f32 v11, v12;
	v10 =	vadd.f32 v10, v15;
	v12 =	vld [tilespmem:s0+$0xE630]  }
0x4ad: {  	v14 =	vadd.f32 v24, v14;
	v13 =	vadd.f32 v19, v13;
	v15 =	vld [tilespmem:s0+$0xE6A0]  }
0x4ae: {  	v9 =	vadd.f32 v9, v11;
	v8 =	vadd.f32 v8, v10;
	v10 =	vld [tilespmem:s0+$0xE6B0]  }
0x4af: {  	v11 =	vadd.f32 v18, v14;
	v13 =	vadd.f32 v16, v13;
	v14 =	vld [tilespmem:s0+$0xE720]  }
0x4b0: {  	v6 =	vadd.f32 v6, v9;
	v7 =	vadd.f32 v7, v8;
	v8 =	vld [tilespmem:s0+$0xE730]  }
0x4b1: {  	v9 =	vadd.f32 v17, v11;
	v11 =	vadd.f32 v12, v13;
	v13 =	vld [tilespmem:s0+$0xE7A0]  }
0x4b2: {  	v4 =	vadd.f32 v4, v6;
	v5 =	vadd.f32 v5, v7;
	v6 =	vld [tilespmem:s0+$0xE7B0];
	s0 =	sshra.s32 s1, $0x2  }
0x4b3: {  	v9 =	vadd.f32 v15, v9;
	v7 =	vld [tilespmem:s0+$0xE780];
	v10 =	vadd.f32 v10, v11  }
0x4b4: {  	v4 =	vadd.f32 v2, v4;
	v5 =	vadd.f32 v3, v5;
	v11 =	vld [tilespmem:s0+$0xE790]  }
0x4b5: {  	v9 =	vadd.f32 v14, v9;
	v2 =	vld [tilespmem:s0+$0xE700];
	v8 =	vadd.f32 v8, v10  }
0x4b6: {  	v12 =	vadd.f32 v0, v4;
	v15 =	vadd.f32 v1, v5;
	v3 =	vld [tilespmem:s0+$0xE710]  }
0x4b7: {  	v14 =	vadd.f32 v13, v9;
	v4 =	vld [tilespmem:s0+$0xE680];
	v13 =	vadd.f32 v6, v8  }
0x4b8: {  	v5 =	vld [tilespmem:s0+$0xE690];
	v0 =	vmov v7  }
0x4b9: {  	v6 =	vld [tilespmem:s0+$0xE600];
	v1 =	vmov v11  }
0x4ba: {  	v7 =	vld [tilespmem:s0+$0xE610]  }
0x4bb: {  	v9 =	vld [tilespmem:s0+$0xE580]  }
0x4bc: {  	v8 =	vld [tilespmem:s0+$0xE590]  }
0x4bd: {  	v11 =	vld [tilespmem:s0+$0xE500]  }
0x4be: {  	v10 =	vld [tilespmem:s0+$0xE510]  }
.Ltmp4:
0x4bf: {  	v17 =	vld [tilespmem:s0+$0xE480];
	(pc) =	sbr.rel @p0 .LBB2_11-.Ltmp4, $4  }
0x4c0: {  	v16 =	vld [tilespmem:s0+$0xE490]  }
0x4c1: {  	v19 =	vld [tilespmem:s0+$0xE400]  }
0x4c2: {  	v20 =	vld [tilespmem:s0+$0xE410]  }
0x4c3: {  	s1 =	sadd.s32 $0x1000, s1;
	v18 =	vld [tilespmem:s0+$0xE420]  }
0x4c4: {  	v21 =	vld [tilespmem:s0+$0xE430]  }
0x4c5: {  	v22 =	vld [tilespmem:s0+$0xE4A0]  }
0x4c6: {  	v23 =	vld [tilespmem:s0+$0xE4B0];
	v12 =	vadd.f32 v19, v12  }
0x4c7: {  	v42 =	vld [tilespmem:s0+$0xE520];
	v15 =	vadd.f32 v20, v15  }
0x4c8: {  	v43 =	vld [tilespmem:s0+$0xE530];
	v14 =	vadd.f32 v18, v14;
	v12 =	vadd.f32 v17, v12  }
0x4c9: {  	v44 =	vld [tilespmem:s0+$0xE5A0];
	v13 =	vadd.f32 v21, v13;
	v15 =	vadd.f32 v16, v15  }
0x4ca: {  	v45 =	vld [tilespmem:s0+$0xE5B0];
	v14 =	vadd.f32 v22, v14;
	v11 =	vadd.f32 v11, v12  }
0x4cb: {  	v47 =	vld [tilespmem:s0+$0xE620];
	v46 =	vadd.f32 v23, v13;
	v10 =	vadd.f32 v10, v15  }
0x4cc: {  	v48 =	vld [tilespmem:s0+$0xE630];
	v14 =	vadd.f32 v42, v14;
	v9 =	vadd.f32 v9, v11  }
0x4cd: {  	v50 =	vld [tilespmem:s0+$0xE6A0];
	v49 =	vadd.f32 v43, v46;
	v8 =	vadd.f32 v8, v10  }
0x4ce: {  	v51 =	vld [tilespmem:s0+$0xE6B0];
	v14 =	vadd.f32 v44, v14;
	v6 =	vadd.f32 v6, v9  }
0x4cf: {  	v53 =	vld [tilespmem:s0+$0xE720];
	v52 =	vadd.f32 v45, v49;
	v7 =	vadd.f32 v7, v8  }
0x4d0: {  	v54 =	vld [tilespmem:s0+$0xE730];
	v13 =	vadd.f32 v47, v14;
	v4 =	vadd.f32 v4, v6  }
0x4d1: {  	v56 =	vld [tilespmem:s0+$0xE7A0];
	v55 =	vadd.f32 v48, v52;
	v5 =	vadd.f32 v5, v7  }
0x4d2: {  	v57 =	vld [tilespmem:s0+$0xE7B0];
	v12 =	vadd.f32 v50, v13;
	v2 =	vadd.f32 v2, v4  }
0x4d3: {  	v58 =	vadd.f32 v51, v55;
	v3 =	vadd.f32 v3, v5  }
0x4d4: {  	v59 =	vadd.f32 v53, v12;
	v0 =	vadd.f32 v0, v2  }
0x4d5: {  	s30 =	sadd.s32 $0x1, s30;
	v60 =	vadd.f32 v54, v58;
	v1 =	vadd.f32 v1, v3  }
0x4d6: {  	p0 =	sne.s32 s30, $0x40;
	v61 =	vadd.f32 v56, v59;
	v0 =	vmul.f32 $4.999999890e-03, v0  }
.Ltmp5:
0x4d7: {  	v2 =	vadd.f32 v57, v60;
	v1 =	vmul.f32 $4.999999890e-03, v1;
	(pc) =	sbr.rel @p0 .LBB2_4-.Ltmp5, $4  }
0x4d8: {  	[tilespmem:s31+$0x14840] =	vst v0;
	v62 =	vmul.f32 $4.999999890e-03, v61  }
0x4d9: {  	[tilespmem:s31+$0x14850] =	vst v1;
	v63 =	vmul.f32 $4.999999890e-03, v2  }
0x4da: {  	[tilespmem:s31+$0x14860] =	vst v62  }
0x4db: {  	[tilespmem:s31+$0x14870] =	vst v63  }
0x4dc: {  	s0 =	simm.s32 $0x1  }
0x4dd: {  	_ =	swait.ge [sflag:s0], $0x6400  }
0x4de: {  	s1 =	simm.s32 $0x14800;
	[sflag:s0] =	ssyncset.done $0x0  }
0x4df: {  	s4 =	simm.s32 $0x3;
	s29 =	rddreg [dreg:$0x4];
	[sflag:s0] =	ssyncadd.s32 $0xFFFF9C00  }
0x4e0: {  	[hbm4b:s29+s2] =	stream.linear.scatter [tilespmem:s1], [sflag:$0x3], $0x2000, $0x38;
	[tilespmem:$0x16800] =	vst v63  }
0x4e1: {  	_ =	swait.ge [sflag:s4], $0x2000  }
0x4e2: {  	s30 =	rddreg [dreg:$0x6]  }
0x4e3: {  	s31 =	rddreg [dreg:$0x5];
	s1 =	sadd.s32 $0x1, s30  }
0x4e4: {  	p0 =	sne.s32 s1, s31  }
.Ltmp6:
0x4e5: {  	_ = 	snop;
	(pc) =	sbr.rel @p0 .LBB2_1-.Ltmp6, $3  }
0x4e6: {  	_ =	sdelay $0x1  }
0x4e7: {  	[sflag:s4] =	ssyncset.done $0x0  }
0x4e8: {  	[sflag:s4] =	ssyncadd.s32 $0xFFFFE000  }
0x4e9: {  	_ =	sfence.sel $0x180000  }
0x4ea: {  	[bflag:$0x0] =	sbarrier.arrive $0xFFFF  }
0x4eb: {  	_ =	strace $0x90000047  }
0x4ec: {  	s0 =	stileid.u32;
	[bflag:$0x2] =	sbarrier.arrive $0xFFFF  }
0x4ed: {  	p0 =	sne.s32 s0, $0x0;
	s0 =	rddreg [dreg:$0x2]  }
0x4ee: {  	s0 =	sadd.s32 @!p0 $0x100000, s0  }
0x4ef: {  	[sflag:s0] =	ssyncadd.tile.s32 @!p0 $0x1;
	_ =	shalt  }
.Lfunc_end2:
_tile_overlayer_lowered:
.L_overlay_start_2:
0x4f0: {  	(tag) =	ssettag $0x2  }
0x4f1: {  	s0 =	rddreg [dreg:$0x0];
	s2 =	stileid.u32  }
0x4f2: {  	s1 =	rddreg [dreg:$0x1];
	p0 =	sne.s32 s2, $0x0  }
0x4f3: {  	s3 =	rddreg [dreg:$0x2];
	[bflag:$0x3] =	sbarrier.arrive $0xFFFF;
	s2 =	simm.s32 @!p0 $0x1C03  }
0x4f4: {  	[timem:s3], [sflag:s2] =	dma.local @!p0 [hbm:s0], s1  }
0x4f5: {  	s0 =	simm.s32 @!p0 $0x3  }
0x4f6: {  	_ =	swait.ge @!p0 [sflag:s0], s1  }
0x4f7: {  	s1 =	ssub.s32 @!p0 $0x0, s1;
	[sflag:s0] =	ssyncset.done @!p0 $0x0  }
0x4f8: {  	[sflag:s0] =	ssyncadd.s32 @!p0 s1  }
0x4f9: {  	[bflag:$0x3] =	sbarrier.arrive $0xFFFF  }
0x4fa: {  	_ =	shalt  }

</sc_bundles>
